<compile_context>
chip_gen: v7x
topology: tpu7x:2x2x1
jax: 0.10.2.dev20260603
libtpu: 0.0.44.dev20260713+nightly
codegen_flags: <defaults>
</compile_context>

<pallas_src>
import functools
import math

import jax
import jax.numpy as jnp
from jax import lax
from jax.experimental import pallas as pl
from jax.experimental.pallas import tpu as pltpu
from jax.experimental.pallas import tpu_sc as plsc

IGN = 255
THRESH = float(-math.log(0.7))
MIN_KEPT = 100000

B, C, H, W = 4, 19, 512, 512
N = B * H * W
HB = 256
RB = 16



def _ce_body(logits_ref, labels_ref, loss_ref, cnt_ref, sum_ref):
    step = pl.program_id(0) * pl.num_programs(1) + pl.program_id(1)

    @pl.when(step == 0)
    def _():
        cnt_ref[0, 0] = 0
        sum_ref[0, 0] = 0.0

    for r in range(0, HB, RB):
        lab = labels_ref[0, pl.ds(r, RB)]
        labc = jnp.clip(lab, 0, C - 1)
        s = jnp.zeros((RB, W), jnp.float32)
        g = jnp.zeros((RB, W), jnp.float32)
        for c in range(C):
            t = logits_ref[0, c, pl.ds(r, RB)]
            s = s + jnp.exp(t)
            g = g + jnp.where(labc == c, t, 0.0)
        nll = jnp.log(s) - g
        loss = jnp.where(lab != IGN, nll, 0.0)
        loss_ref[0, pl.ds(r, RB)] = loss

        hard = loss > THRESH
        cnt_ref[0, 0] += jnp.sum(hard.astype(jnp.int32))
        sum_ref[0, 0] += jnp.sum(jnp.where(hard, loss, 0.0))


_ce_call = pl.pallas_call(
    _ce_body,
    grid=(B, H // HB),
    in_specs=[
        pl.BlockSpec((1, C, HB, W), lambda b, h: (b, 0, h, 0)),
        pl.BlockSpec((1, HB, W), lambda b, h: (b, h, 0)),
    ],
    out_specs=[
        pl.BlockSpec((1, HB, W), lambda b, h: (b, h, 0)),
        pl.BlockSpec(memory_space=pltpu.SMEM),
        pl.BlockSpec(memory_space=pltpu.SMEM),
    ],
    out_shape=[
        jax.ShapeDtypeStruct((B, H, W), jnp.float32),
        jax.ShapeDtypeStruct((1, 1), jnp.int32),
        jax.ShapeDtypeStruct((1, 1), jnp.float32),
    ],
)


_NC, _NS, _L = 2, 16, 16
_SHARD = N // _NS
_UNROLL = 8

_mesh = plsc.VectorSubcoreMesh(core_axis_name="c", subcore_axis_name="s")


def _lane_iota():
    return lax.iota(jnp.int32, _L)


def _lane_sum(vec):
    acc = jnp.zeros((_L,), jnp.float32)
    for i in range(_L):
        acc = acc + jnp.full((_L,), vec[i], jnp.float32)
    return acc


@functools.partial(
    pl.kernel,
    mesh=_mesh,
    out_type=jax.ShapeDtypeStruct((_L,), jnp.float32),
    scratch_types=[
        pltpu.VMEM((_SHARD,), jnp.float32),
        pltpu.VMEM((_L,), jnp.float32),
        pltpu.VMEM((_NS, _L), jnp.float32),
        pltpu.VMEM_SHARED((_NS, _L), jnp.float32),
    ],
)
def _sc_topk(loss_hbm, out_hbm, shard_v, stage_f, all_f, shared_f):
    cid = lax.axis_index("c")
    sid = lax.axis_index("s")
    lane = _lane_iota()
    pltpu.sync_copy(loss_hbm.at[pl.ds(sid * _SHARD, _SHARD)], shard_v)

    def combine2(a_tot, b_tot):
        stage_f[...] = jnp.where(lane == 0, a_tot,
                                 jnp.where(lane == 1, b_tot, 0.0))
        pltpu.sync_copy(stage_f, shared_f.at[sid])
        plsc.subcore_barrier()
        pltpu.sync_copy(shared_f, all_f)
        acc = jnp.zeros((_L,), jnp.float32)
        for i in range(_NS):
            acc = acc + all_f[i, :]
        plsc.subcore_barrier()
        return acc

    def local_count(mid):
        midf = lax.bitcast_convert_type(mid, jnp.float32)

        def body(i, c):
            for u in range(_UNROLL):
                v = shard_v[pl.ds((i * _UNROLL + u) * _L, _L)]
                c = c + jnp.where(v >= midf, 1.0, 0.0)
            return c

        c = lax.fori_loop(0, _SHARD // (_L * _UNROLL), body,
                          jnp.zeros((_L,), jnp.float32))
        return _lane_sum(c)

    def round_body(_, lohi):
        lo, hi = lohi
        mid = lo + (hi - lo) // 2
        g = combine2(local_count(mid), jnp.zeros((_L,), jnp.float32))[0]
        ge = g >= jnp.float32(MIN_KEPT)
        return jnp.where(ge, mid, lo), jnp.where(ge, hi, mid)

    lo, _ = lax.fori_loop(0, 31, round_body,
                          (jnp.int32(0), jnp.int32(0x7F800001)))

    tau = lax.bitcast_convert_type(lo, jnp.float32)

    def tail_body(i, carry):
        cnt, sm = carry
        for u in range(_UNROLL):
            v = shard_v[pl.ds((i * _UNROLL + u) * _L, _L)]
            m = v > tau
            cnt = cnt + jnp.where(m, 1.0, 0.0)
            sm = sm + jnp.where(m, v, 0.0)
        return cnt, sm

    z = jnp.zeros((_L,), jnp.float32)
    cg, sg = lax.fori_loop(0, _SHARD // (_L * _UNROLL), tail_body, (z, z))
    accf = combine2(_lane_sum(cg), _lane_sum(sg))
    stage_f[...] = (jnp.full((_L,), accf[1], jnp.float32)
                    + (jnp.float32(MIN_KEPT)
                       - jnp.full((_L,), accf[0], jnp.float32))
                    * jnp.full((_L,), tau, jnp.float32)) * (1.0 / MIN_KEPT)

    @pl.when(jnp.logical_and(cid == 0, sid == 0))
    def _():
        pltpu.sync_copy(stage_f, out_hbm)


def kernel(logits, labels):
    loss, cnt, ssum = _ce_call(logits, labels)
    n = cnt[0, 0]
    s = ssum[0, 0]

    def _fallback(_):
        return _sc_topk(loss.reshape(N))[0]

    def _masked(_):
        return s / n

    return lax.cond(n < MIN_KEPT, _fallback, _masked, None)

# --- scband reference (transcript-rebuilt; emitter-appended) ---
"""Pipeline reference for scband-ohemcross-entropy-40261023433179 (READ-ONLY COPY).

The authoritative reference and input builder live on the scoring server;
editing this copy changes nothing except your own understanding.
"""

import jax, jax.numpy as jnp
import numpy as np

IGNORE_INDEX = 255
THRESH = float(-np.log(0.7))
MIN_KEPT = 100000


def _ce_loss(logits, labels):
    # logits: [B, C, H, W], labels: [B, H, W]
    logp = jax.nn.log_softmax(logits, axis=1)
    lab = jnp.clip(labels, 0, logits.shape[1] - 1)
    nll = -jnp.take_along_axis(logp, lab[:, None, :, :], axis=1)[:, 0]
    valid = labels != IGNORE_INDEX
    return jnp.where(valid, nll, 0.0)


def setup_inputs(seed: int = 0) -> dict:
    key = jax.random.key(seed)
    k1, k2 = jax.random.split(key)
    logits = jax.random.normal(k1, (4, 19, 512, 512), dtype=jnp.float32)
    labels = jax.random.randint(k2, (4, 512, 512), 0, 19, dtype=jnp.int32)
    return {"logits": logits, "labels": labels}


def reference(logits, labels):
    loss = _ce_loss(logits, labels).reshape(-1)
    mask = loss > THRESH
    n_hard = jnp.sum(mask)

    def _topk_branch(_):
        loss_hard, _ = jax.lax.top_k(loss, MIN_KEPT)
        return jnp.mean(loss_hard)

    def _masked_branch(_):
        return jnp.sum(jnp.where(mask, loss, 0.0)) / n_hard

    return jax.lax.cond(n_hard < MIN_KEPT, _topk_branch, _masked_branch, None)

if __name__ == "__main__":
    import jax
    _d = setup_inputs()
    print(jax.jit(kernel)(*tuple(_d.values())))

</pallas_src>

<mosaic_0001>
#map = affine_map<(d0, d1) -> (0)>
module attributes {stable_mosaic.version = 14 : i64} {
  func.func @_sc_topk(%arg0: i32, %arg1: i32, %arg2: memref<1048576xf32, #tpu.memory_space<hbm>>, %arg3: memref<16xf32, #tpu.memory_space<hbm>>, %arg4: memref<65536xf32, #tpu.memory_space<vmem>>, %arg5: memref<16xf32, #tpu.memory_space<vmem>>, %arg6: memref<16x16xf32, #tpu.memory_space<vmem>>, %arg7: memref<16x16xf32, #tpu.memory_space<vmem_shared>>) attributes {dimension_semantics = [#tpu.dimension_semantics<core_parallel>, #tpu.dimension_semantics<subcore_parallel>], iteration_bounds = array<i64: 2, 16>, scalar_prefetch = 0 : i64, scratch_operands = 4 : i64, tpu.core_type = #tpu.core_type<sc_vector_subcore>, window_params = [{transform_indices = #map}, {transform_indices = #map}]} {
    %iota3A = tpu.iota {dimensions = array<i32: 0>} : vector<16xi32>
    %mul3A = arith.constant 65536 : i32
    %mul3A_0 = arith.muli %arg1, %mul3A : i32
    "tpu.region"() ({
      %run_scoped3A = tpu.sem_alloc : memref<!tpu.dma_semaphore, #tpu.memory_space<semaphore_mem>>
      %dma_start3A = tpu.memref_slice %arg2[%mul3A_0] : memref<1048576xf32, #tpu.memory_space<hbm>> -> memref<65536xf32, #tpu.memory_space<hbm>>
      %dma_start3A_275 = tpu.memref_slice %arg2[%mul3A_0] : memref<1048576xf32, #tpu.memory_space<hbm>> -> memref<65536xf32, #tpu.memory_space<hbm>>
      tpu.enqueue_dma source(%dma_start3A_275 : memref<65536xf32, #tpu.memory_space<hbm>>) target(%arg4 : memref<65536xf32, #tpu.memory_space<vmem>>) target_semaphore(%run_scoped3A : memref<!tpu.dma_semaphore, #tpu.memory_space<semaphore_mem>>)
      %dma_wait3A = tpu.memref_slice %arg2[%mul3A_0] : memref<1048576xf32, #tpu.memory_space<hbm>> -> memref<65536xf32, #tpu.memory_space<hbm>>
      %dma_wait3A_276 = tpu.memref_slice %arg2[%mul3A_0] : memref<1048576xf32, #tpu.memory_space<hbm>> -> memref<65536xf32, #tpu.memory_space<hbm>>
      tpu.wait_dma2 semaphore(%run_scoped3A : memref<!tpu.dma_semaphore, #tpu.memory_space<semaphore_mem>>) src(%dma_wait3A_276 : memref<65536xf32, #tpu.memory_space<hbm>>) dst(%arg4 : memref<65536xf32, #tpu.memory_space<vmem>>)
      tpu.yield
    }) : () -> ()
    %scan3A = arith.constant 0 : i32
    %scan3A_1 = arith.constant 2139095041 : i32
    %scan3A_2 = arith.constant 0 : i32
    %scan3A_3 = arith.constant 31 : i32
    %scan3A_4 = arith.addi %scan3A_2, %scan3A_3 : i32
    %scan3A_5 = arith.constant 1 : i32
    %scan3A_6:2 = scf.for %scan3A_275 = %scan3A_2 to %scan3A_4 step %scan3A_5 iter_args(%scan3A_276 = %scan3A, %scan3A_277 = %scan3A_1) -> (i32, i32)  : i32 {
      %sub3A_278 = arith.subi %scan3A_277, %scan3A_276 : i32
      %jit3A_279 = arith.constant 2 : i32
      %div3A = arith.divsi %sub3A_278, %jit3A_279 : i32
      %sign3A = arith.constant 0 : i32
      %sign3A_280 = arith.cmpi sgt, %sub3A_278, %sign3A : i32
      %sign3A_281 = arith.extui %sign3A_280 : i1 to i32
      %sign3A_282 = arith.constant 0 : i32
      %sign3A_283 = arith.cmpi slt, %sub3A_278, %sign3A_282 : i32
      %sign3A_284 = arith.extui %sign3A_283 : i1 to i32
      %sign3A_285 = arith.subi %sign3A_281, %sign3A_284 : i32
      %sign3A_286 = arith.constant 0 : i32
      %sign3A_287 = arith.cmpi sgt, %jit3A_279, %sign3A_286 : i32
      %sign3A_288 = arith.extui %sign3A_287 : i1 to i32
      %sign3A_289 = arith.constant 0 : i32
      %sign3A_290 = arith.cmpi slt, %jit3A_279, %sign3A_289 : i32
      %sign3A_291 = arith.extui %sign3A_290 : i1 to i32
      %sign3A_292 = arith.subi %sign3A_288, %sign3A_291 : i32
      %ne3A = arith.cmpi ne, %sign3A_285, %sign3A_292 : i32
      %rem3A = arith.remsi %sub3A_278, %jit3A_279 : i32
      %ne3A_293 = arith.constant 0 : i32
      %ne3A_294 = arith.cmpi ne, %rem3A, %ne3A_293 : i32
      %and3A_295 = arith.andi %ne3A, %ne3A_294 : i1
      %sub3A_296 = arith.constant 1 : i32
      %sub3A_297 = arith.subi %div3A, %sub3A_296 : i32
      %select_n3A_298 = arith.select %and3A_295, %sub3A_297, %div3A : i32
      %add3A_299 = arith.addi %scan3A_276, %select_n3A_298 : i32
      %bitcast_convert_type3A_300 = arith.bitcast %add3A_299 : i32 to f32
      %broadcast_in_dim3A_301 = arith.constant 0.000000e+00 : f32
      %broadcast_in_dim3A_302 = vector.broadcast %broadcast_in_dim3A_301 : f32 to vector<16xf32>
      %scan3A_303 = arith.constant 0 : i32
      %scan3A_304 = arith.constant 512 : i32
      %scan3A_305 = arith.addi %scan3A_303, %scan3A_304 : i32
      %scan3A_306 = arith.constant 1 : i32
      %scan3A_307 = scf.for %scan3A_496 = %scan3A_303 to %scan3A_305 step %scan3A_306 iter_args(%scan3A_497 = %broadcast_in_dim3A_302) -> (vector<16xf32>)  : i32 {
        %mul3A_498 = arith.constant 8 : i32
        %mul3A_499 = arith.muli %scan3A_496, %mul3A_498 : i32
        %add3A_500 = arith.constant 0 : i32
        %add3A_501 = arith.addi %mul3A_499, %add3A_500 : i32
        %mul3A_502 = arith.constant 16 : i32
        %mul3A_503 = arith.muli %add3A_501, %mul3A_502 : i32
        %get3A_504 = arith.index_cast %mul3A_503 : i32 to index
        %get3A_505 = tpu.vector_load %arg4[%get3A_504] {strides = array<i32>} : memref<65536xf32, #tpu.memory_space<vmem>>, vector<16xf32>,
        %get3A_506 = vector.shape_cast %get3A_505 : vector<16xf32> to vector<16xf32>
        %ge3A_507 = vector.broadcast %bitcast_convert_type3A_300 : f32 to vector<16xf32>
        %ge3A_508 = arith.cmpf oge, %get3A_506, %ge3A_507 : vector<16xf32>
        %jit3A_509 = arith.constant 1.000000e+00 : f32
        %jit3A_510 = arith.constant 0.000000e+00 : f32
        %broadcast_in_dim3A_511 = vector.broadcast %jit3A_509 : f32 to vector<16xf32>
        %broadcast_in_dim3A_512 = vector.broadcast %jit3A_510 : f32 to vector<16xf32>
        %select_n3A_513 = arith.select %ge3A_508, %broadcast_in_dim3A_511, %broadcast_in_dim3A_512 : vector<16xi1>, vector<16xf32>
        %add3A_514 = arith.addf %scan3A_497, %select_n3A_513 : vector<16xf32>
        %mul3A_515 = arith.constant 8 : i32
        %mul3A_516 = arith.muli %scan3A_496, %mul3A_515 : i32
        %add3A_517 = arith.constant 1 : i32
        %add3A_518 = arith.addi %mul3A_516, %add3A_517 : i32
        %mul3A_519 = arith.constant 16 : i32
        %mul3A_520 = arith.muli %add3A_518, %mul3A_519 : i32
        %get3A_521 = arith.index_cast %mul3A_520 : i32 to index
        %get3A_522 = tpu.vector_load %arg4[%get3A_521] {strides = array<i32>} : memref<65536xf32, #tpu.memory_space<vmem>>, vector<16xf32>,
        %get3A_523 = vector.shape_cast %get3A_522 : vector<16xf32> to vector<16xf32>
        %ge3A_524 = vector.broadcast %bitcast_convert_type3A_300 : f32 to vector<16xf32>
        %ge3A_525 = arith.cmpf oge, %get3A_523, %ge3A_524 : vector<16xf32>
        %jit3A_526 = arith.constant 1.000000e+00 : f32
        %jit3A_527 = arith.constant 0.000000e+00 : f32
        %broadcast_in_dim3A_528 = vector.broadcast %jit3A_526 : f32 to vector<16xf32>
        %broadcast_in_dim3A_529 = vector.broadcast %jit3A_527 : f32 to vector<16xf32>
        %select_n3A_530 = arith.select %ge3A_525, %broadcast_in_dim3A_528, %broadcast_in_dim3A_529 : vector<16xi1>, vector<16xf32>
        %add3A_531 = arith.addf %add3A_514, %select_n3A_530 : vector<16xf32>
        %mul3A_532 = arith.constant 8 : i32
        %mul3A_533 = arith.muli %scan3A_496, %mul3A_532 : i32
        %add3A_534 = arith.constant 2 : i32
        %add3A_535 = arith.addi %mul3A_533, %add3A_534 : i32
        %mul3A_536 = arith.constant 16 : i32
        %mul3A_537 = arith.muli %add3A_535, %mul3A_536 : i32
        %get3A_538 = arith.index_cast %mul3A_537 : i32 to index
        %get3A_539 = tpu.vector_load %arg4[%get3A_538] {strides = array<i32>} : memref<65536xf32, #tpu.memory_space<vmem>>, vector<16xf32>,
        %get3A_540 = vector.shape_cast %get3A_539 : vector<16xf32> to vector<16xf32>
        %ge3A_541 = vector.broadcast %bitcast_convert_type3A_300 : f32 to vector<16xf32>
        %ge3A_542 = arith.cmpf oge, %get3A_540, %ge3A_541 : vector<16xf32>
        %jit3A_543 = arith.constant 1.000000e+00 : f32
        %jit3A_544 = arith.constant 0.000000e+00 : f32
        %broadcast_in_dim3A_545 = vector.broadcast %jit3A_543 : f32 to vector<16xf32>
        %broadcast_in_dim3A_546 = vector.broadcast %jit3A_544 : f32 to vector<16xf32>
        %select_n3A_547 = arith.select %ge3A_542, %broadcast_in_dim3A_545, %broadcast_in_dim3A_546 : vector<16xi1>, vector<16xf32>
        %add3A_548 = arith.addf %add3A_531, %select_n3A_547 : vector<16xf32>
        %mul3A_549 = arith.constant 8 : i32
        %mul3A_550 = arith.muli %scan3A_496, %mul3A_549 : i32
        %add3A_551 = arith.constant 3 : i32
        %add3A_552 = arith.addi %mul3A_550, %add3A_551 : i32
        %mul3A_553 = arith.constant 16 : i32
        %mul3A_554 = arith.muli %add3A_552, %mul3A_553 : i32
        %get3A_555 = arith.index_cast %mul3A_554 : i32 to index
        %get3A_556 = tpu.vector_load %arg4[%get3A_555] {strides = array<i32>} : memref<65536xf32, #tpu.memory_space<vmem>>, vector<16xf32>,
        %get3A_557 = vector.shape_cast %get3A_556 : vector<16xf32> to vector<16xf32>
        %ge3A_558 = vector.broadcast %bitcast_convert_type3A_300 : f32 to vector<16xf32>
        %ge3A_559 = arith.cmpf oge, %get3A_557, %ge3A_558 : vector<16xf32>
        %jit3A_560 = arith.constant 1.000000e+00 : f32
        %jit3A_561 = arith.constant 0.000000e+00 : f32
        %broadcast_in_dim3A_562 = vector.broadcast %jit3A_560 : f32 to vector<16xf32>
        %broadcast_in_dim3A_563 = vector.broadcast %jit3A_561 : f32 to vector<16xf32>
        %select_n3A_564 = arith.select %ge3A_559, %broadcast_in_dim3A_562, %broadcast_in_dim3A_563 : vector<16xi1>, vector<16xf32>
        %add3A_565 = arith.addf %add3A_548, %select_n3A_564 : vector<16xf32>
        %mul3A_566 = arith.constant 8 : i32
        %mul3A_567 = arith.muli %scan3A_496, %mul3A_566 : i32
        %add3A_568 = arith.constant 4 : i32
        %add3A_569 = arith.addi %mul3A_567, %add3A_568 : i32
        %mul3A_570 = arith.constant 16 : i32
        %mul3A_571 = arith.muli %add3A_569, %mul3A_570 : i32
        %get3A_572 = arith.index_cast %mul3A_571 : i32 to index
        %get3A_573 = tpu.vector_load %arg4[%get3A_572] {strides = array<i32>} : memref<65536xf32, #tpu.memory_space<vmem>>, vector<16xf32>,
        %get3A_574 = vector.shape_cast %get3A_573 : vector<16xf32> to vector<16xf32>
        %ge3A_575 = vector.broadcast %bitcast_convert_type3A_300 : f32 to vector<16xf32>
        %ge3A_576 = arith.cmpf oge, %get3A_574, %ge3A_575 : vector<16xf32>
        %jit3A_577 = arith.constant 1.000000e+00 : f32
        %jit3A_578 = arith.constant 0.000000e+00 : f32
        %broadcast_in_dim3A_579 = vector.broadcast %jit3A_577 : f32 to vector<16xf32>
        %broadcast_in_dim3A_580 = vector.broadcast %jit3A_578 : f32 to vector<16xf32>
        %select_n3A_581 = arith.select %ge3A_576, %broadcast_in_dim3A_579, %broadcast_in_dim3A_580 : vector<16xi1>, vector<16xf32>
        %add3A_582 = arith.addf %add3A_565, %select_n3A_581 : vector<16xf32>
        %mul3A_583 = arith.constant 8 : i32
        %mul3A_584 = arith.muli %scan3A_496, %mul3A_583 : i32
        %add3A_585 = arith.constant 5 : i32
        %add3A_586 = arith.addi %mul3A_584, %add3A_585 : i32
        %mul3A_587 = arith.constant 16 : i32
        %mul3A_588 = arith.muli %add3A_586, %mul3A_587 : i32
        %get3A_589 = arith.index_cast %mul3A_588 : i32 to index
        %get3A_590 = tpu.vector_load %arg4[%get3A_589] {strides = array<i32>} : memref<65536xf32, #tpu.memory_space<vmem>>, vector<16xf32>,
        %get3A_591 = vector.shape_cast %get3A_590 : vector<16xf32> to vector<16xf32>
        %ge3A_592 = vector.broadcast %bitcast_convert_type3A_300 : f32 to vector<16xf32>
        %ge3A_593 = arith.cmpf oge, %get3A_591, %ge3A_592 : vector<16xf32>
        %jit3A_594 = arith.constant 1.000000e+00 : f32
        %jit3A_595 = arith.constant 0.000000e+00 : f32
        %broadcast_in_dim3A_596 = vector.broadcast %jit3A_594 : f32 to vector<16xf32>
        %broadcast_in_dim3A_597 = vector.broadcast %jit3A_595 : f32 to vector<16xf32>
        %select_n3A_598 = arith.select %ge3A_593, %broadcast_in_dim3A_596, %broadcast_in_dim3A_597 : vector<16xi1>, vector<16xf32>
        %add3A_599 = arith.addf %add3A_582, %select_n3A_598 : vector<16xf32>
        %mul3A_600 = arith.constant 8 : i32
        %mul3A_601 = arith.muli %scan3A_496, %mul3A_600 : i32
        %add3A_602 = arith.constant 6 : i32
        %add3A_603 = arith.addi %mul3A_601, %add3A_602 : i32
        %mul3A_604 = arith.constant 16 : i32
        %mul3A_605 = arith.muli %add3A_603, %mul3A_604 : i32
        %get3A_606 = arith.index_cast %mul3A_605 : i32 to index
        %get3A_607 = tpu.vector_load %arg4[%get3A_606] {strides = array<i32>} : memref<65536xf32, #tpu.memory_space<vmem>>, vector<16xf32>,
        %get3A_608 = vector.shape_cast %get3A_607 : vector<16xf32> to vector<16xf32>
        %ge3A_609 = vector.broadcast %bitcast_convert_type3A_300 : f32 to vector<16xf32>
        %ge3A_610 = arith.cmpf oge, %get3A_608, %ge3A_609 : vector<16xf32>
        %jit3A_611 = arith.constant 1.000000e+00 : f32
        %jit3A_612 = arith.constant 0.000000e+00 : f32
        %broadcast_in_dim3A_613 = vector.broadcast %jit3A_611 : f32 to vector<16xf32>
        %broadcast_in_dim3A_614 = vector.broadcast %jit3A_612 : f32 to vector<16xf32>
        %select_n3A_615 = arith.select %ge3A_610, %broadcast_in_dim3A_613, %broadcast_in_dim3A_614 : vector<16xi1>, vector<16xf32>
        %add3A_616 = arith.addf %add3A_599, %select_n3A_615 : vector<16xf32>
        %mul3A_617 = arith.constant 8 : i32
        %mul3A_618 = arith.muli %scan3A_496, %mul3A_617 : i32
        %add3A_619 = arith.constant 7 : i32
        %add3A_620 = arith.addi %mul3A_618, %add3A_619 : i32
        %mul3A_621 = arith.constant 16 : i32
        %mul3A_622 = arith.muli %add3A_620, %mul3A_621 : i32
        %get3A_623 = arith.index_cast %mul3A_622 : i32 to index
        %get3A_624 = tpu.vector_load %arg4[%get3A_623] {strides = array<i32>} : memref<65536xf32, #tpu.memory_space<vmem>>, vector<16xf32>,
        %get3A_625 = vector.shape_cast %get3A_624 : vector<16xf32> to vector<16xf32>
        %ge3A_626 = vector.broadcast %bitcast_convert_type3A_300 : f32 to vector<16xf32>
        %ge3A_627 = arith.cmpf oge, %get3A_625, %ge3A_626 : vector<16xf32>
        %jit3A_628 = arith.constant 1.000000e+00 : f32
        %jit3A_629 = arith.constant 0.000000e+00 : f32
        %broadcast_in_dim3A_630 = vector.broadcast %jit3A_628 : f32 to vector<16xf32>
        %broadcast_in_dim3A_631 = vector.broadcast %jit3A_629 : f32 to vector<16xf32>
        %select_n3A_632 = arith.select %ge3A_627, %broadcast_in_dim3A_630, %broadcast_in_dim3A_631 : vector<16xi1>, vector<16xf32>
        %add3A_633 = arith.addf %add3A_616, %select_n3A_632 : vector<16xf32>
        scf.yield %add3A_633 : vector<16xf32>
      }
      %scan3A_308 = arith.constant 512 : i32
      %broadcast_in_dim3A_309 = arith.constant 0.000000e+00 : f32
      %broadcast_in_dim3A_310 = vector.broadcast %broadcast_in_dim3A_309 : f32 to vector<16xf32>
      %slice3A_311 = vector.extract_strided_slice %scan3A_307 {offsets = [0], sizes = [1], strides = [1]} : vector<16xf32> to vector<1xf32>
      %squeeze3A_312 = vector.extract %slice3A_311[0] : f32 from vector<1xf32>
      %broadcast_in_dim3A_313 = vector.broadcast %squeeze3A_312 : f32 to vector<16xf32>
      %add3A_314 = arith.addf %broadcast_in_dim3A_310, %broadcast_in_dim3A_313 : vector<16xf32>
      %slice3A_315 = vector.extract_strided_slice %scan3A_307 {offsets = [1], sizes = [1], strides = [1]} : vector<16xf32> to vector<1xf32>
      %squeeze3A_316 = vector.extract %slice3A_315[0] : f32 from vector<1xf32>
      %broadcast_in_dim3A_317 = vector.broadcast %squeeze3A_316 : f32 to vector<16xf32>
      %add3A_318 = arith.addf %add3A_314, %broadcast_in_dim3A_317 : vector<16xf32>
      %slice3A_319 = vector.extract_strided_slice %scan3A_307 {offsets = [2], sizes = [1], strides = [1]} : vector<16xf32> to vector<1xf32>
      %squeeze3A_320 = vector.extract %slice3A_319[0] : f32 from vector<1xf32>
      %broadcast_in_dim3A_321 = vector.broadcast %squeeze3A_320 : f32 to vector<16xf32>
      %add3A_322 = arith.addf %add3A_318, %broadcast_in_dim3A_321 : vector<16xf32>
      %slice3A_323 = vector.extract_strided_slice %scan3A_307 {offsets = [3], sizes = [1], strides = [1]} : vector<16xf32> to vector<1xf32>
      %squeeze3A_324 = vector.extract %slice3A_323[0] : f32 from vector<1xf32>
      %broadcast_in_dim3A_325 = vector.broadcast %squeeze3A_324 : f32 to vector<16xf32>
      %add3A_326 = arith.addf %add3A_322, %broadcast_in_dim3A_325 : vector<16xf32>
      %slice3A_327 = vector.extract_strided_slice %scan3A_307 {offsets = [4], sizes = [1], strides = [1]} : vector<16xf32> to vector<1xf32>
      %squeeze3A_328 = vector.extract %slice3A_327[0] : f32 from vector<1xf32>
      %broadcast_in_dim3A_329 = vector.broadcast %squeeze3A_328 : f32 to vector<16xf32>
      %add3A_330 = arith.addf %add3A_326, %broadcast_in_dim3A_329 : vector<16xf32>
      %slice3A_331 = vector.extract_strided_slice %scan3A_307 {offsets = [5], sizes = [1], strides = [1]} : vector<16xf32> to vector<1xf32>
      %squeeze3A_332 = vector.extract %slice3A_331[0] : f32 from vector<1xf32>
      %broadcast_in_dim3A_333 = vector.broadcast %squeeze3A_332 : f32 to vector<16xf32>
      %add3A_334 = arith.addf %add3A_330, %broadcast_in_dim3A_333 : vector<16xf32>
      %slice3A_335 = vector.extract_strided_slice %scan3A_307 {offsets = [6], sizes = [1], strides = [1]} : vector<16xf32> to vector<1xf32>
      %squeeze3A_336 = vector.extract %slice3A_335[0] : f32 from vector<1xf32>
      %broadcast_in_dim3A_337 = vector.broadcast %squeeze3A_336 : f32 to vector<16xf32>
      %add3A_338 = arith.addf %add3A_334, %broadcast_in_dim3A_337 : vector<16xf32>
      %slice3A_339 = vector.extract_strided_slice %scan3A_307 {offsets = [7], sizes = [1], strides = [1]} : vector<16xf32> to vector<1xf32>
      %squeeze3A_340 = vector.extract %slice3A_339[0] : f32 from vector<1xf32>
      %broadcast_in_dim3A_341 = vector.broadcast %squeeze3A_340 : f32 to vector<16xf32>
      %add3A_342 = arith.addf %add3A_338, %broadcast_in_dim3A_341 : vector<16xf32>
      %slice3A_343 = vector.extract_strided_slice %scan3A_307 {offsets = [8], sizes = [1], strides = [1]} : vector<16xf32> to vector<1xf32>
      %squeeze3A_344 = vector.extract %slice3A_343[0] : f32 from vector<1xf32>
      %broadcast_in_dim3A_345 = vector.broadcast %squeeze3A_344 : f32 to vector<16xf32>
      %add3A_346 = arith.addf %add3A_342, %broadcast_in_dim3A_345 : vector<16xf32>
      %slice3A_347 = vector.extract_strided_slice %scan3A_307 {offsets = [9], sizes = [1], strides = [1]} : vector<16xf32> to vector<1xf32>
      %squeeze3A_348 = vector.extract %slice3A_347[0] : f32 from vector<1xf32>
      %broadcast_in_dim3A_349 = vector.broadcast %squeeze3A_348 : f32 to vector<16xf32>
      %add3A_350 = arith.addf %add3A_346, %broadcast_in_dim3A_349 : vector<16xf32>
      %slice3A_351 = vector.extract_strided_slice %scan3A_307 {offsets = [10], sizes = [1], strides = [1]} : vector<16xf32> to vector<1xf32>
      %squeeze3A_352 = vector.extract %slice3A_351[0] : f32 from vector<1xf32>
      %broadcast_in_dim3A_353 = vector.broadcast %squeeze3A_352 : f32 to vector<16xf32>
      %add3A_354 = arith.addf %add3A_350, %broadcast_in_dim3A_353 : vector<16xf32>
      %slice3A_355 = vector.extract_strided_slice %scan3A_307 {offsets = [11], sizes = [1], strides = [1]} : vector<16xf32> to vector<1xf32>
      %squeeze3A_356 = vector.extract %slice3A_355[0] : f32 from vector<1xf32>
      %broadcast_in_dim3A_357 = vector.broadcast %squeeze3A_356 : f32 to vector<16xf32>
      %add3A_358 = arith.addf %add3A_354, %broadcast_in_dim3A_357 : vector<16xf32>
      %slice3A_359 = vector.extract_strided_slice %scan3A_307 {offsets = [12], sizes = [1], strides = [1]} : vector<16xf32> to vector<1xf32>
      %squeeze3A_360 = vector.extract %slice3A_359[0] : f32 from vector<1xf32>
      %broadcast_in_dim3A_361 = vector.broadcast %squeeze3A_360 : f32 to vector<16xf32>
      %add3A_362 = arith.addf %add3A_358, %broadcast_in_dim3A_361 : vector<16xf32>
      %slice3A_363 = vector.extract_strided_slice %scan3A_307 {offsets = [13], sizes = [1], strides = [1]} : vector<16xf32> to vector<1xf32>
      %squeeze3A_364 = vector.extract %slice3A_363[0] : f32 from vector<1xf32>
      %broadcast_in_dim3A_365 = vector.broadcast %squeeze3A_364 : f32 to vector<16xf32>
      %add3A_366 = arith.addf %add3A_362, %broadcast_in_dim3A_365 : vector<16xf32>
      %slice3A_367 = vector.extract_strided_slice %scan3A_307 {offsets = [14], sizes = [1], strides = [1]} : vector<16xf32> to vector<1xf32>
      %squeeze3A_368 = vector.extract %slice3A_367[0] : f32 from vector<1xf32>
      %broadcast_in_dim3A_369 = vector.broadcast %squeeze3A_368 : f32 to vector<16xf32>
      %add3A_370 = arith.addf %add3A_366, %broadcast_in_dim3A_369 : vector<16xf32>
      %slice3A_371 = vector.extract_strided_slice %scan3A_307 {offsets = [15], sizes = [1], strides = [1]} : vector<16xf32> to vector<1xf32>
      %squeeze3A_372 = vector.extract %slice3A_371[0] : f32 from vector<1xf32>
      %broadcast_in_dim3A_373 = vector.broadcast %squeeze3A_372 : f32 to vector<16xf32>
      %add3A_374 = arith.addf %add3A_370, %broadcast_in_dim3A_373 : vector<16xf32>
      %broadcast_in_dim3A_375 = arith.constant 0.000000e+00 : f32
      %broadcast_in_dim3A_376 = vector.broadcast %broadcast_in_dim3A_375 : f32 to vector<16xf32>
      %eq3A_377 = arith.constant 0 : i32
      %eq3A_378 = vector.broadcast %eq3A_377 : i32 to vector<16xi32>
      %eq3A_379 = arith.cmpi eq, %iota3A, %eq3A_378 : vector<16xi32>
      %eq3A_380 = arith.constant 1 : i32
      %eq3A_381 = vector.broadcast %eq3A_380 : i32 to vector<16xi32>
      %eq3A_382 = arith.cmpi eq, %iota3A, %eq3A_381 : vector<16xi32>
      %jit3A_383 = arith.constant 0.000000e+00 : f32
      %broadcast_in_dim3A_384 = vector.broadcast %jit3A_383 : f32 to vector<16xf32>
      %select_n3A_385 = arith.select %eq3A_382, %broadcast_in_dim3A_376, %broadcast_in_dim3A_384 : vector<16xi1>, vector<16xf32>
      %select_n3A_386 = arith.select %eq3A_379, %add3A_374, %select_n3A_385 : vector<16xi1>, vector<16xf32>
      %swap3A_387 = arith.constant 0 : index
      %swap3A_388 = tpu.vector_load %arg5[%swap3A_387] {strides = array<i32>} : memref<16xf32, #tpu.memory_space<vmem>>, vector<16xf32>,
      %swap3A_389 = vector.shape_cast %swap3A_388 : vector<16xf32> to vector<16xf32>
      %swap3A_390 = vector.shape_cast %select_n3A_386 : vector<16xf32> to vector<16xf32>
      tpu.vector_store %arg5[%swap3A_387], %swap3A_390 {strides = array<i32>} : memref<16xf32, #tpu.memory_space<vmem>>, vector<16xf32>,
      "tpu.region"() ({
        %run_scoped3A = tpu.sem_alloc : memref<!tpu.dma_semaphore, #tpu.memory_space<semaphore_mem>>
        %dma_start3A = arith.constant 0 : i32
        %dma_start3A_496 = tpu.memref_slice %arg7[%arg1, %dma_start3A] : memref<16x16xf32, #tpu.memory_space<vmem_shared>> -> memref<1x16xf32, #tpu.memory_space<vmem_shared>>
        %dma_start3A_497 = tpu.memref_squeeze %dma_start3A_496 : memref<1x16xf32, #tpu.memory_space<vmem_shared>> -> memref<16xf32, #tpu.memory_space<vmem_shared>>
        %dma_start3A_498 = arith.constant 0 : i32
        %dma_start3A_499 = tpu.memref_slice %arg7[%arg1, %dma_start3A_498] : memref<16x16xf32, #tpu.memory_space<vmem_shared>> -> memref<1x16xf32, #tpu.memory_space<vmem_shared>>
        %dma_start3A_500 = tpu.memref_squeeze %dma_start3A_499 : memref<1x16xf32, #tpu.memory_space<vmem_shared>> -> memref<16xf32, #tpu.memory_space<vmem_shared>>
        tpu.enqueue_dma source(%arg5 : memref<16xf32, #tpu.memory_space<vmem>>) target(%dma_start3A_500 : memref<16xf32, #tpu.memory_space<vmem_shared>>) target_semaphore(%run_scoped3A : memref<!tpu.dma_semaphore, #tpu.memory_space<semaphore_mem>>)
        %dma_wait3A = arith.constant 0 : i32
        %dma_wait3A_501 = tpu.memref_slice %arg7[%arg1, %dma_wait3A] : memref<16x16xf32, #tpu.memory_space<vmem_shared>> -> memref<1x16xf32, #tpu.memory_space<vmem_shared>>
        %dma_wait3A_502 = tpu.memref_squeeze %dma_wait3A_501 : memref<1x16xf32, #tpu.memory_space<vmem_shared>> -> memref<16xf32, #tpu.memory_space<vmem_shared>>
        %dma_wait3A_503 = arith.constant 0 : i32
        %dma_wait3A_504 = tpu.memref_slice %arg7[%arg1, %dma_wait3A_503] : memref<16x16xf32, #tpu.memory_space<vmem_shared>> -> memref<1x16xf32, #tpu.memory_space<vmem_shared>>
        %dma_wait3A_505 = tpu.memref_squeeze %dma_wait3A_504 : memref<1x16xf32, #tpu.memory_space<vmem_shared>> -> memref<16xf32, #tpu.memory_space<vmem_shared>>
        tpu.wait_dma2 semaphore(%run_scoped3A : memref<!tpu.dma_semaphore, #tpu.memory_space<semaphore_mem>>) src(%arg5 : memref<16xf32, #tpu.memory_space<vmem>>) dst(%dma_wait3A_505 : memref<16xf32, #tpu.memory_space<vmem_shared>>)
        tpu.yield
      }) : () -> ()
      %barrier3A_391 = arith.constant 0 : index
      tpu.barrier barrier_id(%barrier3A_391)
      "tpu.region"() ({
        %run_scoped3A = tpu.sem_alloc : memref<!tpu.dma_semaphore, #tpu.memory_space<semaphore_mem>>
        tpu.enqueue_dma source(%arg7 : memref<16x16xf32, #tpu.memory_space<vmem_shared>>) target(%arg6 : memref<16x16xf32, #tpu.memory_space<vmem>>) target_semaphore(%run_scoped3A : memref<!tpu.dma_semaphore, #tpu.memory_space<semaphore_mem>>)
        tpu.wait_dma2 semaphore(%run_scoped3A : memref<!tpu.dma_semaphore, #tpu.memory_space<semaphore_mem>>) src(%arg7 : memref<16x16xf32, #tpu.memory_space<vmem_shared>>) dst(%arg6 : memref<16x16xf32, #tpu.memory_space<vmem>>)
        tpu.yield
      }) : () -> ()
      %broadcast_in_dim3A_392 = arith.constant 0.000000e+00 : f32
      %broadcast_in_dim3A_393 = vector.broadcast %broadcast_in_dim3A_392 : f32 to vector<16xf32>
      %get3A_394 = arith.constant 0 : i32
      %get3A_395 = arith.index_cast %get3A_394 : i32 to index
      %get3A_396 = arith.constant 0 : index
      %get3A_397 = tpu.vector_load %arg6[%get3A_395, %get3A_396] {strides = array<i32>} : memref<16x16xf32, #tpu.memory_space<vmem>>, vector<1x16xf32>,
      %get3A_398 = vector.shape_cast %get3A_397 : vector<1x16xf32> to vector<16xf32>
      %add3A_399 = arith.addf %broadcast_in_dim3A_393, %get3A_398 : vector<16xf32>
      %get3A_400 = arith.constant 1 : i32
      %get3A_401 = arith.index_cast %get3A_400 : i32 to index
      %get3A_402 = arith.constant 0 : index
      %get3A_403 = tpu.vector_load %arg6[%get3A_401, %get3A_402] {strides = array<i32>} : memref<16x16xf32, #tpu.memory_space<vmem>>, vector<1x16xf32>,
      %get3A_404 = vector.shape_cast %get3A_403 : vector<1x16xf32> to vector<16xf32>
      %add3A_405 = arith.addf %add3A_399, %get3A_404 : vector<16xf32>
      %get3A_406 = arith.constant 2 : i32
      %get3A_407 = arith.index_cast %get3A_406 : i32 to index
      %get3A_408 = arith.constant 0 : index
      %get3A_409 = tpu.vector_load %arg6[%get3A_407, %get3A_408] {strides = array<i32>} : memref<16x16xf32, #tpu.memory_space<vmem>>, vector<1x16xf32>,
      %get3A_410 = vector.shape_cast %get3A_409 : vector<1x16xf32> to vector<16xf32>
      %add3A_411 = arith.addf %add3A_405, %get3A_410 : vector<16xf32>
      %get3A_412 = arith.constant 3 : i32
      %get3A_413 = arith.index_cast %get3A_412 : i32 to index
      %get3A_414 = arith.constant 0 : index
      %get3A_415 = tpu.vector_load %arg6[%get3A_413, %get3A_414] {strides = array<i32>} : memref<16x16xf32, #tpu.memory_space<vmem>>, vector<1x16xf32>,
      %get3A_416 = vector.shape_cast %get3A_415 : vector<1x16xf32> to vector<16xf32>
      %add3A_417 = arith.addf %add3A_411, %get3A_416 : vector<16xf32>
      %get3A_418 = arith.constant 4 : i32
      %get3A_419 = arith.index_cast %get3A_418 : i32 to index
      %get3A_420 = arith.constant 0 : index
      %get3A_421 = tpu.vector_load %arg6[%get3A_419, %get3A_420] {strides = array<i32>} : memref<16x16xf32, #tpu.memory_space<vmem>>, vector<1x16xf32>,
      %get3A_422 = vector.shape_cast %get3A_421 : vector<1x16xf32> to vector<16xf32>
      %add3A_423 = arith.addf %add3A_417, %get3A_422 : vector<16xf32>
      %get3A_424 = arith.constant 5 : i32
      %get3A_425 = arith.index_cast %get3A_424 : i32 to index
      %get3A_426 = arith.constant 0 : index
      %get3A_427 = tpu.vector_load %arg6[%get3A_425, %get3A_426] {strides = array<i32>} : memref<16x16xf32, #tpu.memory_space<vmem>>, vector<1x16xf32>,
      %get3A_428 = vector.shape_cast %get3A_427 : vector<1x16xf32> to vector<16xf32>
      %add3A_429 = arith.addf %add3A_423, %get3A_428 : vector<16xf32>
      %get3A_430 = arith.constant 6 : i32
      %get3A_431 = arith.index_cast %get3A_430 : i32 to index
      %get3A_432 = arith.constant 0 : index
      %get3A_433 = tpu.vector_load %arg6[%get3A_431, %get3A_432] {strides = array<i32>} : memref<16x16xf32, #tpu.memory_space<vmem>>, vector<1x16xf32>,
      %get3A_434 = vector.shape_cast %get3A_433 : vector<1x16xf32> to vector<16xf32>
      %add3A_435 = arith.addf %add3A_429, %get3A_434 : vector<16xf32>
      %get3A_436 = arith.constant 7 : i32
      %get3A_437 = arith.index_cast %get3A_436 : i32 to index
      %get3A_438 = arith.constant 0 : index
      %get3A_439 = tpu.vector_load %arg6[%get3A_437, %get3A_438] {strides = array<i32>} : memref<16x16xf32, #tpu.memory_space<vmem>>, vector<1x16xf32>,
      %get3A_440 = vector.shape_cast %get3A_439 : vector<1x16xf32> to vector<16xf32>
      %add3A_441 = arith.addf %add3A_435, %get3A_440 : vector<16xf32>
      %get3A_442 = arith.constant 8 : i32
      %get3A_443 = arith.index_cast %get3A_442 : i32 to index
      %get3A_444 = arith.constant 0 : index
      %get3A_445 = tpu.vector_load %arg6[%get3A_443, %get3A_444] {strides = array<i32>} : memref<16x16xf32, #tpu.memory_space<vmem>>, vector<1x16xf32>,
      %get3A_446 = vector.shape_cast %get3A_445 : vector<1x16xf32> to vector<16xf32>
      %add3A_447 = arith.addf %add3A_441, %get3A_446 : vector<16xf32>
      %get3A_448 = arith.constant 9 : i32
      %get3A_449 = arith.index_cast %get3A_448 : i32 to index
      %get3A_450 = arith.constant 0 : index
      %get3A_451 = tpu.vector_load %arg6[%get3A_449, %get3A_450] {strides = array<i32>} : memref<16x16xf32, #tpu.memory_space<vmem>>, vector<1x16xf32>,
      %get3A_452 = vector.shape_cast %get3A_451 : vector<1x16xf32> to vector<16xf32>
      %add3A_453 = arith.addf %add3A_447, %get3A_452 : vector<16xf32>
      %get3A_454 = arith.constant 10 : i32
      %get3A_455 = arith.index_cast %get3A_454 : i32 to index
      %get3A_456 = arith.constant 0 : index
      %get3A_457 = tpu.vector_load %arg6[%get3A_455, %get3A_456] {strides = array<i32>} : memref<16x16xf32, #tpu.memory_space<vmem>>, vector<1x16xf32>,
      %get3A_458 = vector.shape_cast %get3A_457 : vector<1x16xf32> to vector<16xf32>
      %add3A_459 = arith.addf %add3A_453, %get3A_458 : vector<16xf32>
      %get3A_460 = arith.constant 11 : i32
      %get3A_461 = arith.index_cast %get3A_460 : i32 to index
      %get3A_462 = arith.constant 0 : index
      %get3A_463 = tpu.vector_load %arg6[%get3A_461, %get3A_462] {strides = array<i32>} : memref<16x16xf32, #tpu.memory_space<vmem>>, vector<1x16xf32>,
      %get3A_464 = vector.shape_cast %get3A_463 : vector<1x16xf32> to vector<16xf32>
      %add3A_465 = arith.addf %add3A_459, %get3A_464 : vector<16xf32>
      %get3A_466 = arith.constant 12 : i32
      %get3A_467 = arith.index_cast %get3A_466 : i32 to index
      %get3A_468 = arith.constant 0 : index
      %get3A_469 = tpu.vector_load %arg6[%get3A_467, %get3A_468] {strides = array<i32>} : memref<16x16xf32, #tpu.memory_space<vmem>>, vector<1x16xf32>,
      %get3A_470 = vector.shape_cast %get3A_469 : vector<1x16xf32> to vector<16xf32>
      %add3A_471 = arith.addf %add3A_465, %get3A_470 : vector<16xf32>
      %get3A_472 = arith.constant 13 : i32
      %get3A_473 = arith.index_cast %get3A_472 : i32 to index
      %get3A_474 = arith.constant 0 : index
      %get3A_475 = tpu.vector_load %arg6[%get3A_473, %get3A_474] {strides = array<i32>} : memref<16x16xf32, #tpu.memory_space<vmem>>, vector<1x16xf32>,
      %get3A_476 = vector.shape_cast %get3A_475 : vector<1x16xf32> to vector<16xf32>
      %add3A_477 = arith.addf %add3A_471, %get3A_476 : vector<16xf32>
      %get3A_478 = arith.constant 14 : i32
      %get3A_479 = arith.index_cast %get3A_478 : i32 to index
      %get3A_480 = arith.constant 0 : index
      %get3A_481 = tpu.vector_load %arg6[%get3A_479, %get3A_480] {strides = array<i32>} : memref<16x16xf32, #tpu.memory_space<vmem>>, vector<1x16xf32>,
      %get3A_482 = vector.shape_cast %get3A_481 : vector<1x16xf32> to vector<16xf32>
      %add3A_483 = arith.addf %add3A_477, %get3A_482 : vector<16xf32>
      %get3A_484 = arith.constant 15 : i32
      %get3A_485 = arith.index_cast %get3A_484 : i32 to index
      %get3A_486 = arith.constant 0 : index
      %get3A_487 = tpu.vector_load %arg6[%get3A_485, %get3A_486] {strides = array<i32>} : memref<16x16xf32, #tpu.memory_space<vmem>>, vector<1x16xf32>,
      %get3A_488 = vector.shape_cast %get3A_487 : vector<1x16xf32> to vector<16xf32>
      %add3A_489 = arith.addf %add3A_483, %get3A_488 : vector<16xf32>
      %barrier3A_490 = arith.constant 0 : index
      tpu.barrier barrier_id(%barrier3A_490)
      %slice3A_491 = vector.extract_strided_slice %add3A_489 {offsets = [0], sizes = [1], strides = [1]} : vector<16xf32> to vector<1xf32>
      %squeeze3A_492 = vector.extract %slice3A_491[0] : f32 from vector<1xf32>
      %ge3A = arith.constant 1.000000e+05 : f32
      %ge3A_493 = arith.cmpf oge, %squeeze3A_492, %ge3A : f32
      %select_n3A_494 = arith.select %ge3A_493, %add3A_299, %scan3A_276 : i32
      %select_n3A_495 = arith.select %ge3A_493, %scan3A_277, %add3A_299 : i32
      scf.yield %select_n3A_494, %select_n3A_495 : i32, i32
    }
    %scan3A_7 = arith.constant 31 : i32
    %bitcast_convert_type3A = arith.bitcast %scan3A_6#0 : i32 to f32
    %broadcast_in_dim3A = arith.constant 0.000000e+00 : f32
    %broadcast_in_dim3A_8 = vector.broadcast %broadcast_in_dim3A : f32 to vector<16xf32>
    %scan3A_9 = arith.constant 0 : i32
    %scan3A_10 = arith.constant 512 : i32
    %scan3A_11 = arith.addi %scan3A_9, %scan3A_10 : i32
    %scan3A_12 = arith.constant 1 : i32
    %scan3A_13:2 = scf.for %scan3A_275 = %scan3A_9 to %scan3A_11 step %scan3A_12 iter_args(%scan3A_276 = %broadcast_in_dim3A_8, %scan3A_277 = %broadcast_in_dim3A_8) -> (vector<16xf32>, vector<16xf32>)  : i32 {
      %mul3A_278 = arith.constant 8 : i32
      %mul3A_279 = arith.muli %scan3A_275, %mul3A_278 : i32
      %add3A_280 = arith.constant 0 : i32
      %add3A_281 = arith.addi %mul3A_279, %add3A_280 : i32
      %mul3A_282 = arith.constant 16 : i32
      %mul3A_283 = arith.muli %add3A_281, %mul3A_282 : i32
      %get3A_284 = arith.index_cast %mul3A_283 : i32 to index
      %get3A_285 = tpu.vector_load %arg4[%get3A_284] {strides = array<i32>} : memref<65536xf32, #tpu.memory_space<vmem>>, vector<16xf32>,
      %get3A_286 = vector.shape_cast %get3A_285 : vector<16xf32> to vector<16xf32>
      %gt3A = vector.broadcast %bitcast_convert_type3A : f32 to vector<16xf32>
      %gt3A_287 = arith.cmpf ogt, %get3A_286, %gt3A : vector<16xf32>
      %jit3A_288 = arith.constant 1.000000e+00 : f32
      %jit3A_289 = arith.constant 0.000000e+00 : f32
      %broadcast_in_dim3A_290 = vector.broadcast %jit3A_288 : f32 to vector<16xf32>
      %broadcast_in_dim3A_291 = vector.broadcast %jit3A_289 : f32 to vector<16xf32>
      %select_n3A_292 = arith.select %gt3A_287, %broadcast_in_dim3A_290, %broadcast_in_dim3A_291 : vector<16xi1>, vector<16xf32>
      %add3A_293 = arith.addf %scan3A_276, %select_n3A_292 : vector<16xf32>
      %jit3A_294 = arith.constant 0.000000e+00 : f32
      %broadcast_in_dim3A_295 = vector.broadcast %jit3A_294 : f32 to vector<16xf32>
      %select_n3A_296 = arith.select %gt3A_287, %get3A_286, %broadcast_in_dim3A_295 : vector<16xi1>, vector<16xf32>
      %add3A_297 = arith.addf %scan3A_277, %select_n3A_296 : vector<16xf32>
      %mul3A_298 = arith.constant 8 : i32
      %mul3A_299 = arith.muli %scan3A_275, %mul3A_298 : i32
      %add3A_300 = arith.constant 1 : i32
      %add3A_301 = arith.addi %mul3A_299, %add3A_300 : i32
      %mul3A_302 = arith.constant 16 : i32
      %mul3A_303 = arith.muli %add3A_301, %mul3A_302 : i32
      %get3A_304 = arith.index_cast %mul3A_303 : i32 to index
      %get3A_305 = tpu.vector_load %arg4[%get3A_304] {strides = array<i32>} : memref<65536xf32, #tpu.memory_space<vmem>>, vector<16xf32>,
      %get3A_306 = vector.shape_cast %get3A_305 : vector<16xf32> to vector<16xf32>
      %gt3A_307 = vector.broadcast %bitcast_convert_type3A : f32 to vector<16xf32>
      %gt3A_308 = arith.cmpf ogt, %get3A_306, %gt3A_307 : vector<16xf32>
      %jit3A_309 = arith.constant 1.000000e+00 : f32
      %jit3A_310 = arith.constant 0.000000e+00 : f32
      %broadcast_in_dim3A_311 = vector.broadcast %jit3A_309 : f32 to vector<16xf32>
      %broadcast_in_dim3A_312 = vector.broadcast %jit3A_310 : f32 to vector<16xf32>
      %select_n3A_313 = arith.select %gt3A_308, %broadcast_in_dim3A_311, %broadcast_in_dim3A_312 : vector<16xi1>, vector<16xf32>
      %add3A_314 = arith.addf %add3A_293, %select_n3A_313 : vector<16xf32>
      %jit3A_315 = arith.constant 0.000000e+00 : f32
      %broadcast_in_dim3A_316 = vector.broadcast %jit3A_315 : f32 to vector<16xf32>
      %select_n3A_317 = arith.select %gt3A_308, %get3A_306, %broadcast_in_dim3A_316 : vector<16xi1>, vector<16xf32>
      %add3A_318 = arith.addf %add3A_297, %select_n3A_317 : vector<16xf32>
      %mul3A_319 = arith.constant 8 : i32
      %mul3A_320 = arith.muli %scan3A_275, %mul3A_319 : i32
      %add3A_321 = arith.constant 2 : i32
      %add3A_322 = arith.addi %mul3A_320, %add3A_321 : i32
      %mul3A_323 = arith.constant 16 : i32
      %mul3A_324 = arith.muli %add3A_322, %mul3A_323 : i32
      %get3A_325 = arith.index_cast %mul3A_324 : i32 to index
      %get3A_326 = tpu.vector_load %arg4[%get3A_325] {strides = array<i32>} : memref<65536xf32, #tpu.memory_space<vmem>>, vector<16xf32>,
      %get3A_327 = vector.shape_cast %get3A_326 : vector<16xf32> to vector<16xf32>
      %gt3A_328 = vector.broadcast %bitcast_convert_type3A : f32 to vector<16xf32>
      %gt3A_329 = arith.cmpf ogt, %get3A_327, %gt3A_328 : vector<16xf32>
      %jit3A_330 = arith.constant 1.000000e+00 : f32
      %jit3A_331 = arith.constant 0.000000e+00 : f32
      %broadcast_in_dim3A_332 = vector.broadcast %jit3A_330 : f32 to vector<16xf32>
      %broadcast_in_dim3A_333 = vector.broadcast %jit3A_331 : f32 to vector<16xf32>
      %select_n3A_334 = arith.select %gt3A_329, %broadcast_in_dim3A_332, %broadcast_in_dim3A_333 : vector<16xi1>, vector<16xf32>
      %add3A_335 = arith.addf %add3A_314, %select_n3A_334 : vector<16xf32>
      %jit3A_336 = arith.constant 0.000000e+00 : f32
      %broadcast_in_dim3A_337 = vector.broadcast %jit3A_336 : f32 to vector<16xf32>
      %select_n3A_338 = arith.select %gt3A_329, %get3A_327, %broadcast_in_dim3A_337 : vector<16xi1>, vector<16xf32>
      %add3A_339 = arith.addf %add3A_318, %select_n3A_338 : vector<16xf32>
      %mul3A_340 = arith.constant 8 : i32
      %mul3A_341 = arith.muli %scan3A_275, %mul3A_340 : i32
      %add3A_342 = arith.constant 3 : i32
      %add3A_343 = arith.addi %mul3A_341, %add3A_342 : i32
      %mul3A_344 = arith.constant 16 : i32
      %mul3A_345 = arith.muli %add3A_343, %mul3A_344 : i32
      %get3A_346 = arith.index_cast %mul3A_345 : i32 to index
      %get3A_347 = tpu.vector_load %arg4[%get3A_346] {strides = array<i32>} : memref<65536xf32, #tpu.memory_space<vmem>>, vector<16xf32>,
      %get3A_348 = vector.shape_cast %get3A_347 : vector<16xf32> to vector<16xf32>
      %gt3A_349 = vector.broadcast %bitcast_convert_type3A : f32 to vector<16xf32>
      %gt3A_350 = arith.cmpf ogt, %get3A_348, %gt3A_349 : vector<16xf32>
      %jit3A_351 = arith.constant 1.000000e+00 : f32
      %jit3A_352 = arith.constant 0.000000e+00 : f32
      %broadcast_in_dim3A_353 = vector.broadcast %jit3A_351 : f32 to vector<16xf32>
      %broadcast_in_dim3A_354 = vector.broadcast %jit3A_352 : f32 to vector<16xf32>
      %select_n3A_355 = arith.select %gt3A_350, %broadcast_in_dim3A_353, %broadcast_in_dim3A_354 : vector<16xi1>, vector<16xf32>
      %add3A_356 = arith.addf %add3A_335, %select_n3A_355 : vector<16xf32>
      %jit3A_357 = arith.constant 0.000000e+00 : f32
      %broadcast_in_dim3A_358 = vector.broadcast %jit3A_357 : f32 to vector<16xf32>
      %select_n3A_359 = arith.select %gt3A_350, %get3A_348, %broadcast_in_dim3A_358 : vector<16xi1>, vector<16xf32>
      %add3A_360 = arith.addf %add3A_339, %select_n3A_359 : vector<16xf32>
      %mul3A_361 = arith.constant 8 : i32
      %mul3A_362 = arith.muli %scan3A_275, %mul3A_361 : i32
      %add3A_363 = arith.constant 4 : i32
      %add3A_364 = arith.addi %mul3A_362, %add3A_363 : i32
      %mul3A_365 = arith.constant 16 : i32
      %mul3A_366 = arith.muli %add3A_364, %mul3A_365 : i32
      %get3A_367 = arith.index_cast %mul3A_366 : i32 to index
      %get3A_368 = tpu.vector_load %arg4[%get3A_367] {strides = array<i32>} : memref<65536xf32, #tpu.memory_space<vmem>>, vector<16xf32>,
      %get3A_369 = vector.shape_cast %get3A_368 : vector<16xf32> to vector<16xf32>
      %gt3A_370 = vector.broadcast %bitcast_convert_type3A : f32 to vector<16xf32>
      %gt3A_371 = arith.cmpf ogt, %get3A_369, %gt3A_370 : vector<16xf32>
      %jit3A_372 = arith.constant 1.000000e+00 : f32
      %jit3A_373 = arith.constant 0.000000e+00 : f32
      %broadcast_in_dim3A_374 = vector.broadcast %jit3A_372 : f32 to vector<16xf32>
      %broadcast_in_dim3A_375 = vector.broadcast %jit3A_373 : f32 to vector<16xf32>
      %select_n3A_376 = arith.select %gt3A_371, %broadcast_in_dim3A_374, %broadcast_in_dim3A_375 : vector<16xi1>, vector<16xf32>
      %add3A_377 = arith.addf %add3A_356, %select_n3A_376 : vector<16xf32>
      %jit3A_378 = arith.constant 0.000000e+00 : f32
      %broadcast_in_dim3A_379 = vector.broadcast %jit3A_378 : f32 to vector<16xf32>
      %select_n3A_380 = arith.select %gt3A_371, %get3A_369, %broadcast_in_dim3A_379 : vector<16xi1>, vector<16xf32>
      %add3A_381 = arith.addf %add3A_360, %select_n3A_380 : vector<16xf32>
      %mul3A_382 = arith.constant 8 : i32
      %mul3A_383 = arith.muli %scan3A_275, %mul3A_382 : i32
      %add3A_384 = arith.constant 5 : i32
      %add3A_385 = arith.addi %mul3A_383, %add3A_384 : i32
      %mul3A_386 = arith.constant 16 : i32
      %mul3A_387 = arith.muli %add3A_385, %mul3A_386 : i32
      %get3A_388 = arith.index_cast %mul3A_387 : i32 to index
      %get3A_389 = tpu.vector_load %arg4[%get3A_388] {strides = array<i32>} : memref<65536xf32, #tpu.memory_space<vmem>>, vector<16xf32>,
      %get3A_390 = vector.shape_cast %get3A_389 : vector<16xf32> to vector<16xf32>
      %gt3A_391 = vector.broadcast %bitcast_convert_type3A : f32 to vector<16xf32>
      %gt3A_392 = arith.cmpf ogt, %get3A_390, %gt3A_391 : vector<16xf32>
      %jit3A_393 = arith.constant 1.000000e+00 : f32
      %jit3A_394 = arith.constant 0.000000e+00 : f32
      %broadcast_in_dim3A_395 = vector.broadcast %jit3A_393 : f32 to vector<16xf32>
      %broadcast_in_dim3A_396 = vector.broadcast %jit3A_394 : f32 to vector<16xf32>
      %select_n3A_397 = arith.select %gt3A_392, %broadcast_in_dim3A_395, %broadcast_in_dim3A_396 : vector<16xi1>, vector<16xf32>
      %add3A_398 = arith.addf %add3A_377, %select_n3A_397 : vector<16xf32>
      %jit3A_399 = arith.constant 0.000000e+00 : f32
      %broadcast_in_dim3A_400 = vector.broadcast %jit3A_399 : f32 to vector<16xf32>
      %select_n3A_401 = arith.select %gt3A_392, %get3A_390, %broadcast_in_dim3A_400 : vector<16xi1>, vector<16xf32>
      %add3A_402 = arith.addf %add3A_381, %select_n3A_401 : vector<16xf32>
      %mul3A_403 = arith.constant 8 : i32
      %mul3A_404 = arith.muli %scan3A_275, %mul3A_403 : i32
      %add3A_405 = arith.constant 6 : i32
      %add3A_406 = arith.addi %mul3A_404, %add3A_405 : i32
      %mul3A_407 = arith.constant 16 : i32
      %mul3A_408 = arith.muli %add3A_406, %mul3A_407 : i32
      %get3A_409 = arith.index_cast %mul3A_408 : i32 to index
      %get3A_410 = tpu.vector_load %arg4[%get3A_409] {strides = array<i32>} : memref<65536xf32, #tpu.memory_space<vmem>>, vector<16xf32>,
      %get3A_411 = vector.shape_cast %get3A_410 : vector<16xf32> to vector<16xf32>
      %gt3A_412 = vector.broadcast %bitcast_convert_type3A : f32 to vector<16xf32>
      %gt3A_413 = arith.cmpf ogt, %get3A_411, %gt3A_412 : vector<16xf32>
      %jit3A_414 = arith.constant 1.000000e+00 : f32
      %jit3A_415 = arith.constant 0.000000e+00 : f32
      %broadcast_in_dim3A_416 = vector.broadcast %jit3A_414 : f32 to vector<16xf32>
      %broadcast_in_dim3A_417 = vector.broadcast %jit3A_415 : f32 to vector<16xf32>
      %select_n3A_418 = arith.select %gt3A_413, %broadcast_in_dim3A_416, %broadcast_in_dim3A_417 : vector<16xi1>, vector<16xf32>
      %add3A_419 = arith.addf %add3A_398, %select_n3A_418 : vector<16xf32>
      %jit3A_420 = arith.constant 0.000000e+00 : f32
      %broadcast_in_dim3A_421 = vector.broadcast %jit3A_420 : f32 to vector<16xf32>
      %select_n3A_422 = arith.select %gt3A_413, %get3A_411, %broadcast_in_dim3A_421 : vector<16xi1>, vector<16xf32>
      %add3A_423 = arith.addf %add3A_402, %select_n3A_422 : vector<16xf32>
      %mul3A_424 = arith.constant 8 : i32
      %mul3A_425 = arith.muli %scan3A_275, %mul3A_424 : i32
      %add3A_426 = arith.constant 7 : i32
      %add3A_427 = arith.addi %mul3A_425, %add3A_426 : i32
      %mul3A_428 = arith.constant 16 : i32
      %mul3A_429 = arith.muli %add3A_427, %mul3A_428 : i32
      %get3A_430 = arith.index_cast %mul3A_429 : i32 to index
      %get3A_431 = tpu.vector_load %arg4[%get3A_430] {strides = array<i32>} : memref<65536xf32, #tpu.memory_space<vmem>>, vector<16xf32>,
      %get3A_432 = vector.shape_cast %get3A_431 : vector<16xf32> to vector<16xf32>
      %gt3A_433 = vector.broadcast %bitcast_convert_type3A : f32 to vector<16xf32>
      %gt3A_434 = arith.cmpf ogt, %get3A_432, %gt3A_433 : vector<16xf32>
      %jit3A_435 = arith.constant 1.000000e+00 : f32
      %jit3A_436 = arith.constant 0.000000e+00 : f32
      %broadcast_in_dim3A_437 = vector.broadcast %jit3A_435 : f32 to vector<16xf32>
      %broadcast_in_dim3A_438 = vector.broadcast %jit3A_436 : f32 to vector<16xf32>
      %select_n3A_439 = arith.select %gt3A_434, %broadcast_in_dim3A_437, %broadcast_in_dim3A_438 : vector<16xi1>, vector<16xf32>
      %add3A_440 = arith.addf %add3A_419, %select_n3A_439 : vector<16xf32>
      %jit3A_441 = arith.constant 0.000000e+00 : f32
      %broadcast_in_dim3A_442 = vector.broadcast %jit3A_441 : f32 to vector<16xf32>
      %select_n3A_443 = arith.select %gt3A_434, %get3A_432, %broadcast_in_dim3A_442 : vector<16xi1>, vector<16xf32>
      %add3A_444 = arith.addf %add3A_423, %select_n3A_443 : vector<16xf32>
      scf.yield %add3A_440, %add3A_444 : vector<16xf32>, vector<16xf32>
    }
    %scan3A_14 = arith.constant 512 : i32
    %broadcast_in_dim3A_15 = arith.constant 0.000000e+00 : f32
    %broadcast_in_dim3A_16 = vector.broadcast %broadcast_in_dim3A_15 : f32 to vector<16xf32>
    %slice3A = vector.extract_strided_slice %scan3A_13#0 {offsets = [0], sizes = [1], strides = [1]} : vector<16xf32> to vector<1xf32>
    %squeeze3A = vector.extract %slice3A[0] : f32 from vector<1xf32>
    %broadcast_in_dim3A_17 = vector.broadcast %squeeze3A : f32 to vector<16xf32>
    %add3A = arith.addf %broadcast_in_dim3A_16, %broadcast_in_dim3A_17 : vector<16xf32>
    %slice3A_18 = vector.extract_strided_slice %scan3A_13#0 {offsets = [1], sizes = [1], strides = [1]} : vector<16xf32> to vector<1xf32>
    %squeeze3A_19 = vector.extract %slice3A_18[0] : f32 from vector<1xf32>
    %broadcast_in_dim3A_20 = vector.broadcast %squeeze3A_19 : f32 to vector<16xf32>
    %add3A_21 = arith.addf %add3A, %broadcast_in_dim3A_20 : vector<16xf32>
    %slice3A_22 = vector.extract_strided_slice %scan3A_13#0 {offsets = [2], sizes = [1], strides = [1]} : vector<16xf32> to vector<1xf32>
    %squeeze3A_23 = vector.extract %slice3A_22[0] : f32 from vector<1xf32>
    %broadcast_in_dim3A_24 = vector.broadcast %squeeze3A_23 : f32 to vector<16xf32>
    %add3A_25 = arith.addf %add3A_21, %broadcast_in_dim3A_24 : vector<16xf32>
    %slice3A_26 = vector.extract_strided_slice %scan3A_13#0 {offsets = [3], sizes = [1], strides = [1]} : vector<16xf32> to vector<1xf32>
    %squeeze3A_27 = vector.extract %slice3A_26[0] : f32 from vector<1xf32>
    %broadcast_in_dim3A_28 = vector.broadcast %squeeze3A_27 : f32 to vector<16xf32>
    %add3A_29 = arith.addf %add3A_25, %broadcast_in_dim3A_28 : vector<16xf32>
    %slice3A_30 = vector.extract_strided_slice %scan3A_13#0 {offsets = [4], sizes = [1], strides = [1]} : vector<16xf32> to vector<1xf32>
    %squeeze3A_31 = vector.extract %slice3A_30[0] : f32 from vector<1xf32>
    %broadcast_in_dim3A_32 = vector.broadcast %squeeze3A_31 : f32 to vector<16xf32>
    %add3A_33 = arith.addf %add3A_29, %broadcast_in_dim3A_32 : vector<16xf32>
    %slice3A_34 = vector.extract_strided_slice %scan3A_13#0 {offsets = [5], sizes = [1], strides = [1]} : vector<16xf32> to vector<1xf32>
    %squeeze3A_35 = vector.extract %slice3A_34[0] : f32 from vector<1xf32>
    %broadcast_in_dim3A_36 = vector.broadcast %squeeze3A_35 : f32 to vector<16xf32>
    %add3A_37 = arith.addf %add3A_33, %broadcast_in_dim3A_36 : vector<16xf32>
    %slice3A_38 = vector.extract_strided_slice %scan3A_13#0 {offsets = [6], sizes = [1], strides = [1]} : vector<16xf32> to vector<1xf32>
    %squeeze3A_39 = vector.extract %slice3A_38[0] : f32 from vector<1xf32>
    %broadcast_in_dim3A_40 = vector.broadcast %squeeze3A_39 : f32 to vector<16xf32>
    %add3A_41 = arith.addf %add3A_37, %broadcast_in_dim3A_40 : vector<16xf32>
    %slice3A_42 = vector.extract_strided_slice %scan3A_13#0 {offsets = [7], sizes = [1], strides = [1]} : vector<16xf32> to vector<1xf32>
    %squeeze3A_43 = vector.extract %slice3A_42[0] : f32 from vector<1xf32>
    %broadcast_in_dim3A_44 = vector.broadcast %squeeze3A_43 : f32 to vector<16xf32>
    %add3A_45 = arith.addf %add3A_41, %broadcast_in_dim3A_44 : vector<16xf32>
    %slice3A_46 = vector.extract_strided_slice %scan3A_13#0 {offsets = [8], sizes = [1], strides = [1]} : vector<16xf32> to vector<1xf32>
    %squeeze3A_47 = vector.extract %slice3A_46[0] : f32 from vector<1xf32>
    %broadcast_in_dim3A_48 = vector.broadcast %squeeze3A_47 : f32 to vector<16xf32>
    %add3A_49 = arith.addf %add3A_45, %broadcast_in_dim3A_48 : vector<16xf32>
    %slice3A_50 = vector.extract_strided_slice %scan3A_13#0 {offsets = [9], sizes = [1], strides = [1]} : vector<16xf32> to vector<1xf32>
    %squeeze3A_51 = vector.extract %slice3A_50[0] : f32 from vector<1xf32>
    %broadcast_in_dim3A_52 = vector.broadcast %squeeze3A_51 : f32 to vector<16xf32>
    %add3A_53 = arith.addf %add3A_49, %broadcast_in_dim3A_52 : vector<16xf32>
    %slice3A_54 = vector.extract_strided_slice %scan3A_13#0 {offsets = [10], sizes = [1], strides = [1]} : vector<16xf32> to vector<1xf32>
    %squeeze3A_55 = vector.extract %slice3A_54[0] : f32 from vector<1xf32>
    %broadcast_in_dim3A_56 = vector.broadcast %squeeze3A_55 : f32 to vector<16xf32>
    %add3A_57 = arith.addf %add3A_53, %broadcast_in_dim3A_56 : vector<16xf32>
    %slice3A_58 = vector.extract_strided_slice %scan3A_13#0 {offsets = [11], sizes = [1], strides = [1]} : vector<16xf32> to vector<1xf32>
    %squeeze3A_59 = vector.extract %slice3A_58[0] : f32 from vector<1xf32>
    %broadcast_in_dim3A_60 = vector.broadcast %squeeze3A_59 : f32 to vector<16xf32>
    %add3A_61 = arith.addf %add3A_57, %broadcast_in_dim3A_60 : vector<16xf32>
    %slice3A_62 = vector.extract_strided_slice %scan3A_13#0 {offsets = [12], sizes = [1], strides = [1]} : vector<16xf32> to vector<1xf32>
    %squeeze3A_63 = vector.extract %slice3A_62[0] : f32 from vector<1xf32>
    %broadcast_in_dim3A_64 = vector.broadcast %squeeze3A_63 : f32 to vector<16xf32>
    %add3A_65 = arith.addf %add3A_61, %broadcast_in_dim3A_64 : vector<16xf32>
    %slice3A_66 = vector.extract_strided_slice %scan3A_13#0 {offsets = [13], sizes = [1], strides = [1]} : vector<16xf32> to vector<1xf32>
    %squeeze3A_67 = vector.extract %slice3A_66[0] : f32 from vector<1xf32>
    %broadcast_in_dim3A_68 = vector.broadcast %squeeze3A_67 : f32 to vector<16xf32>
    %add3A_69 = arith.addf %add3A_65, %broadcast_in_dim3A_68 : vector<16xf32>
    %slice3A_70 = vector.extract_strided_slice %scan3A_13#0 {offsets = [14], sizes = [1], strides = [1]} : vector<16xf32> to vector<1xf32>
    %squeeze3A_71 = vector.extract %slice3A_70[0] : f32 from vector<1xf32>
    %broadcast_in_dim3A_72 = vector.broadcast %squeeze3A_71 : f32 to vector<16xf32>
    %add3A_73 = arith.addf %add3A_69, %broadcast_in_dim3A_72 : vector<16xf32>
    %slice3A_74 = vector.extract_strided_slice %scan3A_13#0 {offsets = [15], sizes = [1], strides = [1]} : vector<16xf32> to vector<1xf32>
    %squeeze3A_75 = vector.extract %slice3A_74[0] : f32 from vector<1xf32>
    %broadcast_in_dim3A_76 = vector.broadcast %squeeze3A_75 : f32 to vector<16xf32>
    %add3A_77 = arith.addf %add3A_73, %broadcast_in_dim3A_76 : vector<16xf32>
    %broadcast_in_dim3A_78 = arith.constant 0.000000e+00 : f32
    %broadcast_in_dim3A_79 = vector.broadcast %broadcast_in_dim3A_78 : f32 to vector<16xf32>
    %slice3A_80 = vector.extract_strided_slice %scan3A_13#1 {offsets = [0], sizes = [1], strides = [1]} : vector<16xf32> to vector<1xf32>
    %squeeze3A_81 = vector.extract %slice3A_80[0] : f32 from vector<1xf32>
    %broadcast_in_dim3A_82 = vector.broadcast %squeeze3A_81 : f32 to vector<16xf32>
    %add3A_83 = arith.addf %broadcast_in_dim3A_79, %broadcast_in_dim3A_82 : vector<16xf32>
    %slice3A_84 = vector.extract_strided_slice %scan3A_13#1 {offsets = [1], sizes = [1], strides = [1]} : vector<16xf32> to vector<1xf32>
    %squeeze3A_85 = vector.extract %slice3A_84[0] : f32 from vector<1xf32>
    %broadcast_in_dim3A_86 = vector.broadcast %squeeze3A_85 : f32 to vector<16xf32>
    %add3A_87 = arith.addf %add3A_83, %broadcast_in_dim3A_86 : vector<16xf32>
    %slice3A_88 = vector.extract_strided_slice %scan3A_13#1 {offsets = [2], sizes = [1], strides = [1]} : vector<16xf32> to vector<1xf32>
    %squeeze3A_89 = vector.extract %slice3A_88[0] : f32 from vector<1xf32>
    %broadcast_in_dim3A_90 = vector.broadcast %squeeze3A_89 : f32 to vector<16xf32>
    %add3A_91 = arith.addf %add3A_87, %broadcast_in_dim3A_90 : vector<16xf32>
    %slice3A_92 = vector.extract_strided_slice %scan3A_13#1 {offsets = [3], sizes = [1], strides = [1]} : vector<16xf32> to vector<1xf32>
    %squeeze3A_93 = vector.extract %slice3A_92[0] : f32 from vector<1xf32>
    %broadcast_in_dim3A_94 = vector.broadcast %squeeze3A_93 : f32 to vector<16xf32>
    %add3A_95 = arith.addf %add3A_91, %broadcast_in_dim3A_94 : vector<16xf32>
    %slice3A_96 = vector.extract_strided_slice %scan3A_13#1 {offsets = [4], sizes = [1], strides = [1]} : vector<16xf32> to vector<1xf32>
    %squeeze3A_97 = vector.extract %slice3A_96[0] : f32 from vector<1xf32>
    %broadcast_in_dim3A_98 = vector.broadcast %squeeze3A_97 : f32 to vector<16xf32>
    %add3A_99 = arith.addf %add3A_95, %broadcast_in_dim3A_98 : vector<16xf32>
    %slice3A_100 = vector.extract_strided_slice %scan3A_13#1 {offsets = [5], sizes = [1], strides = [1]} : vector<16xf32> to vector<1xf32>
    %squeeze3A_101 = vector.extract %slice3A_100[0] : f32 from vector<1xf32>
    %broadcast_in_dim3A_102 = vector.broadcast %squeeze3A_101 : f32 to vector<16xf32>
    %add3A_103 = arith.addf %add3A_99, %broadcast_in_dim3A_102 : vector<16xf32>
    %slice3A_104 = vector.extract_strided_slice %scan3A_13#1 {offsets = [6], sizes = [1], strides = [1]} : vector<16xf32> to vector<1xf32>
    %squeeze3A_105 = vector.extract %slice3A_104[0] : f32 from vector<1xf32>
    %broadcast_in_dim3A_106 = vector.broadcast %squeeze3A_105 : f32 to vector<16xf32>
    %add3A_107 = arith.addf %add3A_103, %broadcast_in_dim3A_106 : vector<16xf32>
    %slice3A_108 = vector.extract_strided_slice %scan3A_13#1 {offsets = [7], sizes = [1], strides = [1]} : vector<16xf32> to vector<1xf32>
    %squeeze3A_109 = vector.extract %slice3A_108[0] : f32 from vector<1xf32>
    %broadcast_in_dim3A_110 = vector.broadcast %squeeze3A_109 : f32 to vector<16xf32>
    %add3A_111 = arith.addf %add3A_107, %broadcast_in_dim3A_110 : vector<16xf32>
    %slice3A_112 = vector.extract_strided_slice %scan3A_13#1 {offsets = [8], sizes = [1], strides = [1]} : vector<16xf32> to vector<1xf32>
    %squeeze3A_113 = vector.extract %slice3A_112[0] : f32 from vector<1xf32>
    %broadcast_in_dim3A_114 = vector.broadcast %squeeze3A_113 : f32 to vector<16xf32>
    %add3A_115 = arith.addf %add3A_111, %broadcast_in_dim3A_114 : vector<16xf32>
    %slice3A_116 = vector.extract_strided_slice %scan3A_13#1 {offsets = [9], sizes = [1], strides = [1]} : vector<16xf32> to vector<1xf32>
    %squeeze3A_117 = vector.extract %slice3A_116[0] : f32 from vector<1xf32>
    %broadcast_in_dim3A_118 = vector.broadcast %squeeze3A_117 : f32 to vector<16xf32>
    %add3A_119 = arith.addf %add3A_115, %broadcast_in_dim3A_118 : vector<16xf32>
    %slice3A_120 = vector.extract_strided_slice %scan3A_13#1 {offsets = [10], sizes = [1], strides = [1]} : vector<16xf32> to vector<1xf32>
    %squeeze3A_121 = vector.extract %slice3A_120[0] : f32 from vector<1xf32>
    %broadcast_in_dim3A_122 = vector.broadcast %squeeze3A_121 : f32 to vector<16xf32>
    %add3A_123 = arith.addf %add3A_119, %broadcast_in_dim3A_122 : vector<16xf32>
    %slice3A_124 = vector.extract_strided_slice %scan3A_13#1 {offsets = [11], sizes = [1], strides = [1]} : vector<16xf32> to vector<1xf32>
    %squeeze3A_125 = vector.extract %slice3A_124[0] : f32 from vector<1xf32>
    %broadcast_in_dim3A_126 = vector.broadcast %squeeze3A_125 : f32 to vector<16xf32>
    %add3A_127 = arith.addf %add3A_123, %broadcast_in_dim3A_126 : vector<16xf32>
    %slice3A_128 = vector.extract_strided_slice %scan3A_13#1 {offsets = [12], sizes = [1], strides = [1]} : vector<16xf32> to vector<1xf32>
    %squeeze3A_129 = vector.extract %slice3A_128[0] : f32 from vector<1xf32>
    %broadcast_in_dim3A_130 = vector.broadcast %squeeze3A_129 : f32 to vector<16xf32>
    %add3A_131 = arith.addf %add3A_127, %broadcast_in_dim3A_130 : vector<16xf32>
    %slice3A_132 = vector.extract_strided_slice %scan3A_13#1 {offsets = [13], sizes = [1], strides = [1]} : vector<16xf32> to vector<1xf32>
    %squeeze3A_133 = vector.extract %slice3A_132[0] : f32 from vector<1xf32>
    %broadcast_in_dim3A_134 = vector.broadcast %squeeze3A_133 : f32 to vector<16xf32>
    %add3A_135 = arith.addf %add3A_131, %broadcast_in_dim3A_134 : vector<16xf32>
    %slice3A_136 = vector.extract_strided_slice %scan3A_13#1 {offsets = [14], sizes = [1], strides = [1]} : vector<16xf32> to vector<1xf32>
    %squeeze3A_137 = vector.extract %slice3A_136[0] : f32 from vector<1xf32>
    %broadcast_in_dim3A_138 = vector.broadcast %squeeze3A_137 : f32 to vector<16xf32>
    %add3A_139 = arith.addf %add3A_135, %broadcast_in_dim3A_138 : vector<16xf32>
    %slice3A_140 = vector.extract_strided_slice %scan3A_13#1 {offsets = [15], sizes = [1], strides = [1]} : vector<16xf32> to vector<1xf32>
    %squeeze3A_141 = vector.extract %slice3A_140[0] : f32 from vector<1xf32>
    %broadcast_in_dim3A_142 = vector.broadcast %squeeze3A_141 : f32 to vector<16xf32>
    %add3A_143 = arith.addf %add3A_139, %broadcast_in_dim3A_142 : vector<16xf32>
    %eq3A = arith.constant 0 : i32
    %eq3A_144 = vector.broadcast %eq3A : i32 to vector<16xi32>
    %eq3A_145 = arith.cmpi eq, %iota3A, %eq3A_144 : vector<16xi32>
    %eq3A_146 = arith.constant 1 : i32
    %eq3A_147 = vector.broadcast %eq3A_146 : i32 to vector<16xi32>
    %eq3A_148 = arith.cmpi eq, %iota3A, %eq3A_147 : vector<16xi32>
    %jit3A = arith.constant 0.000000e+00 : f32
    %broadcast_in_dim3A_149 = vector.broadcast %jit3A : f32 to vector<16xf32>
    %select_n3A = arith.select %eq3A_148, %add3A_143, %broadcast_in_dim3A_149 : vector<16xi1>, vector<16xf32>
    %select_n3A_150 = arith.select %eq3A_145, %add3A_77, %select_n3A : vector<16xi1>, vector<16xf32>
    %swap3A = arith.constant 0 : index
    %swap3A_151 = tpu.vector_load %arg5[%swap3A] {strides = array<i32>} : memref<16xf32, #tpu.memory_space<vmem>>, vector<16xf32>,
    %swap3A_152 = vector.shape_cast %swap3A_151 : vector<16xf32> to vector<16xf32>
    %swap3A_153 = vector.shape_cast %select_n3A_150 : vector<16xf32> to vector<16xf32>
    tpu.vector_store %arg5[%swap3A], %swap3A_153 {strides = array<i32>} : memref<16xf32, #tpu.memory_space<vmem>>, vector<16xf32>,
    "tpu.region"() ({
      %run_scoped3A = tpu.sem_alloc : memref<!tpu.dma_semaphore, #tpu.memory_space<semaphore_mem>>
      %dma_start3A = arith.constant 0 : i32
      %dma_start3A_275 = tpu.memref_slice %arg7[%arg1, %dma_start3A] : memref<16x16xf32, #tpu.memory_space<vmem_shared>> -> memref<1x16xf32, #tpu.memory_space<vmem_shared>>
      %dma_start3A_276 = tpu.memref_squeeze %dma_start3A_275 : memref<1x16xf32, #tpu.memory_space<vmem_shared>> -> memref<16xf32, #tpu.memory_space<vmem_shared>>
      %dma_start3A_277 = arith.constant 0 : i32
      %dma_start3A_278 = tpu.memref_slice %arg7[%arg1, %dma_start3A_277] : memref<16x16xf32, #tpu.memory_space<vmem_shared>> -> memref<1x16xf32, #tpu.memory_space<vmem_shared>>
      %dma_start3A_279 = tpu.memref_squeeze %dma_start3A_278 : memref<1x16xf32, #tpu.memory_space<vmem_shared>> -> memref<16xf32, #tpu.memory_space<vmem_shared>>
      tpu.enqueue_dma source(%arg5 : memref<16xf32, #tpu.memory_space<vmem>>) target(%dma_start3A_279 : memref<16xf32, #tpu.memory_space<vmem_shared>>) target_semaphore(%run_scoped3A : memref<!tpu.dma_semaphore, #tpu.memory_space<semaphore_mem>>)
      %dma_wait3A = arith.constant 0 : i32
      %dma_wait3A_280 = tpu.memref_slice %arg7[%arg1, %dma_wait3A] : memref<16x16xf32, #tpu.memory_space<vmem_shared>> -> memref<1x16xf32, #tpu.memory_space<vmem_shared>>
      %dma_wait3A_281 = tpu.memref_squeeze %dma_wait3A_280 : memref<1x16xf32, #tpu.memory_space<vmem_shared>> -> memref<16xf32, #tpu.memory_space<vmem_shared>>
      %dma_wait3A_282 = arith.constant 0 : i32
      %dma_wait3A_283 = tpu.memref_slice %arg7[%arg1, %dma_wait3A_282] : memref<16x16xf32, #tpu.memory_space<vmem_shared>> -> memref<1x16xf32, #tpu.memory_space<vmem_shared>>
      %dma_wait3A_284 = tpu.memref_squeeze %dma_wait3A_283 : memref<1x16xf32, #tpu.memory_space<vmem_shared>> -> memref<16xf32, #tpu.memory_space<vmem_shared>>
      tpu.wait_dma2 semaphore(%run_scoped3A : memref<!tpu.dma_semaphore, #tpu.memory_space<semaphore_mem>>) src(%arg5 : memref<16xf32, #tpu.memory_space<vmem>>) dst(%dma_wait3A_284 : memref<16xf32, #tpu.memory_space<vmem_shared>>)
      tpu.yield
    }) : () -> ()
    %barrier3A = arith.constant 0 : index
    tpu.barrier barrier_id(%barrier3A)
    "tpu.region"() ({
      %run_scoped3A = tpu.sem_alloc : memref<!tpu.dma_semaphore, #tpu.memory_space<semaphore_mem>>
      tpu.enqueue_dma source(%arg7 : memref<16x16xf32, #tpu.memory_space<vmem_shared>>) target(%arg6 : memref<16x16xf32, #tpu.memory_space<vmem>>) target_semaphore(%run_scoped3A : memref<!tpu.dma_semaphore, #tpu.memory_space<semaphore_mem>>)
      tpu.wait_dma2 semaphore(%run_scoped3A : memref<!tpu.dma_semaphore, #tpu.memory_space<semaphore_mem>>) src(%arg7 : memref<16x16xf32, #tpu.memory_space<vmem_shared>>) dst(%arg6 : memref<16x16xf32, #tpu.memory_space<vmem>>)
      tpu.yield
    }) : () -> ()
    %broadcast_in_dim3A_154 = arith.constant 0.000000e+00 : f32
    %broadcast_in_dim3A_155 = vector.broadcast %broadcast_in_dim3A_154 : f32 to vector<16xf32>
    %get3A = arith.constant 0 : i32
    %get3A_156 = arith.index_cast %get3A : i32 to index
    %get3A_157 = arith.constant 0 : index
    %get3A_158 = tpu.vector_load %arg6[%get3A_156, %get3A_157] {strides = array<i32>} : memref<16x16xf32, #tpu.memory_space<vmem>>, vector<1x16xf32>,
    %get3A_159 = vector.shape_cast %get3A_158 : vector<1x16xf32> to vector<16xf32>
    %add3A_160 = arith.addf %broadcast_in_dim3A_155, %get3A_159 : vector<16xf32>
    %get3A_161 = arith.constant 1 : i32
    %get3A_162 = arith.index_cast %get3A_161 : i32 to index
    %get3A_163 = arith.constant 0 : index
    %get3A_164 = tpu.vector_load %arg6[%get3A_162, %get3A_163] {strides = array<i32>} : memref<16x16xf32, #tpu.memory_space<vmem>>, vector<1x16xf32>,
    %get3A_165 = vector.shape_cast %get3A_164 : vector<1x16xf32> to vector<16xf32>
    %add3A_166 = arith.addf %add3A_160, %get3A_165 : vector<16xf32>
    %get3A_167 = arith.constant 2 : i32
    %get3A_168 = arith.index_cast %get3A_167 : i32 to index
    %get3A_169 = arith.constant 0 : index
    %get3A_170 = tpu.vector_load %arg6[%get3A_168, %get3A_169] {strides = array<i32>} : memref<16x16xf32, #tpu.memory_space<vmem>>, vector<1x16xf32>,
    %get3A_171 = vector.shape_cast %get3A_170 : vector<1x16xf32> to vector<16xf32>
    %add3A_172 = arith.addf %add3A_166, %get3A_171 : vector<16xf32>
    %get3A_173 = arith.constant 3 : i32
    %get3A_174 = arith.index_cast %get3A_173 : i32 to index
    %get3A_175 = arith.constant 0 : index
    %get3A_176 = tpu.vector_load %arg6[%get3A_174, %get3A_175] {strides = array<i32>} : memref<16x16xf32, #tpu.memory_space<vmem>>, vector<1x16xf32>,
    %get3A_177 = vector.shape_cast %get3A_176 : vector<1x16xf32> to vector<16xf32>
    %add3A_178 = arith.addf %add3A_172, %get3A_177 : vector<16xf32>
    %get3A_179 = arith.constant 4 : i32
    %get3A_180 = arith.index_cast %get3A_179 : i32 to index
    %get3A_181 = arith.constant 0 : index
    %get3A_182 = tpu.vector_load %arg6[%get3A_180, %get3A_181] {strides = array<i32>} : memref<16x16xf32, #tpu.memory_space<vmem>>, vector<1x16xf32>,
    %get3A_183 = vector.shape_cast %get3A_182 : vector<1x16xf32> to vector<16xf32>
    %add3A_184 = arith.addf %add3A_178, %get3A_183 : vector<16xf32>
    %get3A_185 = arith.constant 5 : i32
    %get3A_186 = arith.index_cast %get3A_185 : i32 to index
    %get3A_187 = arith.constant 0 : index
    %get3A_188 = tpu.vector_load %arg6[%get3A_186, %get3A_187] {strides = array<i32>} : memref<16x16xf32, #tpu.memory_space<vmem>>, vector<1x16xf32>,
    %get3A_189 = vector.shape_cast %get3A_188 : vector<1x16xf32> to vector<16xf32>
    %add3A_190 = arith.addf %add3A_184, %get3A_189 : vector<16xf32>
    %get3A_191 = arith.constant 6 : i32
    %get3A_192 = arith.index_cast %get3A_191 : i32 to index
    %get3A_193 = arith.constant 0 : index
    %get3A_194 = tpu.vector_load %arg6[%get3A_192, %get3A_193] {strides = array<i32>} : memref<16x16xf32, #tpu.memory_space<vmem>>, vector<1x16xf32>,
    %get3A_195 = vector.shape_cast %get3A_194 : vector<1x16xf32> to vector<16xf32>
    %add3A_196 = arith.addf %add3A_190, %get3A_195 : vector<16xf32>
    %get3A_197 = arith.constant 7 : i32
    %get3A_198 = arith.index_cast %get3A_197 : i32 to index
    %get3A_199 = arith.constant 0 : index
    %get3A_200 = tpu.vector_load %arg6[%get3A_198, %get3A_199] {strides = array<i32>} : memref<16x16xf32, #tpu.memory_space<vmem>>, vector<1x16xf32>,
    %get3A_201 = vector.shape_cast %get3A_200 : vector<1x16xf32> to vector<16xf32>
    %add3A_202 = arith.addf %add3A_196, %get3A_201 : vector<16xf32>
    %get3A_203 = arith.constant 8 : i32
    %get3A_204 = arith.index_cast %get3A_203 : i32 to index
    %get3A_205 = arith.constant 0 : index
    %get3A_206 = tpu.vector_load %arg6[%get3A_204, %get3A_205] {strides = array<i32>} : memref<16x16xf32, #tpu.memory_space<vmem>>, vector<1x16xf32>,
    %get3A_207 = vector.shape_cast %get3A_206 : vector<1x16xf32> to vector<16xf32>
    %add3A_208 = arith.addf %add3A_202, %get3A_207 : vector<16xf32>
    %get3A_209 = arith.constant 9 : i32
    %get3A_210 = arith.index_cast %get3A_209 : i32 to index
    %get3A_211 = arith.constant 0 : index
    %get3A_212 = tpu.vector_load %arg6[%get3A_210, %get3A_211] {strides = array<i32>} : memref<16x16xf32, #tpu.memory_space<vmem>>, vector<1x16xf32>,
    %get3A_213 = vector.shape_cast %get3A_212 : vector<1x16xf32> to vector<16xf32>
    %add3A_214 = arith.addf %add3A_208, %get3A_213 : vector<16xf32>
    %get3A_215 = arith.constant 10 : i32
    %get3A_216 = arith.index_cast %get3A_215 : i32 to index
    %get3A_217 = arith.constant 0 : index
    %get3A_218 = tpu.vector_load %arg6[%get3A_216, %get3A_217] {strides = array<i32>} : memref<16x16xf32, #tpu.memory_space<vmem>>, vector<1x16xf32>,
    %get3A_219 = vector.shape_cast %get3A_218 : vector<1x16xf32> to vector<16xf32>
    %add3A_220 = arith.addf %add3A_214, %get3A_219 : vector<16xf32>
    %get3A_221 = arith.constant 11 : i32
    %get3A_222 = arith.index_cast %get3A_221 : i32 to index
    %get3A_223 = arith.constant 0 : index
    %get3A_224 = tpu.vector_load %arg6[%get3A_222, %get3A_223] {strides = array<i32>} : memref<16x16xf32, #tpu.memory_space<vmem>>, vector<1x16xf32>,
    %get3A_225 = vector.shape_cast %get3A_224 : vector<1x16xf32> to vector<16xf32>
    %add3A_226 = arith.addf %add3A_220, %get3A_225 : vector<16xf32>
    %get3A_227 = arith.constant 12 : i32
    %get3A_228 = arith.index_cast %get3A_227 : i32 to index
    %get3A_229 = arith.constant 0 : index
    %get3A_230 = tpu.vector_load %arg6[%get3A_228, %get3A_229] {strides = array<i32>} : memref<16x16xf32, #tpu.memory_space<vmem>>, vector<1x16xf32>,
    %get3A_231 = vector.shape_cast %get3A_230 : vector<1x16xf32> to vector<16xf32>
    %add3A_232 = arith.addf %add3A_226, %get3A_231 : vector<16xf32>
    %get3A_233 = arith.constant 13 : i32
    %get3A_234 = arith.index_cast %get3A_233 : i32 to index
    %get3A_235 = arith.constant 0 : index
    %get3A_236 = tpu.vector_load %arg6[%get3A_234, %get3A_235] {strides = array<i32>} : memref<16x16xf32, #tpu.memory_space<vmem>>, vector<1x16xf32>,
    %get3A_237 = vector.shape_cast %get3A_236 : vector<1x16xf32> to vector<16xf32>
    %add3A_238 = arith.addf %add3A_232, %get3A_237 : vector<16xf32>
    %get3A_239 = arith.constant 14 : i32
    %get3A_240 = arith.index_cast %get3A_239 : i32 to index
    %get3A_241 = arith.constant 0 : index
    %get3A_242 = tpu.vector_load %arg6[%get3A_240, %get3A_241] {strides = array<i32>} : memref<16x16xf32, #tpu.memory_space<vmem>>, vector<1x16xf32>,
    %get3A_243 = vector.shape_cast %get3A_242 : vector<1x16xf32> to vector<16xf32>
    %add3A_244 = arith.addf %add3A_238, %get3A_243 : vector<16xf32>
    %get3A_245 = arith.constant 15 : i32
    %get3A_246 = arith.index_cast %get3A_245 : i32 to index
    %get3A_247 = arith.constant 0 : index
    %get3A_248 = tpu.vector_load %arg6[%get3A_246, %get3A_247] {strides = array<i32>} : memref<16x16xf32, #tpu.memory_space<vmem>>, vector<1x16xf32>,
    %get3A_249 = vector.shape_cast %get3A_248 : vector<1x16xf32> to vector<16xf32>
    %add3A_250 = arith.addf %add3A_244, %get3A_249 : vector<16xf32>
    %barrier3A_251 = arith.constant 0 : index
    tpu.barrier barrier_id(%barrier3A_251)
    %slice3A_252 = vector.extract_strided_slice %add3A_250 {offsets = [1], sizes = [1], strides = [1]} : vector<16xf32> to vector<1xf32>
    %squeeze3A_253 = vector.extract %slice3A_252[0] : f32 from vector<1xf32>
    %broadcast_in_dim3A_254 = vector.broadcast %squeeze3A_253 : f32 to vector<16xf32>
    %slice3A_255 = vector.extract_strided_slice %add3A_250 {offsets = [0], sizes = [1], strides = [1]} : vector<16xf32> to vector<1xf32>
    %squeeze3A_256 = vector.extract %slice3A_255[0] : f32 from vector<1xf32>
    %broadcast_in_dim3A_257 = vector.broadcast %squeeze3A_256 : f32 to vector<16xf32>
    %sub3A = arith.constant 1.000000e+05 : f32
    %sub3A_258 = vector.broadcast %sub3A : f32 to vector<16xf32>
    %sub3A_259 = arith.subf %sub3A_258, %broadcast_in_dim3A_257 : vector<16xf32>
    %broadcast_in_dim3A_260 = vector.broadcast %bitcast_convert_type3A : f32 to vector<16xf32>
    %mul3A_261 = arith.mulf %sub3A_259, %broadcast_in_dim3A_260 : vector<16xf32>
    %add3A_262 = arith.addf %broadcast_in_dim3A_254, %mul3A_261 : vector<16xf32>
    %mul3A_263 = arith.constant 9.99999974E-6 : f32
    %mul3A_264 = vector.broadcast %mul3A_263 : f32 to vector<16xf32>
    %mul3A_265 = arith.mulf %add3A_262, %mul3A_264 : vector<16xf32>
    %swap3A_266 = arith.constant 0 : index
    %swap3A_267 = tpu.vector_load %arg5[%swap3A_266] {strides = array<i32>} : memref<16xf32, #tpu.memory_space<vmem>>, vector<16xf32>,
    %swap3A_268 = vector.shape_cast %swap3A_267 : vector<16xf32> to vector<16xf32>
    %swap3A_269 = vector.shape_cast %mul3A_265 : vector<16xf32> to vector<16xf32>
    tpu.vector_store %arg5[%swap3A_266], %swap3A_269 {strides = array<i32>} : memref<16xf32, #tpu.memory_space<vmem>>, vector<16xf32>,
    %eq3A_270 = arith.constant 0 : i32
    %eq3A_271 = arith.cmpi eq, %arg0, %eq3A_270 : i32
    %eq3A_272 = arith.constant 0 : i32
    %eq3A_273 = arith.cmpi eq, %arg1, %eq3A_272 : i32
    %and3A = arith.andi %eq3A_271, %eq3A_273 : i1
    %convert_element_type3A = arith.extui %and3A : i1 to i32
    %cond3A = arith.constant 0 : i32
    %cond3A_274 = arith.cmpi ne, %convert_element_type3A, %cond3A : i32
    scf.if %cond3A_274 {
      "tpu.region"() ({
        %run_scoped3A = tpu.sem_alloc : memref<!tpu.dma_semaphore, #tpu.memory_space<semaphore_mem>>
        tpu.enqueue_dma source(%arg5 : memref<16xf32, #tpu.memory_space<vmem>>) target(%arg3 : memref<16xf32, #tpu.memory_space<hbm>>) target_semaphore(%run_scoped3A : memref<!tpu.dma_semaphore, #tpu.memory_space<semaphore_mem>>)
        tpu.wait_dma2 semaphore(%run_scoped3A : memref<!tpu.dma_semaphore, #tpu.memory_space<semaphore_mem>>) src(%arg5 : memref<16xf32, #tpu.memory_space<vmem>>) dst(%arg3 : memref<16xf32, #tpu.memory_space<hbm>>)
        tpu.yield
      }) : () -> ()
    } else {
    }
    return
  }
}

module attributes {stable_mosaic.version = 14 : i64} {
  func.func @_ce_body(%arg0: i32, %arg1: i32, %arg2: memref<1x19x256x512xf32, #tpu.memory_space<vmem>>, %arg3: memref<1x256x512xi32, #tpu.memory_space<vmem>>, %arg4: memref<1x256x512xf32, #tpu.memory_space<vmem>>, %arg5: memref<1x1xi32, #tpu.memory_space<smem>>, %arg6: memref<1x1xf32, #tpu.memory_space<smem>>) attributes {dimension_semantics = [#tpu.dimension_semantics<arbitrary>, #tpu.dimension_semantics<arbitrary>], iteration_bounds = array<i64: 4, 2>, scalar_prefetch = 0 : i64, scratch_operands = 0 : i64, tpu.core_type = #tpu.core_type<tc>, window_params = [{transform_indices = @transform_0, window_bounds = array<i64: 1, 19, 256, 512>}, {transform_indices = @transform_1, window_bounds = array<i64: 1, 256, 512>}, {transform_indices = @transform_2, window_bounds = array<i64: 1, 256, 512>}, {transform_indices = @transform_3, window_bounds = array<i64: 1, 1>}, {transform_indices = @transform_4, window_bounds = array<i64: 1, 1>}]} {
    %mul3A = arith.constant 2 : i32
    %mul3A_0 = arith.muli %arg0, %mul3A : i32
    %add3A = arith.addi %mul3A_0, %arg1 : i32
    %eq3A = arith.constant 0 : i32
    %eq3A_1 = arith.cmpi eq, %add3A, %eq3A : i32
    %convert_element_type3A = arith.extui %eq3A_1 : i1 to i32
    %cond3A = arith.constant 0 : i32
    %cond3A_2 = arith.cmpi ne, %convert_element_type3A, %cond3A : i32
    scf.if %cond3A_2 {
      %swap3A_5510 = arith.constant 0 : i32
      %swap3A_5511 = arith.constant 0 : index
      %swap3A_5512 = arith.constant 0 : index
      %swap3A_5513 = memref.load %arg5[%swap3A_5511, %swap3A_5512] : memref<1x1xi32, #tpu.memory_space<smem>>
      memref.store %swap3A_5510, %arg5[%swap3A_5511, %swap3A_5512] : memref<1x1xi32, #tpu.memory_space<smem>>
      %swap3A_5514 = arith.constant 0.000000e+00 : f32
      %swap3A_5515 = arith.constant 0 : index
      %swap3A_5516 = arith.constant 0 : index
      %swap3A_5517 = memref.load %arg6[%swap3A_5515, %swap3A_5516] : memref<1x1xf32, #tpu.memory_space<smem>>
      memref.store %swap3A_5514, %arg6[%swap3A_5515, %swap3A_5516] : memref<1x1xf32, #tpu.memory_space<smem>>
    } else {
    }
    %get3A = arith.constant 0 : index
    %get3A_3 = arith.constant 0 : index
    %get3A_4 = arith.constant 0 : index
    %get3A_5 = vector.load %arg3[%get3A, %get3A_3, %get3A_4] : memref<1x256x512xi32, #tpu.memory_space<vmem>>, vector<1x16x512xi32>
    %get3A_6 = vector.shape_cast %get3A_5 : vector<1x16x512xi32> to vector<16x512xi32>
    %jit3A = arith.constant 0 : i32
    %jit3A_7 = arith.constant 18 : i32
    %max3A = vector.broadcast %jit3A : i32 to vector<16x512xi32>
    %max3A_8 = arith.maxsi %max3A, %get3A_6 : vector<16x512xi32>
    %min3A = vector.broadcast %jit3A_7 : i32 to vector<16x512xi32>
    %min3A_9 = arith.minsi %min3A, %max3A_8 : vector<16x512xi32>
    %broadcast_in_dim3A = arith.constant 0.000000e+00 : f32
    %broadcast_in_dim3A_10 = vector.broadcast %broadcast_in_dim3A : f32 to vector<16x512xf32>
    %broadcast_in_dim3A_11 = arith.constant 0.000000e+00 : f32
    %broadcast_in_dim3A_12 = vector.broadcast %broadcast_in_dim3A_11 : f32 to vector<16x512xf32>
    %get3A_13 = arith.constant 0 : index
    %get3A_14 = arith.constant 0 : index
    %get3A_15 = arith.constant 0 : index
    %get3A_16 = arith.constant 0 : index
    %get3A_17 = vector.load %arg2[%get3A_13, %get3A_14, %get3A_15, %get3A_16] : memref<1x19x256x512xf32, #tpu.memory_space<vmem>>, vector<1x1x16x512xf32>
    %get3A_18 = vector.shape_cast %get3A_17 : vector<1x1x16x512xf32> to vector<16x512xf32>
    %exp3A = math.exp %get3A_18 : vector<16x512xf32>
    %add3A_19 = arith.addf %broadcast_in_dim3A_10, %exp3A : vector<16x512xf32>
    %eq3A_20 = arith.constant 0 : i32
    %eq3A_21 = vector.broadcast %eq3A_20 : i32 to vector<16x512xi32>
    %eq3A_22 = arith.cmpi eq, %min3A_9, %eq3A_21 : vector<16x512xi32>
    %jit3A_23 = arith.constant 0.000000e+00 : f32
    %broadcast_in_dim3A_24 = vector.broadcast %jit3A_23 : f32 to vector<16x512xf32>
    %select_n3A = arith.select %eq3A_22, %get3A_18, %broadcast_in_dim3A_24 : vector<16x512xi1>, vector<16x512xf32>
    %add3A_25 = arith.addf %broadcast_in_dim3A_12, %select_n3A : vector<16x512xf32>
    %get3A_26 = arith.constant 0 : index
    %get3A_27 = arith.constant 1 : index
    %get3A_28 = arith.constant 0 : index
    %get3A_29 = arith.constant 0 : index
    %get3A_30 = vector.load %arg2[%get3A_26, %get3A_27, %get3A_28, %get3A_29] : memref<1x19x256x512xf32, #tpu.memory_space<vmem>>, vector<1x1x16x512xf32>
    %get3A_31 = vector.shape_cast %get3A_30 : vector<1x1x16x512xf32> to vector<16x512xf32>
    %exp3A_32 = math.exp %get3A_31 : vector<16x512xf32>
    %add3A_33 = arith.addf %add3A_19, %exp3A_32 : vector<16x512xf32>
    %eq3A_34 = arith.constant 1 : i32
    %eq3A_35 = vector.broadcast %eq3A_34 : i32 to vector<16x512xi32>
    %eq3A_36 = arith.cmpi eq, %min3A_9, %eq3A_35 : vector<16x512xi32>
    %jit3A_37 = arith.constant 0.000000e+00 : f32
    %broadcast_in_dim3A_38 = vector.broadcast %jit3A_37 : f32 to vector<16x512xf32>
    %select_n3A_39 = arith.select %eq3A_36, %get3A_31, %broadcast_in_dim3A_38 : vector<16x512xi1>, vector<16x512xf32>
    %add3A_40 = arith.addf %add3A_25, %select_n3A_39 : vector<16x512xf32>
    %get3A_41 = arith.constant 0 : index
    %get3A_42 = arith.constant 2 : index
    %get3A_43 = arith.constant 0 : index
    %get3A_44 = arith.constant 0 : index
    %get3A_45 = vector.load %arg2[%get3A_41, %get3A_42, %get3A_43, %get3A_44] : memref<1x19x256x512xf32, #tpu.memory_space<vmem>>, vector<1x1x16x512xf32>
    %get3A_46 = vector.shape_cast %get3A_45 : vector<1x1x16x512xf32> to vector<16x512xf32>
    %exp3A_47 = math.exp %get3A_46 : vector<16x512xf32>
    %add3A_48 = arith.addf %add3A_33, %exp3A_47 : vector<16x512xf32>
    %eq3A_49 = arith.constant 2 : i32
    %eq3A_50 = vector.broadcast %eq3A_49 : i32 to vector<16x512xi32>
    %eq3A_51 = arith.cmpi eq, %min3A_9, %eq3A_50 : vector<16x512xi32>
    %jit3A_52 = arith.constant 0.000000e+00 : f32
    %broadcast_in_dim3A_53 = vector.broadcast %jit3A_52 : f32 to vector<16x512xf32>
    %select_n3A_54 = arith.select %eq3A_51, %get3A_46, %broadcast_in_dim3A_53 : vector<16x512xi1>, vector<16x512xf32>
    %add3A_55 = arith.addf %add3A_40, %select_n3A_54 : vector<16x512xf32>
    %get3A_56 = arith.constant 0 : index
    %get3A_57 = arith.constant 3 : index
    %get3A_58 = arith.constant 0 : index
    %get3A_59 = arith.constant 0 : index
    %get3A_60 = vector.load %arg2[%get3A_56, %get3A_57, %get3A_58, %get3A_59] : memref<1x19x256x512xf32, #tpu.memory_space<vmem>>, vector<1x1x16x512xf32>
    %get3A_61 = vector.shape_cast %get3A_60 : vector<1x1x16x512xf32> to vector<16x512xf32>
    %exp3A_62 = math.exp %get3A_61 : vector<16x512xf32>
    %add3A_63 = arith.addf %add3A_48, %exp3A_62 : vector<16x512xf32>
    %eq3A_64 = arith.constant 3 : i32
    %eq3A_65 = vector.broadcast %eq3A_64 : i32 to vector<16x512xi32>
    %eq3A_66 = arith.cmpi eq, %min3A_9, %eq3A_65 : vector<16x512xi32>
    %jit3A_67 = arith.constant 0.000000e+00 : f32
    %broadcast_in_dim3A_68 = vector.broadcast %jit3A_67 : f32 to vector<16x512xf32>
    %select_n3A_69 = arith.select %eq3A_66, %get3A_61, %broadcast_in_dim3A_68 : vector<16x512xi1>, vector<16x512xf32>
    %add3A_70 = arith.addf %add3A_55, %select_n3A_69 : vector<16x512xf32>
    %get3A_71 = arith.constant 0 : index
    %get3A_72 = arith.constant 4 : index
    %get3A_73 = arith.constant 0 : index
    %get3A_74 = arith.constant 0 : index
    %get3A_75 = vector.load %arg2[%get3A_71, %get3A_72, %get3A_73, %get3A_74] : memref<1x19x256x512xf32, #tpu.memory_space<vmem>>, vector<1x1x16x512xf32>
    %get3A_76 = vector.shape_cast %get3A_75 : vector<1x1x16x512xf32> to vector<16x512xf32>
    %exp3A_77 = math.exp %get3A_76 : vector<16x512xf32>
    %add3A_78 = arith.addf %add3A_63, %exp3A_77 : vector<16x512xf32>
    %eq3A_79 = arith.constant 4 : i32
    %eq3A_80 = vector.broadcast %eq3A_79 : i32 to vector<16x512xi32>
    %eq3A_81 = arith.cmpi eq, %min3A_9, %eq3A_80 : vector<16x512xi32>
    %jit3A_82 = arith.constant 0.000000e+00 : f32
    %broadcast_in_dim3A_83 = vector.broadcast %jit3A_82 : f32 to vector<16x512xf32>
    %select_n3A_84 = arith.select %eq3A_81, %get3A_76, %broadcast_in_dim3A_83 : vector<16x512xi1>, vector<16x512xf32>
    %add3A_85 = arith.addf %add3A_70, %select_n3A_84 : vector<16x512xf32>
    %get3A_86 = arith.constant 0 : index
    %get3A_87 = arith.constant 5 : index
    %get3A_88 = arith.constant 0 : index
    %get3A_89 = arith.constant 0 : index
    %get3A_90 = vector.load %arg2[%get3A_86, %get3A_87, %get3A_88, %get3A_89] : memref<1x19x256x512xf32, #tpu.memory_space<vmem>>, vector<1x1x16x512xf32>
    %get3A_91 = vector.shape_cast %get3A_90 : vector<1x1x16x512xf32> to vector<16x512xf32>
    %exp3A_92 = math.exp %get3A_91 : vector<16x512xf32>
    %add3A_93 = arith.addf %add3A_78, %exp3A_92 : vector<16x512xf32>
    %eq3A_94 = arith.constant 5 : i32
    %eq3A_95 = vector.broadcast %eq3A_94 : i32 to vector<16x512xi32>
    %eq3A_96 = arith.cmpi eq, %min3A_9, %eq3A_95 : vector<16x512xi32>
    %jit3A_97 = arith.constant 0.000000e+00 : f32
    %broadcast_in_dim3A_98 = vector.broadcast %jit3A_97 : f32 to vector<16x512xf32>
    %select_n3A_99 = arith.select %eq3A_96, %get3A_91, %broadcast_in_dim3A_98 : vector<16x512xi1>, vector<16x512xf32>
    %add3A_100 = arith.addf %add3A_85, %select_n3A_99 : vector<16x512xf32>
    %get3A_101 = arith.constant 0 : index
    %get3A_102 = arith.constant 6 : index
    %get3A_103 = arith.constant 0 : index
    %get3A_104 = arith.constant 0 : index
    %get3A_105 = vector.load %arg2[%get3A_101, %get3A_102, %get3A_103, %get3A_104] : memref<1x19x256x512xf32, #tpu.memory_space<vmem>>, vector<1x1x16x512xf32>
    %get3A_106 = vector.shape_cast %get3A_105 : vector<1x1x16x512xf32> to vector<16x512xf32>
    %exp3A_107 = math.exp %get3A_106 : vector<16x512xf32>
    %add3A_108 = arith.addf %add3A_93, %exp3A_107 : vector<16x512xf32>
    %eq3A_109 = arith.constant 6 : i32
    %eq3A_110 = vector.broadcast %eq3A_109 : i32 to vector<16x512xi32>
    %eq3A_111 = arith.cmpi eq, %min3A_9, %eq3A_110 : vector<16x512xi32>
    %jit3A_112 = arith.constant 0.000000e+00 : f32
    %broadcast_in_dim3A_113 = vector.broadcast %jit3A_112 : f32 to vector<16x512xf32>
    %select_n3A_114 = arith.select %eq3A_111, %get3A_106, %broadcast_in_dim3A_113 : vector<16x512xi1>, vector<16x512xf32>
    %add3A_115 = arith.addf %add3A_100, %select_n3A_114 : vector<16x512xf32>
    %get3A_116 = arith.constant 0 : index
    %get3A_117 = arith.constant 7 : index
    %get3A_118 = arith.constant 0 : index
    %get3A_119 = arith.constant 0 : index
    %get3A_120 = vector.load %arg2[%get3A_116, %get3A_117, %get3A_118, %get3A_119] : memref<1x19x256x512xf32, #tpu.memory_space<vmem>>, vector<1x1x16x512xf32>
    %get3A_121 = vector.shape_cast %get3A_120 : vector<1x1x16x512xf32> to vector<16x512xf32>
    %exp3A_122 = math.exp %get3A_121 : vector<16x512xf32>
    %add3A_123 = arith.addf %add3A_108, %exp3A_122 : vector<16x512xf32>
    %eq3A_124 = arith.constant 7 : i32
    %eq3A_125 = vector.broadcast %eq3A_124 : i32 to vector<16x512xi32>
    %eq3A_126 = arith.cmpi eq, %min3A_9, %eq3A_125 : vector<16x512xi32>
    %jit3A_127 = arith.constant 0.000000e+00 : f32
    %broadcast_in_dim3A_128 = vector.broadcast %jit3A_127 : f32 to vector<16x512xf32>
    %select_n3A_129 = arith.select %eq3A_126, %get3A_121, %broadcast_in_dim3A_128 : vector<16x512xi1>, vector<16x512xf32>
    %add3A_130 = arith.addf %add3A_115, %select_n3A_129 : vector<16x512xf32>
    %get3A_131 = arith.constant 0 : index
    %get3A_132 = arith.constant 8 : index
    %get3A_133 = arith.constant 0 : index
    %get3A_134 = arith.constant 0 : index
    %get3A_135 = vector.load %arg2[%get3A_131, %get3A_132, %get3A_133, %get3A_134] : memref<1x19x256x512xf32, #tpu.memory_space<vmem>>, vector<1x1x16x512xf32>
    %get3A_136 = vector.shape_cast %get3A_135 : vector<1x1x16x512xf32> to vector<16x512xf32>
    %exp3A_137 = math.exp %get3A_136 : vector<16x512xf32>
    %add3A_138 = arith.addf %add3A_123, %exp3A_137 : vector<16x512xf32>
    %eq3A_139 = arith.constant 8 : i32
    %eq3A_140 = vector.broadcast %eq3A_139 : i32 to vector<16x512xi32>
    %eq3A_141 = arith.cmpi eq, %min3A_9, %eq3A_140 : vector<16x512xi32>
    %jit3A_142 = arith.constant 0.000000e+00 : f32
    %broadcast_in_dim3A_143 = vector.broadcast %jit3A_142 : f32 to vector<16x512xf32>
    %select_n3A_144 = arith.select %eq3A_141, %get3A_136, %broadcast_in_dim3A_143 : vector<16x512xi1>, vector<16x512xf32>
    %add3A_145 = arith.addf %add3A_130, %select_n3A_144 : vector<16x512xf32>
    %get3A_146 = arith.constant 0 : index
    %get3A_147 = arith.constant 9 : index
    %get3A_148 = arith.constant 0 : index
    %get3A_149 = arith.constant 0 : index
    %get3A_150 = vector.load %arg2[%get3A_146, %get3A_147, %get3A_148, %get3A_149] : memref<1x19x256x512xf32, #tpu.memory_space<vmem>>, vector<1x1x16x512xf32>
    %get3A_151 = vector.shape_cast %get3A_150 : vector<1x1x16x512xf32> to vector<16x512xf32>
    %exp3A_152 = math.exp %get3A_151 : vector<16x512xf32>
    %add3A_153 = arith.addf %add3A_138, %exp3A_152 : vector<16x512xf32>
    %eq3A_154 = arith.constant 9 : i32
    %eq3A_155 = vector.broadcast %eq3A_154 : i32 to vector<16x512xi32>
    %eq3A_156 = arith.cmpi eq, %min3A_9, %eq3A_155 : vector<16x512xi32>
    %jit3A_157 = arith.constant 0.000000e+00 : f32
    %broadcast_in_dim3A_158 = vector.broadcast %jit3A_157 : f32 to vector<16x512xf32>
    %select_n3A_159 = arith.select %eq3A_156, %get3A_151, %broadcast_in_dim3A_158 : vector<16x512xi1>, vector<16x512xf32>
    %add3A_160 = arith.addf %add3A_145, %select_n3A_159 : vector<16x512xf32>
    %get3A_161 = arith.constant 0 : index
    %get3A_162 = arith.constant 10 : index
    %get3A_163 = arith.constant 0 : index
    %get3A_164 = arith.constant 0 : index
    %get3A_165 = vector.load %arg2[%get3A_161, %get3A_162, %get3A_163, %get3A_164] : memref<1x19x256x512xf32, #tpu.memory_space<vmem>>, vector<1x1x16x512xf32>
    %get3A_166 = vector.shape_cast %get3A_165 : vector<1x1x16x512xf32> to vector<16x512xf32>
    %exp3A_167 = math.exp %get3A_166 : vector<16x512xf32>
    %add3A_168 = arith.addf %add3A_153, %exp3A_167 : vector<16x512xf32>
    %eq3A_169 = arith.constant 10 : i32
    %eq3A_170 = vector.broadcast %eq3A_169 : i32 to vector<16x512xi32>
    %eq3A_171 = arith.cmpi eq, %min3A_9, %eq3A_170 : vector<16x512xi32>
    %jit3A_172 = arith.constant 0.000000e+00 : f32
    %broadcast_in_dim3A_173 = vector.broadcast %jit3A_172 : f32 to vector<16x512xf32>
    %select_n3A_174 = arith.select %eq3A_171, %get3A_166, %broadcast_in_dim3A_173 : vector<16x512xi1>, vector<16x512xf32>
    %add3A_175 = arith.addf %add3A_160, %select_n3A_174 : vector<16x512xf32>
    %get3A_176 = arith.constant 0 : index
    %get3A_177 = arith.constant 11 : index
    %get3A_178 = arith.constant 0 : index
    %get3A_179 = arith.constant 0 : index
    %get3A_180 = vector.load %arg2[%get3A_176, %get3A_177, %get3A_178, %get3A_179] : memref<1x19x256x512xf32, #tpu.memory_space<vmem>>, vector<1x1x16x512xf32>
    %get3A_181 = vector.shape_cast %get3A_180 : vector<1x1x16x512xf32> to vector<16x512xf32>
    %exp3A_182 = math.exp %get3A_181 : vector<16x512xf32>
    %add3A_183 = arith.addf %add3A_168, %exp3A_182 : vector<16x512xf32>
    %eq3A_184 = arith.constant 11 : i32
    %eq3A_185 = vector.broadcast %eq3A_184 : i32 to vector<16x512xi32>
    %eq3A_186 = arith.cmpi eq, %min3A_9, %eq3A_185 : vector<16x512xi32>
    %jit3A_187 = arith.constant 0.000000e+00 : f32
    %broadcast_in_dim3A_188 = vector.broadcast %jit3A_187 : f32 to vector<16x512xf32>
    %select_n3A_189 = arith.select %eq3A_186, %get3A_181, %broadcast_in_dim3A_188 : vector<16x512xi1>, vector<16x512xf32>
    %add3A_190 = arith.addf %add3A_175, %select_n3A_189 : vector<16x512xf32>
    %get3A_191 = arith.constant 0 : index
    %get3A_192 = arith.constant 12 : index
    %get3A_193 = arith.constant 0 : index
    %get3A_194 = arith.constant 0 : index
    %get3A_195 = vector.load %arg2[%get3A_191, %get3A_192, %get3A_193, %get3A_194] : memref<1x19x256x512xf32, #tpu.memory_space<vmem>>, vector<1x1x16x512xf32>
    %get3A_196 = vector.shape_cast %get3A_195 : vector<1x1x16x512xf32> to vector<16x512xf32>
    %exp3A_197 = math.exp %get3A_196 : vector<16x512xf32>
    %add3A_198 = arith.addf %add3A_183, %exp3A_197 : vector<16x512xf32>
    %eq3A_199 = arith.constant 12 : i32
    %eq3A_200 = vector.broadcast %eq3A_199 : i32 to vector<16x512xi32>
    %eq3A_201 = arith.cmpi eq, %min3A_9, %eq3A_200 : vector<16x512xi32>
    %jit3A_202 = arith.constant 0.000000e+00 : f32
    %broadcast_in_dim3A_203 = vector.broadcast %jit3A_202 : f32 to vector<16x512xf32>
    %select_n3A_204 = arith.select %eq3A_201, %get3A_196, %broadcast_in_dim3A_203 : vector<16x512xi1>, vector<16x512xf32>
    %add3A_205 = arith.addf %add3A_190, %select_n3A_204 : vector<16x512xf32>
    %get3A_206 = arith.constant 0 : index
    %get3A_207 = arith.constant 13 : index
    %get3A_208 = arith.constant 0 : index
    %get3A_209 = arith.constant 0 : index
    %get3A_210 = vector.load %arg2[%get3A_206, %get3A_207, %get3A_208, %get3A_209] : memref<1x19x256x512xf32, #tpu.memory_space<vmem>>, vector<1x1x16x512xf32>
    %get3A_211 = vector.shape_cast %get3A_210 : vector<1x1x16x512xf32> to vector<16x512xf32>
    %exp3A_212 = math.exp %get3A_211 : vector<16x512xf32>
    %add3A_213 = arith.addf %add3A_198, %exp3A_212 : vector<16x512xf32>
    %eq3A_214 = arith.constant 13 : i32
    %eq3A_215 = vector.broadcast %eq3A_214 : i32 to vector<16x512xi32>
    %eq3A_216 = arith.cmpi eq, %min3A_9, %eq3A_215 : vector<16x512xi32>
    %jit3A_217 = arith.constant 0.000000e+00 : f32
    %broadcast_in_dim3A_218 = vector.broadcast %jit3A_217 : f32 to vector<16x512xf32>
    %select_n3A_219 = arith.select %eq3A_216, %get3A_211, %broadcast_in_dim3A_218 : vector<16x512xi1>, vector<16x512xf32>
    %add3A_220 = arith.addf %add3A_205, %select_n3A_219 : vector<16x512xf32>
    %get3A_221 = arith.constant 0 : index
    %get3A_222 = arith.constant 14 : index
    %get3A_223 = arith.constant 0 : index
    %get3A_224 = arith.constant 0 : index
    %get3A_225 = vector.load %arg2[%get3A_221, %get3A_222, %get3A_223, %get3A_224] : memref<1x19x256x512xf32, #tpu.memory_space<vmem>>, vector<1x1x16x512xf32>
    %get3A_226 = vector.shape_cast %get3A_225 : vector<1x1x16x512xf32> to vector<16x512xf32>
    %exp3A_227 = math.exp %get3A_226 : vector<16x512xf32>
    %add3A_228 = arith.addf %add3A_213, %exp3A_227 : vector<16x512xf32>
    %eq3A_229 = arith.constant 14 : i32
    %eq3A_230 = vector.broadcast %eq3A_229 : i32 to vector<16x512xi32>
    %eq3A_231 = arith.cmpi eq, %min3A_9, %eq3A_230 : vector<16x512xi32>
    %jit3A_232 = arith.constant 0.000000e+00 : f32
    %broadcast_in_dim3A_233 = vector.broadcast %jit3A_232 : f32 to vector<16x512xf32>
    %select_n3A_234 = arith.select %eq3A_231, %get3A_226, %broadcast_in_dim3A_233 : vector<16x512xi1>, vector<16x512xf32>
    %add3A_235 = arith.addf %add3A_220, %select_n3A_234 : vector<16x512xf32>
    %get3A_236 = arith.constant 0 : index
    %get3A_237 = arith.constant 15 : index
    %get3A_238 = arith.constant 0 : index
    %get3A_239 = arith.constant 0 : index
    %get3A_240 = vector.load %arg2[%get3A_236, %get3A_237, %get3A_238, %get3A_239] : memref<1x19x256x512xf32, #tpu.memory_space<vmem>>, vector<1x1x16x512xf32>
    %get3A_241 = vector.shape_cast %get3A_240 : vector<1x1x16x512xf32> to vector<16x512xf32>
    %exp3A_242 = math.exp %get3A_241 : vector<16x512xf32>
    %add3A_243 = arith.addf %add3A_228, %exp3A_242 : vector<16x512xf32>
    %eq3A_244 = arith.constant 15 : i32
    %eq3A_245 = vector.broadcast %eq3A_244 : i32 to vector<16x512xi32>
    %eq3A_246 = arith.cmpi eq, %min3A_9, %eq3A_245 : vector<16x512xi32>
    %jit3A_247 = arith.constant 0.000000e+00 : f32
    %broadcast_in_dim3A_248 = vector.broadcast %jit3A_247 : f32 to vector<16x512xf32>
    %select_n3A_249 = arith.select %eq3A_246, %get3A_241, %broadcast_in_dim3A_248 : vector<16x512xi1>, vector<16x512xf32>
    %add3A_250 = arith.addf %add3A_235, %select_n3A_249 : vector<16x512xf32>
    %get3A_251 = arith.constant 0 : index
    %get3A_252 = arith.constant 16 : index
    %get3A_253 = arith.constant 0 : index
    %get3A_254 = arith.constant 0 : index
    %get3A_255 = vector.load %arg2[%get3A_251, %get3A_252, %get3A_253, %get3A_254] : memref<1x19x256x512xf32, #tpu.memory_space<vmem>>, vector<1x1x16x512xf32>
    %get3A_256 = vector.shape_cast %get3A_255 : vector<1x1x16x512xf32> to vector<16x512xf32>
    %exp3A_257 = math.exp %get3A_256 : vector<16x512xf32>
    %add3A_258 = arith.addf %add3A_243, %exp3A_257 : vector<16x512xf32>
    %eq3A_259 = arith.constant 16 : i32
    %eq3A_260 = vector.broadcast %eq3A_259 : i32 to vector<16x512xi32>
    %eq3A_261 = arith.cmpi eq, %min3A_9, %eq3A_260 : vector<16x512xi32>
    %jit3A_262 = arith.constant 0.000000e+00 : f32
    %broadcast_in_dim3A_263 = vector.broadcast %jit3A_262 : f32 to vector<16x512xf32>
    %select_n3A_264 = arith.select %eq3A_261, %get3A_256, %broadcast_in_dim3A_263 : vector<16x512xi1>, vector<16x512xf32>
    %add3A_265 = arith.addf %add3A_250, %select_n3A_264 : vector<16x512xf32>
    %get3A_266 = arith.constant 0 : index
    %get3A_267 = arith.constant 17 : index
    %get3A_268 = arith.constant 0 : index
    %get3A_269 = arith.constant 0 : index
    %get3A_270 = vector.load %arg2[%get3A_266, %get3A_267, %get3A_268, %get3A_269] : memref<1x19x256x512xf32, #tpu.memory_space<vmem>>, vector<1x1x16x512xf32>
    %get3A_271 = vector.shape_cast %get3A_270 : vector<1x1x16x512xf32> to vector<16x512xf32>
    %exp3A_272 = math.exp %get3A_271 : vector<16x512xf32>
    %add3A_273 = arith.addf %add3A_258, %exp3A_272 : vector<16x512xf32>
    %eq3A_274 = arith.constant 17 : i32
    %eq3A_275 = vector.broadcast %eq3A_274 : i32 to vector<16x512xi32>
    %eq3A_276 = arith.cmpi eq, %min3A_9, %eq3A_275 : vector<16x512xi32>
    %jit3A_277 = arith.constant 0.000000e+00 : f32
    %broadcast_in_dim3A_278 = vector.broadcast %jit3A_277 : f32 to vector<16x512xf32>
    %select_n3A_279 = arith.select %eq3A_276, %get3A_271, %broadcast_in_dim3A_278 : vector<16x512xi1>, vector<16x512xf32>
    %add3A_280 = arith.addf %add3A_265, %select_n3A_279 : vector<16x512xf32>
    %get3A_281 = arith.constant 0 : index
    %get3A_282 = arith.constant 18 : index
    %get3A_283 = arith.constant 0 : index
    %get3A_284 = arith.constant 0 : index
    %get3A_285 = vector.load %arg2[%get3A_281, %get3A_282, %get3A_283, %get3A_284] : memref<1x19x256x512xf32, #tpu.memory_space<vmem>>, vector<1x1x16x512xf32>
    %get3A_286 = vector.shape_cast %get3A_285 : vector<1x1x16x512xf32> to vector<16x512xf32>
    %exp3A_287 = math.exp %get3A_286 : vector<16x512xf32>
    %add3A_288 = arith.addf %add3A_273, %exp3A_287 : vector<16x512xf32>
    %eq3A_289 = arith.constant 18 : i32
    %eq3A_290 = vector.broadcast %eq3A_289 : i32 to vector<16x512xi32>
    %eq3A_291 = arith.cmpi eq, %min3A_9, %eq3A_290 : vector<16x512xi32>
    %jit3A_292 = arith.constant 0.000000e+00 : f32
    %broadcast_in_dim3A_293 = vector.broadcast %jit3A_292 : f32 to vector<16x512xf32>
    %select_n3A_294 = arith.select %eq3A_291, %get3A_286, %broadcast_in_dim3A_293 : vector<16x512xi1>, vector<16x512xf32>
    %add3A_295 = arith.addf %add3A_280, %select_n3A_294 : vector<16x512xf32>
    %log3A = math.log %add3A_288 : vector<16x512xf32>
    %sub3A = arith.subf %log3A, %add3A_295 : vector<16x512xf32>
    %ne3A = arith.constant 255 : i32
    %ne3A_296 = vector.broadcast %ne3A : i32 to vector<16x512xi32>
    %ne3A_297 = arith.cmpi ne, %get3A_6, %ne3A_296 : vector<16x512xi32>
    %jit3A_298 = arith.constant 0.000000e+00 : f32
    %broadcast_in_dim3A_299 = vector.broadcast %jit3A_298 : f32 to vector<16x512xf32>
    %select_n3A_300 = arith.select %ne3A_297, %sub3A, %broadcast_in_dim3A_299 : vector<16x512xi1>, vector<16x512xf32>
    %swap3A = arith.constant 0 : index
    %swap3A_301 = arith.constant 0 : index
    %swap3A_302 = arith.constant 0 : index
    %swap3A_303 = vector.load %arg4[%swap3A, %swap3A_301, %swap3A_302] : memref<1x256x512xf32, #tpu.memory_space<vmem>>, vector<1x16x512xf32>
    %swap3A_304 = vector.shape_cast %swap3A_303 : vector<1x16x512xf32> to vector<16x512xf32>
    %swap3A_305 = vector.shape_cast %select_n3A_300 : vector<16x512xf32> to vector<1x16x512xf32>
    tpu.vector_store %arg4[%swap3A, %swap3A_301, %swap3A_302], %swap3A_305 {strides = array<i32>} : memref<1x256x512xf32, #tpu.memory_space<vmem>>, vector<1x16x512xf32>,
    %gt3A = arith.constant 0.356674939 : f32
    %gt3A_306 = vector.broadcast %gt3A : f32 to vector<16x512xf32>
    %gt3A_307 = arith.cmpf ogt, %select_n3A_300, %gt3A_306 : vector<16x512xf32>
    %get3A_308 = arith.constant 0 : index
    %get3A_309 = arith.constant 0 : index
    %get3A_310 = memref.load %arg5[%get3A_308, %get3A_309] : memref<1x1xi32, #tpu.memory_space<smem>>
    %convert_element_type3A_311 = arith.extui %gt3A_307 : vector<16x512xi1> to vector<16x512xi32>
    %reduce_sum3A = vector.shape_cast %convert_element_type3A_311 : vector<16x512xi32> to vector<1x16x512xi32>
    %reduce_sum3A_312 = arith.constant dense<0> : vector<1xi32>
    %reduce_sum3A_313 = vector.multi_reduction <add>, %reduce_sum3A, %reduce_sum3A_312 [1, 2] : vector<1x16x512xi32> to vector<1xi32>
    %reduce_sum3A_314 = vector.shape_cast %reduce_sum3A_313 : vector<1xi32> to vector<1x1x1xi32>
    %reduce_sum3A_315 = vector.extract %reduce_sum3A_314[0, 0, 0] : i32 from vector<1x1x1xi32>
    %add3A_316 = arith.addi %get3A_310, %reduce_sum3A_315 : i32
    %swap3A_317 = arith.constant 0 : index
    %swap3A_318 = arith.constant 0 : index
    %swap3A_319 = memref.load %arg5[%swap3A_317, %swap3A_318] : memref<1x1xi32, #tpu.memory_space<smem>>
    memref.store %add3A_316, %arg5[%swap3A_317, %swap3A_318] : memref<1x1xi32, #tpu.memory_space<smem>>
    %get3A_320 = arith.constant 0 : index
    %get3A_321 = arith.constant 0 : index
    %get3A_322 = memref.load %arg6[%get3A_320, %get3A_321] : memref<1x1xf32, #tpu.memory_space<smem>>
    %jit3A_323 = arith.constant 0.000000e+00 : f32
    %broadcast_in_dim3A_324 = vector.broadcast %jit3A_323 : f32 to vector<16x512xf32>
    %select_n3A_325 = arith.select %gt3A_307, %select_n3A_300, %broadcast_in_dim3A_324 : vector<16x512xi1>, vector<16x512xf32>
    %reduce_sum3A_326 = vector.shape_cast %select_n3A_325 : vector<16x512xf32> to vector<1x16x512xf32>
    %reduce_sum3A_327 = arith.constant dense<0.000000e+00> : vector<1xf32>
    %reduce_sum3A_328 = vector.multi_reduction <add>, %reduce_sum3A_326, %reduce_sum3A_327 [1, 2] : vector<1x16x512xf32> to vector<1xf32>
    %reduce_sum3A_329 = vector.shape_cast %reduce_sum3A_328 : vector<1xf32> to vector<1x1x1xf32>
    %reduce_sum3A_330 = vector.extract %reduce_sum3A_329[0, 0, 0] : f32 from vector<1x1x1xf32>
    %add3A_331 = arith.addf %get3A_322, %reduce_sum3A_330 : f32
    %swap3A_332 = arith.constant 0 : index
    %swap3A_333 = arith.constant 0 : index
    %swap3A_334 = memref.load %arg6[%swap3A_332, %swap3A_333] : memref<1x1xf32, #tpu.memory_space<smem>>
    memref.store %add3A_331, %arg6[%swap3A_332, %swap3A_333] : memref<1x1xf32, #tpu.memory_space<smem>>
    %get3A_335 = arith.constant 0 : index
    %get3A_336 = arith.constant 16 : index
    %get3A_337 = arith.constant 0 : index
    %get3A_338 = vector.load %arg3[%get3A_335, %get3A_336, %get3A_337] : memref<1x256x512xi32, #tpu.memory_space<vmem>>, vector<1x16x512xi32>
    %get3A_339 = vector.shape_cast %get3A_338 : vector<1x16x512xi32> to vector<16x512xi32>
    %jit3A_340 = arith.constant 0 : i32
    %jit3A_341 = arith.constant 18 : i32
    %max3A_342 = vector.broadcast %jit3A_340 : i32 to vector<16x512xi32>
    %max3A_343 = arith.maxsi %max3A_342, %get3A_339 : vector<16x512xi32>
    %min3A_344 = vector.broadcast %jit3A_341 : i32 to vector<16x512xi32>
    %min3A_345 = arith.minsi %min3A_344, %max3A_343 : vector<16x512xi32>
    %broadcast_in_dim3A_346 = arith.constant 0.000000e+00 : f32
    %broadcast_in_dim3A_347 = vector.broadcast %broadcast_in_dim3A_346 : f32 to vector<16x512xf32>
    %broadcast_in_dim3A_348 = arith.constant 0.000000e+00 : f32
    %broadcast_in_dim3A_349 = vector.broadcast %broadcast_in_dim3A_348 : f32 to vector<16x512xf32>
    %get3A_350 = arith.constant 0 : index
    %get3A_351 = arith.constant 0 : index
    %get3A_352 = arith.constant 16 : index
    %get3A_353 = arith.constant 0 : index
    %get3A_354 = vector.load %arg2[%get3A_350, %get3A_351, %get3A_352, %get3A_353] : memref<1x19x256x512xf32, #tpu.memory_space<vmem>>, vector<1x1x16x512xf32>
    %get3A_355 = vector.shape_cast %get3A_354 : vector<1x1x16x512xf32> to vector<16x512xf32>
    %exp3A_356 = math.exp %get3A_355 : vector<16x512xf32>
    %add3A_357 = arith.addf %broadcast_in_dim3A_347, %exp3A_356 : vector<16x512xf32>
    %eq3A_358 = arith.constant 0 : i32
    %eq3A_359 = vector.broadcast %eq3A_358 : i32 to vector<16x512xi32>
    %eq3A_360 = arith.cmpi eq, %min3A_345, %eq3A_359 : vector<16x512xi32>
    %jit3A_361 = arith.constant 0.000000e+00 : f32
    %broadcast_in_dim3A_362 = vector.broadcast %jit3A_361 : f32 to vector<16x512xf32>
    %select_n3A_363 = arith.select %eq3A_360, %get3A_355, %broadcast_in_dim3A_362 : vector<16x512xi1>, vector<16x512xf32>
    %add3A_364 = arith.addf %broadcast_in_dim3A_349, %select_n3A_363 : vector<16x512xf32>
    %get3A_365 = arith.constant 0 : index
    %get3A_366 = arith.constant 1 : index
    %get3A_367 = arith.constant 16 : index
    %get3A_368 = arith.constant 0 : index
    %get3A_369 = vector.load %arg2[%get3A_365, %get3A_366, %get3A_367, %get3A_368] : memref<1x19x256x512xf32, #tpu.memory_space<vmem>>, vector<1x1x16x512xf32>
    %get3A_370 = vector.shape_cast %get3A_369 : vector<1x1x16x512xf32> to vector<16x512xf32>
    %exp3A_371 = math.exp %get3A_370 : vector<16x512xf32>
    %add3A_372 = arith.addf %add3A_357, %exp3A_371 : vector<16x512xf32>
    %eq3A_373 = arith.constant 1 : i32
    %eq3A_374 = vector.broadcast %eq3A_373 : i32 to vector<16x512xi32>
    %eq3A_375 = arith.cmpi eq, %min3A_345, %eq3A_374 : vector<16x512xi32>
    %jit3A_376 = arith.constant 0.000000e+00 : f32
    %broadcast_in_dim3A_377 = vector.broadcast %jit3A_376 : f32 to vector<16x512xf32>
    %select_n3A_378 = arith.select %eq3A_375, %get3A_370, %broadcast_in_dim3A_377 : vector<16x512xi1>, vector<16x512xf32>
    %add3A_379 = arith.addf %add3A_364, %select_n3A_378 : vector<16x512xf32>
    %get3A_380 = arith.constant 0 : index
    %get3A_381 = arith.constant 2 : index
    %get3A_382 = arith.constant 16 : index
    %get3A_383 = arith.constant 0 : index
    %get3A_384 = vector.load %arg2[%get3A_380, %get3A_381, %get3A_382, %get3A_383] : memref<1x19x256x512xf32, #tpu.memory_space<vmem>>, vector<1x1x16x512xf32>
    %get3A_385 = vector.shape_cast %get3A_384 : vector<1x1x16x512xf32> to vector<16x512xf32>
    %exp3A_386 = math.exp %get3A_385 : vector<16x512xf32>
    %add3A_387 = arith.addf %add3A_372, %exp3A_386 : vector<16x512xf32>
    %eq3A_388 = arith.constant 2 : i32
    %eq3A_389 = vector.broadcast %eq3A_388 : i32 to vector<16x512xi32>
    %eq3A_390 = arith.cmpi eq, %min3A_345, %eq3A_389 : vector<16x512xi32>
    %jit3A_391 = arith.constant 0.000000e+00 : f32
    %broadcast_in_dim3A_392 = vector.broadcast %jit3A_391 : f32 to vector<16x512xf32>
    %select_n3A_393 = arith.select %eq3A_390, %get3A_385, %broadcast_in_dim3A_392 : vector<16x512xi1>, vector<16x512xf32>
    %add3A_394 = arith.addf %add3A_379, %select_n3A_393 : vector<16x512xf32>
    %get3A_395 = arith.constant 0 : index
    %get3A_396 = arith.constant 3 : index
    %get3A_397 = arith.constant 16 : index
    %get3A_398 = arith.constant 0 : index
    %get3A_399 = vector.load %arg2[%get3A_395, %get3A_396, %get3A_397, %get3A_398] : memref<1x19x256x512xf32, #tpu.memory_space<vmem>>, vector<1x1x16x512xf32>
    %get3A_400 = vector.shape_cast %get3A_399 : vector<1x1x16x512xf32> to vector<16x512xf32>
    %exp3A_401 = math.exp %get3A_400 : vector<16x512xf32>
    %add3A_402 = arith.addf %add3A_387, %exp3A_401 : vector<16x512xf32>
    %eq3A_403 = arith.constant 3 : i32
    %eq3A_404 = vector.broadcast %eq3A_403 : i32 to vector<16x512xi32>
    %eq3A_405 = arith.cmpi eq, %min3A_345, %eq3A_404 : vector<16x512xi32>
    %jit3A_406 = arith.constant 0.000000e+00 : f32
    %broadcast_in_dim3A_407 = vector.broadcast %jit3A_406 : f32 to vector<16x512xf32>
    %select_n3A_408 = arith.select %eq3A_405, %get3A_400, %broadcast_in_dim3A_407 : vector<16x512xi1>, vector<16x512xf32>
    %add3A_409 = arith.addf %add3A_394, %select_n3A_408 : vector<16x512xf32>
    %get3A_410 = arith.constant 0 : index
    %get3A_411 = arith.constant 4 : index
    %get3A_412 = arith.constant 16 : index
    %get3A_413 = arith.constant 0 : index
    %get3A_414 = vector.load %arg2[%get3A_410, %get3A_411, %get3A_412, %get3A_413] : memref<1x19x256x512xf32, #tpu.memory_space<vmem>>, vector<1x1x16x512xf32>
    %get3A_415 = vector.shape_cast %get3A_414 : vector<1x1x16x512xf32> to vector<16x512xf32>
    %exp3A_416 = math.exp %get3A_415 : vector<16x512xf32>
    %add3A_417 = arith.addf %add3A_402, %exp3A_416 : vector<16x512xf32>
    %eq3A_418 = arith.constant 4 : i32
    %eq3A_419 = vector.broadcast %eq3A_418 : i32 to vector<16x512xi32>
    %eq3A_420 = arith.cmpi eq, %min3A_345, %eq3A_419 : vector<16x512xi32>
    %jit3A_421 = arith.constant 0.000000e+00 : f32
    %broadcast_in_dim3A_422 = vector.broadcast %jit3A_421 : f32 to vector<16x512xf32>
    %select_n3A_423 = arith.select %eq3A_420, %get3A_415, %broadcast_in_dim3A_422 : vector<16x512xi1>, vector<16x512xf32>
    %add3A_424 = arith.addf %add3A_409, %select_n3A_423 : vector<16x512xf32>
    %get3A_425 = arith.constant 0 : index
    %get3A_426 = arith.constant 5 : index
    %get3A_427 = arith.constant 16 : index
    %get3A_428 = arith.constant 0 : index
    %get3A_429 = vector.load %arg2[%get3A_425, %get3A_426, %get3A_427, %get3A_428] : memref<1x19x256x512xf32, #tpu.memory_space<vmem>>, vector<1x1x16x512xf32>
    %get3A_430 = vector.shape_cast %get3A_429 : vector<1x1x16x512xf32> to vector<16x512xf32>
    %exp3A_431 = math.exp %get3A_430 : vector<16x512xf32>
    %add3A_432 = arith.addf %add3A_417, %exp3A_431 : vector<16x512xf32>
    %eq3A_433 = arith.constant 5 : i32
    %eq3A_434 = vector.broadcast %eq3A_433 : i32 to vector<16x512xi32>
    %eq3A_435 = arith.cmpi eq, %min3A_345, %eq3A_434 : vector<16x512xi32>
    %jit3A_436 = arith.constant 0.000000e+00 : f32
    %broadcast_in_dim3A_437 = vector.broadcast %jit3A_436 : f32 to vector<16x512xf32>
    %select_n3A_438 = arith.select %eq3A_435, %get3A_430, %broadcast_in_dim3A_437 : vector<16x512xi1>, vector<16x512xf32>
    %add3A_439 = arith.addf %add3A_424, %select_n3A_438 : vector<16x512xf32>
    %get3A_440 = arith.constant 0 : index
    %get3A_441 = arith.constant 6 : index
    %get3A_442 = arith.constant 16 : index
    %get3A_443 = arith.constant 0 : index
    %get3A_444 = vector.load %arg2[%get3A_440, %get3A_441, %get3A_442, %get3A_443] : memref<1x19x256x512xf32, #tpu.memory_space<vmem>>, vector<1x1x16x512xf32>
    %get3A_445 = vector.shape_cast %get3A_444 : vector<1x1x16x512xf32> to vector<16x512xf32>
    %exp3A_446 = math.exp %get3A_445 : vector<16x512xf32>
    %add3A_447 = arith.addf %add3A_432, %exp3A_446 : vector<16x512xf32>
    %eq3A_448 = arith.constant 6 : i32
    %eq3A_449 = vector.broadcast %eq3A_448 : i32 to vector<16x512xi32>
    %eq3A_450 = arith.cmpi eq, %min3A_345, %eq3A_449 : vector<16x512xi32>
    %jit3A_451 = arith.constant 0.000000e+00 : f32
    %broadcast_in_dim3A_452 = vector.broadcast %jit3A_451 : f32 to vector<16x512xf32>
    %select_n3A_453 = arith.select %eq3A_450, %get3A_445, %broadcast_in_dim3A_452 : vector<16x512xi1>, vector<16x512xf32>
    %add3A_454 = arith.addf %add3A_439, %select_n3A_453 : vector<16x512xf32>
    %get3A_455 = arith.constant 0 : index
    %get3A_456 = arith.constant 7 : index
    %get3A_457 = arith.constant 16 : index
    %get3A_458 = arith.constant 0 : index
    %get3A_459 = vector.load %arg2[%get3A_455, %get3A_456, %get3A_457, %get3A_458] : memref<1x19x256x512xf32, #tpu.memory_space<vmem>>, vector<1x1x16x512xf32>
    %get3A_460 = vector.shape_cast %get3A_459 : vector<1x1x16x512xf32> to vector<16x512xf32>
    %exp3A_461 = math.exp %get3A_460 : vector<16x512xf32>
    %add3A_462 = arith.addf %add3A_447, %exp3A_461 : vector<16x512xf32>
    %eq3A_463 = arith.constant 7 : i32
    %eq3A_464 = vector.broadcast %eq3A_463 : i32 to vector<16x512xi32>
    %eq3A_465 = arith.cmpi eq, %min3A_345, %eq3A_464 : vector<16x512xi32>
    %jit3A_466 = arith.constant 0.000000e+00 : f32
    %broadcast_in_dim3A_467 = vector.broadcast %jit3A_466 : f32 to vector<16x512xf32>
    %select_n3A_468 = arith.select %eq3A_465, %get3A_460, %broadcast_in_dim3A_467 : vector<16x512xi1>, vector<16x512xf32>
    %add3A_469 = arith.addf %add3A_454, %select_n3A_468 : vector<16x512xf32>
    %get3A_470 = arith.constant 0 : index
    %get3A_471 = arith.constant 8 : index
    %get3A_472 = arith.constant 16 : index
    %get3A_473 = arith.constant 0 : index
    %get3A_474 = vector.load %arg2[%get3A_470, %get3A_471, %get3A_472, %get3A_473] : memref<1x19x256x512xf32, #tpu.memory_space<vmem>>, vector<1x1x16x512xf32>
    %get3A_475 = vector.shape_cast %get3A_474 : vector<1x1x16x512xf32> to vector<16x512xf32>
    %exp3A_476 = math.exp %get3A_475 : vector<16x512xf32>
    %add3A_477 = arith.addf %add3A_462, %exp3A_476 : vector<16x512xf32>
    %eq3A_478 = arith.constant 8 : i32
    %eq3A_479 = vector.broadcast %eq3A_478 : i32 to vector<16x512xi32>
    %eq3A_480 = arith.cmpi eq, %min3A_345, %eq3A_479 : vector<16x512xi32>
    %jit3A_481 = arith.constant 0.000000e+00 : f32
    %broadcast_in_dim3A_482 = vector.broadcast %jit3A_481 : f32 to vector<16x512xf32>
    %select_n3A_483 = arith.select %eq3A_480, %get3A_475, %broadcast_in_dim3A_482 : vector<16x512xi1>, vector<16x512xf32>
    %add3A_484 = arith.addf %add3A_469, %select_n3A_483 : vector<16x512xf32>
    %get3A_485 = arith.constant 0 : index
    %get3A_486 = arith.constant 9 : index
    %get3A_487 = arith.constant 16 : index
    %get3A_488 = arith.constant 0 : index
    %get3A_489 = vector.load %arg2[%get3A_485, %get3A_486, %get3A_487, %get3A_488] : memref<1x19x256x512xf32, #tpu.memory_space<vmem>>, vector<1x1x16x512xf32>
    %get3A_490 = vector.shape_cast %get3A_489 : vector<1x1x16x512xf32> to vector<16x512xf32>
    %exp3A_491 = math.exp %get3A_490 : vector<16x512xf32>
    %add3A_492 = arith.addf %add3A_477, %exp3A_491 : vector<16x512xf32>
    %eq3A_493 = arith.constant 9 : i32
    %eq3A_494 = vector.broadcast %eq3A_493 : i32 to vector<16x512xi32>
    %eq3A_495 = arith.cmpi eq, %min3A_345, %eq3A_494 : vector<16x512xi32>
    %jit3A_496 = arith.constant 0.000000e+00 : f32
    %broadcast_in_dim3A_497 = vector.broadcast %jit3A_496 : f32 to vector<16x512xf32>
    %select_n3A_498 = arith.select %eq3A_495, %get3A_490, %broadcast_in_dim3A_497 : vector<16x512xi1>, vector<16x512xf32>
    %add3A_499 = arith.addf %add3A_484, %select_n3A_498 : vector<16x512xf32>
    %get3A_500 = arith.constant 0 : index
    %get3A_501 = arith.constant 10 : index
    %get3A_502 = arith.constant 16 : index
    %get3A_503 = arith.constant 0 : index
    %get3A_504 = vector.load %arg2[%get3A_500, %get3A_501, %get3A_502, %get3A_503] : memref<1x19x256x512xf32, #tpu.memory_space<vmem>>, vector<1x1x16x512xf32>
    %get3A_505 = vector.shape_cast %get3A_504 : vector<1x1x16x512xf32> to vector<16x512xf32>
    %exp3A_506 = math.exp %get3A_505 : vector<16x512xf32>
    %add3A_507 = arith.addf %add3A_492, %exp3A_506 : vector<16x512xf32>
    %eq3A_508 = arith.constant 10 : i32
    %eq3A_509 = vector.broadcast %eq3A_508 : i32 to vector<16x512xi32>
    %eq3A_510 = arith.cmpi eq, %min3A_345, %eq3A_509 : vector<16x512xi32>
    %jit3A_511 = arith.constant 0.000000e+00 : f32
    %broadcast_in_dim3A_512 = vector.broadcast %jit3A_511 : f32 to vector<16x512xf32>
    %select_n3A_513 = arith.select %eq3A_510, %get3A_505, %broadcast_in_dim3A_512 : vector<16x512xi1>, vector<16x512xf32>
    %add3A_514 = arith.addf %add3A_499, %select_n3A_513 : vector<16x512xf32>
    %get3A_515 = arith.constant 0 : index
    %get3A_516 = arith.constant 11 : index
    %get3A_517 = arith.constant 16 : index
    %get3A_518 = arith.constant 0 : index
    %get3A_519 = vector.load %arg2[%get3A_515, %get3A_516, %get3A_517, %get3A_518] : memref<1x19x256x512xf32, #tpu.memory_space<vmem>>, vector<1x1x16x512xf32>
    %get3A_520 = vector.shape_cast %get3A_519 : vector<1x1x16x512xf32> to vector<16x512xf32>
    %exp3A_521 = math.exp %get3A_520 : vector<16x512xf32>
    %add3A_522 = arith.addf %add3A_507, %exp3A_521 : vector<16x512xf32>
    %eq3A_523 = arith.constant 11 : i32
    %eq3A_524 = vector.broadcast %eq3A_523 : i32 to vector<16x512xi32>
    %eq3A_525 = arith.cmpi eq, %min3A_345, %eq3A_524 : vector<16x512xi32>
    %jit3A_526 = arith.constant 0.000000e+00 : f32
    %broadcast_in_dim3A_527 = vector.broadcast %jit3A_526 : f32 to vector<16x512xf32>
    %select_n3A_528 = arith.select %eq3A_525, %get3A_520, %broadcast_in_dim3A_527 : vector<16x512xi1>, vector<16x512xf32>
    %add3A_529 = arith.addf %add3A_514, %select_n3A_528 : vector<16x512xf32>
    %get3A_530 = arith.constant 0 : index
    %get3A_531 = arith.constant 12 : index
    %get3A_532 = arith.constant 16 : index
    %get3A_533 = arith.constant 0 : index
    %get3A_534 = vector.load %arg2[%get3A_530, %get3A_531, %get3A_532, %get3A_533] : memref<1x19x256x512xf32, #tpu.memory_space<vmem>>, vector<1x1x16x512xf32>
    %get3A_535 = vector.shape_cast %get3A_534 : vector<1x1x16x512xf32> to vector<16x512xf32>
    %exp3A_536 = math.exp %get3A_535 : vector<16x512xf32>
    %add3A_537 = arith.addf %add3A_522, %exp3A_536 : vector<16x512xf32>
    %eq3A_538 = arith.constant 12 : i32
    %eq3A_539 = vector.broadcast %eq3A_538 : i32 to vector<16x512xi32>
    %eq3A_540 = arith.cmpi eq, %min3A_345, %eq3A_539 : vector<16x512xi32>
    %jit3A_541 = arith.constant 0.000000e+00 : f32
    %broadcast_in_dim3A_542 = vector.broadcast %jit3A_541 : f32 to vector<16x512xf32>
    %select_n3A_543 = arith.select %eq3A_540, %get3A_535, %broadcast_in_dim3A_542 : vector<16x512xi1>, vector<16x512xf32>
    %add3A_544 = arith.addf %add3A_529, %select_n3A_543 : vector<16x512xf32>
    %get3A_545 = arith.constant 0 : index
    %get3A_546 = arith.constant 13 : index
    %get3A_547 = arith.constant 16 : index
    %get3A_548 = arith.constant 0 : index
    %get3A_549 = vector.load %arg2[%get3A_545, %get3A_546, %get3A_547, %get3A_548] : memref<1x19x256x512xf32, #tpu.memory_space<vmem>>, vector<1x1x16x512xf32>
    %get3A_550 = vector.shape_cast %get3A_549 : vector<1x1x16x512xf32> to vector<16x512xf32>
    %exp3A_551 = math.exp %get3A_550 : vector<16x512xf32>
    %add3A_552 = arith.addf %add3A_537, %exp3A_551 : vector<16x512xf32>
    %eq3A_553 = arith.constant 13 : i32
    %eq3A_554 = vector.broadcast %eq3A_553 : i32 to vector<16x512xi32>
    %eq3A_555 = arith.cmpi eq, %min3A_345, %eq3A_554 : vector<16x512xi32>
    %jit3A_556 = arith.constant 0.000000e+00 : f32
    %broadcast_in_dim3A_557 = vector.broadcast %jit3A_556 : f32 to vector<16x512xf32>
    %select_n3A_558 = arith.select %eq3A_555, %get3A_550, %broadcast_in_dim3A_557 : vector<16x512xi1>, vector<16x512xf32>
    %add3A_559 = arith.addf %add3A_544, %select_n3A_558 : vector<16x512xf32>
    %get3A_560 = arith.constant 0 : index
    %get3A_561 = arith.constant 14 : index
    %get3A_562 = arith.constant 16 : index
    %get3A_563 = arith.constant 0 : index
    %get3A_564 = vector.load %arg2[%get3A_560, %get3A_561, %get3A_562, %get3A_563] : memref<1x19x256x512xf32, #tpu.memory_space<vmem>>, vector<1x1x16x512xf32>
    %get3A_565 = vector.shape_cast %get3A_564 : vector<1x1x16x512xf32> to vector<16x512xf32>
    %exp3A_566 = math.exp %get3A_565 : vector<16x512xf32>
    %add3A_567 = arith.addf %add3A_552, %exp3A_566 : vector<16x512xf32>
    %eq3A_568 = arith.constant 14 : i32
    %eq3A_569 = vector.broadcast %eq3A_568 : i32 to vector<16x512xi32>
    %eq3A_570 = arith.cmpi eq, %min3A_345, %eq3A_569 : vector<16x512xi32>
    %jit3A_571 = arith.constant 0.000000e+00 : f32
    %broadcast_in_dim3A_572 = vector.broadcast %jit3A_571 : f32 to vector<16x512xf32>
    %select_n3A_573 = arith.select %eq3A_570, %get3A_565, %broadcast_in_dim3A_572 : vector<16x512xi1>, vector<16x512xf32>
    %add3A_574 = arith.addf %add3A_559, %select_n3A_573 : vector<16x512xf32>
    %get3A_575 = arith.constant 0 : index
    %get3A_576 = arith.constant 15 : index
    %get3A_577 = arith.constant 16 : index
    %get3A_578 = arith.constant 0 : index
    %get3A_579 = vector.load %arg2[%get3A_575, %get3A_576, %get3A_577, %get3A_578] : memref<1x19x256x512xf32, #tpu.memory_space<vmem>>, vector<1x1x16x512xf32>
    %get3A_580 = vector.shape_cast %get3A_579 : vector<1x1x16x512xf32> to vector<16x512xf32>
    %exp3A_581 = math.exp %get3A_580 : vector<16x512xf32>
    %add3A_582 = arith.addf %add3A_567, %exp3A_581 : vector<16x512xf32>
    %eq3A_583 = arith.constant 15 : i32
    %eq3A_584 = vector.broadcast %eq3A_583 : i32 to vector<16x512xi32>
    %eq3A_585 = arith.cmpi eq, %min3A_345, %eq3A_584 : vector<16x512xi32>
    %jit3A_586 = arith.constant 0.000000e+00 : f32
    %broadcast_in_dim3A_587 = vector.broadcast %jit3A_586 : f32 to vector<16x512xf32>
    %select_n3A_588 = arith.select %eq3A_585, %get3A_580, %broadcast_in_dim3A_587 : vector<16x512xi1>, vector<16x512xf32>
    %add3A_589 = arith.addf %add3A_574, %select_n3A_588 : vector<16x512xf32>
    %get3A_590 = arith.constant 0 : index
    %get3A_591 = arith.constant 16 : index
    %get3A_592 = arith.constant 16 : index
    %get3A_593 = arith.constant 0 : index
    %get3A_594 = vector.load %arg2[%get3A_590, %get3A_591, %get3A_592, %get3A_593] : memref<1x19x256x512xf32, #tpu.memory_space<vmem>>, vector<1x1x16x512xf32>
    %get3A_595 = vector.shape_cast %get3A_594 : vector<1x1x16x512xf32> to vector<16x512xf32>
    %exp3A_596 = math.exp %get3A_595 : vector<16x512xf32>
    %add3A_597 = arith.addf %add3A_582, %exp3A_596 : vector<16x512xf32>
    %eq3A_598 = arith.constant 16 : i32
    %eq3A_599 = vector.broadcast %eq3A_598 : i32 to vector<16x512xi32>
    %eq3A_600 = arith.cmpi eq, %min3A_345, %eq3A_599 : vector<16x512xi32>
    %jit3A_601 = arith.constant 0.000000e+00 : f32
    %broadcast_in_dim3A_602 = vector.broadcast %jit3A_601 : f32 to vector<16x512xf32>
    %select_n3A_603 = arith.select %eq3A_600, %get3A_595, %broadcast_in_dim3A_602 : vector<16x512xi1>, vector<16x512xf32>
    %add3A_604 = arith.addf %add3A_589, %select_n3A_603 : vector<16x512xf32>
    %get3A_605 = arith.constant 0 : index
    %get3A_606 = arith.constant 17 : index
    %get3A_607 = arith.constant 16 : index
    %get3A_608 = arith.constant 0 : index
    %get3A_609 = vector.load %arg2[%get3A_605, %get3A_606, %get3A_607, %get3A_608] : memref<1x19x256x512xf32, #tpu.memory_space<vmem>>, vector<1x1x16x512xf32>
    %get3A_610 = vector.shape_cast %get3A_609 : vector<1x1x16x512xf32> to vector<16x512xf32>
    %exp3A_611 = math.exp %get3A_610 : vector<16x512xf32>
    %add3A_612 = arith.addf %add3A_597, %exp3A_611 : vector<16x512xf32>
    %eq3A_613 = arith.constant 17 : i32
    %eq3A_614 = vector.broadcast %eq3A_613 : i32 to vector<16x512xi32>
    %eq3A_615 = arith.cmpi eq, %min3A_345, %eq3A_614 : vector<16x512xi32>
    %jit3A_616 = arith.constant 0.000000e+00 : f32
    %broadcast_in_dim3A_617 = vector.broadcast %jit3A_616 : f32 to vector<16x512xf32>
    %select_n3A_618 = arith.select %eq3A_615, %get3A_610, %broadcast_in_dim3A_617 : vector<16x512xi1>, vector<16x512xf32>
    %add3A_619 = arith.addf %add3A_604, %select_n3A_618 : vector<16x512xf32>
    %get3A_620 = arith.constant 0 : index
    %get3A_621 = arith.constant 18 : index
    %get3A_622 = arith.constant 16 : index
    %get3A_623 = arith.constant 0 : index
    %get3A_624 = vector.load %arg2[%get3A_620, %get3A_621, %get3A_622, %get3A_623] : memref<1x19x256x512xf32, #tpu.memory_space<vmem>>, vector<1x1x16x512xf32>
    %get3A_625 = vector.shape_cast %get3A_624 : vector<1x1x16x512xf32> to vector<16x512xf32>
    %exp3A_626 = math.exp %get3A_625 : vector<16x512xf32>
    %add3A_627 = arith.addf %add3A_612, %exp3A_626 : vector<16x512xf32>
    %eq3A_628 = arith.constant 18 : i32
    %eq3A_629 = vector.broadcast %eq3A_628 : i32 to vector<16x512xi32>
    %eq3A_630 = arith.cmpi eq, %min3A_345, %eq3A_629 : vector<16x512xi32>
    %jit3A_631 = arith.constant 0.000000e+00 : f32
    %broadcast_in_dim3A_632 = vector.broadcast %jit3A_631 : f32 to vector<16x512xf32>
    %select_n3A_633 = arith.select %eq3A_630, %get3A_625, %broadcast_in_dim3A_632 : vector<16x512xi1>, vector<16x512xf32>
    %add3A_634 = arith.addf %add3A_619, %select_n3A_633 : vector<16x512xf32>
    %log3A_635 = math.log %add3A_627 : vector<16x512xf32>
    %sub3A_636 = arith.subf %log3A_635, %add3A_634 : vector<16x512xf32>
    %ne3A_637 = arith.constant 255 : i32
    %ne3A_638 = vector.broadcast %ne3A_637 : i32 to vector<16x512xi32>
    %ne3A_639 = arith.cmpi ne, %get3A_339, %ne3A_638 : vector<16x512xi32>
    %jit3A_640 = arith.constant 0.000000e+00 : f32
    %broadcast_in_dim3A_641 = vector.broadcast %jit3A_640 : f32 to vector<16x512xf32>
    %select_n3A_642 = arith.select %ne3A_639, %sub3A_636, %broadcast_in_dim3A_641 : vector<16x512xi1>, vector<16x512xf32>
    %swap3A_643 = arith.constant 0 : index
    %swap3A_644 = arith.constant 16 : index
    %swap3A_645 = arith.constant 0 : index
    %swap3A_646 = vector.load %arg4[%swap3A_643, %swap3A_644, %swap3A_645] : memref<1x256x512xf32, #tpu.memory_space<vmem>>, vector<1x16x512xf32>
    %swap3A_647 = vector.shape_cast %swap3A_646 : vector<1x16x512xf32> to vector<16x512xf32>
    %swap3A_648 = vector.shape_cast %select_n3A_642 : vector<16x512xf32> to vector<1x16x512xf32>
    tpu.vector_store %arg4[%swap3A_643, %swap3A_644, %swap3A_645], %swap3A_648 {strides = array<i32>} : memref<1x256x512xf32, #tpu.memory_space<vmem>>, vector<1x16x512xf32>,
    %gt3A_649 = arith.constant 0.356674939 : f32
    %gt3A_650 = vector.broadcast %gt3A_649 : f32 to vector<16x512xf32>
    %gt3A_651 = arith.cmpf ogt, %select_n3A_642, %gt3A_650 : vector<16x512xf32>
    %get3A_652 = arith.constant 0 : index
    %get3A_653 = arith.constant 0 : index
    %get3A_654 = memref.load %arg5[%get3A_652, %get3A_653] : memref<1x1xi32, #tpu.memory_space<smem>>
    %convert_element_type3A_655 = arith.extui %gt3A_651 : vector<16x512xi1> to vector<16x512xi32>
    %reduce_sum3A_656 = vector.shape_cast %convert_element_type3A_655 : vector<16x512xi32> to vector<1x16x512xi32>
    %reduce_sum3A_657 = arith.constant dense<0> : vector<1xi32>
    %reduce_sum3A_658 = vector.multi_reduction <add>, %reduce_sum3A_656, %reduce_sum3A_657 [1, 2] : vector<1x16x512xi32> to vector<1xi32>
    %reduce_sum3A_659 = vector.shape_cast %reduce_sum3A_658 : vector<1xi32> to vector<1x1x1xi32>
    %reduce_sum3A_660 = vector.extract %reduce_sum3A_659[0, 0, 0] : i32 from vector<1x1x1xi32>
    %add3A_661 = arith.addi %get3A_654, %reduce_sum3A_660 : i32
    %swap3A_662 = arith.constant 0 : index
    %swap3A_663 = arith.constant 0 : index
    %swap3A_664 = memref.load %arg5[%swap3A_662, %swap3A_663] : memref<1x1xi32, #tpu.memory_space<smem>>
    memref.store %add3A_661, %arg5[%swap3A_662, %swap3A_663] : memref<1x1xi32, #tpu.memory_space<smem>>
    %get3A_665 = arith.constant 0 : index
    %get3A_666 = arith.constant 0 : index
    %get3A_667 = memref.load %arg6[%get3A_665, %get3A_666] : memref<1x1xf32, #tpu.memory_space<smem>>
    %jit3A_668 = arith.constant 0.000000e+00 : f32
    %broadcast_in_dim3A_669 = vector.broadcast %jit3A_668 : f32 to vector<16x512xf32>
    %select_n3A_670 = arith.select %gt3A_651, %select_n3A_642, %broadcast_in_dim3A_669 : vector<16x512xi1>, vector<16x512xf32>
    %reduce_sum3A_671 = vector.shape_cast %select_n3A_670 : vector<16x512xf32> to vector<1x16x512xf32>
    %reduce_sum3A_672 = arith.constant dense<0.000000e+00> : vector<1xf32>
    %reduce_sum3A_673 = vector.multi_reduction <add>, %reduce_sum3A_671, %reduce_sum3A_672 [1, 2] : vector<1x16x512xf32> to vector<1xf32>
    %reduce_sum3A_674 = vector.shape_cast %reduce_sum3A_673 : vector<1xf32> to vector<1x1x1xf32>
    %reduce_sum3A_675 = vector.extract %reduce_sum3A_674[0, 0, 0] : f32 from vector<1x1x1xf32>
    %add3A_676 = arith.addf %get3A_667, %reduce_sum3A_675 : f32
    %swap3A_677 = arith.constant 0 : index
    %swap3A_678 = arith.constant 0 : index
    %swap3A_679 = memref.load %arg6[%swap3A_677, %swap3A_678] : memref<1x1xf32, #tpu.memory_space<smem>>
    memref.store %add3A_676, %arg6[%swap3A_677, %swap3A_678] : memref<1x1xf32, #tpu.memory_space<smem>>
    %get3A_680 = arith.constant 0 : index
    %get3A_681 = arith.constant 32 : index
    %get3A_682 = arith.constant 0 : index
    %get3A_683 = vector.load %arg3[%get3A_680, %get3A_681, %get3A_682] : memref<1x256x512xi32, #tpu.memory_space<vmem>>, vector<1x16x512xi32>
    %get3A_684 = vector.shape_cast %get3A_683 : vector<1x16x512xi32> to vector<16x512xi32>
    %jit3A_685 = arith.constant 0 : i32
    %jit3A_686 = arith.constant 18 : i32
    %max3A_687 = vector.broadcast %jit3A_685 : i32 to vector<16x512xi32>
    %max3A_688 = arith.maxsi %max3A_687, %get3A_684 : vector<16x512xi32>
    %min3A_689 = vector.broadcast %jit3A_686 : i32 to vector<16x512xi32>
    %min3A_690 = arith.minsi %min3A_689, %max3A_688 : vector<16x512xi32>
    %broadcast_in_dim3A_691 = arith.constant 0.000000e+00 : f32
    %broadcast_in_dim3A_692 = vector.broadcast %broadcast_in_dim3A_691 : f32 to vector<16x512xf32>
    %broadcast_in_dim3A_693 = arith.constant 0.000000e+00 : f32
    %broadcast_in_dim3A_694 = vector.broadcast %broadcast_in_dim3A_693 : f32 to vector<16x512xf32>
    %get3A_695 = arith.constant 0 : index
    %get3A_696 = arith.constant 0 : index
    %get3A_697 = arith.constant 32 : index
    %get3A_698 = arith.constant 0 : index
    %get3A_699 = vector.load %arg2[%get3A_695, %get3A_696, %get3A_697, %get3A_698] : memref<1x19x256x512xf32, #tpu.memory_space<vmem>>, vector<1x1x16x512xf32>
    %get3A_700 = vector.shape_cast %get3A_699 : vector<1x1x16x512xf32> to vector<16x512xf32>
    %exp3A_701 = math.exp %get3A_700 : vector<16x512xf32>
    %add3A_702 = arith.addf %broadcast_in_dim3A_692, %exp3A_701 : vector<16x512xf32>
    %eq3A_703 = arith.constant 0 : i32
    %eq3A_704 = vector.broadcast %eq3A_703 : i32 to vector<16x512xi32>
    %eq3A_705 = arith.cmpi eq, %min3A_690, %eq3A_704 : vector<16x512xi32>
    %jit3A_706 = arith.constant 0.000000e+00 : f32
    %broadcast_in_dim3A_707 = vector.broadcast %jit3A_706 : f32 to vector<16x512xf32>
    %select_n3A_708 = arith.select %eq3A_705, %get3A_700, %broadcast_in_dim3A_707 : vector<16x512xi1>, vector<16x512xf32>
    %add3A_709 = arith.addf %broadcast_in_dim3A_694, %select_n3A_708 : vector<16x512xf32>
    %get3A_710 = arith.constant 0 : index
    %get3A_711 = arith.constant 1 : index
    %get3A_712 = arith.constant 32 : index
    %get3A_713 = arith.constant 0 : index
    %get3A_714 = vector.load %arg2[%get3A_710, %get3A_711, %get3A_712, %get3A_713] : memref<1x19x256x512xf32, #tpu.memory_space<vmem>>, vector<1x1x16x512xf32>
    %get3A_715 = vector.shape_cast %get3A_714 : vector<1x1x16x512xf32> to vector<16x512xf32>
    %exp3A_716 = math.exp %get3A_715 : vector<16x512xf32>
    %add3A_717 = arith.addf %add3A_702, %exp3A_716 : vector<16x512xf32>
    %eq3A_718 = arith.constant 1 : i32
    %eq3A_719 = vector.broadcast %eq3A_718 : i32 to vector<16x512xi32>
    %eq3A_720 = arith.cmpi eq, %min3A_690, %eq3A_719 : vector<16x512xi32>
    %jit3A_721 = arith.constant 0.000000e+00 : f32
    %broadcast_in_dim3A_722 = vector.broadcast %jit3A_721 : f32 to vector<16x512xf32>
    %select_n3A_723 = arith.select %eq3A_720, %get3A_715, %broadcast_in_dim3A_722 : vector<16x512xi1>, vector<16x512xf32>
    %add3A_724 = arith.addf %add3A_709, %select_n3A_723 : vector<16x512xf32>
    %get3A_725 = arith.constant 0 : index
    %get3A_726 = arith.constant 2 : index
    %get3A_727 = arith.constant 32 : index
    %get3A_728 = arith.constant 0 : index
    %get3A_729 = vector.load %arg2[%get3A_725, %get3A_726, %get3A_727, %get3A_728] : memref<1x19x256x512xf32, #tpu.memory_space<vmem>>, vector<1x1x16x512xf32>
    %get3A_730 = vector.shape_cast %get3A_729 : vector<1x1x16x512xf32> to vector<16x512xf32>
    %exp3A_731 = math.exp %get3A_730 : vector<16x512xf32>
    %add3A_732 = arith.addf %add3A_717, %exp3A_731 : vector<16x512xf32>
    %eq3A_733 = arith.constant 2 : i32
    %eq3A_734 = vector.broadcast %eq3A_733 : i32 to vector<16x512xi32>
    %eq3A_735 = arith.cmpi eq, %min3A_690, %eq3A_734 : vector<16x512xi32>
    %jit3A_736 = arith.constant 0.000000e+00 : f32
    %broadcast_in_dim3A_737 = vector.broadcast %jit3A_736 : f32 to vector<16x512xf32>
    %select_n3A_738 = arith.select %eq3A_735, %get3A_730, %broadcast_in_dim3A_737 : vector<16x512xi1>, vector<16x512xf32>
    %add3A_739 = arith.addf %add3A_724, %select_n3A_738 : vector<16x512xf32>
    %get3A_740 = arith.constant 0 : index
    %get3A_741 = arith.constant 3 : index
    %get3A_742 = arith.constant 32 : index
    %get3A_743 = arith.constant 0 : index
    %get3A_744 = vector.load %arg2[%get3A_740, %get3A_741, %get3A_742, %get3A_743] : memref<1x19x256x512xf32, #tpu.memory_space<vmem>>, vector<1x1x16x512xf32>
    %get3A_745 = vector.shape_cast %get3A_744 : vector<1x1x16x512xf32> to vector<16x512xf32>
    %exp3A_746 = math.exp %get3A_745 : vector<16x512xf32>
    %add3A_747 = arith.addf %add3A_732, %exp3A_746 : vector<16x512xf32>
    %eq3A_748 = arith.constant 3 : i32
    %eq3A_749 = vector.broadcast %eq3A_748 : i32 to vector<16x512xi32>
    %eq3A_750 = arith.cmpi eq, %min3A_690, %eq3A_749 : vector<16x512xi32>
    %jit3A_751 = arith.constant 0.000000e+00 : f32
    %broadcast_in_dim3A_752 = vector.broadcast %jit3A_751 : f32 to vector<16x512xf32>
    %select_n3A_753 = arith.select %eq3A_750, %get3A_745, %broadcast_in_dim3A_752 : vector<16x512xi1>, vector<16x512xf32>
    %add3A_754 = arith.addf %add3A_739, %select_n3A_753 : vector<16x512xf32>
    %get3A_755 = arith.constant 0 : index
    %get3A_756 = arith.constant 4 : index
    %get3A_757 = arith.constant 32 : index
    %get3A_758 = arith.constant 0 : index
    %get3A_759 = vector.load %arg2[%get3A_755, %get3A_756, %get3A_757, %get3A_758] : memref<1x19x256x512xf32, #tpu.memory_space<vmem>>, vector<1x1x16x512xf32>
    %get3A_760 = vector.shape_cast %get3A_759 : vector<1x1x16x512xf32> to vector<16x512xf32>
    %exp3A_761 = math.exp %get3A_760 : vector<16x512xf32>
    %add3A_762 = arith.addf %add3A_747, %exp3A_761 : vector<16x512xf32>
    %eq3A_763 = arith.constant 4 : i32
    %eq3A_764 = vector.broadcast %eq3A_763 : i32 to vector<16x512xi32>
    %eq3A_765 = arith.cmpi eq, %min3A_690, %eq3A_764 : vector<16x512xi32>
    %jit3A_766 = arith.constant 0.000000e+00 : f32
    %broadcast_in_dim3A_767 = vector.broadcast %jit3A_766 : f32 to vector<16x512xf32>
    %select_n3A_768 = arith.select %eq3A_765, %get3A_760, %broadcast_in_dim3A_767 : vector<16x512xi1>, vector<16x512xf32>
    %add3A_769 = arith.addf %add3A_754, %select_n3A_768 : vector<16x512xf32>
    %get3A_770 = arith.constant 0 : index
    %get3A_771 = arith.constant 5 : index
    %get3A_772 = arith.constant 32 : index
    %get3A_773 = arith.constant 0 : index
    %get3A_774 = vector.load %arg2[%get3A_770, %get3A_771, %get3A_772, %get3A_773] : memref<1x19x256x512xf32, #tpu.memory_space<vmem>>, vector<1x1x16x512xf32>
    %get3A_775 = vector.shape_cast %get3A_774 : vector<1x1x16x512xf32> to vector<16x512xf32>
    %exp3A_776 = math.exp %get3A_775 : vector<16x512xf32>
    %add3A_777 = arith.addf %add3A_762, %exp3A_776 : vector<16x512xf32>
    %eq3A_778 = arith.constant 5 : i32
    %eq3A_779 = vector.broadcast %eq3A_778 : i32 to vector<16x512xi32>
    %eq3A_780 = arith.cmpi eq, %min3A_690, %eq3A_779 : vector<16x512xi32>
    %jit3A_781 = arith.constant 0.000000e+00 : f32
    %broadcast_in_dim3A_782 = vector.broadcast %jit3A_781 : f32 to vector<16x512xf32>
    %select_n3A_783 = arith.select %eq3A_780, %get3A_775, %broadcast_in_dim3A_782 : vector<16x512xi1>, vector<16x512xf32>
    %add3A_784 = arith.addf %add3A_769, %select_n3A_783 : vector<16x512xf32>
    %get3A_785 = arith.constant 0 : index
    %get3A_786 = arith.constant 6 : index
    %get3A_787 = arith.constant 32 : index
    %get3A_788 = arith.constant 0 : index
    %get3A_789 = vector.load %arg2[%get3A_785, %get3A_786, %get3A_787, %get3A_788] : memref<1x19x256x512xf32, #tpu.memory_space<vmem>>, vector<1x1x16x512xf32>
    %get3A_790 = vector.shape_cast %get3A_789 : vector<1x1x16x512xf32> to vector<16x512xf32>
    %exp3A_791 = math.exp %get3A_790 : vector<16x512xf32>
    %add3A_792 = arith.addf %add3A_777, %exp3A_791 : vector<16x512xf32>
    %eq3A_793 = arith.constant 6 : i32
    %eq3A_794 = vector.broadcast %eq3A_793 : i32 to vector<16x512xi32>
    %eq3A_795 = arith.cmpi eq, %min3A_690, %eq3A_794 : vector<16x512xi32>
    %jit3A_796 = arith.constant 0.000000e+00 : f32
    %broadcast_in_dim3A_797 = vector.broadcast %jit3A_796 : f32 to vector<16x512xf32>
    %select_n3A_798 = arith.select %eq3A_795, %get3A_790, %broadcast_in_dim3A_797 : vector<16x512xi1>, vector<16x512xf32>
    %add3A_799 = arith.addf %add3A_784, %select_n3A_798 : vector<16x512xf32>
    %get3A_800 = arith.constant 0 : index
    %get3A_801 = arith.constant 7 : index
    %get3A_802 = arith.constant 32 : index
    %get3A_803 = arith.constant 0 : index
    %get3A_804 = vector.load %arg2[%get3A_800, %get3A_801, %get3A_802, %get3A_803] : memref<1x19x256x512xf32, #tpu.memory_space<vmem>>, vector<1x1x16x512xf32>
    %get3A_805 = vector.shape_cast %get3A_804 : vector<1x1x16x512xf32> to vector<16x512xf32>
    %exp3A_806 = math.exp %get3A_805 : vector<16x512xf32>
    %add3A_807 = arith.addf %add3A_792, %exp3A_806 : vector<16x512xf32>
    %eq3A_808 = arith.constant 7 : i32
    %eq3A_809 = vector.broadcast %eq3A_808 : i32 to vector<16x512xi32>
    %eq3A_810 = arith.cmpi eq, %min3A_690, %eq3A_809 : vector<16x512xi32>
    %jit3A_811 = arith.constant 0.000000e+00 : f32
    %broadcast_in_dim3A_812 = vector.broadcast %jit3A_811 : f32 to vector<16x512xf32>
    %select_n3A_813 = arith.select %eq3A_810, %get3A_805, %broadcast_in_dim3A_812 : vector<16x512xi1>, vector<16x512xf32>
    %add3A_814 = arith.addf %add3A_799, %select_n3A_813 : vector<16x512xf32>
    %get3A_815 = arith.constant 0 : index
    %get3A_816 = arith.constant 8 : index
    %get3A_817 = arith.constant 32 : index
    %get3A_818 = arith.constant 0 : index
    %get3A_819 = vector.load %arg2[%get3A_815, %get3A_816, %get3A_817, %get3A_818] : memref<1x19x256x512xf32, #tpu.memory_space<vmem>>, vector<1x1x16x512xf32>
    %get3A_820 = vector.shape_cast %get3A_819 : vector<1x1x16x512xf32> to vector<16x512xf32>
    %exp3A_821 = math.exp %get3A_820 : vector<16x512xf32>
    %add3A_822 = arith.addf %add3A_807, %exp3A_821 : vector<16x512xf32>
    %eq3A_823 = arith.constant 8 : i32
    %eq3A_824 = vector.broadcast %eq3A_823 : i32 to vector<16x512xi32>
    %eq3A_825 = arith.cmpi eq, %min3A_690, %eq3A_824 : vector<16x512xi32>
    %jit3A_826 = arith.constant 0.000000e+00 : f32
    %broadcast_in_dim3A_827 = vector.broadcast %jit3A_826 : f32 to vector<16x512xf32>
    %select_n3A_828 = arith.select %eq3A_825, %get3A_820, %broadcast_in_dim3A_827 : vector<16x512xi1>, vector<16x512xf32>
    %add3A_829 = arith.addf %add3A_814, %select_n3A_828 : vector<16x512xf32>
    %get3A_830 = arith.constant 0 : index
    %get3A_831 = arith.constant 9 : index
    %get3A_832 = arith.constant 32 : index
    %get3A_833 = arith.constant 0 : index
    %get3A_834 = vector.load %arg2[%get3A_830, %get3A_831, %get3A_832, %get3A_833] : memref<1x19x256x512xf32, #tpu.memory_space<vmem>>, vector<1x1x16x512xf32>
    %get3A_835 = vector.shape_cast %get3A_834 : vector<1x1x16x512xf32> to vector<16x512xf32>
    %exp3A_836 = math.exp %get3A_835 : vector<16x512xf32>
    %add3A_837 = arith.addf %add3A_822, %exp3A_836 : vector<16x512xf32>
    %eq3A_838 = arith.constant 9 : i32
    %eq3A_839 = vector.broadcast %eq3A_838 : i32 to vector<16x512xi32>
    %eq3A_840 = arith.cmpi eq, %min3A_690, %eq3A_839 : vector<16x512xi32>
    %jit3A_841 = arith.constant 0.000000e+00 : f32
    %broadcast_in_dim3A_842 = vector.broadcast %jit3A_841 : f32 to vector<16x512xf32>
    %select_n3A_843 = arith.select %eq3A_840, %get3A_835, %broadcast_in_dim3A_842 : vector<16x512xi1>, vector<16x512xf32>
    %add3A_844 = arith.addf %add3A_829, %select_n3A_843 : vector<16x512xf32>
    %get3A_845 = arith.constant 0 : index
    %get3A_846 = arith.constant 10 : index
    %get3A_847 = arith.constant 32 : index
    %get3A_848 = arith.constant 0 : index
    %get3A_849 = vector.load %arg2[%get3A_845, %get3A_846, %get3A_847, %get3A_848] : memref<1x19x256x512xf32, #tpu.memory_space<vmem>>, vector<1x1x16x512xf32>
    %get3A_850 = vector.shape_cast %get3A_849 : vector<1x1x16x512xf32> to vector<16x512xf32>
    %exp3A_851 = math.exp %get3A_850 : vector<16x512xf32>
    %add3A_852 = arith.addf %add3A_837, %exp3A_851 : vector<16x512xf32>
    %eq3A_853 = arith.constant 10 : i32
    %eq3A_854 = vector.broadcast %eq3A_853 : i32 to vector<16x512xi32>
    %eq3A_855 = arith.cmpi eq, %min3A_690, %eq3A_854 : vector<16x512xi32>
    %jit3A_856 = arith.constant 0.000000e+00 : f32
    %broadcast_in_dim3A_857 = vector.broadcast %jit3A_856 : f32 to vector<16x512xf32>
    %select_n3A_858 = arith.select %eq3A_855, %get3A_850, %broadcast_in_dim3A_857 : vector<16x512xi1>, vector<16x512xf32>
    %add3A_859 = arith.addf %add3A_844, %select_n3A_858 : vector<16x512xf32>
    %get3A_860 = arith.constant 0 : index
    %get3A_861 = arith.constant 11 : index
    %get3A_862 = arith.constant 32 : index
    %get3A_863 = arith.constant 0 : index
    %get3A_864 = vector.load %arg2[%get3A_860, %get3A_861, %get3A_862, %get3A_863] : memref<1x19x256x512xf32, #tpu.memory_space<vmem>>, vector<1x1x16x512xf32>
    %get3A_865 = vector.shape_cast %get3A_864 : vector<1x1x16x512xf32> to vector<16x512xf32>
    %exp3A_866 = math.exp %get3A_865 : vector<16x512xf32>
    %add3A_867 = arith.addf %add3A_852, %exp3A_866 : vector<16x512xf32>
    %eq3A_868 = arith.constant 11 : i32
    %eq3A_869 = vector.broadcast %eq3A_868 : i32 to vector<16x512xi32>
    %eq3A_870 = arith.cmpi eq, %min3A_690, %eq3A_869 : vector<16x512xi32>
    %jit3A_871 = arith.constant 0.000000e+00 : f32
    %broadcast_in_dim3A_872 = vector.broadcast %jit3A_871 : f32 to vector<16x512xf32>
    %select_n3A_873 = arith.select %eq3A_870, %get3A_865, %broadcast_in_dim3A_872 : vector<16x512xi1>, vector<16x512xf32>
    %add3A_874 = arith.addf %add3A_859, %select_n3A_873 : vector<16x512xf32>
    %get3A_875 = arith.constant 0 : index
    %get3A_876 = arith.constant 12 : index
    %get3A_877 = arith.constant 32 : index
    %get3A_878 = arith.constant 0 : index
    %get3A_879 = vector.load %arg2[%get3A_875, %get3A_876, %get3A_877, %get3A_878] : memref<1x19x256x512xf32, #tpu.memory_space<vmem>>, vector<1x1x16x512xf32>
    %get3A_880 = vector.shape_cast %get3A_879 : vector<1x1x16x512xf32> to vector<16x512xf32>
    %exp3A_881 = math.exp %get3A_880 : vector<16x512xf32>
    %add3A_882 = arith.addf %add3A_867, %exp3A_881 : vector<16x512xf32>
    %eq3A_883 = arith.constant 12 : i32
    %eq3A_884 = vector.broadcast %eq3A_883 : i32 to vector<16x512xi32>
    %eq3A_885 = arith.cmpi eq, %min3A_690, %eq3A_884 : vector<16x512xi32>
    %jit3A_886 = arith.constant 0.000000e+00 : f32
    %broadcast_in_dim3A_887 = vector.broadcast %jit3A_886 : f32 to vector<16x512xf32>
    %select_n3A_888 = arith.select %eq3A_885, %get3A_880, %broadcast_in_dim3A_887 : vector<16x512xi1>, vector<16x512xf32>
    %add3A_889 = arith.addf %add3A_874, %select_n3A_888 : vector<16x512xf32>
    %get3A_890 = arith.constant 0 : index
    %get3A_891 = arith.constant 13 : index
    %get3A_892 = arith.constant 32 : index
    %get3A_893 = arith.constant 0 : index
    %get3A_894 = vector.load %arg2[%get3A_890, %get3A_891, %get3A_892, %get3A_893] : memref<1x19x256x512xf32, #tpu.memory_space<vmem>>, vector<1x1x16x512xf32>
    %get3A_895 = vector.shape_cast %get3A_894 : vector<1x1x16x512xf32> to vector<16x512xf32>
    %exp3A_896 = math.exp %get3A_895 : vector<16x512xf32>
    %add3A_897 = arith.addf %add3A_882, %exp3A_896 : vector<16x512xf32>
    %eq3A_898 = arith.constant 13 : i32
    %eq3A_899 = vector.broadcast %eq3A_898 : i32 to vector<16x512xi32>
    %eq3A_900 = arith.cmpi eq, %min3A_690, %eq3A_899 : vector<16x512xi32>
    %jit3A_901 = arith.constant 0.000000e+00 : f32
    %broadcast_in_dim3A_902 = vector.broadcast %jit3A_901 : f32 to vector<16x512xf32>
    %select_n3A_903 = arith.select %eq3A_900, %get3A_895, %broadcast_in_dim3A_902 : vector<16x512xi1>, vector<16x512xf32>
    %add3A_904 = arith.addf %add3A_889, %select_n3A_903 : vector<16x512xf32>
    %get3A_905 = arith.constant 0 : index
    %get3A_906 = arith.constant 14 : index
    %get3A_907 = arith.constant 32 : index
    %get3A_908 = arith.constant 0 : index
    %get3A_909 = vector.load %arg2[%get3A_905, %get3A_906, %get3A_907, %get3A_908] : memref<1x19x256x512xf32, #tpu.memory_space<vmem>>, vector<1x1x16x512xf32>
    %get3A_910 = vector.shape_cast %get3A_909 : vector<1x1x16x512xf32> to vector<16x512xf32>
    %exp3A_911 = math.exp %get3A_910 : vector<16x512xf32>
    %add3A_912 = arith.addf %add3A_897, %exp3A_911 : vector<16x512xf32>
    %eq3A_913 = arith.constant 14 : i32
    %eq3A_914 = vector.broadcast %eq3A_913 : i32 to vector<16x512xi32>
    %eq3A_915 = arith.cmpi eq, %min3A_690, %eq3A_914 : vector<16x512xi32>
    %jit3A_916 = arith.constant 0.000000e+00 : f32
    %broadcast_in_dim3A_917 = vector.broadcast %jit3A_916 : f32 to vector<16x512xf32>
    %select_n3A_918 = arith.select %eq3A_915, %get3A_910, %broadcast_in_dim3A_917 : vector<16x512xi1>, vector<16x512xf32>
    %add3A_919 = arith.addf %add3A_904, %select_n3A_918 : vector<16x512xf32>
    %get3A_920 = arith.constant 0 : index
    %get3A_921 = arith.constant 15 : index
    %get3A_922 = arith.constant 32 : index
    %get3A_923 = arith.constant 0 : index
    %get3A_924 = vector.load %arg2[%get3A_920, %get3A_921, %get3A_922, %get3A_923] : memref<1x19x256x512xf32, #tpu.memory_space<vmem>>, vector<1x1x16x512xf32>
    %get3A_925 = vector.shape_cast %get3A_924 : vector<1x1x16x512xf32> to vector<16x512xf32>
    %exp3A_926 = math.exp %get3A_925 : vector<16x512xf32>
    %add3A_927 = arith.addf %add3A_912, %exp3A_926 : vector<16x512xf32>
    %eq3A_928 = arith.constant 15 : i32
    %eq3A_929 = vector.broadcast %eq3A_928 : i32 to vector<16x512xi32>
    %eq3A_930 = arith.cmpi eq, %min3A_690, %eq3A_929 : vector<16x512xi32>
    %jit3A_931 = arith.constant 0.000000e+00 : f32
    %broadcast_in_dim3A_932 = vector.broadcast %jit3A_931 : f32 to vector<16x512xf32>
    %select_n3A_933 = arith.select %eq3A_930, %get3A_925, %broadcast_in_dim3A_932 : vector<16x512xi1>, vector<16x512xf32>
    %add3A_934 = arith.addf %add3A_919, %select_n3A_933 : vector<16x512xf32>
    %get3A_935 = arith.constant 0 : index
    %get3A_936 = arith.constant 16 : index
    %get3A_937 = arith.constant 32 : index
    %get3A_938 = arith.constant 0 : index
    %get3A_939 = vector.load %arg2[%get3A_935, %get3A_936, %get3A_937, %get3A_938] : memref<1x19x256x512xf32, #tpu.memory_space<vmem>>, vector<1x1x16x512xf32>
    %get3A_940 = vector.shape_cast %get3A_939 : vector<1x1x16x512xf32> to vector<16x512xf32>
    %exp3A_941 = math.exp %get3A_940 : vector<16x512xf32>
    %add3A_942 = arith.addf %add3A_927, %exp3A_941 : vector<16x512xf32>
    %eq3A_943 = arith.constant 16 : i32
    %eq3A_944 = vector.broadcast %eq3A_943 : i32 to vector<16x512xi32>
    %eq3A_945 = arith.cmpi eq, %min3A_690, %eq3A_944 : vector<16x512xi32>
    %jit3A_946 = arith.constant 0.000000e+00 : f32
    %broadcast_in_dim3A_947 = vector.broadcast %jit3A_946 : f32 to vector<16x512xf32>
    %select_n3A_948 = arith.select %eq3A_945, %get3A_940, %broadcast_in_dim3A_947 : vector<16x512xi1>, vector<16x512xf32>
    %add3A_949 = arith.addf %add3A_934, %select_n3A_948 : vector<16x512xf32>
    %get3A_950 = arith.constant 0 : index
    %get3A_951 = arith.constant 17 : index
    %get3A_952 = arith.constant 32 : index
    %get3A_953 = arith.constant 0 : index
    %get3A_954 = vector.load %arg2[%get3A_950, %get3A_951, %get3A_952, %get3A_953] : memref<1x19x256x512xf32, #tpu.memory_space<vmem>>, vector<1x1x16x512xf32>
    %get3A_955 = vector.shape_cast %get3A_954 : vector<1x1x16x512xf32> to vector<16x512xf32>
    %exp3A_956 = math.exp %get3A_955 : vector<16x512xf32>
    %add3A_957 = arith.addf %add3A_942, %exp3A_956 : vector<16x512xf32>
    %eq3A_958 = arith.constant 17 : i32
    %eq3A_959 = vector.broadcast %eq3A_958 : i32 to vector<16x512xi32>
    %eq3A_960 = arith.cmpi eq, %min3A_690, %eq3A_959 : vector<16x512xi32>
    %jit3A_961 = arith.constant 0.000000e+00 : f32
    %broadcast_in_dim3A_962 = vector.broadcast %jit3A_961 : f32 to vector<16x512xf32>
    %select_n3A_963 = arith.select %eq3A_960, %get3A_955, %broadcast_in_dim3A_962 : vector<16x512xi1>, vector<16x512xf32>
    %add3A_964 = arith.addf %add3A_949, %select_n3A_963 : vector<16x512xf32>
    %get3A_965 = arith.constant 0 : index
    %get3A_966 = arith.constant 18 : index
    %get3A_967 = arith.constant 32 : index
    %get3A_968 = arith.constant 0 : index
    %get3A_969 = vector.load %arg2[%get3A_965, %get3A_966, %get3A_967, %get3A_968] : memref<1x19x256x512xf32, #tpu.memory_space<vmem>>, vector<1x1x16x512xf32>
    %get3A_970 = vector.shape_cast %get3A_969 : vector<1x1x16x512xf32> to vector<16x512xf32>
    %exp3A_971 = math.exp %get3A_970 : vector<16x512xf32>
    %add3A_972 = arith.addf %add3A_957, %exp3A_971 : vector<16x512xf32>
    %eq3A_973 = arith.constant 18 : i32
    %eq3A_974 = vector.broadcast %eq3A_973 : i32 to vector<16x512xi32>
    %eq3A_975 = arith.cmpi eq, %min3A_690, %eq3A_974 : vector<16x512xi32>
    %jit3A_976 = arith.constant 0.000000e+00 : f32
    %broadcast_in_dim3A_977 = vector.broadcast %jit3A_976 : f32 to vector<16x512xf32>
    %select_n3A_978 = arith.select %eq3A_975, %get3A_970, %broadcast_in_dim3A_977 : vector<16x512xi1>, vector<16x512xf32>
    %add3A_979 = arith.addf %add3A_964, %select_n3A_978 : vector<16x512xf32>
    %log3A_980 = math.log %add3A_972 : vector<16x512xf32>
    %sub3A_981 = arith.subf %log3A_980, %add3A_979 : vector<16x512xf32>
    %ne3A_982 = arith.constant 255 : i32
    %ne3A_983 = vector.broadcast %ne3A_982 : i32 to vector<16x512xi32>
    %ne3A_984 = arith.cmpi ne, %get3A_684, %ne3A_983 : vector<16x512xi32>
    %jit3A_985 = arith.constant 0.000000e+00 : f32
    %broadcast_in_dim3A_986 = vector.broadcast %jit3A_985 : f32 to vector<16x512xf32>
    %select_n3A_987 = arith.select %ne3A_984, %sub3A_981, %broadcast_in_dim3A_986 : vector<16x512xi1>, vector<16x512xf32>
    %swap3A_988 = arith.constant 0 : index
    %swap3A_989 = arith.constant 32 : index
    %swap3A_990 = arith.constant 0 : index
    %swap3A_991 = vector.load %arg4[%swap3A_988, %swap3A_989, %swap3A_990] : memref<1x256x512xf32, #tpu.memory_space<vmem>>, vector<1x16x512xf32>
    %swap3A_992 = vector.shape_cast %swap3A_991 : vector<1x16x512xf32> to vector<16x512xf32>
    %swap3A_993 = vector.shape_cast %select_n3A_987 : vector<16x512xf32> to vector<1x16x512xf32>
    tpu.vector_store %arg4[%swap3A_988, %swap3A_989, %swap3A_990], %swap3A_993 {strides = array<i32>} : memref<1x256x512xf32, #tpu.memory_space<vmem>>, vector<1x16x512xf32>,
    %gt3A_994 = arith.constant 0.356674939 : f32
    %gt3A_995 = vector.broadcast %gt3A_994 : f32 to vector<16x512xf32>
    %gt3A_996 = arith.cmpf ogt, %select_n3A_987, %gt3A_995 : vector<16x512xf32>
    %get3A_997 = arith.constant 0 : index
    %get3A_998 = arith.constant 0 : index
    %get3A_999 = memref.load %arg5[%get3A_997, %get3A_998] : memref<1x1xi32, #tpu.memory_space<smem>>
    %convert_element_type3A_1000 = arith.extui %gt3A_996 : vector<16x512xi1> to vector<16x512xi32>
    %reduce_sum3A_1001 = vector.shape_cast %convert_element_type3A_1000 : vector<16x512xi32> to vector<1x16x512xi32>
    %reduce_sum3A_1002 = arith.constant dense<0> : vector<1xi32>
    %reduce_sum3A_1003 = vector.multi_reduction <add>, %reduce_sum3A_1001, %reduce_sum3A_1002 [1, 2] : vector<1x16x512xi32> to vector<1xi32>
    %reduce_sum3A_1004 = vector.shape_cast %reduce_sum3A_1003 : vector<1xi32> to vector<1x1x1xi32>
    %reduce_sum3A_1005 = vector.extract %reduce_sum3A_1004[0, 0, 0] : i32 from vector<1x1x1xi32>
    %add3A_1006 = arith.addi %get3A_999, %reduce_sum3A_1005 : i32
    %swap3A_1007 = arith.constant 0 : index
    %swap3A_1008 = arith.constant 0 : index
    %swap3A_1009 = memref.load %arg5[%swap3A_1007, %swap3A_1008] : memref<1x1xi32, #tpu.memory_space<smem>>
    memref.store %add3A_1006, %arg5[%swap3A_1007, %swap3A_1008] : memref<1x1xi32, #tpu.memory_space<smem>>
    %get3A_1010 = arith.constant 0 : index
    %get3A_1011 = arith.constant 0 : index
    %get3A_1012 = memref.load %arg6[%get3A_1010, %get3A_1011] : memref<1x1xf32, #tpu.memory_space<smem>>
    %jit3A_1013 = arith.constant 0.000000e+00 : f32
    %broadcast_in_dim3A_1014 = vector.broadcast %jit3A_1013 : f32 to vector<16x512xf32>
    %select_n3A_1015 = arith.select %gt3A_996, %select_n3A_987, %broadcast_in_dim3A_1014 : vector<16x512xi1>, vector<16x512xf32>
    %reduce_sum3A_1016 = vector.shape_cast %select_n3A_1015 : vector<16x512xf32> to vector<1x16x512xf32>
    %reduce_sum3A_1017 = arith.constant dense<0.000000e+00> : vector<1xf32>
    %reduce_sum3A_1018 = vector.multi_reduction <add>, %reduce_sum3A_1016, %reduce_sum3A_1017 [1, 2] : vector<1x16x512xf32> to vector<1xf32>
    %reduce_sum3A_1019 = vector.shape_cast %reduce_sum3A_1018 : vector<1xf32> to vector<1x1x1xf32>
    %reduce_sum3A_1020 = vector.extract %reduce_sum3A_1019[0, 0, 0] : f32 from vector<1x1x1xf32>
    %add3A_1021 = arith.addf %get3A_1012, %reduce_sum3A_1020 : f32
    %swap3A_1022 = arith.constant 0 : index
    %swap3A_1023 = arith.constant 0 : index
    %swap3A_1024 = memref.load %arg6[%swap3A_1022, %swap3A_1023] : memref<1x1xf32, #tpu.memory_space<smem>>
    memref.store %add3A_1021, %arg6[%swap3A_1022, %swap3A_1023] : memref<1x1xf32, #tpu.memory_space<smem>>
    %get3A_1025 = arith.constant 0 : index
    %get3A_1026 = arith.constant 48 : index
    %get3A_1027 = arith.constant 0 : index
    %get3A_1028 = vector.load %arg3[%get3A_1025, %get3A_1026, %get3A_1027] : memref<1x256x512xi32, #tpu.memory_space<vmem>>, vector<1x16x512xi32>
    %get3A_1029 = vector.shape_cast %get3A_1028 : vector<1x16x512xi32> to vector<16x512xi32>
    %jit3A_1030 = arith.constant 0 : i32
    %jit3A_1031 = arith.constant 18 : i32
    %max3A_1032 = vector.broadcast %jit3A_1030 : i32 to vector<16x512xi32>
    %max3A_1033 = arith.maxsi %max3A_1032, %get3A_1029 : vector<16x512xi32>
    %min3A_1034 = vector.broadcast %jit3A_1031 : i32 to vector<16x512xi32>
    %min3A_1035 = arith.minsi %min3A_1034, %max3A_1033 : vector<16x512xi32>
    %broadcast_in_dim3A_1036 = arith.constant 0.000000e+00 : f32
    %broadcast_in_dim3A_1037 = vector.broadcast %broadcast_in_dim3A_1036 : f32 to vector<16x512xf32>
    %broadcast_in_dim3A_1038 = arith.constant 0.000000e+00 : f32
    %broadcast_in_dim3A_1039 = vector.broadcast %broadcast_in_dim3A_1038 : f32 to vector<16x512xf32>
    %get3A_1040 = arith.constant 0 : index
    %get3A_1041 = arith.constant 0 : index
    %get3A_1042 = arith.constant 48 : index
    %get3A_1043 = arith.constant 0 : index
    %get3A_1044 = vector.load %arg2[%get3A_1040, %get3A_1041, %get3A_1042, %get3A_1043] : memref<1x19x256x512xf32, #tpu.memory_space<vmem>>, vector<1x1x16x512xf32>
    %get3A_1045 = vector.shape_cast %get3A_1044 : vector<1x1x16x512xf32> to vector<16x512xf32>
    %exp3A_1046 = math.exp %get3A_1045 : vector<16x512xf32>
    %add3A_1047 = arith.addf %broadcast_in_dim3A_1037, %exp3A_1046 : vector<16x512xf32>
    %eq3A_1048 = arith.constant 0 : i32
    %eq3A_1049 = vector.broadcast %eq3A_1048 : i32 to vector<16x512xi32>
    %eq3A_1050 = arith.cmpi eq, %min3A_1035, %eq3A_1049 : vector<16x512xi32>
    %jit3A_1051 = arith.constant 0.000000e+00 : f32
    %broadcast_in_dim3A_1052 = vector.broadcast %jit3A_1051 : f32 to vector<16x512xf32>
    %select_n3A_1053 = arith.select %eq3A_1050, %get3A_1045, %broadcast_in_dim3A_1052 : vector<16x512xi1>, vector<16x512xf32>
    %add3A_1054 = arith.addf %broadcast_in_dim3A_1039, %select_n3A_1053 : vector<16x512xf32>
    %get3A_1055 = arith.constant 0 : index
    %get3A_1056 = arith.constant 1 : index
    %get3A_1057 = arith.constant 48 : index
    %get3A_1058 = arith.constant 0 : index
    %get3A_1059 = vector.load %arg2[%get3A_1055, %get3A_1056, %get3A_1057, %get3A_1058] : memref<1x19x256x512xf32, #tpu.memory_space<vmem>>, vector<1x1x16x512xf32>
    %get3A_1060 = vector.shape_cast %get3A_1059 : vector<1x1x16x512xf32> to vector<16x512xf32>
    %exp3A_1061 = math.exp %get3A_1060 : vector<16x512xf32>
    %add3A_1062 = arith.addf %add3A_1047, %exp3A_1061 : vector<16x512xf32>
    %eq3A_1063 = arith.constant 1 : i32
    %eq3A_1064 = vector.broadcast %eq3A_1063 : i32 to vector<16x512xi32>
    %eq3A_1065 = arith.cmpi eq, %min3A_1035, %eq3A_1064 : vector<16x512xi32>
    %jit3A_1066 = arith.constant 0.000000e+00 : f32
    %broadcast_in_dim3A_1067 = vector.broadcast %jit3A_1066 : f32 to vector<16x512xf32>
    %select_n3A_1068 = arith.select %eq3A_1065, %get3A_1060, %broadcast_in_dim3A_1067 : vector<16x512xi1>, vector<16x512xf32>
    %add3A_1069 = arith.addf %add3A_1054, %select_n3A_1068 : vector<16x512xf32>
    %get3A_1070 = arith.constant 0 : index
    %get3A_1071 = arith.constant 2 : index
    %get3A_1072 = arith.constant 48 : index
    %get3A_1073 = arith.constant 0 : index
    %get3A_1074 = vector.load %arg2[%get3A_1070, %get3A_1071, %get3A_1072, %get3A_1073] : memref<1x19x256x512xf32, #tpu.memory_space<vmem>>, vector<1x1x16x512xf32>
    %get3A_1075 = vector.shape_cast %get3A_1074 : vector<1x1x16x512xf32> to vector<16x512xf32>
    %exp3A_1076 = math.exp %get3A_1075 : vector<16x512xf32>
    %add3A_1077 = arith.addf %add3A_1062, %exp3A_1076 : vector<16x512xf32>
    %eq3A_1078 = arith.constant 2 : i32
    %eq3A_1079 = vector.broadcast %eq3A_1078 : i32 to vector<16x512xi32>
    %eq3A_1080 = arith.cmpi eq, %min3A_1035, %eq3A_1079 : vector<16x512xi32>
    %jit3A_1081 = arith.constant 0.000000e+00 : f32
    %broadcast_in_dim3A_1082 = vector.broadcast %jit3A_1081 : f32 to vector<16x512xf32>
    %select_n3A_1083 = arith.select %eq3A_1080, %get3A_1075, %broadcast_in_dim3A_1082 : vector<16x512xi1>, vector<16x512xf32>
    %add3A_1084 = arith.addf %add3A_1069, %select_n3A_1083 : vector<16x512xf32>
    %get3A_1085 = arith.constant 0 : index
    %get3A_1086 = arith.constant 3 : index
    %get3A_1087 = arith.constant 48 : index
    %get3A_1088 = arith.constant 0 : index
    %get3A_1089 = vector.load %arg2[%get3A_1085, %get3A_1086, %get3A_1087, %get3A_1088] : memref<1x19x256x512xf32, #tpu.memory_space<vmem>>, vector<1x1x16x512xf32>
    %get3A_1090 = vector.shape_cast %get3A_1089 : vector<1x1x16x512xf32> to vector<16x512xf32>
    %exp3A_1091 = math.exp %get3A_1090 : vector<16x512xf32>
    %add3A_1092 = arith.addf %add3A_1077, %exp3A_1091 : vector<16x512xf32>
    %eq3A_1093 = arith.constant 3 : i32
    %eq3A_1094 = vector.broadcast %eq3A_1093 : i32 to vector<16x512xi32>
    %eq3A_1095 = arith.cmpi eq, %min3A_1035, %eq3A_1094 : vector<16x512xi32>
    %jit3A_1096 = arith.constant 0.000000e+00 : f32
    %broadcast_in_dim3A_1097 = vector.broadcast %jit3A_1096 : f32 to vector<16x512xf32>
    %select_n3A_1098 = arith.select %eq3A_1095, %get3A_1090, %broadcast_in_dim3A_1097 : vector<16x512xi1>, vector<16x512xf32>
    %add3A_1099 = arith.addf %add3A_1084, %select_n3A_1098 : vector<16x512xf32>
    %get3A_1100 = arith.constant 0 : index
    %get3A_1101 = arith.constant 4 : index
    %get3A_1102 = arith.constant 48 : index
    %get3A_1103 = arith.constant 0 : index
    %get3A_1104 = vector.load %arg2[%get3A_1100, %get3A_1101, %get3A_1102, %get3A_1103] : memref<1x19x256x512xf32, #tpu.memory_space<vmem>>, vector<1x1x16x512xf32>
    %get3A_1105 = vector.shape_cast %get3A_1104 : vector<1x1x16x512xf32> to vector<16x512xf32>
    %exp3A_1106 = math.exp %get3A_1105 : vector<16x512xf32>
    %add3A_1107 = arith.addf %add3A_1092, %exp3A_1106 : vector<16x512xf32>
    %eq3A_1108 = arith.constant 4 : i32
    %eq3A_1109 = vector.broadcast %eq3A_1108 : i32 to vector<16x512xi32>
    %eq3A_1110 = arith.cmpi eq, %min3A_1035, %eq3A_1109 : vector<16x512xi32>
    %jit3A_1111 = arith.constant 0.000000e+00 : f32
    %broadcast_in_dim3A_1112 = vector.broadcast %jit3A_1111 : f32 to vector<16x512xf32>
    %select_n3A_1113 = arith.select %eq3A_1110, %get3A_1105, %broadcast_in_dim3A_1112 : vector<16x512xi1>, vector<16x512xf32>
    %add3A_1114 = arith.addf %add3A_1099, %select_n3A_1113 : vector<16x512xf32>
    %get3A_1115 = arith.constant 0 : index
    %get3A_1116 = arith.constant 5 : index
    %get3A_1117 = arith.constant 48 : index
    %get3A_1118 = arith.constant 0 : index
    %get3A_1119 = vector.load %arg2[%get3A_1115, %get3A_1116, %get3A_1117, %get3A_1118] : memref<1x19x256x512xf32, #tpu.memory_space<vmem>>, vector<1x1x16x512xf32>
    %get3A_1120 = vector.shape_cast %get3A_1119 : vector<1x1x16x512xf32> to vector<16x512xf32>
    %exp3A_1121 = math.exp %get3A_1120 : vector<16x512xf32>
    %add3A_1122 = arith.addf %add3A_1107, %exp3A_1121 : vector<16x512xf32>
    %eq3A_1123 = arith.constant 5 : i32
    %eq3A_1124 = vector.broadcast %eq3A_1123 : i32 to vector<16x512xi32>
    %eq3A_1125 = arith.cmpi eq, %min3A_1035, %eq3A_1124 : vector<16x512xi32>
    %jit3A_1126 = arith.constant 0.000000e+00 : f32
    %broadcast_in_dim3A_1127 = vector.broadcast %jit3A_1126 : f32 to vector<16x512xf32>
    %select_n3A_1128 = arith.select %eq3A_1125, %get3A_1120, %broadcast_in_dim3A_1127 : vector<16x512xi1>, vector<16x512xf32>
    %add3A_1129 = arith.addf %add3A_1114, %select_n3A_1128 : vector<16x512xf32>
    %get3A_1130 = arith.constant 0 : index
    %get3A_1131 = arith.constant 6 : index
    %get3A_1132 = arith.constant 48 : index
    %get3A_1133 = arith.constant 0 : index
    %get3A_1134 = vector.load %arg2[%get3A_1130, %get3A_1131, %get3A_1132, %get3A_1133] : memref<1x19x256x512xf32, #tpu.memory_space<vmem>>, vector<1x1x16x512xf32>
    %get3A_1135 = vector.shape_cast %get3A_1134 : vector<1x1x16x512xf32> to vector<16x512xf32>
    %exp3A_1136 = math.exp %get3A_1135 : vector<16x512xf32>
    %add3A_1137 = arith.addf %add3A_1122, %exp3A_1136 : vector<16x512xf32>
    %eq3A_1138 = arith.constant 6 : i32
    %eq3A_1139 = vector.broadcast %eq3A_1138 : i32 to vector<16x512xi32>
    %eq3A_1140 = arith.cmpi eq, %min3A_1035, %eq3A_1139 : vector<16x512xi32>
    %jit3A_1141 = arith.constant 0.000000e+00 : f32
    %broadcast_in_dim3A_1142 = vector.broadcast %jit3A_1141 : f32 to vector<16x512xf32>
    %select_n3A_1143 = arith.select %eq3A_1140, %get3A_1135, %broadcast_in_dim3A_1142 : vector<16x512xi1>, vector<16x512xf32>
    %add3A_1144 = arith.addf %add3A_1129, %select_n3A_1143 : vector<16x512xf32>
    %get3A_1145 = arith.constant 0 : index
    %get3A_1146 = arith.constant 7 : index
    %get3A_1147 = arith.constant 48 : index
    %get3A_1148 = arith.constant 0 : index
    %get3A_1149 = vector.load %arg2[%get3A_1145, %get3A_1146, %get3A_1147, %get3A_1148] : memref<1x19x256x512xf32, #tpu.memory_space<vmem>>, vector<1x1x16x512xf32>
    %get3A_1150 = vector.shape_cast %get3A_1149 : vector<1x1x16x512xf32> to vector<16x512xf32>
    %exp3A_1151 = math.exp %get3A_1150 : vector<16x512xf32>
    %add3A_1152 = arith.addf %add3A_1137, %exp3A_1151 : vector<16x512xf32>
    %eq3A_1153 = arith.constant 7 : i32
    %eq3A_1154 = vector.broadcast %eq3A_1153 : i32 to vector<16x512xi32>
    %eq3A_1155 = arith.cmpi eq, %min3A_1035, %eq3A_1154 : vector<16x512xi32>
    %jit3A_1156 = arith.constant 0.000000e+00 : f32
    %broadcast_in_dim3A_1157 = vector.broadcast %jit3A_1156 : f32 to vector<16x512xf32>
    %select_n3A_1158 = arith.select %eq3A_1155, %get3A_1150, %broadcast_in_dim3A_1157 : vector<16x512xi1>, vector<16x512xf32>
    %add3A_1159 = arith.addf %add3A_1144, %select_n3A_1158 : vector<16x512xf32>
    %get3A_1160 = arith.constant 0 : index
    %get3A_1161 = arith.constant 8 : index
    %get3A_1162 = arith.constant 48 : index
    %get3A_1163 = arith.constant 0 : index
    %get3A_1164 = vector.load %arg2[%get3A_1160, %get3A_1161, %get3A_1162, %get3A_1163] : memref<1x19x256x512xf32, #tpu.memory_space<vmem>>, vector<1x1x16x512xf32>
    %get3A_1165 = vector.shape_cast %get3A_1164 : vector<1x1x16x512xf32> to vector<16x512xf32>
    %exp3A_1166 = math.exp %get3A_1165 : vector<16x512xf32>
    %add3A_1167 = arith.addf %add3A_1152, %exp3A_1166 : vector<16x512xf32>
    %eq3A_1168 = arith.constant 8 : i32
    %eq3A_1169 = vector.broadcast %eq3A_1168 : i32 to vector<16x512xi32>
    %eq3A_1170 = arith.cmpi eq, %min3A_1035, %eq3A_1169 : vector<16x512xi32>
    %jit3A_1171 = arith.constant 0.000000e+00 : f32
    %broadcast_in_dim3A_1172 = vector.broadcast %jit3A_1171 : f32 to vector<16x512xf32>
    %select_n3A_1173 = arith.select %eq3A_1170, %get3A_1165, %broadcast_in_dim3A_1172 : vector<16x512xi1>, vector<16x512xf32>
    %add3A_1174 = arith.addf %add3A_1159, %select_n3A_1173 : vector<16x512xf32>
    %get3A_1175 = arith.constant 0 : index
    %get3A_1176 = arith.constant 9 : index
    %get3A_1177 = arith.constant 48 : index
    %get3A_1178 = arith.constant 0 : index
    %get3A_1179 = vector.load %arg2[%get3A_1175, %get3A_1176, %get3A_1177, %get3A_1178] : memref<1x19x256x512xf32, #tpu.memory_space<vmem>>, vector<1x1x16x512xf32>
    %get3A_1180 = vector.shape_cast %get3A_1179 : vector<1x1x16x512xf32> to vector<16x512xf32>
    %exp3A_1181 = math.exp %get3A_1180 : vector<16x512xf32>
    %add3A_1182 = arith.addf %add3A_1167, %exp3A_1181 : vector<16x512xf32>
    %eq3A_1183 = arith.constant 9 : i32
    %eq3A_1184 = vector.broadcast %eq3A_1183 : i32 to vector<16x512xi32>
    %eq3A_1185 = arith.cmpi eq, %min3A_1035, %eq3A_1184 : vector<16x512xi32>
    %jit3A_1186 = arith.constant 0.000000e+00 : f32
    %broadcast_in_dim3A_1187 = vector.broadcast %jit3A_1186 : f32 to vector<16x512xf32>
    %select_n3A_1188 = arith.select %eq3A_1185, %get3A_1180, %broadcast_in_dim3A_1187 : vector<16x512xi1>, vector<16x512xf32>
    %add3A_1189 = arith.addf %add3A_1174, %select_n3A_1188 : vector<16x512xf32>
    %get3A_1190 = arith.constant 0 : index
    %get3A_1191 = arith.constant 10 : index
    %get3A_1192 = arith.constant 48 : index
    %get3A_1193 = arith.constant 0 : index
    %get3A_1194 = vector.load %arg2[%get3A_1190, %get3A_1191, %get3A_1192, %get3A_1193] : memref<1x19x256x512xf32, #tpu.memory_space<vmem>>, vector<1x1x16x512xf32>
    %get3A_1195 = vector.shape_cast %get3A_1194 : vector<1x1x16x512xf32> to vector<16x512xf32>
    %exp3A_1196 = math.exp %get3A_1195 : vector<16x512xf32>
    %add3A_1197 = arith.addf %add3A_1182, %exp3A_1196 : vector<16x512xf32>
    %eq3A_1198 = arith.constant 10 : i32
    %eq3A_1199 = vector.broadcast %eq3A_1198 : i32 to vector<16x512xi32>
    %eq3A_1200 = arith.cmpi eq, %min3A_1035, %eq3A_1199 : vector<16x512xi32>
    %jit3A_1201 = arith.constant 0.000000e+00 : f32
    %broadcast_in_dim3A_1202 = vector.broadcast %jit3A_1201 : f32 to vector<16x512xf32>
    %select_n3A_1203 = arith.select %eq3A_1200, %get3A_1195, %broadcast_in_dim3A_1202 : vector<16x512xi1>, vector<16x512xf32>
    %add3A_1204 = arith.addf %add3A_1189, %select_n3A_1203 : vector<16x512xf32>
    %get3A_1205 = arith.constant 0 : index
    %get3A_1206 = arith.constant 11 : index
    %get3A_1207 = arith.constant 48 : index
    %get3A_1208 = arith.constant 0 : index
    %get3A_1209 = vector.load %arg2[%get3A_1205, %get3A_1206, %get3A_1207, %get3A_1208] : memref<1x19x256x512xf32, #tpu.memory_space<vmem>>, vector<1x1x16x512xf32>
    %get3A_1210 = vector.shape_cast %get3A_1209 : vector<1x1x16x512xf32> to vector<16x512xf32>
    %exp3A_1211 = math.exp %get3A_1210 : vector<16x512xf32>
    %add3A_1212 = arith.addf %add3A_1197, %exp3A_1211 : vector<16x512xf32>
    %eq3A_1213 = arith.constant 11 : i32
    %eq3A_1214 = vector.broadcast %eq3A_1213 : i32 to vector<16x512xi32>
    %eq3A_1215 = arith.cmpi eq, %min3A_1035, %eq3A_1214 : vector<16x512xi32>
    %jit3A_1216 = arith.constant 0.000000e+00 : f32
    %broadcast_in_dim3A_1217 = vector.broadcast %jit3A_1216 : f32 to vector<16x512xf32>
    %select_n3A_1218 = arith.select %eq3A_1215, %get3A_1210, %broadcast_in_dim3A_1217 : vector<16x512xi1>, vector<16x512xf32>
    %add3A_1219 = arith.addf %add3A_1204, %select_n3A_1218 : vector<16x512xf32>
    %get3A_1220 = arith.constant 0 : index
    %get3A_1221 = arith.constant 12 : index
    %get3A_1222 = arith.constant 48 : index
    %get3A_1223 = arith.constant 0 : index
    %get3A_1224 = vector.load %arg2[%get3A_1220, %get3A_1221, %get3A_1222, %get3A_1223] : memref<1x19x256x512xf32, #tpu.memory_space<vmem>>, vector<1x1x16x512xf32>
    %get3A_1225 = vector.shape_cast %get3A_1224 : vector<1x1x16x512xf32> to vector<16x512xf32>
    %exp3A_1226 = math.exp %get3A_1225 : vector<16x512xf32>
    %add3A_1227 = arith.addf %add3A_1212, %exp3A_1226 : vector<16x512xf32>
    %eq3A_1228 = arith.constant 12 : i32
    %eq3A_1229 = vector.broadcast %eq3A_1228 : i32 to vector<16x512xi32>
    %eq3A_1230 = arith.cmpi eq, %min3A_1035, %eq3A_1229 : vector<16x512xi32>
    %jit3A_1231 = arith.constant 0.000000e+00 : f32
    %broadcast_in_dim3A_1232 = vector.broadcast %jit3A_1231 : f32 to vector<16x512xf32>
    %select_n3A_1233 = arith.select %eq3A_1230, %get3A_1225, %broadcast_in_dim3A_1232 : vector<16x512xi1>, vector<16x512xf32>
    %add3A_1234 = arith.addf %add3A_1219, %select_n3A_1233 : vector<16x512xf32>
    %get3A_1235 = arith.constant 0 : index
    %get3A_1236 = arith.constant 13 : index
    %get3A_1237 = arith.constant 48 : index
    %get3A_1238 = arith.constant 0 : index
    %get3A_1239 = vector.load %arg2[%get3A_1235, %get3A_1236, %get3A_1237, %get3A_1238] : memref<1x19x256x512xf32, #tpu.memory_space<vmem>>, vector<1x1x16x512xf32>
    %get3A_1240 = vector.shape_cast %get3A_1239 : vector<1x1x16x512xf32> to vector<16x512xf32>
    %exp3A_1241 = math.exp %get3A_1240 : vector<16x512xf32>
    %add3A_1242 = arith.addf %add3A_1227, %exp3A_1241 : vector<16x512xf32>
    %eq3A_1243 = arith.constant 13 : i32
    %eq3A_1244 = vector.broadcast %eq3A_1243 : i32 to vector<16x512xi32>
    %eq3A_1245 = arith.cmpi eq, %min3A_1035, %eq3A_1244 : vector<16x512xi32>
    %jit3A_1246 = arith.constant 0.000000e+00 : f32
    %broadcast_in_dim3A_1247 = vector.broadcast %jit3A_1246 : f32 to vector<16x512xf32>
    %select_n3A_1248 = arith.select %eq3A_1245, %get3A_1240, %broadcast_in_dim3A_1247 : vector<16x512xi1>, vector<16x512xf32>
    %add3A_1249 = arith.addf %add3A_1234, %select_n3A_1248 : vector<16x512xf32>
    %get3A_1250 = arith.constant 0 : index
    %get3A_1251 = arith.constant 14 : index
    %get3A_1252 = arith.constant 48 : index
    %get3A_1253 = arith.constant 0 : index
    %get3A_1254 = vector.load %arg2[%get3A_1250, %get3A_1251, %get3A_1252, %get3A_1253] : memref<1x19x256x512xf32, #tpu.memory_space<vmem>>, vector<1x1x16x512xf32>
    %get3A_1255 = vector.shape_cast %get3A_1254 : vector<1x1x16x512xf32> to vector<16x512xf32>
    %exp3A_1256 = math.exp %get3A_1255 : vector<16x512xf32>
    %add3A_1257 = arith.addf %add3A_1242, %exp3A_1256 : vector<16x512xf32>
    %eq3A_1258 = arith.constant 14 : i32
    %eq3A_1259 = vector.broadcast %eq3A_1258 : i32 to vector<16x512xi32>
    %eq3A_1260 = arith.cmpi eq, %min3A_1035, %eq3A_1259 : vector<16x512xi32>
    %jit3A_1261 = arith.constant 0.000000e+00 : f32
    %broadcast_in_dim3A_1262 = vector.broadcast %jit3A_1261 : f32 to vector<16x512xf32>
    %select_n3A_1263 = arith.select %eq3A_1260, %get3A_1255, %broadcast_in_dim3A_1262 : vector<16x512xi1>, vector<16x512xf32>
    %add3A_1264 = arith.addf %add3A_1249, %select_n3A_1263 : vector<16x512xf32>
    %get3A_1265 = arith.constant 0 : index
    %get3A_1266 = arith.constant 15 : index
    %get3A_1267 = arith.constant 48 : index
    %get3A_1268 = arith.constant 0 : index
    %get3A_1269 = vector.load %arg2[%get3A_1265, %get3A_1266, %get3A_1267, %get3A_1268] : memref<1x19x256x512xf32, #tpu.memory_space<vmem>>, vector<1x1x16x512xf32>
    %get3A_1270 = vector.shape_cast %get3A_1269 : vector<1x1x16x512xf32> to vector<16x512xf32>
    %exp3A_1271 = math.exp %get3A_1270 : vector<16x512xf32>
    %add3A_1272 = arith.addf %add3A_1257, %exp3A_1271 : vector<16x512xf32>
    %eq3A_1273 = arith.constant 15 : i32
    %eq3A_1274 = vector.broadcast %eq3A_1273 : i32 to vector<16x512xi32>
    %eq3A_1275 = arith.cmpi eq, %min3A_1035, %eq3A_1274 : vector<16x512xi32>
    %jit3A_1276 = arith.constant 0.000000e+00 : f32
    %broadcast_in_dim3A_1277 = vector.broadcast %jit3A_1276 : f32 to vector<16x512xf32>
    %select_n3A_1278 = arith.select %eq3A_1275, %get3A_1270, %broadcast_in_dim3A_1277 : vector<16x512xi1>, vector<16x512xf32>
    %add3A_1279 = arith.addf %add3A_1264, %select_n3A_1278 : vector<16x512xf32>
    %get3A_1280 = arith.constant 0 : index
    %get3A_1281 = arith.constant 16 : index
    %get3A_1282 = arith.constant 48 : index
    %get3A_1283 = arith.constant 0 : index
    %get3A_1284 = vector.load %arg2[%get3A_1280, %get3A_1281, %get3A_1282, %get3A_1283] : memref<1x19x256x512xf32, #tpu.memory_space<vmem>>, vector<1x1x16x512xf32>
    %get3A_1285 = vector.shape_cast %get3A_1284 : vector<1x1x16x512xf32> to vector<16x512xf32>
    %exp3A_1286 = math.exp %get3A_1285 : vector<16x512xf32>
    %add3A_1287 = arith.addf %add3A_1272, %exp3A_1286 : vector<16x512xf32>
    %eq3A_1288 = arith.constant 16 : i32
    %eq3A_1289 = vector.broadcast %eq3A_1288 : i32 to vector<16x512xi32>
    %eq3A_1290 = arith.cmpi eq, %min3A_1035, %eq3A_1289 : vector<16x512xi32>
    %jit3A_1291 = arith.constant 0.000000e+00 : f32
    %broadcast_in_dim3A_1292 = vector.broadcast %jit3A_1291 : f32 to vector<16x512xf32>
    %select_n3A_1293 = arith.select %eq3A_1290, %get3A_1285, %broadcast_in_dim3A_1292 : vector<16x512xi1>, vector<16x512xf32>
    %add3A_1294 = arith.addf %add3A_1279, %select_n3A_1293 : vector<16x512xf32>
    %get3A_1295 = arith.constant 0 : index
    %get3A_1296 = arith.constant 17 : index
    %get3A_1297 = arith.constant 48 : index
    %get3A_1298 = arith.constant 0 : index
    %get3A_1299 = vector.load %arg2[%get3A_1295, %get3A_1296, %get3A_1297, %get3A_1298] : memref<1x19x256x512xf32, #tpu.memory_space<vmem>>, vector<1x1x16x512xf32>
    %get3A_1300 = vector.shape_cast %get3A_1299 : vector<1x1x16x512xf32> to vector<16x512xf32>
    %exp3A_1301 = math.exp %get3A_1300 : vector<16x512xf32>
    %add3A_1302 = arith.addf %add3A_1287, %exp3A_1301 : vector<16x512xf32>
    %eq3A_1303 = arith.constant 17 : i32
    %eq3A_1304 = vector.broadcast %eq3A_1303 : i32 to vector<16x512xi32>
    %eq3A_1305 = arith.cmpi eq, %min3A_1035, %eq3A_1304 : vector<16x512xi32>
    %jit3A_1306 = arith.constant 0.000000e+00 : f32
    %broadcast_in_dim3A_1307 = vector.broadcast %jit3A_1306 : f32 to vector<16x512xf32>
    %select_n3A_1308 = arith.select %eq3A_1305, %get3A_1300, %broadcast_in_dim3A_1307 : vector<16x512xi1>, vector<16x512xf32>
    %add3A_1309 = arith.addf %add3A_1294, %select_n3A_1308 : vector<16x512xf32>
    %get3A_1310 = arith.constant 0 : index
    %get3A_1311 = arith.constant 18 : index
    %get3A_1312 = arith.constant 48 : index
    %get3A_1313 = arith.constant 0 : index
    %get3A_1314 = vector.load %arg2[%get3A_1310, %get3A_1311, %get3A_1312, %get3A_1313] : memref<1x19x256x512xf32, #tpu.memory_space<vmem>>, vector<1x1x16x512xf32>
    %get3A_1315 = vector.shape_cast %get3A_1314 : vector<1x1x16x512xf32> to vector<16x512xf32>
    %exp3A_1316 = math.exp %get3A_1315 : vector<16x512xf32>
    %add3A_1317 = arith.addf %add3A_1302, %exp3A_1316 : vector<16x512xf32>
    %eq3A_1318 = arith.constant 18 : i32
    %eq3A_1319 = vector.broadcast %eq3A_1318 : i32 to vector<16x512xi32>
    %eq3A_1320 = arith.cmpi eq, %min3A_1035, %eq3A_1319 : vector<16x512xi32>
    %jit3A_1321 = arith.constant 0.000000e+00 : f32
    %broadcast_in_dim3A_1322 = vector.broadcast %jit3A_1321 : f32 to vector<16x512xf32>
    %select_n3A_1323 = arith.select %eq3A_1320, %get3A_1315, %broadcast_in_dim3A_1322 : vector<16x512xi1>, vector<16x512xf32>
    %add3A_1324 = arith.addf %add3A_1309, %select_n3A_1323 : vector<16x512xf32>
    %log3A_1325 = math.log %add3A_1317 : vector<16x512xf32>
    %sub3A_1326 = arith.subf %log3A_1325, %add3A_1324 : vector<16x512xf32>
    %ne3A_1327 = arith.constant 255 : i32
    %ne3A_1328 = vector.broadcast %ne3A_1327 : i32 to vector<16x512xi32>
    %ne3A_1329 = arith.cmpi ne, %get3A_1029, %ne3A_1328 : vector<16x512xi32>
    %jit3A_1330 = arith.constant 0.000000e+00 : f32
    %broadcast_in_dim3A_1331 = vector.broadcast %jit3A_1330 : f32 to vector<16x512xf32>
    %select_n3A_1332 = arith.select %ne3A_1329, %sub3A_1326, %broadcast_in_dim3A_1331 : vector<16x512xi1>, vector<16x512xf32>
    %swap3A_1333 = arith.constant 0 : index
    %swap3A_1334 = arith.constant 48 : index
    %swap3A_1335 = arith.constant 0 : index
    %swap3A_1336 = vector.load %arg4[%swap3A_1333, %swap3A_1334, %swap3A_1335] : memref<1x256x512xf32, #tpu.memory_space<vmem>>, vector<1x16x512xf32>
    %swap3A_1337 = vector.shape_cast %swap3A_1336 : vector<1x16x512xf32> to vector<16x512xf32>
    %swap3A_1338 = vector.shape_cast %select_n3A_1332 : vector<16x512xf32> to vector<1x16x512xf32>
    tpu.vector_store %arg4[%swap3A_1333, %swap3A_1334, %swap3A_1335], %swap3A_1338 {strides = array<i32>} : memref<1x256x512xf32, #tpu.memory_space<vmem>>, vector<1x16x512xf32>,
    %gt3A_1339 = arith.constant 0.356674939 : f32
    %gt3A_1340 = vector.broadcast %gt3A_1339 : f32 to vector<16x512xf32>
    %gt3A_1341 = arith.cmpf ogt, %select_n3A_1332, %gt3A_1340 : vector<16x512xf32>
    %get3A_1342 = arith.constant 0 : index
    %get3A_1343 = arith.constant 0 : index
    %get3A_1344 = memref.load %arg5[%get3A_1342, %get3A_1343] : memref<1x1xi32, #tpu.memory_space<smem>>
    %convert_element_type3A_1345 = arith.extui %gt3A_1341 : vector<16x512xi1> to vector<16x512xi32>
    %reduce_sum3A_1346 = vector.shape_cast %convert_element_type3A_1345 : vector<16x512xi32> to vector<1x16x512xi32>
    %reduce_sum3A_1347 = arith.constant dense<0> : vector<1xi32>
    %reduce_sum3A_1348 = vector.multi_reduction <add>, %reduce_sum3A_1346, %reduce_sum3A_1347 [1, 2] : vector<1x16x512xi32> to vector<1xi32>
    %reduce_sum3A_1349 = vector.shape_cast %reduce_sum3A_1348 : vector<1xi32> to vector<1x1x1xi32>
    %reduce_sum3A_1350 = vector.extract %reduce_sum3A_1349[0, 0, 0] : i32 from vector<1x1x1xi32>
    %add3A_1351 = arith.addi %get3A_1344, %reduce_sum3A_1350 : i32
    %swap3A_1352 = arith.constant 0 : index
    %swap3A_1353 = arith.constant 0 : index
    %swap3A_1354 = memref.load %arg5[%swap3A_1352, %swap3A_1353] : memref<1x1xi32, #tpu.memory_space<smem>>
    memref.store %add3A_1351, %arg5[%swap3A_1352, %swap3A_1353] : memref<1x1xi32, #tpu.memory_space<smem>>
    %get3A_1355 = arith.constant 0 : index
    %get3A_1356 = arith.constant 0 : index
    %get3A_1357 = memref.load %arg6[%get3A_1355, %get3A_1356] : memref<1x1xf32, #tpu.memory_space<smem>>
    %jit3A_1358 = arith.constant 0.000000e+00 : f32
    %broadcast_in_dim3A_1359 = vector.broadcast %jit3A_1358 : f32 to vector<16x512xf32>
    %select_n3A_1360 = arith.select %gt3A_1341, %select_n3A_1332, %broadcast_in_dim3A_1359 : vector<16x512xi1>, vector<16x512xf32>
    %reduce_sum3A_1361 = vector.shape_cast %select_n3A_1360 : vector<16x512xf32> to vector<1x16x512xf32>
    %reduce_sum3A_1362 = arith.constant dense<0.000000e+00> : vector<1xf32>
    %reduce_sum3A_1363 = vector.multi_reduction <add>, %reduce_sum3A_1361, %reduce_sum3A_1362 [1, 2] : vector<1x16x512xf32> to vector<1xf32>
    %reduce_sum3A_1364 = vector.shape_cast %reduce_sum3A_1363 : vector<1xf32> to vector<1x1x1xf32>
    %reduce_sum3A_1365 = vector.extract %reduce_sum3A_1364[0, 0, 0] : f32 from vector<1x1x1xf32>
    %add3A_1366 = arith.addf %get3A_1357, %reduce_sum3A_1365 : f32
    %swap3A_1367 = arith.constant 0 : index
    %swap3A_1368 = arith.constant 0 : index
    %swap3A_1369 = memref.load %arg6[%swap3A_1367, %swap3A_1368] : memref<1x1xf32, #tpu.memory_space<smem>>
    memref.store %add3A_1366, %arg6[%swap3A_1367, %swap3A_1368] : memref<1x1xf32, #tpu.memory_space<smem>>
    %get3A_1370 = arith.constant 0 : index
    %get3A_1371 = arith.constant 64 : index
    %get3A_1372 = arith.constant 0 : index
    %get3A_1373 = vector.load %arg3[%get3A_1370, %get3A_1371, %get3A_1372] : memref<1x256x512xi32, #tpu.memory_space<vmem>>, vector<1x16x512xi32>
    %get3A_1374 = vector.shape_cast %get3A_1373 : vector<1x16x512xi32> to vector<16x512xi32>
    %jit3A_1375 = arith.constant 0 : i32
    %jit3A_1376 = arith.constant 18 : i32
    %max3A_1377 = vector.broadcast %jit3A_1375 : i32 to vector<16x512xi32>
    %max3A_1378 = arith.maxsi %max3A_1377, %get3A_1374 : vector<16x512xi32>
    %min3A_1379 = vector.broadcast %jit3A_1376 : i32 to vector<16x512xi32>
    %min3A_1380 = arith.minsi %min3A_1379, %max3A_1378 : vector<16x512xi32>
    %broadcast_in_dim3A_1381 = arith.constant 0.000000e+00 : f32
    %broadcast_in_dim3A_1382 = vector.broadcast %broadcast_in_dim3A_1381 : f32 to vector<16x512xf32>
    %broadcast_in_dim3A_1383 = arith.constant 0.000000e+00 : f32
    %broadcast_in_dim3A_1384 = vector.broadcast %broadcast_in_dim3A_1383 : f32 to vector<16x512xf32>
    %get3A_1385 = arith.constant 0 : index
    %get3A_1386 = arith.constant 0 : index
    %get3A_1387 = arith.constant 64 : index
    %get3A_1388 = arith.constant 0 : index
    %get3A_1389 = vector.load %arg2[%get3A_1385, %get3A_1386, %get3A_1387, %get3A_1388] : memref<1x19x256x512xf32, #tpu.memory_space<vmem>>, vector<1x1x16x512xf32>
    %get3A_1390 = vector.shape_cast %get3A_1389 : vector<1x1x16x512xf32> to vector<16x512xf32>
    %exp3A_1391 = math.exp %get3A_1390 : vector<16x512xf32>
    %add3A_1392 = arith.addf %broadcast_in_dim3A_1382, %exp3A_1391 : vector<16x512xf32>
    %eq3A_1393 = arith.constant 0 : i32
    %eq3A_1394 = vector.broadcast %eq3A_1393 : i32 to vector<16x512xi32>
    %eq3A_1395 = arith.cmpi eq, %min3A_1380, %eq3A_1394 : vector<16x512xi32>
    %jit3A_1396 = arith.constant 0.000000e+00 : f32
    %broadcast_in_dim3A_1397 = vector.broadcast %jit3A_1396 : f32 to vector<16x512xf32>
    %select_n3A_1398 = arith.select %eq3A_1395, %get3A_1390, %broadcast_in_dim3A_1397 : vector<16x512xi1>, vector<16x512xf32>
    %add3A_1399 = arith.addf %broadcast_in_dim3A_1384, %select_n3A_1398 : vector<16x512xf32>
    %get3A_1400 = arith.constant 0 : index
    %get3A_1401 = arith.constant 1 : index
    %get3A_1402 = arith.constant 64 : index
    %get3A_1403 = arith.constant 0 : index
    %get3A_1404 = vector.load %arg2[%get3A_1400, %get3A_1401, %get3A_1402, %get3A_1403] : memref<1x19x256x512xf32, #tpu.memory_space<vmem>>, vector<1x1x16x512xf32>
    %get3A_1405 = vector.shape_cast %get3A_1404 : vector<1x1x16x512xf32> to vector<16x512xf32>
    %exp3A_1406 = math.exp %get3A_1405 : vector<16x512xf32>
    %add3A_1407 = arith.addf %add3A_1392, %exp3A_1406 : vector<16x512xf32>
    %eq3A_1408 = arith.constant 1 : i32
    %eq3A_1409 = vector.broadcast %eq3A_1408 : i32 to vector<16x512xi32>
    %eq3A_1410 = arith.cmpi eq, %min3A_1380, %eq3A_1409 : vector<16x512xi32>
    %jit3A_1411 = arith.constant 0.000000e+00 : f32
    %broadcast_in_dim3A_1412 = vector.broadcast %jit3A_1411 : f32 to vector<16x512xf32>
    %select_n3A_1413 = arith.select %eq3A_1410, %get3A_1405, %broadcast_in_dim3A_1412 : vector<16x512xi1>, vector<16x512xf32>
    %add3A_1414 = arith.addf %add3A_1399, %select_n3A_1413 : vector<16x512xf32>
    %get3A_1415 = arith.constant 0 : index
    %get3A_1416 = arith.constant 2 : index
    %get3A_1417 = arith.constant 64 : index
    %get3A_1418 = arith.constant 0 : index
    %get3A_1419 = vector.load %arg2[%get3A_1415, %get3A_1416, %get3A_1417, %get3A_1418] : memref<1x19x256x512xf32, #tpu.memory_space<vmem>>, vector<1x1x16x512xf32>
    %get3A_1420 = vector.shape_cast %get3A_1419 : vector<1x1x16x512xf32> to vector<16x512xf32>
    %exp3A_1421 = math.exp %get3A_1420 : vector<16x512xf32>
    %add3A_1422 = arith.addf %add3A_1407, %exp3A_1421 : vector<16x512xf32>
    %eq3A_1423 = arith.constant 2 : i32
    %eq3A_1424 = vector.broadcast %eq3A_1423 : i32 to vector<16x512xi32>
    %eq3A_1425 = arith.cmpi eq, %min3A_1380, %eq3A_1424 : vector<16x512xi32>
    %jit3A_1426 = arith.constant 0.000000e+00 : f32
    %broadcast_in_dim3A_1427 = vector.broadcast %jit3A_1426 : f32 to vector<16x512xf32>
    %select_n3A_1428 = arith.select %eq3A_1425, %get3A_1420, %broadcast_in_dim3A_1427 : vector<16x512xi1>, vector<16x512xf32>
    %add3A_1429 = arith.addf %add3A_1414, %select_n3A_1428 : vector<16x512xf32>
    %get3A_1430 = arith.constant 0 : index
    %get3A_1431 = arith.constant 3 : index
    %get3A_1432 = arith.constant 64 : index
    %get3A_1433 = arith.constant 0 : index
    %get3A_1434 = vector.load %arg2[%get3A_1430, %get3A_1431, %get3A_1432, %get3A_1433] : memref<1x19x256x512xf32, #tpu.memory_space<vmem>>, vector<1x1x16x512xf32>
    %get3A_1435 = vector.shape_cast %get3A_1434 : vector<1x1x16x512xf32> to vector<16x512xf32>
    %exp3A_1436 = math.exp %get3A_1435 : vector<16x512xf32>
    %add3A_1437 = arith.addf %add3A_1422, %exp3A_1436 : vector<16x512xf32>
    %eq3A_1438 = arith.constant 3 : i32
    %eq3A_1439 = vector.broadcast %eq3A_1438 : i32 to vector<16x512xi32>
    %eq3A_1440 = arith.cmpi eq, %min3A_1380, %eq3A_1439 : vector<16x512xi32>
    %jit3A_1441 = arith.constant 0.000000e+00 : f32
    %broadcast_in_dim3A_1442 = vector.broadcast %jit3A_1441 : f32 to vector<16x512xf32>
    %select_n3A_1443 = arith.select %eq3A_1440, %get3A_1435, %broadcast_in_dim3A_1442 : vector<16x512xi1>, vector<16x512xf32>
    %add3A_1444 = arith.addf %add3A_1429, %select_n3A_1443 : vector<16x512xf32>
    %get3A_1445 = arith.constant 0 : index
    %get3A_1446 = arith.constant 4 : index
    %get3A_1447 = arith.constant 64 : index
    %get3A_1448 = arith.constant 0 : index
    %get3A_1449 = vector.load %arg2[%get3A_1445, %get3A_1446, %get3A_1447, %get3A_1448] : memref<1x19x256x512xf32, #tpu.memory_space<vmem>>, vector<1x1x16x512xf32>
    %get3A_1450 = vector.shape_cast %get3A_1449 : vector<1x1x16x512xf32> to vector<16x512xf32>
    %exp3A_1451 = math.exp %get3A_1450 : vector<16x512xf32>
    %add3A_1452 = arith.addf %add3A_1437, %exp3A_1451 : vector<16x512xf32>
    %eq3A_1453 = arith.constant 4 : i32
    %eq3A_1454 = vector.broadcast %eq3A_1453 : i32 to vector<16x512xi32>
    %eq3A_1455 = arith.cmpi eq, %min3A_1380, %eq3A_1454 : vector<16x512xi32>
    %jit3A_1456 = arith.constant 0.000000e+00 : f32
    %broadcast_in_dim3A_1457 = vector.broadcast %jit3A_1456 : f32 to vector<16x512xf32>
    %select_n3A_1458 = arith.select %eq3A_1455, %get3A_1450, %broadcast_in_dim3A_1457 : vector<16x512xi1>, vector<16x512xf32>
    %add3A_1459 = arith.addf %add3A_1444, %select_n3A_1458 : vector<16x512xf32>
    %get3A_1460 = arith.constant 0 : index
    %get3A_1461 = arith.constant 5 : index
    %get3A_1462 = arith.constant 64 : index
    %get3A_1463 = arith.constant 0 : index
    %get3A_1464 = vector.load %arg2[%get3A_1460, %get3A_1461, %get3A_1462, %get3A_1463] : memref<1x19x256x512xf32, #tpu.memory_space<vmem>>, vector<1x1x16x512xf32>
    %get3A_1465 = vector.shape_cast %get3A_1464 : vector<1x1x16x512xf32> to vector<16x512xf32>
    %exp3A_1466 = math.exp %get3A_1465 : vector<16x512xf32>
    %add3A_1467 = arith.addf %add3A_1452, %exp3A_1466 : vector<16x512xf32>
    %eq3A_1468 = arith.constant 5 : i32
    %eq3A_1469 = vector.broadcast %eq3A_1468 : i32 to vector<16x512xi32>
    %eq3A_1470 = arith.cmpi eq, %min3A_1380, %eq3A_1469 : vector<16x512xi32>
    %jit3A_1471 = arith.constant 0.000000e+00 : f32
    %broadcast_in_dim3A_1472 = vector.broadcast %jit3A_1471 : f32 to vector<16x512xf32>
    %select_n3A_1473 = arith.select %eq3A_1470, %get3A_1465, %broadcast_in_dim3A_1472 : vector<16x512xi1>, vector<16x512xf32>
    %add3A_1474 = arith.addf %add3A_1459, %select_n3A_1473 : vector<16x512xf32>
    %get3A_1475 = arith.constant 0 : index
    %get3A_1476 = arith.constant 6 : index
    %get3A_1477 = arith.constant 64 : index
    %get3A_1478 = arith.constant 0 : index
    %get3A_1479 = vector.load %arg2[%get3A_1475, %get3A_1476, %get3A_1477, %get3A_1478] : memref<1x19x256x512xf32, #tpu.memory_space<vmem>>, vector<1x1x16x512xf32>
    %get3A_1480 = vector.shape_cast %get3A_1479 : vector<1x1x16x512xf32> to vector<16x512xf32>
    %exp3A_1481 = math.exp %get3A_1480 : vector<16x512xf32>
    %add3A_1482 = arith.addf %add3A_1467, %exp3A_1481 : vector<16x512xf32>
    %eq3A_1483 = arith.constant 6 : i32
    %eq3A_1484 = vector.broadcast %eq3A_1483 : i32 to vector<16x512xi32>
    %eq3A_1485 = arith.cmpi eq, %min3A_1380, %eq3A_1484 : vector<16x512xi32>
    %jit3A_1486 = arith.constant 0.000000e+00 : f32
    %broadcast_in_dim3A_1487 = vector.broadcast %jit3A_1486 : f32 to vector<16x512xf32>
    %select_n3A_1488 = arith.select %eq3A_1485, %get3A_1480, %broadcast_in_dim3A_1487 : vector<16x512xi1>, vector<16x512xf32>
    %add3A_1489 = arith.addf %add3A_1474, %select_n3A_1488 : vector<16x512xf32>
    %get3A_1490 = arith.constant 0 : index
    %get3A_1491 = arith.constant 7 : index
    %get3A_1492 = arith.constant 64 : index
    %get3A_1493 = arith.constant 0 : index
    %get3A_1494 = vector.load %arg2[%get3A_1490, %get3A_1491, %get3A_1492, %get3A_1493] : memref<1x19x256x512xf32, #tpu.memory_space<vmem>>, vector<1x1x16x512xf32>
    %get3A_1495 = vector.shape_cast %get3A_1494 : vector<1x1x16x512xf32> to vector<16x512xf32>
    %exp3A_1496 = math.exp %get3A_1495 : vector<16x512xf32>
    %add3A_1497 = arith.addf %add3A_1482, %exp3A_1496 : vector<16x512xf32>
    %eq3A_1498 = arith.constant 7 : i32
    %eq3A_1499 = vector.broadcast %eq3A_1498 : i32 to vector<16x512xi32>
    %eq3A_1500 = arith.cmpi eq, %min3A_1380, %eq3A_1499 : vector<16x512xi32>
    %jit3A_1501 = arith.constant 0.000000e+00 : f32
    %broadcast_in_dim3A_1502 = vector.broadcast %jit3A_1501 : f32 to vector<16x512xf32>
    %select_n3A_1503 = arith.select %eq3A_1500, %get3A_1495, %broadcast_in_dim3A_1502 : vector<16x512xi1>, vector<16x512xf32>
    %add3A_1504 = arith.addf %add3A_1489, %select_n3A_1503 : vector<16x512xf32>
    %get3A_1505 = arith.constant 0 : index
    %get3A_1506 = arith.constant 8 : index
    %get3A_1507 = arith.constant 64 : index
    %get3A_1508 = arith.constant 0 : index
    %get3A_1509 = vector.load %arg2[%get3A_1505, %get3A_1506, %get3A_1507, %get3A_1508] : memref<1x19x256x512xf32, #tpu.memory_space<vmem>>, vector<1x1x16x512xf32>
    %get3A_1510 = vector.shape_cast %get3A_1509 : vector<1x1x16x512xf32> to vector<16x512xf32>
    %exp3A_1511 = math.exp %get3A_1510 : vector<16x512xf32>
    %add3A_1512 = arith.addf %add3A_1497, %exp3A_1511 : vector<16x512xf32>
    %eq3A_1513 = arith.constant 8 : i32
    %eq3A_1514 = vector.broadcast %eq3A_1513 : i32 to vector<16x512xi32>
    %eq3A_1515 = arith.cmpi eq, %min3A_1380, %eq3A_1514 : vector<16x512xi32>
    %jit3A_1516 = arith.constant 0.000000e+00 : f32
    %broadcast_in_dim3A_1517 = vector.broadcast %jit3A_1516 : f32 to vector<16x512xf32>
    %select_n3A_1518 = arith.select %eq3A_1515, %get3A_1510, %broadcast_in_dim3A_1517 : vector<16x512xi1>, vector<16x512xf32>
    %add3A_1519 = arith.addf %add3A_1504, %select_n3A_1518 : vector<16x512xf32>
    %get3A_1520 = arith.constant 0 : index
    %get3A_1521 = arith.constant 9 : index
    %get3A_1522 = arith.constant 64 : index
    %get3A_1523 = arith.constant 0 : index
    %get3A_1524 = vector.load %arg2[%get3A_1520, %get3A_1521, %get3A_1522, %get3A_1523] : memref<1x19x256x512xf32, #tpu.memory_space<vmem>>, vector<1x1x16x512xf32>
    %get3A_1525 = vector.shape_cast %get3A_1524 : vector<1x1x16x512xf32> to vector<16x512xf32>
    %exp3A_1526 = math.exp %get3A_1525 : vector<16x512xf32>
    %add3A_1527 = arith.addf %add3A_1512, %exp3A_1526 : vector<16x512xf32>
    %eq3A_1528 = arith.constant 9 : i32
    %eq3A_1529 = vector.broadcast %eq3A_1528 : i32 to vector<16x512xi32>
    %eq3A_1530 = arith.cmpi eq, %min3A_1380, %eq3A_1529 : vector<16x512xi32>
    %jit3A_1531 = arith.constant 0.000000e+00 : f32
    %broadcast_in_dim3A_1532 = vector.broadcast %jit3A_1531 : f32 to vector<16x512xf32>
    %select_n3A_1533 = arith.select %eq3A_1530, %get3A_1525, %broadcast_in_dim3A_1532 : vector<16x512xi1>, vector<16x512xf32>
    %add3A_1534 = arith.addf %add3A_1519, %select_n3A_1533 : vector<16x512xf32>
    %get3A_1535 = arith.constant 0 : index
    %get3A_1536 = arith.constant 10 : index
    %get3A_1537 = arith.constant 64 : index
    %get3A_1538 = arith.constant 0 : index
    %get3A_1539 = vector.load %arg2[%get3A_1535, %get3A_1536, %get3A_1537, %get3A_1538] : memref<1x19x256x512xf32, #tpu.memory_space<vmem>>, vector<1x1x16x512xf32>
    %get3A_1540 = vector.shape_cast %get3A_1539 : vector<1x1x16x512xf32> to vector<16x512xf32>
    %exp3A_1541 = math.exp %get3A_1540 : vector<16x512xf32>
    %add3A_1542 = arith.addf %add3A_1527, %exp3A_1541 : vector<16x512xf32>
    %eq3A_1543 = arith.constant 10 : i32
    %eq3A_1544 = vector.broadcast %eq3A_1543 : i32 to vector<16x512xi32>
    %eq3A_1545 = arith.cmpi eq, %min3A_1380, %eq3A_1544 : vector<16x512xi32>
    %jit3A_1546 = arith.constant 0.000000e+00 : f32
    %broadcast_in_dim3A_1547 = vector.broadcast %jit3A_1546 : f32 to vector<16x512xf32>
    %select_n3A_1548 = arith.select %eq3A_1545, %get3A_1540, %broadcast_in_dim3A_1547 : vector<16x512xi1>, vector<16x512xf32>
    %add3A_1549 = arith.addf %add3A_1534, %select_n3A_1548 : vector<16x512xf32>
    %get3A_1550 = arith.constant 0 : index
    %get3A_1551 = arith.constant 11 : index
    %get3A_1552 = arith.constant 64 : index
    %get3A_1553 = arith.constant 0 : index
    %get3A_1554 = vector.load %arg2[%get3A_1550, %get3A_1551, %get3A_1552, %get3A_1553] : memref<1x19x256x512xf32, #tpu.memory_space<vmem>>, vector<1x1x16x512xf32>
    %get3A_1555 = vector.shape_cast %get3A_1554 : vector<1x1x16x512xf32> to vector<16x512xf32>
    %exp3A_1556 = math.exp %get3A_1555 : vector<16x512xf32>
    %add3A_1557 = arith.addf %add3A_1542, %exp3A_1556 : vector<16x512xf32>
    %eq3A_1558 = arith.constant 11 : i32
    %eq3A_1559 = vector.broadcast %eq3A_1558 : i32 to vector<16x512xi32>
    %eq3A_1560 = arith.cmpi eq, %min3A_1380, %eq3A_1559 : vector<16x512xi32>
    %jit3A_1561 = arith.constant 0.000000e+00 : f32
    %broadcast_in_dim3A_1562 = vector.broadcast %jit3A_1561 : f32 to vector<16x512xf32>
    %select_n3A_1563 = arith.select %eq3A_1560, %get3A_1555, %broadcast_in_dim3A_1562 : vector<16x512xi1>, vector<16x512xf32>
    %add3A_1564 = arith.addf %add3A_1549, %select_n3A_1563 : vector<16x512xf32>
    %get3A_1565 = arith.constant 0 : index
    %get3A_1566 = arith.constant 12 : index
    %get3A_1567 = arith.constant 64 : index
    %get3A_1568 = arith.constant 0 : index
    %get3A_1569 = vector.load %arg2[%get3A_1565, %get3A_1566, %get3A_1567, %get3A_1568] : memref<1x19x256x512xf32, #tpu.memory_space<vmem>>, vector<1x1x16x512xf32>
    %get3A_1570 = vector.shape_cast %get3A_1569 : vector<1x1x16x512xf32> to vector<16x512xf32>
    %exp3A_1571 = math.exp %get3A_1570 : vector<16x512xf32>
    %add3A_1572 = arith.addf %add3A_1557, %exp3A_1571 : vector<16x512xf32>
    %eq3A_1573 = arith.constant 12 : i32
    %eq3A_1574 = vector.broadcast %eq3A_1573 : i32 to vector<16x512xi32>
    %eq3A_1575 = arith.cmpi eq, %min3A_1380, %eq3A_1574 : vector<16x512xi32>
    %jit3A_1576 = arith.constant 0.000000e+00 : f32
    %broadcast_in_dim3A_1577 = vector.broadcast %jit3A_1576 : f32 to vector<16x512xf32>
    %select_n3A_1578 = arith.select %eq3A_1575, %get3A_1570, %broadcast_in_dim3A_1577 : vector<16x512xi1>, vector<16x512xf32>
    %add3A_1579 = arith.addf %add3A_1564, %select_n3A_1578 : vector<16x512xf32>
    %get3A_1580 = arith.constant 0 : index
    %get3A_1581 = arith.constant 13 : index
    %get3A_1582 = arith.constant 64 : index
    %get3A_1583 = arith.constant 0 : index
    %get3A_1584 = vector.load %arg2[%get3A_1580, %get3A_1581, %get3A_1582, %get3A_1583] : memref<1x19x256x512xf32, #tpu.memory_space<vmem>>, vector<1x1x16x512xf32>
    %get3A_1585 = vector.shape_cast %get3A_1584 : vector<1x1x16x512xf32> to vector<16x512xf32>
    %exp3A_1586 = math.exp %get3A_1585 : vector<16x512xf32>
    %add3A_1587 = arith.addf %add3A_1572, %exp3A_1586 : vector<16x512xf32>
    %eq3A_1588 = arith.constant 13 : i32
    %eq3A_1589 = vector.broadcast %eq3A_1588 : i32 to vector<16x512xi32>
    %eq3A_1590 = arith.cmpi eq, %min3A_1380, %eq3A_1589 : vector<16x512xi32>
    %jit3A_1591 = arith.constant 0.000000e+00 : f32
    %broadcast_in_dim3A_1592 = vector.broadcast %jit3A_1591 : f32 to vector<16x512xf32>
    %select_n3A_1593 = arith.select %eq3A_1590, %get3A_1585, %broadcast_in_dim3A_1592 : vector<16x512xi1>, vector<16x512xf32>
    %add3A_1594 = arith.addf %add3A_1579, %select_n3A_1593 : vector<16x512xf32>
    %get3A_1595 = arith.constant 0 : index
    %get3A_1596 = arith.constant 14 : index
    %get3A_1597 = arith.constant 64 : index
    %get3A_1598 = arith.constant 0 : index
    %get3A_1599 = vector.load %arg2[%get3A_1595, %get3A_1596, %get3A_1597, %get3A_1598] : memref<1x19x256x512xf32, #tpu.memory_space<vmem>>, vector<1x1x16x512xf32>
    %get3A_1600 = vector.shape_cast %get3A_1599 : vector<1x1x16x512xf32> to vector<16x512xf32>
    %exp3A_1601 = math.exp %get3A_1600 : vector<16x512xf32>
    %add3A_1602 = arith.addf %add3A_1587, %exp3A_1601 : vector<16x512xf32>
    %eq3A_1603 = arith.constant 14 : i32
    %eq3A_1604 = vector.broadcast %eq3A_1603 : i32 to vector<16x512xi32>
    %eq3A_1605 = arith.cmpi eq, %min3A_1380, %eq3A_1604 : vector<16x512xi32>
    %jit3A_1606 = arith.constant 0.000000e+00 : f32
    %broadcast_in_dim3A_1607 = vector.broadcast %jit3A_1606 : f32 to vector<16x512xf32>
    %select_n3A_1608 = arith.select %eq3A_1605, %get3A_1600, %broadcast_in_dim3A_1607 : vector<16x512xi1>, vector<16x512xf32>
    %add3A_1609 = arith.addf %add3A_1594, %select_n3A_1608 : vector<16x512xf32>
    %get3A_1610 = arith.constant 0 : index
    %get3A_1611 = arith.constant 15 : index
    %get3A_1612 = arith.constant 64 : index
    %get3A_1613 = arith.constant 0 : index
    %get3A_1614 = vector.load %arg2[%get3A_1610, %get3A_1611, %get3A_1612, %get3A_1613] : memref<1x19x256x512xf32, #tpu.memory_space<vmem>>, vector<1x1x16x512xf32>
    %get3A_1615 = vector.shape_cast %get3A_1614 : vector<1x1x16x512xf32> to vector<16x512xf32>
    %exp3A_1616 = math.exp %get3A_1615 : vector<16x512xf32>
    %add3A_1617 = arith.addf %add3A_1602, %exp3A_1616 : vector<16x512xf32>
    %eq3A_1618 = arith.constant 15 : i32
    %eq3A_1619 = vector.broadcast %eq3A_1618 : i32 to vector<16x512xi32>
    %eq3A_1620 = arith.cmpi eq, %min3A_1380, %eq3A_1619 : vector<16x512xi32>
    %jit3A_1621 = arith.constant 0.000000e+00 : f32
    %broadcast_in_dim3A_1622 = vector.broadcast %jit3A_1621 : f32 to vector<16x512xf32>
    %select_n3A_1623 = arith.select %eq3A_1620, %get3A_1615, %broadcast_in_dim3A_1622 : vector<16x512xi1>, vector<16x512xf32>
    %add3A_1624 = arith.addf %add3A_1609, %select_n3A_1623 : vector<16x512xf32>
    %get3A_1625 = arith.constant 0 : index
    %get3A_1626 = arith.constant 16 : index
    %get3A_1627 = arith.constant 64 : index
    %get3A_1628 = arith.constant 0 : index
    %get3A_1629 = vector.load %arg2[%get3A_1625, %get3A_1626, %get3A_1627, %get3A_1628] : memref<1x19x256x512xf32, #tpu.memory_space<vmem>>, vector<1x1x16x512xf32>
    %get3A_1630 = vector.shape_cast %get3A_1629 : vector<1x1x16x512xf32> to vector<16x512xf32>
    %exp3A_1631 = math.exp %get3A_1630 : vector<16x512xf32>
    %add3A_1632 = arith.addf %add3A_1617, %exp3A_1631 : vector<16x512xf32>
    %eq3A_1633 = arith.constant 16 : i32
    %eq3A_1634 = vector.broadcast %eq3A_1633 : i32 to vector<16x512xi32>
    %eq3A_1635 = arith.cmpi eq, %min3A_1380, %eq3A_1634 : vector<16x512xi32>
    %jit3A_1636 = arith.constant 0.000000e+00 : f32
    %broadcast_in_dim3A_1637 = vector.broadcast %jit3A_1636 : f32 to vector<16x512xf32>
    %select_n3A_1638 = arith.select %eq3A_1635, %get3A_1630, %broadcast_in_dim3A_1637 : vector<16x512xi1>, vector<16x512xf32>
    %add3A_1639 = arith.addf %add3A_1624, %select_n3A_1638 : vector<16x512xf32>
    %get3A_1640 = arith.constant 0 : index
    %get3A_1641 = arith.constant 17 : index
    %get3A_1642 = arith.constant 64 : index
    %get3A_1643 = arith.constant 0 : index
    %get3A_1644 = vector.load %arg2[%get3A_1640, %get3A_1641, %get3A_1642, %get3A_1643] : memref<1x19x256x512xf32, #tpu.memory_space<vmem>>, vector<1x1x16x512xf32>
    %get3A_1645 = vector.shape_cast %get3A_1644 : vector<1x1x16x512xf32> to vector<16x512xf32>
    %exp3A_1646 = math.exp %get3A_1645 : vector<16x512xf32>
    %add3A_1647 = arith.addf %add3A_1632, %exp3A_1646 : vector<16x512xf32>
    %eq3A_1648 = arith.constant 17 : i32
    %eq3A_1649 = vector.broadcast %eq3A_1648 : i32 to vector<16x512xi32>
    %eq3A_1650 = arith.cmpi eq, %min3A_1380, %eq3A_1649 : vector<16x512xi32>
    %jit3A_1651 = arith.constant 0.000000e+00 : f32
    %broadcast_in_dim3A_1652 = vector.broadcast %jit3A_1651 : f32 to vector<16x512xf32>
    %select_n3A_1653 = arith.select %eq3A_1650, %get3A_1645, %broadcast_in_dim3A_1652 : vector<16x512xi1>, vector<16x512xf32>
    %add3A_1654 = arith.addf %add3A_1639, %select_n3A_1653 : vector<16x512xf32>
    %get3A_1655 = arith.constant 0 : index
    %get3A_1656 = arith.constant 18 : index
    %get3A_1657 = arith.constant 64 : index
    %get3A_1658 = arith.constant 0 : index
    %get3A_1659 = vector.load %arg2[%get3A_1655, %get3A_1656, %get3A_1657, %get3A_1658] : memref<1x19x256x512xf32, #tpu.memory_space<vmem>>, vector<1x1x16x512xf32>
    %get3A_1660 = vector.shape_cast %get3A_1659 : vector<1x1x16x512xf32> to vector<16x512xf32>
    %exp3A_1661 = math.exp %get3A_1660 : vector<16x512xf32>
    %add3A_1662 = arith.addf %add3A_1647, %exp3A_1661 : vector<16x512xf32>
    %eq3A_1663 = arith.constant 18 : i32
    %eq3A_1664 = vector.broadcast %eq3A_1663 : i32 to vector<16x512xi32>
    %eq3A_1665 = arith.cmpi eq, %min3A_1380, %eq3A_1664 : vector<16x512xi32>
    %jit3A_1666 = arith.constant 0.000000e+00 : f32
    %broadcast_in_dim3A_1667 = vector.broadcast %jit3A_1666 : f32 to vector<16x512xf32>
    %select_n3A_1668 = arith.select %eq3A_1665, %get3A_1660, %broadcast_in_dim3A_1667 : vector<16x512xi1>, vector<16x512xf32>
    %add3A_1669 = arith.addf %add3A_1654, %select_n3A_1668 : vector<16x512xf32>
    %log3A_1670 = math.log %add3A_1662 : vector<16x512xf32>
    %sub3A_1671 = arith.subf %log3A_1670, %add3A_1669 : vector<16x512xf32>
    %ne3A_1672 = arith.constant 255 : i32
    %ne3A_1673 = vector.broadcast %ne3A_1672 : i32 to vector<16x512xi32>
    %ne3A_1674 = arith.cmpi ne, %get3A_1374, %ne3A_1673 : vector<16x512xi32>
    %jit3A_1675 = arith.constant 0.000000e+00 : f32
    %broadcast_in_dim3A_1676 = vector.broadcast %jit3A_1675 : f32 to vector<16x512xf32>
    %select_n3A_1677 = arith.select %ne3A_1674, %sub3A_1671, %broadcast_in_dim3A_1676 : vector<16x512xi1>, vector<16x512xf32>
    %swap3A_1678 = arith.constant 0 : index
    %swap3A_1679 = arith.constant 64 : index
    %swap3A_1680 = arith.constant 0 : index
    %swap3A_1681 = vector.load %arg4[%swap3A_1678, %swap3A_1679, %swap3A_1680] : memref<1x256x512xf32, #tpu.memory_space<vmem>>, vector<1x16x512xf32>
    %swap3A_1682 = vector.shape_cast %swap3A_1681 : vector<1x16x512xf32> to vector<16x512xf32>
    %swap3A_1683 = vector.shape_cast %select_n3A_1677 : vector<16x512xf32> to vector<1x16x512xf32>
    tpu.vector_store %arg4[%swap3A_1678, %swap3A_1679, %swap3A_1680], %swap3A_1683 {strides = array<i32>} : memref<1x256x512xf32, #tpu.memory_space<vmem>>, vector<1x16x512xf32>,
    %gt3A_1684 = arith.constant 0.356674939 : f32
    %gt3A_1685 = vector.broadcast %gt3A_1684 : f32 to vector<16x512xf32>
    %gt3A_1686 = arith.cmpf ogt, %select_n3A_1677, %gt3A_1685 : vector<16x512xf32>
    %get3A_1687 = arith.constant 0 : index
    %get3A_1688 = arith.constant 0 : index
    %get3A_1689 = memref.load %arg5[%get3A_1687, %get3A_1688] : memref<1x1xi32, #tpu.memory_space<smem>>
    %convert_element_type3A_1690 = arith.extui %gt3A_1686 : vector<16x512xi1> to vector<16x512xi32>
    %reduce_sum3A_1691 = vector.shape_cast %convert_element_type3A_1690 : vector<16x512xi32> to vector<1x16x512xi32>
    %reduce_sum3A_1692 = arith.constant dense<0> : vector<1xi32>
    %reduce_sum3A_1693 = vector.multi_reduction <add>, %reduce_sum3A_1691, %reduce_sum3A_1692 [1, 2] : vector<1x16x512xi32> to vector<1xi32>
    %reduce_sum3A_1694 = vector.shape_cast %reduce_sum3A_1693 : vector<1xi32> to vector<1x1x1xi32>
    %reduce_sum3A_1695 = vector.extract %reduce_sum3A_1694[0, 0, 0] : i32 from vector<1x1x1xi32>
    %add3A_1696 = arith.addi %get3A_1689, %reduce_sum3A_1695 : i32
    %swap3A_1697 = arith.constant 0 : index
    %swap3A_1698 = arith.constant 0 : index
    %swap3A_1699 = memref.load %arg5[%swap3A_1697, %swap3A_1698] : memref<1x1xi32, #tpu.memory_space<smem>>
    memref.store %add3A_1696, %arg5[%swap3A_1697, %swap3A_1698] : memref<1x1xi32, #tpu.memory_space<smem>>
    %get3A_1700 = arith.constant 0 : index
    %get3A_1701 = arith.constant 0 : index
    %get3A_1702 = memref.load %arg6[%get3A_1700, %get3A_1701] : memref<1x1xf32, #tpu.memory_space<smem>>
    %jit3A_1703 = arith.constant 0.000000e+00 : f32
    %broadcast_in_dim3A_1704 = vector.broadcast %jit3A_1703 : f32 to vector<16x512xf32>
    %select_n3A_1705 = arith.select %gt3A_1686, %select_n3A_1677, %broadcast_in_dim3A_1704 : vector<16x512xi1>, vector<16x512xf32>
    %reduce_sum3A_1706 = vector.shape_cast %select_n3A_1705 : vector<16x512xf32> to vector<1x16x512xf32>
    %reduce_sum3A_1707 = arith.constant dense<0.000000e+00> : vector<1xf32>
    %reduce_sum3A_1708 = vector.multi_reduction <add>, %reduce_sum3A_1706, %reduce_sum3A_1707 [1, 2] : vector<1x16x512xf32> to vector<1xf32>
    %reduce_sum3A_1709 = vector.shape_cast %reduce_sum3A_1708 : vector<1xf32> to vector<1x1x1xf32>
    %reduce_sum3A_1710 = vector.extract %reduce_sum3A_1709[0, 0, 0] : f32 from vector<1x1x1xf32>
    %add3A_1711 = arith.addf %get3A_1702, %reduce_sum3A_1710 : f32
    %swap3A_1712 = arith.constant 0 : index
    %swap3A_1713 = arith.constant 0 : index
    %swap3A_1714 = memref.load %arg6[%swap3A_1712, %swap3A_1713] : memref<1x1xf32, #tpu.memory_space<smem>>
    memref.store %add3A_1711, %arg6[%swap3A_1712, %swap3A_1713] : memref<1x1xf32, #tpu.memory_space<smem>>
    %get3A_1715 = arith.constant 0 : index
    %get3A_1716 = arith.constant 80 : index
    %get3A_1717 = arith.constant 0 : index
    %get3A_1718 = vector.load %arg3[%get3A_1715, %get3A_1716, %get3A_1717] : memref<1x256x512xi32, #tpu.memory_space<vmem>>, vector<1x16x512xi32>
    %get3A_1719 = vector.shape_cast %get3A_1718 : vector<1x16x512xi32> to vector<16x512xi32>
    %jit3A_1720 = arith.constant 0 : i32
    %jit3A_1721 = arith.constant 18 : i32
    %max3A_1722 = vector.broadcast %jit3A_1720 : i32 to vector<16x512xi32>
    %max3A_1723 = arith.maxsi %max3A_1722, %get3A_1719 : vector<16x512xi32>
    %min3A_1724 = vector.broadcast %jit3A_1721 : i32 to vector<16x512xi32>
    %min3A_1725 = arith.minsi %min3A_1724, %max3A_1723 : vector<16x512xi32>
    %broadcast_in_dim3A_1726 = arith.constant 0.000000e+00 : f32
    %broadcast_in_dim3A_1727 = vector.broadcast %broadcast_in_dim3A_1726 : f32 to vector<16x512xf32>
    %broadcast_in_dim3A_1728 = arith.constant 0.000000e+00 : f32
    %broadcast_in_dim3A_1729 = vector.broadcast %broadcast_in_dim3A_1728 : f32 to vector<16x512xf32>
    %get3A_1730 = arith.constant 0 : index
    %get3A_1731 = arith.constant 0 : index
    %get3A_1732 = arith.constant 80 : index
    %get3A_1733 = arith.constant 0 : index
    %get3A_1734 = vector.load %arg2[%get3A_1730, %get3A_1731, %get3A_1732, %get3A_1733] : memref<1x19x256x512xf32, #tpu.memory_space<vmem>>, vector<1x1x16x512xf32>
    %get3A_1735 = vector.shape_cast %get3A_1734 : vector<1x1x16x512xf32> to vector<16x512xf32>
    %exp3A_1736 = math.exp %get3A_1735 : vector<16x512xf32>
    %add3A_1737 = arith.addf %broadcast_in_dim3A_1727, %exp3A_1736 : vector<16x512xf32>
    %eq3A_1738 = arith.constant 0 : i32
    %eq3A_1739 = vector.broadcast %eq3A_1738 : i32 to vector<16x512xi32>
    %eq3A_1740 = arith.cmpi eq, %min3A_1725, %eq3A_1739 : vector<16x512xi32>
    %jit3A_1741 = arith.constant 0.000000e+00 : f32
    %broadcast_in_dim3A_1742 = vector.broadcast %jit3A_1741 : f32 to vector<16x512xf32>
    %select_n3A_1743 = arith.select %eq3A_1740, %get3A_1735, %broadcast_in_dim3A_1742 : vector<16x512xi1>, vector<16x512xf32>
    %add3A_1744 = arith.addf %broadcast_in_dim3A_1729, %select_n3A_1743 : vector<16x512xf32>
    %get3A_1745 = arith.constant 0 : index
    %get3A_1746 = arith.constant 1 : index
    %get3A_1747 = arith.constant 80 : index
    %get3A_1748 = arith.constant 0 : index
    %get3A_1749 = vector.load %arg2[%get3A_1745, %get3A_1746, %get3A_1747, %get3A_1748] : memref<1x19x256x512xf32, #tpu.memory_space<vmem>>, vector<1x1x16x512xf32>
    %get3A_1750 = vector.shape_cast %get3A_1749 : vector<1x1x16x512xf32> to vector<16x512xf32>
    %exp3A_1751 = math.exp %get3A_1750 : vector<16x512xf32>
    %add3A_1752 = arith.addf %add3A_1737, %exp3A_1751 : vector<16x512xf32>
    %eq3A_1753 = arith.constant 1 : i32
    %eq3A_1754 = vector.broadcast %eq3A_1753 : i32 to vector<16x512xi32>
    %eq3A_1755 = arith.cmpi eq, %min3A_1725, %eq3A_1754 : vector<16x512xi32>
    %jit3A_1756 = arith.constant 0.000000e+00 : f32
    %broadcast_in_dim3A_1757 = vector.broadcast %jit3A_1756 : f32 to vector<16x512xf32>
    %select_n3A_1758 = arith.select %eq3A_1755, %get3A_1750, %broadcast_in_dim3A_1757 : vector<16x512xi1>, vector<16x512xf32>
    %add3A_1759 = arith.addf %add3A_1744, %select_n3A_1758 : vector<16x512xf32>
    %get3A_1760 = arith.constant 0 : index
    %get3A_1761 = arith.constant 2 : index
    %get3A_1762 = arith.constant 80 : index
    %get3A_1763 = arith.constant 0 : index
    %get3A_1764 = vector.load %arg2[%get3A_1760, %get3A_1761, %get3A_1762, %get3A_1763] : memref<1x19x256x512xf32, #tpu.memory_space<vmem>>, vector<1x1x16x512xf32>
    %get3A_1765 = vector.shape_cast %get3A_1764 : vector<1x1x16x512xf32> to vector<16x512xf32>
    %exp3A_1766 = math.exp %get3A_1765 : vector<16x512xf32>
    %add3A_1767 = arith.addf %add3A_1752, %exp3A_1766 : vector<16x512xf32>
    %eq3A_1768 = arith.constant 2 : i32
    %eq3A_1769 = vector.broadcast %eq3A_1768 : i32 to vector<16x512xi32>
    %eq3A_1770 = arith.cmpi eq, %min3A_1725, %eq3A_1769 : vector<16x512xi32>
    %jit3A_1771 = arith.constant 0.000000e+00 : f32
    %broadcast_in_dim3A_1772 = vector.broadcast %jit3A_1771 : f32 to vector<16x512xf32>
    %select_n3A_1773 = arith.select %eq3A_1770, %get3A_1765, %broadcast_in_dim3A_1772 : vector<16x512xi1>, vector<16x512xf32>
    %add3A_1774 = arith.addf %add3A_1759, %select_n3A_1773 : vector<16x512xf32>
    %get3A_1775 = arith.constant 0 : index
    %get3A_1776 = arith.constant 3 : index
    %get3A_1777 = arith.constant 80 : index
    %get3A_1778 = arith.constant 0 : index
    %get3A_1779 = vector.load %arg2[%get3A_1775, %get3A_1776, %get3A_1777, %get3A_1778] : memref<1x19x256x512xf32, #tpu.memory_space<vmem>>, vector<1x1x16x512xf32>
    %get3A_1780 = vector.shape_cast %get3A_1779 : vector<1x1x16x512xf32> to vector<16x512xf32>
    %exp3A_1781 = math.exp %get3A_1780 : vector<16x512xf32>
    %add3A_1782 = arith.addf %add3A_1767, %exp3A_1781 : vector<16x512xf32>
    %eq3A_1783 = arith.constant 3 : i32
    %eq3A_1784 = vector.broadcast %eq3A_1783 : i32 to vector<16x512xi32>
    %eq3A_1785 = arith.cmpi eq, %min3A_1725, %eq3A_1784 : vector<16x512xi32>
    %jit3A_1786 = arith.constant 0.000000e+00 : f32
    %broadcast_in_dim3A_1787 = vector.broadcast %jit3A_1786 : f32 to vector<16x512xf32>
    %select_n3A_1788 = arith.select %eq3A_1785, %get3A_1780, %broadcast_in_dim3A_1787 : vector<16x512xi1>, vector<16x512xf32>
    %add3A_1789 = arith.addf %add3A_1774, %select_n3A_1788 : vector<16x512xf32>
    %get3A_1790 = arith.constant 0 : index
    %get3A_1791 = arith.constant 4 : index
    %get3A_1792 = arith.constant 80 : index
    %get3A_1793 = arith.constant 0 : index
    %get3A_1794 = vector.load %arg2[%get3A_1790, %get3A_1791, %get3A_1792, %get3A_1793] : memref<1x19x256x512xf32, #tpu.memory_space<vmem>>, vector<1x1x16x512xf32>
    %get3A_1795 = vector.shape_cast %get3A_1794 : vector<1x1x16x512xf32> to vector<16x512xf32>
    %exp3A_1796 = math.exp %get3A_1795 : vector<16x512xf32>
    %add3A_1797 = arith.addf %add3A_1782, %exp3A_1796 : vector<16x512xf32>
    %eq3A_1798 = arith.constant 4 : i32
    %eq3A_1799 = vector.broadcast %eq3A_1798 : i32 to vector<16x512xi32>
    %eq3A_1800 = arith.cmpi eq, %min3A_1725, %eq3A_1799 : vector<16x512xi32>
    %jit3A_1801 = arith.constant 0.000000e+00 : f32
    %broadcast_in_dim3A_1802 = vector.broadcast %jit3A_1801 : f32 to vector<16x512xf32>
    %select_n3A_1803 = arith.select %eq3A_1800, %get3A_1795, %broadcast_in_dim3A_1802 : vector<16x512xi1>, vector<16x512xf32>
    %add3A_1804 = arith.addf %add3A_1789, %select_n3A_1803 : vector<16x512xf32>
    %get3A_1805 = arith.constant 0 : index
    %get3A_1806 = arith.constant 5 : index
    %get3A_1807 = arith.constant 80 : index
    %get3A_1808 = arith.constant 0 : index
    %get3A_1809 = vector.load %arg2[%get3A_1805, %get3A_1806, %get3A_1807, %get3A_1808] : memref<1x19x256x512xf32, #tpu.memory_space<vmem>>, vector<1x1x16x512xf32>
    %get3A_1810 = vector.shape_cast %get3A_1809 : vector<1x1x16x512xf32> to vector<16x512xf32>
    %exp3A_1811 = math.exp %get3A_1810 : vector<16x512xf32>
    %add3A_1812 = arith.addf %add3A_1797, %exp3A_1811 : vector<16x512xf32>
    %eq3A_1813 = arith.constant 5 : i32
    %eq3A_1814 = vector.broadcast %eq3A_1813 : i32 to vector<16x512xi32>
    %eq3A_1815 = arith.cmpi eq, %min3A_1725, %eq3A_1814 : vector<16x512xi32>
    %jit3A_1816 = arith.constant 0.000000e+00 : f32
    %broadcast_in_dim3A_1817 = vector.broadcast %jit3A_1816 : f32 to vector<16x512xf32>
    %select_n3A_1818 = arith.select %eq3A_1815, %get3A_1810, %broadcast_in_dim3A_1817 : vector<16x512xi1>, vector<16x512xf32>
    %add3A_1819 = arith.addf %add3A_1804, %select_n3A_1818 : vector<16x512xf32>
    %get3A_1820 = arith.constant 0 : index
    %get3A_1821 = arith.constant 6 : index
    %get3A_1822 = arith.constant 80 : index
    %get3A_1823 = arith.constant 0 : index
    %get3A_1824 = vector.load %arg2[%get3A_1820, %get3A_1821, %get3A_1822, %get3A_1823] : memref<1x19x256x512xf32, #tpu.memory_space<vmem>>, vector<1x1x16x512xf32>
    %get3A_1825 = vector.shape_cast %get3A_1824 : vector<1x1x16x512xf32> to vector<16x512xf32>
    %exp3A_1826 = math.exp %get3A_1825 : vector<16x512xf32>
    %add3A_1827 = arith.addf %add3A_1812, %exp3A_1826 : vector<16x512xf32>
    %eq3A_1828 = arith.constant 6 : i32
    %eq3A_1829 = vector.broadcast %eq3A_1828 : i32 to vector<16x512xi32>
    %eq3A_1830 = arith.cmpi eq, %min3A_1725, %eq3A_1829 : vector<16x512xi32>
    %jit3A_1831 = arith.constant 0.000000e+00 : f32
    %broadcast_in_dim3A_1832 = vector.broadcast %jit3A_1831 : f32 to vector<16x512xf32>
    %select_n3A_1833 = arith.select %eq3A_1830, %get3A_1825, %broadcast_in_dim3A_1832 : vector<16x512xi1>, vector<16x512xf32>
    %add3A_1834 = arith.addf %add3A_1819, %select_n3A_1833 : vector<16x512xf32>
    %get3A_1835 = arith.constant 0 : index
    %get3A_1836 = arith.constant 7 : index
    %get3A_1837 = arith.constant 80 : index
    %get3A_1838 = arith.constant 0 : index
    %get3A_1839 = vector.load %arg2[%get3A_1835, %get3A_1836, %get3A_1837, %get3A_1838] : memref<1x19x256x512xf32, #tpu.memory_space<vmem>>, vector<1x1x16x512xf32>
    %get3A_1840 = vector.shape_cast %get3A_1839 : vector<1x1x16x512xf32> to vector<16x512xf32>
    %exp3A_1841 = math.exp %get3A_1840 : vector<16x512xf32>
    %add3A_1842 = arith.addf %add3A_1827, %exp3A_1841 : vector<16x512xf32>
    %eq3A_1843 = arith.constant 7 : i32
    %eq3A_1844 = vector.broadcast %eq3A_1843 : i32 to vector<16x512xi32>
    %eq3A_1845 = arith.cmpi eq, %min3A_1725, %eq3A_1844 : vector<16x512xi32>
    %jit3A_1846 = arith.constant 0.000000e+00 : f32
    %broadcast_in_dim3A_1847 = vector.broadcast %jit3A_1846 : f32 to vector<16x512xf32>
    %select_n3A_1848 = arith.select %eq3A_1845, %get3A_1840, %broadcast_in_dim3A_1847 : vector<16x512xi1>, vector<16x512xf32>
    %add3A_1849 = arith.addf %add3A_1834, %select_n3A_1848 : vector<16x512xf32>
    %get3A_1850 = arith.constant 0 : index
    %get3A_1851 = arith.constant 8 : index
    %get3A_1852 = arith.constant 80 : index
    %get3A_1853 = arith.constant 0 : index
    %get3A_1854 = vector.load %arg2[%get3A_1850, %get3A_1851, %get3A_1852, %get3A_1853] : memref<1x19x256x512xf32, #tpu.memory_space<vmem>>, vector<1x1x16x512xf32>
    %get3A_1855 = vector.shape_cast %get3A_1854 : vector<1x1x16x512xf32> to vector<16x512xf32>
    %exp3A_1856 = math.exp %get3A_1855 : vector<16x512xf32>
    %add3A_1857 = arith.addf %add3A_1842, %exp3A_1856 : vector<16x512xf32>
    %eq3A_1858 = arith.constant 8 : i32
    %eq3A_1859 = vector.broadcast %eq3A_1858 : i32 to vector<16x512xi32>
    %eq3A_1860 = arith.cmpi eq, %min3A_1725, %eq3A_1859 : vector<16x512xi32>
    %jit3A_1861 = arith.constant 0.000000e+00 : f32
    %broadcast_in_dim3A_1862 = vector.broadcast %jit3A_1861 : f32 to vector<16x512xf32>
    %select_n3A_1863 = arith.select %eq3A_1860, %get3A_1855, %broadcast_in_dim3A_1862 : vector<16x512xi1>, vector<16x512xf32>
    %add3A_1864 = arith.addf %add3A_1849, %select_n3A_1863 : vector<16x512xf32>
    %get3A_1865 = arith.constant 0 : index
    %get3A_1866 = arith.constant 9 : index
    %get3A_1867 = arith.constant 80 : index
    %get3A_1868 = arith.constant 0 : index
    %get3A_1869 = vector.load %arg2[%get3A_1865, %get3A_1866, %get3A_1867, %get3A_1868] : memref<1x19x256x512xf32, #tpu.memory_space<vmem>>, vector<1x1x16x512xf32>
    %get3A_1870 = vector.shape_cast %get3A_1869 : vector<1x1x16x512xf32> to vector<16x512xf32>
    %exp3A_1871 = math.exp %get3A_1870 : vector<16x512xf32>
    %add3A_1872 = arith.addf %add3A_1857, %exp3A_1871 : vector<16x512xf32>
    %eq3A_1873 = arith.constant 9 : i32
    %eq3A_1874 = vector.broadcast %eq3A_1873 : i32 to vector<16x512xi32>
    %eq3A_1875 = arith.cmpi eq, %min3A_1725, %eq3A_1874 : vector<16x512xi32>
    %jit3A_1876 = arith.constant 0.000000e+00 : f32
    %broadcast_in_dim3A_1877 = vector.broadcast %jit3A_1876 : f32 to vector<16x512xf32>
    %select_n3A_1878 = arith.select %eq3A_1875, %get3A_1870, %broadcast_in_dim3A_1877 : vector<16x512xi1>, vector<16x512xf32>
    %add3A_1879 = arith.addf %add3A_1864, %select_n3A_1878 : vector<16x512xf32>
    %get3A_1880 = arith.constant 0 : index
    %get3A_1881 = arith.constant 10 : index
    %get3A_1882 = arith.constant 80 : index
    %get3A_1883 = arith.constant 0 : index
    %get3A_1884 = vector.load %arg2[%get3A_1880, %get3A_1881, %get3A_1882, %get3A_1883] : memref<1x19x256x512xf32, #tpu.memory_space<vmem>>, vector<1x1x16x512xf32>
    %get3A_1885 = vector.shape_cast %get3A_1884 : vector<1x1x16x512xf32> to vector<16x512xf32>
    %exp3A_1886 = math.exp %get3A_1885 : vector<16x512xf32>
    %add3A_1887 = arith.addf %add3A_1872, %exp3A_1886 : vector<16x512xf32>
    %eq3A_1888 = arith.constant 10 : i32
    %eq3A_1889 = vector.broadcast %eq3A_1888 : i32 to vector<16x512xi32>
    %eq3A_1890 = arith.cmpi eq, %min3A_1725, %eq3A_1889 : vector<16x512xi32>
    %jit3A_1891 = arith.constant 0.000000e+00 : f32
    %broadcast_in_dim3A_1892 = vector.broadcast %jit3A_1891 : f32 to vector<16x512xf32>
    %select_n3A_1893 = arith.select %eq3A_1890, %get3A_1885, %broadcast_in_dim3A_1892 : vector<16x512xi1>, vector<16x512xf32>
    %add3A_1894 = arith.addf %add3A_1879, %select_n3A_1893 : vector<16x512xf32>
    %get3A_1895 = arith.constant 0 : index
    %get3A_1896 = arith.constant 11 : index
    %get3A_1897 = arith.constant 80 : index
    %get3A_1898 = arith.constant 0 : index
    %get3A_1899 = vector.load %arg2[%get3A_1895, %get3A_1896, %get3A_1897, %get3A_1898] : memref<1x19x256x512xf32, #tpu.memory_space<vmem>>, vector<1x1x16x512xf32>
    %get3A_1900 = vector.shape_cast %get3A_1899 : vector<1x1x16x512xf32> to vector<16x512xf32>
    %exp3A_1901 = math.exp %get3A_1900 : vector<16x512xf32>
    %add3A_1902 = arith.addf %add3A_1887, %exp3A_1901 : vector<16x512xf32>
    %eq3A_1903 = arith.constant 11 : i32
    %eq3A_1904 = vector.broadcast %eq3A_1903 : i32 to vector<16x512xi32>
    %eq3A_1905 = arith.cmpi eq, %min3A_1725, %eq3A_1904 : vector<16x512xi32>
    %jit3A_1906 = arith.constant 0.000000e+00 : f32
    %broadcast_in_dim3A_1907 = vector.broadcast %jit3A_1906 : f32 to vector<16x512xf32>
    %select_n3A_1908 = arith.select %eq3A_1905, %get3A_1900, %broadcast_in_dim3A_1907 : vector<16x512xi1>, vector<16x512xf32>
    %add3A_1909 = arith.addf %add3A_1894, %select_n3A_1908 : vector<16x512xf32>
    %get3A_1910 = arith.constant 0 : index
    %get3A_1911 = arith.constant 12 : index
    %get3A_1912 = arith.constant 80 : index
    %get3A_1913 = arith.constant 0 : index
    %get3A_1914 = vector.load %arg2[%get3A_1910, %get3A_1911, %get3A_1912, %get3A_1913] : memref<1x19x256x512xf32, #tpu.memory_space<vmem>>, vector<1x1x16x512xf32>
    %get3A_1915 = vector.shape_cast %get3A_1914 : vector<1x1x16x512xf32> to vector<16x512xf32>
    %exp3A_1916 = math.exp %get3A_1915 : vector<16x512xf32>
    %add3A_1917 = arith.addf %add3A_1902, %exp3A_1916 : vector<16x512xf32>
    %eq3A_1918 = arith.constant 12 : i32
    %eq3A_1919 = vector.broadcast %eq3A_1918 : i32 to vector<16x512xi32>
    %eq3A_1920 = arith.cmpi eq, %min3A_1725, %eq3A_1919 : vector<16x512xi32>
    %jit3A_1921 = arith.constant 0.000000e+00 : f32
    %broadcast_in_dim3A_1922 = vector.broadcast %jit3A_1921 : f32 to vector<16x512xf32>
    %select_n3A_1923 = arith.select %eq3A_1920, %get3A_1915, %broadcast_in_dim3A_1922 : vector<16x512xi1>, vector<16x512xf32>
    %add3A_1924 = arith.addf %add3A_1909, %select_n3A_1923 : vector<16x512xf32>
    %get3A_1925 = arith.constant 0 : index
    %get3A_1926 = arith.constant 13 : index
    %get3A_1927 = arith.constant 80 : index
    %get3A_1928 = arith.constant 0 : index
    %get3A_1929 = vector.load %arg2[%get3A_1925, %get3A_1926, %get3A_1927, %get3A_1928] : memref<1x19x256x512xf32, #tpu.memory_space<vmem>>, vector<1x1x16x512xf32>
    %get3A_1930 = vector.shape_cast %get3A_1929 : vector<1x1x16x512xf32> to vector<16x512xf32>
    %exp3A_1931 = math.exp %get3A_1930 : vector<16x512xf32>
    %add3A_1932 = arith.addf %add3A_1917, %exp3A_1931 : vector<16x512xf32>
    %eq3A_1933 = arith.constant 13 : i32
    %eq3A_1934 = vector.broadcast %eq3A_1933 : i32 to vector<16x512xi32>
    %eq3A_1935 = arith.cmpi eq, %min3A_1725, %eq3A_1934 : vector<16x512xi32>
    %jit3A_1936 = arith.constant 0.000000e+00 : f32
    %broadcast_in_dim3A_1937 = vector.broadcast %jit3A_1936 : f32 to vector<16x512xf32>
    %select_n3A_1938 = arith.select %eq3A_1935, %get3A_1930, %broadcast_in_dim3A_1937 : vector<16x512xi1>, vector<16x512xf32>
    %add3A_1939 = arith.addf %add3A_1924, %select_n3A_1938 : vector<16x512xf32>
    %get3A_1940 = arith.constant 0 : index
    %get3A_1941 = arith.constant 14 : index
    %get3A_1942 = arith.constant 80 : index
    %get3A_1943 = arith.constant 0 : index
    %get3A_1944 = vector.load %arg2[%get3A_1940, %get3A_1941, %get3A_1942, %get3A_1943] : memref<1x19x256x512xf32, #tpu.memory_space<vmem>>, vector<1x1x16x512xf32>
    %get3A_1945 = vector.shape_cast %get3A_1944 : vector<1x1x16x512xf32> to vector<16x512xf32>
    %exp3A_1946 = math.exp %get3A_1945 : vector<16x512xf32>
    %add3A_1947 = arith.addf %add3A_1932, %exp3A_1946 : vector<16x512xf32>
    %eq3A_1948 = arith.constant 14 : i32
    %eq3A_1949 = vector.broadcast %eq3A_1948 : i32 to vector<16x512xi32>
    %eq3A_1950 = arith.cmpi eq, %min3A_1725, %eq3A_1949 : vector<16x512xi32>
    %jit3A_1951 = arith.constant 0.000000e+00 : f32
    %broadcast_in_dim3A_1952 = vector.broadcast %jit3A_1951 : f32 to vector<16x512xf32>
    %select_n3A_1953 = arith.select %eq3A_1950, %get3A_1945, %broadcast_in_dim3A_1952 : vector<16x512xi1>, vector<16x512xf32>
    %add3A_1954 = arith.addf %add3A_1939, %select_n3A_1953 : vector<16x512xf32>
    %get3A_1955 = arith.constant 0 : index
    %get3A_1956 = arith.constant 15 : index
    %get3A_1957 = arith.constant 80 : index
    %get3A_1958 = arith.constant 0 : index
    %get3A_1959 = vector.load %arg2[%get3A_1955, %get3A_1956, %get3A_1957, %get3A_1958] : memref<1x19x256x512xf32, #tpu.memory_space<vmem>>, vector<1x1x16x512xf32>
    %get3A_1960 = vector.shape_cast %get3A_1959 : vector<1x1x16x512xf32> to vector<16x512xf32>
    %exp3A_1961 = math.exp %get3A_1960 : vector<16x512xf32>
    %add3A_1962 = arith.addf %add3A_1947, %exp3A_1961 : vector<16x512xf32>
    %eq3A_1963 = arith.constant 15 : i32
    %eq3A_1964 = vector.broadcast %eq3A_1963 : i32 to vector<16x512xi32>
    %eq3A_1965 = arith.cmpi eq, %min3A_1725, %eq3A_1964 : vector<16x512xi32>
    %jit3A_1966 = arith.constant 0.000000e+00 : f32
    %broadcast_in_dim3A_1967 = vector.broadcast %jit3A_1966 : f32 to vector<16x512xf32>
    %select_n3A_1968 = arith.select %eq3A_1965, %get3A_1960, %broadcast_in_dim3A_1967 : vector<16x512xi1>, vector<16x512xf32>
    %add3A_1969 = arith.addf %add3A_1954, %select_n3A_1968 : vector<16x512xf32>
    %get3A_1970 = arith.constant 0 : index
    %get3A_1971 = arith.constant 16 : index
    %get3A_1972 = arith.constant 80 : index
    %get3A_1973 = arith.constant 0 : index
    %get3A_1974 = vector.load %arg2[%get3A_1970, %get3A_1971, %get3A_1972, %get3A_1973] : memref<1x19x256x512xf32, #tpu.memory_space<vmem>>, vector<1x1x16x512xf32>
    %get3A_1975 = vector.shape_cast %get3A_1974 : vector<1x1x16x512xf32> to vector<16x512xf32>
    %exp3A_1976 = math.exp %get3A_1975 : vector<16x512xf32>
    %add3A_1977 = arith.addf %add3A_1962, %exp3A_1976 : vector<16x512xf32>
    %eq3A_1978 = arith.constant 16 : i32
    %eq3A_1979 = vector.broadcast %eq3A_1978 : i32 to vector<16x512xi32>
    %eq3A_1980 = arith.cmpi eq, %min3A_1725, %eq3A_1979 : vector<16x512xi32>
    %jit3A_1981 = arith.constant 0.000000e+00 : f32
    %broadcast_in_dim3A_1982 = vector.broadcast %jit3A_1981 : f32 to vector<16x512xf32>
    %select_n3A_1983 = arith.select %eq3A_1980, %get3A_1975, %broadcast_in_dim3A_1982 : vector<16x512xi1>, vector<16x512xf32>
    %add3A_1984 = arith.addf %add3A_1969, %select_n3A_1983 : vector<16x512xf32>
    %get3A_1985 = arith.constant 0 : index
    %get3A_1986 = arith.constant 17 : index
    %get3A_1987 = arith.constant 80 : index
    %get3A_1988 = arith.constant 0 : index
    %get3A_1989 = vector.load %arg2[%get3A_1985, %get3A_1986, %get3A_1987, %get3A_1988] : memref<1x19x256x512xf32, #tpu.memory_space<vmem>>, vector<1x1x16x512xf32>
    %get3A_1990 = vector.shape_cast %get3A_1989 : vector<1x1x16x512xf32> to vector<16x512xf32>
    %exp3A_1991 = math.exp %get3A_1990 : vector<16x512xf32>
    %add3A_1992 = arith.addf %add3A_1977, %exp3A_1991 : vector<16x512xf32>
    %eq3A_1993 = arith.constant 17 : i32
    %eq3A_1994 = vector.broadcast %eq3A_1993 : i32 to vector<16x512xi32>
    %eq3A_1995 = arith.cmpi eq, %min3A_1725, %eq3A_1994 : vector<16x512xi32>
    %jit3A_1996 = arith.constant 0.000000e+00 : f32
    %broadcast_in_dim3A_1997 = vector.broadcast %jit3A_1996 : f32 to vector<16x512xf32>
    %select_n3A_1998 = arith.select %eq3A_1995, %get3A_1990, %broadcast_in_dim3A_1997 : vector<16x512xi1>, vector<16x512xf32>
    %add3A_1999 = arith.addf %add3A_1984, %select_n3A_1998 : vector<16x512xf32>
    %get3A_2000 = arith.constant 0 : index
    %get3A_2001 = arith.constant 18 : index
    %get3A_2002 = arith.constant 80 : index
    %get3A_2003 = arith.constant 0 : index
    %get3A_2004 = vector.load %arg2[%get3A_2000, %get3A_2001, %get3A_2002, %get3A_2003] : memref<1x19x256x512xf32, #tpu.memory_space<vmem>>, vector<1x1x16x512xf32>
    %get3A_2005 = vector.shape_cast %get3A_2004 : vector<1x1x16x512xf32> to vector<16x512xf32>
    %exp3A_2006 = math.exp %get3A_2005 : vector<16x512xf32>
    %add3A_2007 = arith.addf %add3A_1992, %exp3A_2006 : vector<16x512xf32>
    %eq3A_2008 = arith.constant 18 : i32
    %eq3A_2009 = vector.broadcast %eq3A_2008 : i32 to vector<16x512xi32>
    %eq3A_2010 = arith.cmpi eq, %min3A_1725, %eq3A_2009 : vector<16x512xi32>
    %jit3A_2011 = arith.constant 0.000000e+00 : f32
    %broadcast_in_dim3A_2012 = vector.broadcast %jit3A_2011 : f32 to vector<16x512xf32>
    %select_n3A_2013 = arith.select %eq3A_2010, %get3A_2005, %broadcast_in_dim3A_2012 : vector<16x512xi1>, vector<16x512xf32>
    %add3A_2014 = arith.addf %add3A_1999, %select_n3A_2013 : vector<16x512xf32>
    %log3A_2015 = math.log %add3A_2007 : vector<16x512xf32>
    %sub3A_2016 = arith.subf %log3A_2015, %add3A_2014 : vector<16x512xf32>
    %ne3A_2017 = arith.constant 255 : i32
    %ne3A_2018 = vector.broadcast %ne3A_2017 : i32 to vector<16x512xi32>
    %ne3A_2019 = arith.cmpi ne, %get3A_1719, %ne3A_2018 : vector<16x512xi32>
    %jit3A_2020 = arith.constant 0.000000e+00 : f32
    %broadcast_in_dim3A_2021 = vector.broadcast %jit3A_2020 : f32 to vector<16x512xf32>
    %select_n3A_2022 = arith.select %ne3A_2019, %sub3A_2016, %broadcast_in_dim3A_2021 : vector<16x512xi1>, vector<16x512xf32>
    %swap3A_2023 = arith.constant 0 : index
    %swap3A_2024 = arith.constant 80 : index
    %swap3A_2025 = arith.constant 0 : index
    %swap3A_2026 = vector.load %arg4[%swap3A_2023, %swap3A_2024, %swap3A_2025] : memref<1x256x512xf32, #tpu.memory_space<vmem>>, vector<1x16x512xf32>
    %swap3A_2027 = vector.shape_cast %swap3A_2026 : vector<1x16x512xf32> to vector<16x512xf32>
    %swap3A_2028 = vector.shape_cast %select_n3A_2022 : vector<16x512xf32> to vector<1x16x512xf32>
    tpu.vector_store %arg4[%swap3A_2023, %swap3A_2024, %swap3A_2025], %swap3A_2028 {strides = array<i32>} : memref<1x256x512xf32, #tpu.memory_space<vmem>>, vector<1x16x512xf32>,
    %gt3A_2029 = arith.constant 0.356674939 : f32
    %gt3A_2030 = vector.broadcast %gt3A_2029 : f32 to vector<16x512xf32>
    %gt3A_2031 = arith.cmpf ogt, %select_n3A_2022, %gt3A_2030 : vector<16x512xf32>
    %get3A_2032 = arith.constant 0 : index
    %get3A_2033 = arith.constant 0 : index
    %get3A_2034 = memref.load %arg5[%get3A_2032, %get3A_2033] : memref<1x1xi32, #tpu.memory_space<smem>>
    %convert_element_type3A_2035 = arith.extui %gt3A_2031 : vector<16x512xi1> to vector<16x512xi32>
    %reduce_sum3A_2036 = vector.shape_cast %convert_element_type3A_2035 : vector<16x512xi32> to vector<1x16x512xi32>
    %reduce_sum3A_2037 = arith.constant dense<0> : vector<1xi32>
    %reduce_sum3A_2038 = vector.multi_reduction <add>, %reduce_sum3A_2036, %reduce_sum3A_2037 [1, 2] : vector<1x16x512xi32> to vector<1xi32>
    %reduce_sum3A_2039 = vector.shape_cast %reduce_sum3A_2038 : vector<1xi32> to vector<1x1x1xi32>
    %reduce_sum3A_2040 = vector.extract %reduce_sum3A_2039[0, 0, 0] : i32 from vector<1x1x1xi32>
    %add3A_2041 = arith.addi %get3A_2034, %reduce_sum3A_2040 : i32
    %swap3A_2042 = arith.constant 0 : index
    %swap3A_2043 = arith.constant 0 : index
    %swap3A_2044 = memref.load %arg5[%swap3A_2042, %swap3A_2043] : memref<1x1xi32, #tpu.memory_space<smem>>
    memref.store %add3A_2041, %arg5[%swap3A_2042, %swap3A_2043] : memref<1x1xi32, #tpu.memory_space<smem>>
    %get3A_2045 = arith.constant 0 : index
    %get3A_2046 = arith.constant 0 : index
    %get3A_2047 = memref.load %arg6[%get3A_2045, %get3A_2046] : memref<1x1xf32, #tpu.memory_space<smem>>
    %jit3A_2048 = arith.constant 0.000000e+00 : f32
    %broadcast_in_dim3A_2049 = vector.broadcast %jit3A_2048 : f32 to vector<16x512xf32>
    %select_n3A_2050 = arith.select %gt3A_2031, %select_n3A_2022, %broadcast_in_dim3A_2049 : vector<16x512xi1>, vector<16x512xf32>
    %reduce_sum3A_2051 = vector.shape_cast %select_n3A_2050 : vector<16x512xf32> to vector<1x16x512xf32>
    %reduce_sum3A_2052 = arith.constant dense<0.000000e+00> : vector<1xf32>
    %reduce_sum3A_2053 = vector.multi_reduction <add>, %reduce_sum3A_2051, %reduce_sum3A_2052 [1, 2] : vector<1x16x512xf32> to vector<1xf32>
    %reduce_sum3A_2054 = vector.shape_cast %reduce_sum3A_2053 : vector<1xf32> to vector<1x1x1xf32>
    %reduce_sum3A_2055 = vector.extract %reduce_sum3A_2054[0, 0, 0] : f32 from vector<1x1x1xf32>
    %add3A_2056 = arith.addf %get3A_2047, %reduce_sum3A_2055 : f32
    %swap3A_2057 = arith.constant 0 : index
    %swap3A_2058 = arith.constant 0 : index
    %swap3A_2059 = memref.load %arg6[%swap3A_2057, %swap3A_2058] : memref<1x1xf32, #tpu.memory_space<smem>>
    memref.store %add3A_2056, %arg6[%swap3A_2057, %swap3A_2058] : memref<1x1xf32, #tpu.memory_space<smem>>
    %get3A_2060 = arith.constant 0 : index
    %get3A_2061 = arith.constant 96 : index
    %get3A_2062 = arith.constant 0 : index
    %get3A_2063 = vector.load %arg3[%get3A_2060, %get3A_2061, %get3A_2062] : memref<1x256x512xi32, #tpu.memory_space<vmem>>, vector<1x16x512xi32>
    %get3A_2064 = vector.shape_cast %get3A_2063 : vector<1x16x512xi32> to vector<16x512xi32>
    %jit3A_2065 = arith.constant 0 : i32
    %jit3A_2066 = arith.constant 18 : i32
    %max3A_2067 = vector.broadcast %jit3A_2065 : i32 to vector<16x512xi32>
    %max3A_2068 = arith.maxsi %max3A_2067, %get3A_2064 : vector<16x512xi32>
    %min3A_2069 = vector.broadcast %jit3A_2066 : i32 to vector<16x512xi32>
    %min3A_2070 = arith.minsi %min3A_2069, %max3A_2068 : vector<16x512xi32>
    %broadcast_in_dim3A_2071 = arith.constant 0.000000e+00 : f32
    %broadcast_in_dim3A_2072 = vector.broadcast %broadcast_in_dim3A_2071 : f32 to vector<16x512xf32>
    %broadcast_in_dim3A_2073 = arith.constant 0.000000e+00 : f32
    %broadcast_in_dim3A_2074 = vector.broadcast %broadcast_in_dim3A_2073 : f32 to vector<16x512xf32>
    %get3A_2075 = arith.constant 0 : index
    %get3A_2076 = arith.constant 0 : index
    %get3A_2077 = arith.constant 96 : index
    %get3A_2078 = arith.constant 0 : index
    %get3A_2079 = vector.load %arg2[%get3A_2075, %get3A_2076, %get3A_2077, %get3A_2078] : memref<1x19x256x512xf32, #tpu.memory_space<vmem>>, vector<1x1x16x512xf32>
    %get3A_2080 = vector.shape_cast %get3A_2079 : vector<1x1x16x512xf32> to vector<16x512xf32>
    %exp3A_2081 = math.exp %get3A_2080 : vector<16x512xf32>
    %add3A_2082 = arith.addf %broadcast_in_dim3A_2072, %exp3A_2081 : vector<16x512xf32>
    %eq3A_2083 = arith.constant 0 : i32
    %eq3A_2084 = vector.broadcast %eq3A_2083 : i32 to vector<16x512xi32>
    %eq3A_2085 = arith.cmpi eq, %min3A_2070, %eq3A_2084 : vector<16x512xi32>
    %jit3A_2086 = arith.constant 0.000000e+00 : f32
    %broadcast_in_dim3A_2087 = vector.broadcast %jit3A_2086 : f32 to vector<16x512xf32>
    %select_n3A_2088 = arith.select %eq3A_2085, %get3A_2080, %broadcast_in_dim3A_2087 : vector<16x512xi1>, vector<16x512xf32>
    %add3A_2089 = arith.addf %broadcast_in_dim3A_2074, %select_n3A_2088 : vector<16x512xf32>
    %get3A_2090 = arith.constant 0 : index
    %get3A_2091 = arith.constant 1 : index
    %get3A_2092 = arith.constant 96 : index
    %get3A_2093 = arith.constant 0 : index
    %get3A_2094 = vector.load %arg2[%get3A_2090, %get3A_2091, %get3A_2092, %get3A_2093] : memref<1x19x256x512xf32, #tpu.memory_space<vmem>>, vector<1x1x16x512xf32>
    %get3A_2095 = vector.shape_cast %get3A_2094 : vector<1x1x16x512xf32> to vector<16x512xf32>
    %exp3A_2096 = math.exp %get3A_2095 : vector<16x512xf32>
    %add3A_2097 = arith.addf %add3A_2082, %exp3A_2096 : vector<16x512xf32>
    %eq3A_2098 = arith.constant 1 : i32
    %eq3A_2099 = vector.broadcast %eq3A_2098 : i32 to vector<16x512xi32>
    %eq3A_2100 = arith.cmpi eq, %min3A_2070, %eq3A_2099 : vector<16x512xi32>
    %jit3A_2101 = arith.constant 0.000000e+00 : f32
    %broadcast_in_dim3A_2102 = vector.broadcast %jit3A_2101 : f32 to vector<16x512xf32>
    %select_n3A_2103 = arith.select %eq3A_2100, %get3A_2095, %broadcast_in_dim3A_2102 : vector<16x512xi1>, vector<16x512xf32>
    %add3A_2104 = arith.addf %add3A_2089, %select_n3A_2103 : vector<16x512xf32>
    %get3A_2105 = arith.constant 0 : index
    %get3A_2106 = arith.constant 2 : index
    %get3A_2107 = arith.constant 96 : index
    %get3A_2108 = arith.constant 0 : index
    %get3A_2109 = vector.load %arg2[%get3A_2105, %get3A_2106, %get3A_2107, %get3A_2108] : memref<1x19x256x512xf32, #tpu.memory_space<vmem>>, vector<1x1x16x512xf32>
    %get3A_2110 = vector.shape_cast %get3A_2109 : vector<1x1x16x512xf32> to vector<16x512xf32>
    %exp3A_2111 = math.exp %get3A_2110 : vector<16x512xf32>
    %add3A_2112 = arith.addf %add3A_2097, %exp3A_2111 : vector<16x512xf32>
    %eq3A_2113 = arith.constant 2 : i32
    %eq3A_2114 = vector.broadcast %eq3A_2113 : i32 to vector<16x512xi32>
    %eq3A_2115 = arith.cmpi eq, %min3A_2070, %eq3A_2114 : vector<16x512xi32>
    %jit3A_2116 = arith.constant 0.000000e+00 : f32
    %broadcast_in_dim3A_2117 = vector.broadcast %jit3A_2116 : f32 to vector<16x512xf32>
    %select_n3A_2118 = arith.select %eq3A_2115, %get3A_2110, %broadcast_in_dim3A_2117 : vector<16x512xi1>, vector<16x512xf32>
    %add3A_2119 = arith.addf %add3A_2104, %select_n3A_2118 : vector<16x512xf32>
    %get3A_2120 = arith.constant 0 : index
    %get3A_2121 = arith.constant 3 : index
    %get3A_2122 = arith.constant 96 : index
    %get3A_2123 = arith.constant 0 : index
    %get3A_2124 = vector.load %arg2[%get3A_2120, %get3A_2121, %get3A_2122, %get3A_2123] : memref<1x19x256x512xf32, #tpu.memory_space<vmem>>, vector<1x1x16x512xf32>
    %get3A_2125 = vector.shape_cast %get3A_2124 : vector<1x1x16x512xf32> to vector<16x512xf32>
    %exp3A_2126 = math.exp %get3A_2125 : vector<16x512xf32>
    %add3A_2127 = arith.addf %add3A_2112, %exp3A_2126 : vector<16x512xf32>
    %eq3A_2128 = arith.constant 3 : i32
    %eq3A_2129 = vector.broadcast %eq3A_2128 : i32 to vector<16x512xi32>
    %eq3A_2130 = arith.cmpi eq, %min3A_2070, %eq3A_2129 : vector<16x512xi32>
    %jit3A_2131 = arith.constant 0.000000e+00 : f32
    %broadcast_in_dim3A_2132 = vector.broadcast %jit3A_2131 : f32 to vector<16x512xf32>
    %select_n3A_2133 = arith.select %eq3A_2130, %get3A_2125, %broadcast_in_dim3A_2132 : vector<16x512xi1>, vector<16x512xf32>
    %add3A_2134 = arith.addf %add3A_2119, %select_n3A_2133 : vector<16x512xf32>
    %get3A_2135 = arith.constant 0 : index
    %get3A_2136 = arith.constant 4 : index
    %get3A_2137 = arith.constant 96 : index
    %get3A_2138 = arith.constant 0 : index
    %get3A_2139 = vector.load %arg2[%get3A_2135, %get3A_2136, %get3A_2137, %get3A_2138] : memref<1x19x256x512xf32, #tpu.memory_space<vmem>>, vector<1x1x16x512xf32>
    %get3A_2140 = vector.shape_cast %get3A_2139 : vector<1x1x16x512xf32> to vector<16x512xf32>
    %exp3A_2141 = math.exp %get3A_2140 : vector<16x512xf32>
    %add3A_2142 = arith.addf %add3A_2127, %exp3A_2141 : vector<16x512xf32>
    %eq3A_2143 = arith.constant 4 : i32
    %eq3A_2144 = vector.broadcast %eq3A_2143 : i32 to vector<16x512xi32>
    %eq3A_2145 = arith.cmpi eq, %min3A_2070, %eq3A_2144 : vector<16x512xi32>
    %jit3A_2146 = arith.constant 0.000000e+00 : f32
    %broadcast_in_dim3A_2147 = vector.broadcast %jit3A_2146 : f32 to vector<16x512xf32>
    %select_n3A_2148 = arith.select %eq3A_2145, %get3A_2140, %broadcast_in_dim3A_2147 : vector<16x512xi1>, vector<16x512xf32>
    %add3A_2149 = arith.addf %add3A_2134, %select_n3A_2148 : vector<16x512xf32>
    %get3A_2150 = arith.constant 0 : index
    %get3A_2151 = arith.constant 5 : index
    %get3A_2152 = arith.constant 96 : index
    %get3A_2153 = arith.constant 0 : index
    %get3A_2154 = vector.load %arg2[%get3A_2150, %get3A_2151, %get3A_2152, %get3A_2153] : memref<1x19x256x512xf32, #tpu.memory_space<vmem>>, vector<1x1x16x512xf32>
    %get3A_2155 = vector.shape_cast %get3A_2154 : vector<1x1x16x512xf32> to vector<16x512xf32>
    %exp3A_2156 = math.exp %get3A_2155 : vector<16x512xf32>
    %add3A_2157 = arith.addf %add3A_2142, %exp3A_2156 : vector<16x512xf32>
    %eq3A_2158 = arith.constant 5 : i32
    %eq3A_2159 = vector.broadcast %eq3A_2158 : i32 to vector<16x512xi32>
    %eq3A_2160 = arith.cmpi eq, %min3A_2070, %eq3A_2159 : vector<16x512xi32>
    %jit3A_2161 = arith.constant 0.000000e+00 : f32
    %broadcast_in_dim3A_2162 = vector.broadcast %jit3A_2161 : f32 to vector<16x512xf32>
    %select_n3A_2163 = arith.select %eq3A_2160, %get3A_2155, %broadcast_in_dim3A_2162 : vector<16x512xi1>, vector<16x512xf32>
    %add3A_2164 = arith.addf %add3A_2149, %select_n3A_2163 : vector<16x512xf32>
    %get3A_2165 = arith.constant 0 : index
    %get3A_2166 = arith.constant 6 : index
    %get3A_2167 = arith.constant 96 : index
    %get3A_2168 = arith.constant 0 : index
    %get3A_2169 = vector.load %arg2[%get3A_2165, %get3A_2166, %get3A_2167, %get3A_2168] : memref<1x19x256x512xf32, #tpu.memory_space<vmem>>, vector<1x1x16x512xf32>
    %get3A_2170 = vector.shape_cast %get3A_2169 : vector<1x1x16x512xf32> to vector<16x512xf32>
    %exp3A_2171 = math.exp %get3A_2170 : vector<16x512xf32>
    %add3A_2172 = arith.addf %add3A_2157, %exp3A_2171 : vector<16x512xf32>
    %eq3A_2173 = arith.constant 6 : i32
    %eq3A_2174 = vector.broadcast %eq3A_2173 : i32 to vector<16x512xi32>
    %eq3A_2175 = arith.cmpi eq, %min3A_2070, %eq3A_2174 : vector<16x512xi32>
    %jit3A_2176 = arith.constant 0.000000e+00 : f32
    %broadcast_in_dim3A_2177 = vector.broadcast %jit3A_2176 : f32 to vector<16x512xf32>
    %select_n3A_2178 = arith.select %eq3A_2175, %get3A_2170, %broadcast_in_dim3A_2177 : vector<16x512xi1>, vector<16x512xf32>
    %add3A_2179 = arith.addf %add3A_2164, %select_n3A_2178 : vector<16x512xf32>
    %get3A_2180 = arith.constant 0 : index
    %get3A_2181 = arith.constant 7 : index
    %get3A_2182 = arith.constant 96 : index
    %get3A_2183 = arith.constant 0 : index
    %get3A_2184 = vector.load %arg2[%get3A_2180, %get3A_2181, %get3A_2182, %get3A_2183] : memref<1x19x256x512xf32, #tpu.memory_space<vmem>>, vector<1x1x16x512xf32>
    %get3A_2185 = vector.shape_cast %get3A_2184 : vector<1x1x16x512xf32> to vector<16x512xf32>
    %exp3A_2186 = math.exp %get3A_2185 : vector<16x512xf32>
    %add3A_2187 = arith.addf %add3A_2172, %exp3A_2186 : vector<16x512xf32>
    %eq3A_2188 = arith.constant 7 : i32
    %eq3A_2189 = vector.broadcast %eq3A_2188 : i32 to vector<16x512xi32>
    %eq3A_2190 = arith.cmpi eq, %min3A_2070, %eq3A_2189 : vector<16x512xi32>
    %jit3A_2191 = arith.constant 0.000000e+00 : f32
    %broadcast_in_dim3A_2192 = vector.broadcast %jit3A_2191 : f32 to vector<16x512xf32>
    %select_n3A_2193 = arith.select %eq3A_2190, %get3A_2185, %broadcast_in_dim3A_2192 : vector<16x512xi1>, vector<16x512xf32>
    %add3A_2194 = arith.addf %add3A_2179, %select_n3A_2193 : vector<16x512xf32>
    %get3A_2195 = arith.constant 0 : index
    %get3A_2196 = arith.constant 8 : index
    %get3A_2197 = arith.constant 96 : index
    %get3A_2198 = arith.constant 0 : index
    %get3A_2199 = vector.load %arg2[%get3A_2195, %get3A_2196, %get3A_2197, %get3A_2198] : memref<1x19x256x512xf32, #tpu.memory_space<vmem>>, vector<1x1x16x512xf32>
    %get3A_2200 = vector.shape_cast %get3A_2199 : vector<1x1x16x512xf32> to vector<16x512xf32>
    %exp3A_2201 = math.exp %get3A_2200 : vector<16x512xf32>
    %add3A_2202 = arith.addf %add3A_2187, %exp3A_2201 : vector<16x512xf32>
    %eq3A_2203 = arith.constant 8 : i32
    %eq3A_2204 = vector.broadcast %eq3A_2203 : i32 to vector<16x512xi32>
    %eq3A_2205 = arith.cmpi eq, %min3A_2070, %eq3A_2204 : vector<16x512xi32>
    %jit3A_2206 = arith.constant 0.000000e+00 : f32
    %broadcast_in_dim3A_2207 = vector.broadcast %jit3A_2206 : f32 to vector<16x512xf32>
    %select_n3A_2208 = arith.select %eq3A_2205, %get3A_2200, %broadcast_in_dim3A_2207 : vector<16x512xi1>, vector<16x512xf32>
    %add3A_2209 = arith.addf %add3A_2194, %select_n3A_2208 : vector<16x512xf32>
    %get3A_2210 = arith.constant 0 : index
    %get3A_2211 = arith.constant 9 : index
    %get3A_2212 = arith.constant 96 : index
    %get3A_2213 = arith.constant 0 : index
    %get3A_2214 = vector.load %arg2[%get3A_2210, %get3A_2211, %get3A_2212, %get3A_2213] : memref<1x19x256x512xf32, #tpu.memory_space<vmem>>, vector<1x1x16x512xf32>
    %get3A_2215 = vector.shape_cast %get3A_2214 : vector<1x1x16x512xf32> to vector<16x512xf32>
    %exp3A_2216 = math.exp %get3A_2215 : vector<16x512xf32>
    %add3A_2217 = arith.addf %add3A_2202, %exp3A_2216 : vector<16x512xf32>
    %eq3A_2218 = arith.constant 9 : i32
    %eq3A_2219 = vector.broadcast %eq3A_2218 : i32 to vector<16x512xi32>
    %eq3A_2220 = arith.cmpi eq, %min3A_2070, %eq3A_2219 : vector<16x512xi32>
    %jit3A_2221 = arith.constant 0.000000e+00 : f32
    %broadcast_in_dim3A_2222 = vector.broadcast %jit3A_2221 : f32 to vector<16x512xf32>
    %select_n3A_2223 = arith.select %eq3A_2220, %get3A_2215, %broadcast_in_dim3A_2222 : vector<16x512xi1>, vector<16x512xf32>
    %add3A_2224 = arith.addf %add3A_2209, %select_n3A_2223 : vector<16x512xf32>
    %get3A_2225 = arith.constant 0 : index
    %get3A_2226 = arith.constant 10 : index
    %get3A_2227 = arith.constant 96 : index
    %get3A_2228 = arith.constant 0 : index
    %get3A_2229 = vector.load %arg2[%get3A_2225, %get3A_2226, %get3A_2227, %get3A_2228] : memref<1x19x256x512xf32, #tpu.memory_space<vmem>>, vector<1x1x16x512xf32>
    %get3A_2230 = vector.shape_cast %get3A_2229 : vector<1x1x16x512xf32> to vector<16x512xf32>
    %exp3A_2231 = math.exp %get3A_2230 : vector<16x512xf32>
    %add3A_2232 = arith.addf %add3A_2217, %exp3A_2231 : vector<16x512xf32>
    %eq3A_2233 = arith.constant 10 : i32
    %eq3A_2234 = vector.broadcast %eq3A_2233 : i32 to vector<16x512xi32>
    %eq3A_2235 = arith.cmpi eq, %min3A_2070, %eq3A_2234 : vector<16x512xi32>
    %jit3A_2236 = arith.constant 0.000000e+00 : f32
    %broadcast_in_dim3A_2237 = vector.broadcast %jit3A_2236 : f32 to vector<16x512xf32>
    %select_n3A_2238 = arith.select %eq3A_2235, %get3A_2230, %broadcast_in_dim3A_2237 : vector<16x512xi1>, vector<16x512xf32>
    %add3A_2239 = arith.addf %add3A_2224, %select_n3A_2238 : vector<16x512xf32>
    %get3A_2240 = arith.constant 0 : index
    %get3A_2241 = arith.constant 11 : index
    %get3A_2242 = arith.constant 96 : index
    %get3A_2243 = arith.constant 0 : index
    %get3A_2244 = vector.load %arg2[%get3A_2240, %get3A_2241, %get3A_2242, %get3A_2243] : memref<1x19x256x512xf32, #tpu.memory_space<vmem>>, vector<1x1x16x512xf32>
    %get3A_2245 = vector.shape_cast %get3A_2244 : vector<1x1x16x512xf32> to vector<16x512xf32>
    %exp3A_2246 = math.exp %get3A_2245 : vector<16x512xf32>
    %add3A_2247 = arith.addf %add3A_2232, %exp3A_2246 : vector<16x512xf32>
    %eq3A_2248 = arith.constant 11 : i32
    %eq3A_2249 = vector.broadcast %eq3A_2248 : i32 to vector<16x512xi32>
    %eq3A_2250 = arith.cmpi eq, %min3A_2070, %eq3A_2249 : vector<16x512xi32>
    %jit3A_2251 = arith.constant 0.000000e+00 : f32
    %broadcast_in_dim3A_2252 = vector.broadcast %jit3A_2251 : f32 to vector<16x512xf32>
    %select_n3A_2253 = arith.select %eq3A_2250, %get3A_2245, %broadcast_in_dim3A_2252 : vector<16x512xi1>, vector<16x512xf32>
    %add3A_2254 = arith.addf %add3A_2239, %select_n3A_2253 : vector<16x512xf32>
    %get3A_2255 = arith.constant 0 : index
    %get3A_2256 = arith.constant 12 : index
    %get3A_2257 = arith.constant 96 : index
    %get3A_2258 = arith.constant 0 : index
    %get3A_2259 = vector.load %arg2[%get3A_2255, %get3A_2256, %get3A_2257, %get3A_2258] : memref<1x19x256x512xf32, #tpu.memory_space<vmem>>, vector<1x1x16x512xf32>
    %get3A_2260 = vector.shape_cast %get3A_2259 : vector<1x1x16x512xf32> to vector<16x512xf32>
    %exp3A_2261 = math.exp %get3A_2260 : vector<16x512xf32>
    %add3A_2262 = arith.addf %add3A_2247, %exp3A_2261 : vector<16x512xf32>
    %eq3A_2263 = arith.constant 12 : i32
    %eq3A_2264 = vector.broadcast %eq3A_2263 : i32 to vector<16x512xi32>
    %eq3A_2265 = arith.cmpi eq, %min3A_2070, %eq3A_2264 : vector<16x512xi32>
    %jit3A_2266 = arith.constant 0.000000e+00 : f32
    %broadcast_in_dim3A_2267 = vector.broadcast %jit3A_2266 : f32 to vector<16x512xf32>
    %select_n3A_2268 = arith.select %eq3A_2265, %get3A_2260, %broadcast_in_dim3A_2267 : vector<16x512xi1>, vector<16x512xf32>
    %add3A_2269 = arith.addf %add3A_2254, %select_n3A_2268 : vector<16x512xf32>
    %get3A_2270 = arith.constant 0 : index
    %get3A_2271 = arith.constant 13 : index
    %get3A_2272 = arith.constant 96 : index
    %get3A_2273 = arith.constant 0 : index
    %get3A_2274 = vector.load %arg2[%get3A_2270, %get3A_2271, %get3A_2272, %get3A_2273] : memref<1x19x256x512xf32, #tpu.memory_space<vmem>>, vector<1x1x16x512xf32>
    %get3A_2275 = vector.shape_cast %get3A_2274 : vector<1x1x16x512xf32> to vector<16x512xf32>
    %exp3A_2276 = math.exp %get3A_2275 : vector<16x512xf32>
    %add3A_2277 = arith.addf %add3A_2262, %exp3A_2276 : vector<16x512xf32>
    %eq3A_2278 = arith.constant 13 : i32
    %eq3A_2279 = vector.broadcast %eq3A_2278 : i32 to vector<16x512xi32>
    %eq3A_2280 = arith.cmpi eq, %min3A_2070, %eq3A_2279 : vector<16x512xi32>
    %jit3A_2281 = arith.constant 0.000000e+00 : f32
    %broadcast_in_dim3A_2282 = vector.broadcast %jit3A_2281 : f32 to vector<16x512xf32>
    %select_n3A_2283 = arith.select %eq3A_2280, %get3A_2275, %broadcast_in_dim3A_2282 : vector<16x512xi1>, vector<16x512xf32>
    %add3A_2284 = arith.addf %add3A_2269, %select_n3A_2283 : vector<16x512xf32>
    %get3A_2285 = arith.constant 0 : index
    %get3A_2286 = arith.constant 14 : index
    %get3A_2287 = arith.constant 96 : index
    %get3A_2288 = arith.constant 0 : index
    %get3A_2289 = vector.load %arg2[%get3A_2285, %get3A_2286, %get3A_2287, %get3A_2288] : memref<1x19x256x512xf32, #tpu.memory_space<vmem>>, vector<1x1x16x512xf32>
    %get3A_2290 = vector.shape_cast %get3A_2289 : vector<1x1x16x512xf32> to vector<16x512xf32>
    %exp3A_2291 = math.exp %get3A_2290 : vector<16x512xf32>
    %add3A_2292 = arith.addf %add3A_2277, %exp3A_2291 : vector<16x512xf32>
    %eq3A_2293 = arith.constant 14 : i32
    %eq3A_2294 = vector.broadcast %eq3A_2293 : i32 to vector<16x512xi32>
    %eq3A_2295 = arith.cmpi eq, %min3A_2070, %eq3A_2294 : vector<16x512xi32>
    %jit3A_2296 = arith.constant 0.000000e+00 : f32
    %broadcast_in_dim3A_2297 = vector.broadcast %jit3A_2296 : f32 to vector<16x512xf32>
    %select_n3A_2298 = arith.select %eq3A_2295, %get3A_2290, %broadcast_in_dim3A_2297 : vector<16x512xi1>, vector<16x512xf32>
    %add3A_2299 = arith.addf %add3A_2284, %select_n3A_2298 : vector<16x512xf32>
    %get3A_2300 = arith.constant 0 : index
    %get3A_2301 = arith.constant 15 : index
    %get3A_2302 = arith.constant 96 : index
    %get3A_2303 = arith.constant 0 : index
    %get3A_2304 = vector.load %arg2[%get3A_2300, %get3A_2301, %get3A_2302, %get3A_2303] : memref<1x19x256x512xf32, #tpu.memory_space<vmem>>, vector<1x1x16x512xf32>
    %get3A_2305 = vector.shape_cast %get3A_2304 : vector<1x1x16x512xf32> to vector<16x512xf32>
    %exp3A_2306 = math.exp %get3A_2305 : vector<16x512xf32>
    %add3A_2307 = arith.addf %add3A_2292, %exp3A_2306 : vector<16x512xf32>
    %eq3A_2308 = arith.constant 15 : i32
    %eq3A_2309 = vector.broadcast %eq3A_2308 : i32 to vector<16x512xi32>
    %eq3A_2310 = arith.cmpi eq, %min3A_2070, %eq3A_2309 : vector<16x512xi32>
    %jit3A_2311 = arith.constant 0.000000e+00 : f32
    %broadcast_in_dim3A_2312 = vector.broadcast %jit3A_2311 : f32 to vector<16x512xf32>
    %select_n3A_2313 = arith.select %eq3A_2310, %get3A_2305, %broadcast_in_dim3A_2312 : vector<16x512xi1>, vector<16x512xf32>
    %add3A_2314 = arith.addf %add3A_2299, %select_n3A_2313 : vector<16x512xf32>
    %get3A_2315 = arith.constant 0 : index
    %get3A_2316 = arith.constant 16 : index
    %get3A_2317 = arith.constant 96 : index
    %get3A_2318 = arith.constant 0 : index
    %get3A_2319 = vector.load %arg2[%get3A_2315, %get3A_2316, %get3A_2317, %get3A_2318] : memref<1x19x256x512xf32, #tpu.memory_space<vmem>>, vector<1x1x16x512xf32>
    %get3A_2320 = vector.shape_cast %get3A_2319 : vector<1x1x16x512xf32> to vector<16x512xf32>
    %exp3A_2321 = math.exp %get3A_2320 : vector<16x512xf32>
    %add3A_2322 = arith.addf %add3A_2307, %exp3A_2321 : vector<16x512xf32>
    %eq3A_2323 = arith.constant 16 : i32
    %eq3A_2324 = vector.broadcast %eq3A_2323 : i32 to vector<16x512xi32>
    %eq3A_2325 = arith.cmpi eq, %min3A_2070, %eq3A_2324 : vector<16x512xi32>
    %jit3A_2326 = arith.constant 0.000000e+00 : f32
    %broadcast_in_dim3A_2327 = vector.broadcast %jit3A_2326 : f32 to vector<16x512xf32>
    %select_n3A_2328 = arith.select %eq3A_2325, %get3A_2320, %broadcast_in_dim3A_2327 : vector<16x512xi1>, vector<16x512xf32>
    %add3A_2329 = arith.addf %add3A_2314, %select_n3A_2328 : vector<16x512xf32>
    %get3A_2330 = arith.constant 0 : index
    %get3A_2331 = arith.constant 17 : index
    %get3A_2332 = arith.constant 96 : index
    %get3A_2333 = arith.constant 0 : index
    %get3A_2334 = vector.load %arg2[%get3A_2330, %get3A_2331, %get3A_2332, %get3A_2333] : memref<1x19x256x512xf32, #tpu.memory_space<vmem>>, vector<1x1x16x512xf32>
    %get3A_2335 = vector.shape_cast %get3A_2334 : vector<1x1x16x512xf32> to vector<16x512xf32>
    %exp3A_2336 = math.exp %get3A_2335 : vector<16x512xf32>
    %add3A_2337 = arith.addf %add3A_2322, %exp3A_2336 : vector<16x512xf32>
    %eq3A_2338 = arith.constant 17 : i32
    %eq3A_2339 = vector.broadcast %eq3A_2338 : i32 to vector<16x512xi32>
    %eq3A_2340 = arith.cmpi eq, %min3A_2070, %eq3A_2339 : vector<16x512xi32>
    %jit3A_2341 = arith.constant 0.000000e+00 : f32
    %broadcast_in_dim3A_2342 = vector.broadcast %jit3A_2341 : f32 to vector<16x512xf32>
    %select_n3A_2343 = arith.select %eq3A_2340, %get3A_2335, %broadcast_in_dim3A_2342 : vector<16x512xi1>, vector<16x512xf32>
    %add3A_2344 = arith.addf %add3A_2329, %select_n3A_2343 : vector<16x512xf32>
    %get3A_2345 = arith.constant 0 : index
    %get3A_2346 = arith.constant 18 : index
    %get3A_2347 = arith.constant 96 : index
    %get3A_2348 = arith.constant 0 : index
    %get3A_2349 = vector.load %arg2[%get3A_2345, %get3A_2346, %get3A_2347, %get3A_2348] : memref<1x19x256x512xf32, #tpu.memory_space<vmem>>, vector<1x1x16x512xf32>
    %get3A_2350 = vector.shape_cast %get3A_2349 : vector<1x1x16x512xf32> to vector<16x512xf32>
    %exp3A_2351 = math.exp %get3A_2350 : vector<16x512xf32>
    %add3A_2352 = arith.addf %add3A_2337, %exp3A_2351 : vector<16x512xf32>
    %eq3A_2353 = arith.constant 18 : i32
    %eq3A_2354 = vector.broadcast %eq3A_2353 : i32 to vector<16x512xi32>
    %eq3A_2355 = arith.cmpi eq, %min3A_2070, %eq3A_2354 : vector<16x512xi32>
    %jit3A_2356 = arith.constant 0.000000e+00 : f32
    %broadcast_in_dim3A_2357 = vector.broadcast %jit3A_2356 : f32 to vector<16x512xf32>
    %select_n3A_2358 = arith.select %eq3A_2355, %get3A_2350, %broadcast_in_dim3A_2357 : vector<16x512xi1>, vector<16x512xf32>
    %add3A_2359 = arith.addf %add3A_2344, %select_n3A_2358 : vector<16x512xf32>
    %log3A_2360 = math.log %add3A_2352 : vector<16x512xf32>
    %sub3A_2361 = arith.subf %log3A_2360, %add3A_2359 : vector<16x512xf32>
    %ne3A_2362 = arith.constant 255 : i32
    %ne3A_2363 = vector.broadcast %ne3A_2362 : i32 to vector<16x512xi32>
    %ne3A_2364 = arith.cmpi ne, %get3A_2064, %ne3A_2363 : vector<16x512xi32>
    %jit3A_2365 = arith.constant 0.000000e+00 : f32
    %broadcast_in_dim3A_2366 = vector.broadcast %jit3A_2365 : f32 to vector<16x512xf32>
    %select_n3A_2367 = arith.select %ne3A_2364, %sub3A_2361, %broadcast_in_dim3A_2366 : vector<16x512xi1>, vector<16x512xf32>
    %swap3A_2368 = arith.constant 0 : index
    %swap3A_2369 = arith.constant 96 : index
    %swap3A_2370 = arith.constant 0 : index
    %swap3A_2371 = vector.load %arg4[%swap3A_2368, %swap3A_2369, %swap3A_2370] : memref<1x256x512xf32, #tpu.memory_space<vmem>>, vector<1x16x512xf32>
    %swap3A_2372 = vector.shape_cast %swap3A_2371 : vector<1x16x512xf32> to vector<16x512xf32>
    %swap3A_2373 = vector.shape_cast %select_n3A_2367 : vector<16x512xf32> to vector<1x16x512xf32>
    tpu.vector_store %arg4[%swap3A_2368, %swap3A_2369, %swap3A_2370], %swap3A_2373 {strides = array<i32>} : memref<1x256x512xf32, #tpu.memory_space<vmem>>, vector<1x16x512xf32>,
    %gt3A_2374 = arith.constant 0.356674939 : f32
    %gt3A_2375 = vector.broadcast %gt3A_2374 : f32 to vector<16x512xf32>
    %gt3A_2376 = arith.cmpf ogt, %select_n3A_2367, %gt3A_2375 : vector<16x512xf32>
    %get3A_2377 = arith.constant 0 : index
    %get3A_2378 = arith.constant 0 : index
    %get3A_2379 = memref.load %arg5[%get3A_2377, %get3A_2378] : memref<1x1xi32, #tpu.memory_space<smem>>
    %convert_element_type3A_2380 = arith.extui %gt3A_2376 : vector<16x512xi1> to vector<16x512xi32>
    %reduce_sum3A_2381 = vector.shape_cast %convert_element_type3A_2380 : vector<16x512xi32> to vector<1x16x512xi32>
    %reduce_sum3A_2382 = arith.constant dense<0> : vector<1xi32>
    %reduce_sum3A_2383 = vector.multi_reduction <add>, %reduce_sum3A_2381, %reduce_sum3A_2382 [1, 2] : vector<1x16x512xi32> to vector<1xi32>
    %reduce_sum3A_2384 = vector.shape_cast %reduce_sum3A_2383 : vector<1xi32> to vector<1x1x1xi32>
    %reduce_sum3A_2385 = vector.extract %reduce_sum3A_2384[0, 0, 0] : i32 from vector<1x1x1xi32>
    %add3A_2386 = arith.addi %get3A_2379, %reduce_sum3A_2385 : i32
    %swap3A_2387 = arith.constant 0 : index
    %swap3A_2388 = arith.constant 0 : index
    %swap3A_2389 = memref.load %arg5[%swap3A_2387, %swap3A_2388] : memref<1x1xi32, #tpu.memory_space<smem>>
    memref.store %add3A_2386, %arg5[%swap3A_2387, %swap3A_2388] : memref<1x1xi32, #tpu.memory_space<smem>>
    %get3A_2390 = arith.constant 0 : index
    %get3A_2391 = arith.constant 0 : index
    %get3A_2392 = memref.load %arg6[%get3A_2390, %get3A_2391] : memref<1x1xf32, #tpu.memory_space<smem>>
    %jit3A_2393 = arith.constant 0.000000e+00 : f32
    %broadcast_in_dim3A_2394 = vector.broadcast %jit3A_2393 : f32 to vector<16x512xf32>
    %select_n3A_2395 = arith.select %gt3A_2376, %select_n3A_2367, %broadcast_in_dim3A_2394 : vector<16x512xi1>, vector<16x512xf32>
    %reduce_sum3A_2396 = vector.shape_cast %select_n3A_2395 : vector<16x512xf32> to vector<1x16x512xf32>
    %reduce_sum3A_2397 = arith.constant dense<0.000000e+00> : vector<1xf32>
    %reduce_sum3A_2398 = vector.multi_reduction <add>, %reduce_sum3A_2396, %reduce_sum3A_2397 [1, 2] : vector<1x16x512xf32> to vector<1xf32>
    %reduce_sum3A_2399 = vector.shape_cast %reduce_sum3A_2398 : vector<1xf32> to vector<1x1x1xf32>
    %reduce_sum3A_2400 = vector.extract %reduce_sum3A_2399[0, 0, 0] : f32 from vector<1x1x1xf32>
    %add3A_2401 = arith.addf %get3A_2392, %reduce_sum3A_2400 : f32
    %swap3A_2402 = arith.constant 0 : index
    %swap3A_2403 = arith.constant 0 : index
    %swap3A_2404 = memref.load %arg6[%swap3A_2402, %swap3A_2403] : memref<1x1xf32, #tpu.memory_space<smem>>
    memref.store %add3A_2401, %arg6[%swap3A_2402, %swap3A_2403] : memref<1x1xf32, #tpu.memory_space<smem>>
    %get3A_2405 = arith.constant 0 : index
    %get3A_2406 = arith.constant 112 : index
    %get3A_2407 = arith.constant 0 : index
    %get3A_2408 = vector.load %arg3[%get3A_2405, %get3A_2406, %get3A_2407] : memref<1x256x512xi32, #tpu.memory_space<vmem>>, vector<1x16x512xi32>
    %get3A_2409 = vector.shape_cast %get3A_2408 : vector<1x16x512xi32> to vector<16x512xi32>
    %jit3A_2410 = arith.constant 0 : i32
    %jit3A_2411 = arith.constant 18 : i32
    %max3A_2412 = vector.broadcast %jit3A_2410 : i32 to vector<16x512xi32>
    %max3A_2413 = arith.maxsi %max3A_2412, %get3A_2409 : vector<16x512xi32>
    %min3A_2414 = vector.broadcast %jit3A_2411 : i32 to vector<16x512xi32>
    %min3A_2415 = arith.minsi %min3A_2414, %max3A_2413 : vector<16x512xi32>
    %broadcast_in_dim3A_2416 = arith.constant 0.000000e+00 : f32
    %broadcast_in_dim3A_2417 = vector.broadcast %broadcast_in_dim3A_2416 : f32 to vector<16x512xf32>
    %broadcast_in_dim3A_2418 = arith.constant 0.000000e+00 : f32
    %broadcast_in_dim3A_2419 = vector.broadcast %broadcast_in_dim3A_2418 : f32 to vector<16x512xf32>
    %get3A_2420 = arith.constant 0 : index
    %get3A_2421 = arith.constant 0 : index
    %get3A_2422 = arith.constant 112 : index
    %get3A_2423 = arith.constant 0 : index
    %get3A_2424 = vector.load %arg2[%get3A_2420, %get3A_2421, %get3A_2422, %get3A_2423] : memref<1x19x256x512xf32, #tpu.memory_space<vmem>>, vector<1x1x16x512xf32>
    %get3A_2425 = vector.shape_cast %get3A_2424 : vector<1x1x16x512xf32> to vector<16x512xf32>
    %exp3A_2426 = math.exp %get3A_2425 : vector<16x512xf32>
    %add3A_2427 = arith.addf %broadcast_in_dim3A_2417, %exp3A_2426 : vector<16x512xf32>
    %eq3A_2428 = arith.constant 0 : i32
    %eq3A_2429 = vector.broadcast %eq3A_2428 : i32 to vector<16x512xi32>
    %eq3A_2430 = arith.cmpi eq, %min3A_2415, %eq3A_2429 : vector<16x512xi32>
    %jit3A_2431 = arith.constant 0.000000e+00 : f32
    %broadcast_in_dim3A_2432 = vector.broadcast %jit3A_2431 : f32 to vector<16x512xf32>
    %select_n3A_2433 = arith.select %eq3A_2430, %get3A_2425, %broadcast_in_dim3A_2432 : vector<16x512xi1>, vector<16x512xf32>
    %add3A_2434 = arith.addf %broadcast_in_dim3A_2419, %select_n3A_2433 : vector<16x512xf32>
    %get3A_2435 = arith.constant 0 : index
    %get3A_2436 = arith.constant 1 : index
    %get3A_2437 = arith.constant 112 : index
    %get3A_2438 = arith.constant 0 : index
    %get3A_2439 = vector.load %arg2[%get3A_2435, %get3A_2436, %get3A_2437, %get3A_2438] : memref<1x19x256x512xf32, #tpu.memory_space<vmem>>, vector<1x1x16x512xf32>
    %get3A_2440 = vector.shape_cast %get3A_2439 : vector<1x1x16x512xf32> to vector<16x512xf32>
    %exp3A_2441 = math.exp %get3A_2440 : vector<16x512xf32>
    %add3A_2442 = arith.addf %add3A_2427, %exp3A_2441 : vector<16x512xf32>
    %eq3A_2443 = arith.constant 1 : i32
    %eq3A_2444 = vector.broadcast %eq3A_2443 : i32 to vector<16x512xi32>
    %eq3A_2445 = arith.cmpi eq, %min3A_2415, %eq3A_2444 : vector<16x512xi32>
    %jit3A_2446 = arith.constant 0.000000e+00 : f32
    %broadcast_in_dim3A_2447 = vector.broadcast %jit3A_2446 : f32 to vector<16x512xf32>
    %select_n3A_2448 = arith.select %eq3A_2445, %get3A_2440, %broadcast_in_dim3A_2447 : vector<16x512xi1>, vector<16x512xf32>
    %add3A_2449 = arith.addf %add3A_2434, %select_n3A_2448 : vector<16x512xf32>
    %get3A_2450 = arith.constant 0 : index
    %get3A_2451 = arith.constant 2 : index
    %get3A_2452 = arith.constant 112 : index
    %get3A_2453 = arith.constant 0 : index
    %get3A_2454 = vector.load %arg2[%get3A_2450, %get3A_2451, %get3A_2452, %get3A_2453] : memref<1x19x256x512xf32, #tpu.memory_space<vmem>>, vector<1x1x16x512xf32>
    %get3A_2455 = vector.shape_cast %get3A_2454 : vector<1x1x16x512xf32> to vector<16x512xf32>
    %exp3A_2456 = math.exp %get3A_2455 : vector<16x512xf32>
    %add3A_2457 = arith.addf %add3A_2442, %exp3A_2456 : vector<16x512xf32>
    %eq3A_2458 = arith.constant 2 : i32
    %eq3A_2459 = vector.broadcast %eq3A_2458 : i32 to vector<16x512xi32>
    %eq3A_2460 = arith.cmpi eq, %min3A_2415, %eq3A_2459 : vector<16x512xi32>
    %jit3A_2461 = arith.constant 0.000000e+00 : f32
    %broadcast_in_dim3A_2462 = vector.broadcast %jit3A_2461 : f32 to vector<16x512xf32>
    %select_n3A_2463 = arith.select %eq3A_2460, %get3A_2455, %broadcast_in_dim3A_2462 : vector<16x512xi1>, vector<16x512xf32>
    %add3A_2464 = arith.addf %add3A_2449, %select_n3A_2463 : vector<16x512xf32>
    %get3A_2465 = arith.constant 0 : index
    %get3A_2466 = arith.constant 3 : index
    %get3A_2467 = arith.constant 112 : index
    %get3A_2468 = arith.constant 0 : index
    %get3A_2469 = vector.load %arg2[%get3A_2465, %get3A_2466, %get3A_2467, %get3A_2468] : memref<1x19x256x512xf32, #tpu.memory_space<vmem>>, vector<1x1x16x512xf32>
    %get3A_2470 = vector.shape_cast %get3A_2469 : vector<1x1x16x512xf32> to vector<16x512xf32>
    %exp3A_2471 = math.exp %get3A_2470 : vector<16x512xf32>
    %add3A_2472 = arith.addf %add3A_2457, %exp3A_2471 : vector<16x512xf32>
    %eq3A_2473 = arith.constant 3 : i32
    %eq3A_2474 = vector.broadcast %eq3A_2473 : i32 to vector<16x512xi32>
    %eq3A_2475 = arith.cmpi eq, %min3A_2415, %eq3A_2474 : vector<16x512xi32>
    %jit3A_2476 = arith.constant 0.000000e+00 : f32
    %broadcast_in_dim3A_2477 = vector.broadcast %jit3A_2476 : f32 to vector<16x512xf32>
    %select_n3A_2478 = arith.select %eq3A_2475, %get3A_2470, %broadcast_in_dim3A_2477 : vector<16x512xi1>, vector<16x512xf32>
    %add3A_2479 = arith.addf %add3A_2464, %select_n3A_2478 : vector<16x512xf32>
    %get3A_2480 = arith.constant 0 : index
    %get3A_2481 = arith.constant 4 : index
    %get3A_2482 = arith.constant 112 : index
    %get3A_2483 = arith.constant 0 : index
    %get3A_2484 = vector.load %arg2[%get3A_2480, %get3A_2481, %get3A_2482, %get3A_2483] : memref<1x19x256x512xf32, #tpu.memory_space<vmem>>, vector<1x1x16x512xf32>
    %get3A_2485 = vector.shape_cast %get3A_2484 : vector<1x1x16x512xf32> to vector<16x512xf32>
    %exp3A_2486 = math.exp %get3A_2485 : vector<16x512xf32>
    %add3A_2487 = arith.addf %add3A_2472, %exp3A_2486 : vector<16x512xf32>
    %eq3A_2488 = arith.constant 4 : i32
    %eq3A_2489 = vector.broadcast %eq3A_2488 : i32 to vector<16x512xi32>
    %eq3A_2490 = arith.cmpi eq, %min3A_2415, %eq3A_2489 : vector<16x512xi32>
    %jit3A_2491 = arith.constant 0.000000e+00 : f32
    %broadcast_in_dim3A_2492 = vector.broadcast %jit3A_2491 : f32 to vector<16x512xf32>
    %select_n3A_2493 = arith.select %eq3A_2490, %get3A_2485, %broadcast_in_dim3A_2492 : vector<16x512xi1>, vector<16x512xf32>
    %add3A_2494 = arith.addf %add3A_2479, %select_n3A_2493 : vector<16x512xf32>
    %get3A_2495 = arith.constant 0 : index
    %get3A_2496 = arith.constant 5 : index
    %get3A_2497 = arith.constant 112 : index
    %get3A_2498 = arith.constant 0 : index
    %get3A_2499 = vector.load %arg2[%get3A_2495, %get3A_2496, %get3A_2497, %get3A_2498] : memref<1x19x256x512xf32, #tpu.memory_space<vmem>>, vector<1x1x16x512xf32>
    %get3A_2500 = vector.shape_cast %get3A_2499 : vector<1x1x16x512xf32> to vector<16x512xf32>
    %exp3A_2501 = math.exp %get3A_2500 : vector<16x512xf32>
    %add3A_2502 = arith.addf %add3A_2487, %exp3A_2501 : vector<16x512xf32>
    %eq3A_2503 = arith.constant 5 : i32
    %eq3A_2504 = vector.broadcast %eq3A_2503 : i32 to vector<16x512xi32>
    %eq3A_2505 = arith.cmpi eq, %min3A_2415, %eq3A_2504 : vector<16x512xi32>
    %jit3A_2506 = arith.constant 0.000000e+00 : f32
    %broadcast_in_dim3A_2507 = vector.broadcast %jit3A_2506 : f32 to vector<16x512xf32>
    %select_n3A_2508 = arith.select %eq3A_2505, %get3A_2500, %broadcast_in_dim3A_2507 : vector<16x512xi1>, vector<16x512xf32>
    %add3A_2509 = arith.addf %add3A_2494, %select_n3A_2508 : vector<16x512xf32>
    %get3A_2510 = arith.constant 0 : index
    %get3A_2511 = arith.constant 6 : index
    %get3A_2512 = arith.constant 112 : index
    %get3A_2513 = arith.constant 0 : index
    %get3A_2514 = vector.load %arg2[%get3A_2510, %get3A_2511, %get3A_2512, %get3A_2513] : memref<1x19x256x512xf32, #tpu.memory_space<vmem>>, vector<1x1x16x512xf32>
    %get3A_2515 = vector.shape_cast %get3A_2514 : vector<1x1x16x512xf32> to vector<16x512xf32>
    %exp3A_2516 = math.exp %get3A_2515 : vector<16x512xf32>
    %add3A_2517 = arith.addf %add3A_2502, %exp3A_2516 : vector<16x512xf32>
    %eq3A_2518 = arith.constant 6 : i32
    %eq3A_2519 = vector.broadcast %eq3A_2518 : i32 to vector<16x512xi32>
    %eq3A_2520 = arith.cmpi eq, %min3A_2415, %eq3A_2519 : vector<16x512xi32>
    %jit3A_2521 = arith.constant 0.000000e+00 : f32
    %broadcast_in_dim3A_2522 = vector.broadcast %jit3A_2521 : f32 to vector<16x512xf32>
    %select_n3A_2523 = arith.select %eq3A_2520, %get3A_2515, %broadcast_in_dim3A_2522 : vector<16x512xi1>, vector<16x512xf32>
    %add3A_2524 = arith.addf %add3A_2509, %select_n3A_2523 : vector<16x512xf32>
    %get3A_2525 = arith.constant 0 : index
    %get3A_2526 = arith.constant 7 : index
    %get3A_2527 = arith.constant 112 : index
    %get3A_2528 = arith.constant 0 : index
    %get3A_2529 = vector.load %arg2[%get3A_2525, %get3A_2526, %get3A_2527, %get3A_2528] : memref<1x19x256x512xf32, #tpu.memory_space<vmem>>, vector<1x1x16x512xf32>
    %get3A_2530 = vector.shape_cast %get3A_2529 : vector<1x1x16x512xf32> to vector<16x512xf32>
    %exp3A_2531 = math.exp %get3A_2530 : vector<16x512xf32>
    %add3A_2532 = arith.addf %add3A_2517, %exp3A_2531 : vector<16x512xf32>
    %eq3A_2533 = arith.constant 7 : i32
    %eq3A_2534 = vector.broadcast %eq3A_2533 : i32 to vector<16x512xi32>
    %eq3A_2535 = arith.cmpi eq, %min3A_2415, %eq3A_2534 : vector<16x512xi32>
    %jit3A_2536 = arith.constant 0.000000e+00 : f32
    %broadcast_in_dim3A_2537 = vector.broadcast %jit3A_2536 : f32 to vector<16x512xf32>
    %select_n3A_2538 = arith.select %eq3A_2535, %get3A_2530, %broadcast_in_dim3A_2537 : vector<16x512xi1>, vector<16x512xf32>
    %add3A_2539 = arith.addf %add3A_2524, %select_n3A_2538 : vector<16x512xf32>
    %get3A_2540 = arith.constant 0 : index
    %get3A_2541 = arith.constant 8 : index
    %get3A_2542 = arith.constant 112 : index
    %get3A_2543 = arith.constant 0 : index
    %get3A_2544 = vector.load %arg2[%get3A_2540, %get3A_2541, %get3A_2542, %get3A_2543] : memref<1x19x256x512xf32, #tpu.memory_space<vmem>>, vector<1x1x16x512xf32>
    %get3A_2545 = vector.shape_cast %get3A_2544 : vector<1x1x16x512xf32> to vector<16x512xf32>
    %exp3A_2546 = math.exp %get3A_2545 : vector<16x512xf32>
    %add3A_2547 = arith.addf %add3A_2532, %exp3A_2546 : vector<16x512xf32>
    %eq3A_2548 = arith.constant 8 : i32
    %eq3A_2549 = vector.broadcast %eq3A_2548 : i32 to vector<16x512xi32>
    %eq3A_2550 = arith.cmpi eq, %min3A_2415, %eq3A_2549 : vector<16x512xi32>
    %jit3A_2551 = arith.constant 0.000000e+00 : f32
    %broadcast_in_dim3A_2552 = vector.broadcast %jit3A_2551 : f32 to vector<16x512xf32>
    %select_n3A_2553 = arith.select %eq3A_2550, %get3A_2545, %broadcast_in_dim3A_2552 : vector<16x512xi1>, vector<16x512xf32>
    %add3A_2554 = arith.addf %add3A_2539, %select_n3A_2553 : vector<16x512xf32>
    %get3A_2555 = arith.constant 0 : index
    %get3A_2556 = arith.constant 9 : index
    %get3A_2557 = arith.constant 112 : index
    %get3A_2558 = arith.constant 0 : index
    %get3A_2559 = vector.load %arg2[%get3A_2555, %get3A_2556, %get3A_2557, %get3A_2558] : memref<1x19x256x512xf32, #tpu.memory_space<vmem>>, vector<1x1x16x512xf32>
    %get3A_2560 = vector.shape_cast %get3A_2559 : vector<1x1x16x512xf32> to vector<16x512xf32>
    %exp3A_2561 = math.exp %get3A_2560 : vector<16x512xf32>
    %add3A_2562 = arith.addf %add3A_2547, %exp3A_2561 : vector<16x512xf32>
    %eq3A_2563 = arith.constant 9 : i32
    %eq3A_2564 = vector.broadcast %eq3A_2563 : i32 to vector<16x512xi32>
    %eq3A_2565 = arith.cmpi eq, %min3A_2415, %eq3A_2564 : vector<16x512xi32>
    %jit3A_2566 = arith.constant 0.000000e+00 : f32
    %broadcast_in_dim3A_2567 = vector.broadcast %jit3A_2566 : f32 to vector<16x512xf32>
    %select_n3A_2568 = arith.select %eq3A_2565, %get3A_2560, %broadcast_in_dim3A_2567 : vector<16x512xi1>, vector<16x512xf32>
    %add3A_2569 = arith.addf %add3A_2554, %select_n3A_2568 : vector<16x512xf32>
    %get3A_2570 = arith.constant 0 : index
    %get3A_2571 = arith.constant 10 : index
    %get3A_2572 = arith.constant 112 : index
    %get3A_2573 = arith.constant 0 : index
    %get3A_2574 = vector.load %arg2[%get3A_2570, %get3A_2571, %get3A_2572, %get3A_2573] : memref<1x19x256x512xf32, #tpu.memory_space<vmem>>, vector<1x1x16x512xf32>
    %get3A_2575 = vector.shape_cast %get3A_2574 : vector<1x1x16x512xf32> to vector<16x512xf32>
    %exp3A_2576 = math.exp %get3A_2575 : vector<16x512xf32>
    %add3A_2577 = arith.addf %add3A_2562, %exp3A_2576 : vector<16x512xf32>
    %eq3A_2578 = arith.constant 10 : i32
    %eq3A_2579 = vector.broadcast %eq3A_2578 : i32 to vector<16x512xi32>
    %eq3A_2580 = arith.cmpi eq, %min3A_2415, %eq3A_2579 : vector<16x512xi32>
    %jit3A_2581 = arith.constant 0.000000e+00 : f32
    %broadcast_in_dim3A_2582 = vector.broadcast %jit3A_2581 : f32 to vector<16x512xf32>
    %select_n3A_2583 = arith.select %eq3A_2580, %get3A_2575, %broadcast_in_dim3A_2582 : vector<16x512xi1>, vector<16x512xf32>
    %add3A_2584 = arith.addf %add3A_2569, %select_n3A_2583 : vector<16x512xf32>
    %get3A_2585 = arith.constant 0 : index
    %get3A_2586 = arith.constant 11 : index
    %get3A_2587 = arith.constant 112 : index
    %get3A_2588 = arith.constant 0 : index
    %get3A_2589 = vector.load %arg2[%get3A_2585, %get3A_2586, %get3A_2587, %get3A_2588] : memref<1x19x256x512xf32, #tpu.memory_space<vmem>>, vector<1x1x16x512xf32>
    %get3A_2590 = vector.shape_cast %get3A_2589 : vector<1x1x16x512xf32> to vector<16x512xf32>
    %exp3A_2591 = math.exp %get3A_2590 : vector<16x512xf32>
    %add3A_2592 = arith.addf %add3A_2577, %exp3A_2591 : vector<16x512xf32>
    %eq3A_2593 = arith.constant 11 : i32
    %eq3A_2594 = vector.broadcast %eq3A_2593 : i32 to vector<16x512xi32>
    %eq3A_2595 = arith.cmpi eq, %min3A_2415, %eq3A_2594 : vector<16x512xi32>
    %jit3A_2596 = arith.constant 0.000000e+00 : f32
    %broadcast_in_dim3A_2597 = vector.broadcast %jit3A_2596 : f32 to vector<16x512xf32>
    %select_n3A_2598 = arith.select %eq3A_2595, %get3A_2590, %broadcast_in_dim3A_2597 : vector<16x512xi1>, vector<16x512xf32>
    %add3A_2599 = arith.addf %add3A_2584, %select_n3A_2598 : vector<16x512xf32>
    %get3A_2600 = arith.constant 0 : index
    %get3A_2601 = arith.constant 12 : index
    %get3A_2602 = arith.constant 112 : index
    %get3A_2603 = arith.constant 0 : index
    %get3A_2604 = vector.load %arg2[%get3A_2600, %get3A_2601, %get3A_2602, %get3A_2603] : memref<1x19x256x512xf32, #tpu.memory_space<vmem>>, vector<1x1x16x512xf32>
    %get3A_2605 = vector.shape_cast %get3A_2604 : vector<1x1x16x512xf32> to vector<16x512xf32>
    %exp3A_2606 = math.exp %get3A_2605 : vector<16x512xf32>
    %add3A_2607 = arith.addf %add3A_2592, %exp3A_2606 : vector<16x512xf32>
    %eq3A_2608 = arith.constant 12 : i32
    %eq3A_2609 = vector.broadcast %eq3A_2608 : i32 to vector<16x512xi32>
    %eq3A_2610 = arith.cmpi eq, %min3A_2415, %eq3A_2609 : vector<16x512xi32>
    %jit3A_2611 = arith.constant 0.000000e+00 : f32
    %broadcast_in_dim3A_2612 = vector.broadcast %jit3A_2611 : f32 to vector<16x512xf32>
    %select_n3A_2613 = arith.select %eq3A_2610, %get3A_2605, %broadcast_in_dim3A_2612 : vector<16x512xi1>, vector<16x512xf32>
    %add3A_2614 = arith.addf %add3A_2599, %select_n3A_2613 : vector<16x512xf32>
    %get3A_2615 = arith.constant 0 : index
    %get3A_2616 = arith.constant 13 : index
    %get3A_2617 = arith.constant 112 : index
    %get3A_2618 = arith.constant 0 : index
    %get3A_2619 = vector.load %arg2[%get3A_2615, %get3A_2616, %get3A_2617, %get3A_2618] : memref<1x19x256x512xf32, #tpu.memory_space<vmem>>, vector<1x1x16x512xf32>
    %get3A_2620 = vector.shape_cast %get3A_2619 : vector<1x1x16x512xf32> to vector<16x512xf32>
    %exp3A_2621 = math.exp %get3A_2620 : vector<16x512xf32>
    %add3A_2622 = arith.addf %add3A_2607, %exp3A_2621 : vector<16x512xf32>
    %eq3A_2623 = arith.constant 13 : i32
    %eq3A_2624 = vector.broadcast %eq3A_2623 : i32 to vector<16x512xi32>
    %eq3A_2625 = arith.cmpi eq, %min3A_2415, %eq3A_2624 : vector<16x512xi32>
    %jit3A_2626 = arith.constant 0.000000e+00 : f32
    %broadcast_in_dim3A_2627 = vector.broadcast %jit3A_2626 : f32 to vector<16x512xf32>
    %select_n3A_2628 = arith.select %eq3A_2625, %get3A_2620, %broadcast_in_dim3A_2627 : vector<16x512xi1>, vector<16x512xf32>
    %add3A_2629 = arith.addf %add3A_2614, %select_n3A_2628 : vector<16x512xf32>
    %get3A_2630 = arith.constant 0 : index
    %get3A_2631 = arith.constant 14 : index
    %get3A_2632 = arith.constant 112 : index
    %get3A_2633 = arith.constant 0 : index
    %get3A_2634 = vector.load %arg2[%get3A_2630, %get3A_2631, %get3A_2632, %get3A_2633] : memref<1x19x256x512xf32, #tpu.memory_space<vmem>>, vector<1x1x16x512xf32>
    %get3A_2635 = vector.shape_cast %get3A_2634 : vector<1x1x16x512xf32> to vector<16x512xf32>
    %exp3A_2636 = math.exp %get3A_2635 : vector<16x512xf32>
    %add3A_2637 = arith.addf %add3A_2622, %exp3A_2636 : vector<16x512xf32>
    %eq3A_2638 = arith.constant 14 : i32
    %eq3A_2639 = vector.broadcast %eq3A_2638 : i32 to vector<16x512xi32>
    %eq3A_2640 = arith.cmpi eq, %min3A_2415, %eq3A_2639 : vector<16x512xi32>
    %jit3A_2641 = arith.constant 0.000000e+00 : f32
    %broadcast_in_dim3A_2642 = vector.broadcast %jit3A_2641 : f32 to vector<16x512xf32>
    %select_n3A_2643 = arith.select %eq3A_2640, %get3A_2635, %broadcast_in_dim3A_2642 : vector<16x512xi1>, vector<16x512xf32>
    %add3A_2644 = arith.addf %add3A_2629, %select_n3A_2643 : vector<16x512xf32>
    %get3A_2645 = arith.constant 0 : index
    %get3A_2646 = arith.constant 15 : index
    %get3A_2647 = arith.constant 112 : index
    %get3A_2648 = arith.constant 0 : index
    %get3A_2649 = vector.load %arg2[%get3A_2645, %get3A_2646, %get3A_2647, %get3A_2648] : memref<1x19x256x512xf32, #tpu.memory_space<vmem>>, vector<1x1x16x512xf32>
    %get3A_2650 = vector.shape_cast %get3A_2649 : vector<1x1x16x512xf32> to vector<16x512xf32>
    %exp3A_2651 = math.exp %get3A_2650 : vector<16x512xf32>
    %add3A_2652 = arith.addf %add3A_2637, %exp3A_2651 : vector<16x512xf32>
    %eq3A_2653 = arith.constant 15 : i32
    %eq3A_2654 = vector.broadcast %eq3A_2653 : i32 to vector<16x512xi32>
    %eq3A_2655 = arith.cmpi eq, %min3A_2415, %eq3A_2654 : vector<16x512xi32>
    %jit3A_2656 = arith.constant 0.000000e+00 : f32
    %broadcast_in_dim3A_2657 = vector.broadcast %jit3A_2656 : f32 to vector<16x512xf32>
    %select_n3A_2658 = arith.select %eq3A_2655, %get3A_2650, %broadcast_in_dim3A_2657 : vector<16x512xi1>, vector<16x512xf32>
    %add3A_2659 = arith.addf %add3A_2644, %select_n3A_2658 : vector<16x512xf32>
    %get3A_2660 = arith.constant 0 : index
    %get3A_2661 = arith.constant 16 : index
    %get3A_2662 = arith.constant 112 : index
    %get3A_2663 = arith.constant 0 : index
    %get3A_2664 = vector.load %arg2[%get3A_2660, %get3A_2661, %get3A_2662, %get3A_2663] : memref<1x19x256x512xf32, #tpu.memory_space<vmem>>, vector<1x1x16x512xf32>
    %get3A_2665 = vector.shape_cast %get3A_2664 : vector<1x1x16x512xf32> to vector<16x512xf32>
    %exp3A_2666 = math.exp %get3A_2665 : vector<16x512xf32>
    %add3A_2667 = arith.addf %add3A_2652, %exp3A_2666 : vector<16x512xf32>
    %eq3A_2668 = arith.constant 16 : i32
    %eq3A_2669 = vector.broadcast %eq3A_2668 : i32 to vector<16x512xi32>
    %eq3A_2670 = arith.cmpi eq, %min3A_2415, %eq3A_2669 : vector<16x512xi32>
    %jit3A_2671 = arith.constant 0.000000e+00 : f32
    %broadcast_in_dim3A_2672 = vector.broadcast %jit3A_2671 : f32 to vector<16x512xf32>
    %select_n3A_2673 = arith.select %eq3A_2670, %get3A_2665, %broadcast_in_dim3A_2672 : vector<16x512xi1>, vector<16x512xf32>
    %add3A_2674 = arith.addf %add3A_2659, %select_n3A_2673 : vector<16x512xf32>
    %get3A_2675 = arith.constant 0 : index
    %get3A_2676 = arith.constant 17 : index
    %get3A_2677 = arith.constant 112 : index
    %get3A_2678 = arith.constant 0 : index
    %get3A_2679 = vector.load %arg2[%get3A_2675, %get3A_2676, %get3A_2677, %get3A_2678] : memref<1x19x256x512xf32, #tpu.memory_space<vmem>>, vector<1x1x16x512xf32>
    %get3A_2680 = vector.shape_cast %get3A_2679 : vector<1x1x16x512xf32> to vector<16x512xf32>
    %exp3A_2681 = math.exp %get3A_2680 : vector<16x512xf32>
    %add3A_2682 = arith.addf %add3A_2667, %exp3A_2681 : vector<16x512xf32>
    %eq3A_2683 = arith.constant 17 : i32
    %eq3A_2684 = vector.broadcast %eq3A_2683 : i32 to vector<16x512xi32>
    %eq3A_2685 = arith.cmpi eq, %min3A_2415, %eq3A_2684 : vector<16x512xi32>
    %jit3A_2686 = arith.constant 0.000000e+00 : f32
    %broadcast_in_dim3A_2687 = vector.broadcast %jit3A_2686 : f32 to vector<16x512xf32>
    %select_n3A_2688 = arith.select %eq3A_2685, %get3A_2680, %broadcast_in_dim3A_2687 : vector<16x512xi1>, vector<16x512xf32>
    %add3A_2689 = arith.addf %add3A_2674, %select_n3A_2688 : vector<16x512xf32>
    %get3A_2690 = arith.constant 0 : index
    %get3A_2691 = arith.constant 18 : index
    %get3A_2692 = arith.constant 112 : index
    %get3A_2693 = arith.constant 0 : index
    %get3A_2694 = vector.load %arg2[%get3A_2690, %get3A_2691, %get3A_2692, %get3A_2693] : memref<1x19x256x512xf32, #tpu.memory_space<vmem>>, vector<1x1x16x512xf32>
    %get3A_2695 = vector.shape_cast %get3A_2694 : vector<1x1x16x512xf32> to vector<16x512xf32>
    %exp3A_2696 = math.exp %get3A_2695 : vector<16x512xf32>
    %add3A_2697 = arith.addf %add3A_2682, %exp3A_2696 : vector<16x512xf32>
    %eq3A_2698 = arith.constant 18 : i32
    %eq3A_2699 = vector.broadcast %eq3A_2698 : i32 to vector<16x512xi32>
    %eq3A_2700 = arith.cmpi eq, %min3A_2415, %eq3A_2699 : vector<16x512xi32>
    %jit3A_2701 = arith.constant 0.000000e+00 : f32
    %broadcast_in_dim3A_2702 = vector.broadcast %jit3A_2701 : f32 to vector<16x512xf32>
    %select_n3A_2703 = arith.select %eq3A_2700, %get3A_2695, %broadcast_in_dim3A_2702 : vector<16x512xi1>, vector<16x512xf32>
    %add3A_2704 = arith.addf %add3A_2689, %select_n3A_2703 : vector<16x512xf32>
    %log3A_2705 = math.log %add3A_2697 : vector<16x512xf32>
    %sub3A_2706 = arith.subf %log3A_2705, %add3A_2704 : vector<16x512xf32>
    %ne3A_2707 = arith.constant 255 : i32
    %ne3A_2708 = vector.broadcast %ne3A_2707 : i32 to vector<16x512xi32>
    %ne3A_2709 = arith.cmpi ne, %get3A_2409, %ne3A_2708 : vector<16x512xi32>
    %jit3A_2710 = arith.constant 0.000000e+00 : f32
    %broadcast_in_dim3A_2711 = vector.broadcast %jit3A_2710 : f32 to vector<16x512xf32>
    %select_n3A_2712 = arith.select %ne3A_2709, %sub3A_2706, %broadcast_in_dim3A_2711 : vector<16x512xi1>, vector<16x512xf32>
    %swap3A_2713 = arith.constant 0 : index
    %swap3A_2714 = arith.constant 112 : index
    %swap3A_2715 = arith.constant 0 : index
    %swap3A_2716 = vector.load %arg4[%swap3A_2713, %swap3A_2714, %swap3A_2715] : memref<1x256x512xf32, #tpu.memory_space<vmem>>, vector<1x16x512xf32>
    %swap3A_2717 = vector.shape_cast %swap3A_2716 : vector<1x16x512xf32> to vector<16x512xf32>
    %swap3A_2718 = vector.shape_cast %select_n3A_2712 : vector<16x512xf32> to vector<1x16x512xf32>
    tpu.vector_store %arg4[%swap3A_2713, %swap3A_2714, %swap3A_2715], %swap3A_2718 {strides = array<i32>} : memref<1x256x512xf32, #tpu.memory_space<vmem>>, vector<1x16x512xf32>,
    %gt3A_2719 = arith.constant 0.356674939 : f32
    %gt3A_2720 = vector.broadcast %gt3A_2719 : f32 to vector<16x512xf32>
    %gt3A_2721 = arith.cmpf ogt, %select_n3A_2712, %gt3A_2720 : vector<16x512xf32>
    %get3A_2722 = arith.constant 0 : index
    %get3A_2723 = arith.constant 0 : index
    %get3A_2724 = memref.load %arg5[%get3A_2722, %get3A_2723] : memref<1x1xi32, #tpu.memory_space<smem>>
    %convert_element_type3A_2725 = arith.extui %gt3A_2721 : vector<16x512xi1> to vector<16x512xi32>
    %reduce_sum3A_2726 = vector.shape_cast %convert_element_type3A_2725 : vector<16x512xi32> to vector<1x16x512xi32>
    %reduce_sum3A_2727 = arith.constant dense<0> : vector<1xi32>
    %reduce_sum3A_2728 = vector.multi_reduction <add>, %reduce_sum3A_2726, %reduce_sum3A_2727 [1, 2] : vector<1x16x512xi32> to vector<1xi32>
    %reduce_sum3A_2729 = vector.shape_cast %reduce_sum3A_2728 : vector<1xi32> to vector<1x1x1xi32>
    %reduce_sum3A_2730 = vector.extract %reduce_sum3A_2729[0, 0, 0] : i32 from vector<1x1x1xi32>
    %add3A_2731 = arith.addi %get3A_2724, %reduce_sum3A_2730 : i32
    %swap3A_2732 = arith.constant 0 : index
    %swap3A_2733 = arith.constant 0 : index
    %swap3A_2734 = memref.load %arg5[%swap3A_2732, %swap3A_2733] : memref<1x1xi32, #tpu.memory_space<smem>>
    memref.store %add3A_2731, %arg5[%swap3A_2732, %swap3A_2733] : memref<1x1xi32, #tpu.memory_space<smem>>
    %get3A_2735 = arith.constant 0 : index
    %get3A_2736 = arith.constant 0 : index
    %get3A_2737 = memref.load %arg6[%get3A_2735, %get3A_2736] : memref<1x1xf32, #tpu.memory_space<smem>>
    %jit3A_2738 = arith.constant 0.000000e+00 : f32
    %broadcast_in_dim3A_2739 = vector.broadcast %jit3A_2738 : f32 to vector<16x512xf32>
    %select_n3A_2740 = arith.select %gt3A_2721, %select_n3A_2712, %broadcast_in_dim3A_2739 : vector<16x512xi1>, vector<16x512xf32>
    %reduce_sum3A_2741 = vector.shape_cast %select_n3A_2740 : vector<16x512xf32> to vector<1x16x512xf32>
    %reduce_sum3A_2742 = arith.constant dense<0.000000e+00> : vector<1xf32>
    %reduce_sum3A_2743 = vector.multi_reduction <add>, %reduce_sum3A_2741, %reduce_sum3A_2742 [1, 2] : vector<1x16x512xf32> to vector<1xf32>
    %reduce_sum3A_2744 = vector.shape_cast %reduce_sum3A_2743 : vector<1xf32> to vector<1x1x1xf32>
    %reduce_sum3A_2745 = vector.extract %reduce_sum3A_2744[0, 0, 0] : f32 from vector<1x1x1xf32>
    %add3A_2746 = arith.addf %get3A_2737, %reduce_sum3A_2745 : f32
    %swap3A_2747 = arith.constant 0 : index
    %swap3A_2748 = arith.constant 0 : index
    %swap3A_2749 = memref.load %arg6[%swap3A_2747, %swap3A_2748] : memref<1x1xf32, #tpu.memory_space<smem>>
    memref.store %add3A_2746, %arg6[%swap3A_2747, %swap3A_2748] : memref<1x1xf32, #tpu.memory_space<smem>>
    %get3A_2750 = arith.constant 0 : index
    %get3A_2751 = arith.constant 128 : index
    %get3A_2752 = arith.constant 0 : index
    %get3A_2753 = vector.load %arg3[%get3A_2750, %get3A_2751, %get3A_2752] : memref<1x256x512xi32, #tpu.memory_space<vmem>>, vector<1x16x512xi32>
    %get3A_2754 = vector.shape_cast %get3A_2753 : vector<1x16x512xi32> to vector<16x512xi32>
    %jit3A_2755 = arith.constant 0 : i32
    %jit3A_2756 = arith.constant 18 : i32
    %max3A_2757 = vector.broadcast %jit3A_2755 : i32 to vector<16x512xi32>
    %max3A_2758 = arith.maxsi %max3A_2757, %get3A_2754 : vector<16x512xi32>
    %min3A_2759 = vector.broadcast %jit3A_2756 : i32 to vector<16x512xi32>
    %min3A_2760 = arith.minsi %min3A_2759, %max3A_2758 : vector<16x512xi32>
    %broadcast_in_dim3A_2761 = arith.constant 0.000000e+00 : f32
    %broadcast_in_dim3A_2762 = vector.broadcast %broadcast_in_dim3A_2761 : f32 to vector<16x512xf32>
    %broadcast_in_dim3A_2763 = arith.constant 0.000000e+00 : f32
    %broadcast_in_dim3A_2764 = vector.broadcast %broadcast_in_dim3A_2763 : f32 to vector<16x512xf32>
    %get3A_2765 = arith.constant 0 : index
    %get3A_2766 = arith.constant 0 : index
    %get3A_2767 = arith.constant 128 : index
    %get3A_2768 = arith.constant 0 : index
    %get3A_2769 = vector.load %arg2[%get3A_2765, %get3A_2766, %get3A_2767, %get3A_2768] : memref<1x19x256x512xf32, #tpu.memory_space<vmem>>, vector<1x1x16x512xf32>
    %get3A_2770 = vector.shape_cast %get3A_2769 : vector<1x1x16x512xf32> to vector<16x512xf32>
    %exp3A_2771 = math.exp %get3A_2770 : vector<16x512xf32>
    %add3A_2772 = arith.addf %broadcast_in_dim3A_2762, %exp3A_2771 : vector<16x512xf32>
    %eq3A_2773 = arith.constant 0 : i32
    %eq3A_2774 = vector.broadcast %eq3A_2773 : i32 to vector<16x512xi32>
    %eq3A_2775 = arith.cmpi eq, %min3A_2760, %eq3A_2774 : vector<16x512xi32>
    %jit3A_2776 = arith.constant 0.000000e+00 : f32
    %broadcast_in_dim3A_2777 = vector.broadcast %jit3A_2776 : f32 to vector<16x512xf32>
    %select_n3A_2778 = arith.select %eq3A_2775, %get3A_2770, %broadcast_in_dim3A_2777 : vector<16x512xi1>, vector<16x512xf32>
    %add3A_2779 = arith.addf %broadcast_in_dim3A_2764, %select_n3A_2778 : vector<16x512xf32>
    %get3A_2780 = arith.constant 0 : index
    %get3A_2781 = arith.constant 1 : index
    %get3A_2782 = arith.constant 128 : index
    %get3A_2783 = arith.constant 0 : index
    %get3A_2784 = vector.load %arg2[%get3A_2780, %get3A_2781, %get3A_2782, %get3A_2783] : memref<1x19x256x512xf32, #tpu.memory_space<vmem>>, vector<1x1x16x512xf32>
    %get3A_2785 = vector.shape_cast %get3A_2784 : vector<1x1x16x512xf32> to vector<16x512xf32>
    %exp3A_2786 = math.exp %get3A_2785 : vector<16x512xf32>
    %add3A_2787 = arith.addf %add3A_2772, %exp3A_2786 : vector<16x512xf32>
    %eq3A_2788 = arith.constant 1 : i32
    %eq3A_2789 = vector.broadcast %eq3A_2788 : i32 to vector<16x512xi32>
    %eq3A_2790 = arith.cmpi eq, %min3A_2760, %eq3A_2789 : vector<16x512xi32>
    %jit3A_2791 = arith.constant 0.000000e+00 : f32
    %broadcast_in_dim3A_2792 = vector.broadcast %jit3A_2791 : f32 to vector<16x512xf32>
    %select_n3A_2793 = arith.select %eq3A_2790, %get3A_2785, %broadcast_in_dim3A_2792 : vector<16x512xi1>, vector<16x512xf32>
    %add3A_2794 = arith.addf %add3A_2779, %select_n3A_2793 : vector<16x512xf32>
    %get3A_2795 = arith.constant 0 : index
    %get3A_2796 = arith.constant 2 : index
    %get3A_2797 = arith.constant 128 : index
    %get3A_2798 = arith.constant 0 : index
    %get3A_2799 = vector.load %arg2[%get3A_2795, %get3A_2796, %get3A_2797, %get3A_2798] : memref<1x19x256x512xf32, #tpu.memory_space<vmem>>, vector<1x1x16x512xf32>
    %get3A_2800 = vector.shape_cast %get3A_2799 : vector<1x1x16x512xf32> to vector<16x512xf32>
    %exp3A_2801 = math.exp %get3A_2800 : vector<16x512xf32>
    %add3A_2802 = arith.addf %add3A_2787, %exp3A_2801 : vector<16x512xf32>
    %eq3A_2803 = arith.constant 2 : i32
    %eq3A_2804 = vector.broadcast %eq3A_2803 : i32 to vector<16x512xi32>
    %eq3A_2805 = arith.cmpi eq, %min3A_2760, %eq3A_2804 : vector<16x512xi32>
    %jit3A_2806 = arith.constant 0.000000e+00 : f32
    %broadcast_in_dim3A_2807 = vector.broadcast %jit3A_2806 : f32 to vector<16x512xf32>
    %select_n3A_2808 = arith.select %eq3A_2805, %get3A_2800, %broadcast_in_dim3A_2807 : vector<16x512xi1>, vector<16x512xf32>
    %add3A_2809 = arith.addf %add3A_2794, %select_n3A_2808 : vector<16x512xf32>
    %get3A_2810 = arith.constant 0 : index
    %get3A_2811 = arith.constant 3 : index
    %get3A_2812 = arith.constant 128 : index
    %get3A_2813 = arith.constant 0 : index
    %get3A_2814 = vector.load %arg2[%get3A_2810, %get3A_2811, %get3A_2812, %get3A_2813] : memref<1x19x256x512xf32, #tpu.memory_space<vmem>>, vector<1x1x16x512xf32>
    %get3A_2815 = vector.shape_cast %get3A_2814 : vector<1x1x16x512xf32> to vector<16x512xf32>
    %exp3A_2816 = math.exp %get3A_2815 : vector<16x512xf32>
    %add3A_2817 = arith.addf %add3A_2802, %exp3A_2816 : vector<16x512xf32>
    %eq3A_2818 = arith.constant 3 : i32
    %eq3A_2819 = vector.broadcast %eq3A_2818 : i32 to vector<16x512xi32>
    %eq3A_2820 = arith.cmpi eq, %min3A_2760, %eq3A_2819 : vector<16x512xi32>
    %jit3A_2821 = arith.constant 0.000000e+00 : f32
    %broadcast_in_dim3A_2822 = vector.broadcast %jit3A_2821 : f32 to vector<16x512xf32>
    %select_n3A_2823 = arith.select %eq3A_2820, %get3A_2815, %broadcast_in_dim3A_2822 : vector<16x512xi1>, vector<16x512xf32>
    %add3A_2824 = arith.addf %add3A_2809, %select_n3A_2823 : vector<16x512xf32>
    %get3A_2825 = arith.constant 0 : index
    %get3A_2826 = arith.constant 4 : index
    %get3A_2827 = arith.constant 128 : index
    %get3A_2828 = arith.constant 0 : index
    %get3A_2829 = vector.load %arg2[%get3A_2825, %get3A_2826, %get3A_2827, %get3A_2828] : memref<1x19x256x512xf32, #tpu.memory_space<vmem>>, vector<1x1x16x512xf32>
    %get3A_2830 = vector.shape_cast %get3A_2829 : vector<1x1x16x512xf32> to vector<16x512xf32>
    %exp3A_2831 = math.exp %get3A_2830 : vector<16x512xf32>
    %add3A_2832 = arith.addf %add3A_2817, %exp3A_2831 : vector<16x512xf32>
    %eq3A_2833 = arith.constant 4 : i32
    %eq3A_2834 = vector.broadcast %eq3A_2833 : i32 to vector<16x512xi32>
    %eq3A_2835 = arith.cmpi eq, %min3A_2760, %eq3A_2834 : vector<16x512xi32>
    %jit3A_2836 = arith.constant 0.000000e+00 : f32
    %broadcast_in_dim3A_2837 = vector.broadcast %jit3A_2836 : f32 to vector<16x512xf32>
    %select_n3A_2838 = arith.select %eq3A_2835, %get3A_2830, %broadcast_in_dim3A_2837 : vector<16x512xi1>, vector<16x512xf32>
    %add3A_2839 = arith.addf %add3A_2824, %select_n3A_2838 : vector<16x512xf32>
    %get3A_2840 = arith.constant 0 : index
    %get3A_2841 = arith.constant 5 : index
    %get3A_2842 = arith.constant 128 : index
    %get3A_2843 = arith.constant 0 : index
    %get3A_2844 = vector.load %arg2[%get3A_2840, %get3A_2841, %get3A_2842, %get3A_2843] : memref<1x19x256x512xf32, #tpu.memory_space<vmem>>, vector<1x1x16x512xf32>
    %get3A_2845 = vector.shape_cast %get3A_2844 : vector<1x1x16x512xf32> to vector<16x512xf32>
    %exp3A_2846 = math.exp %get3A_2845 : vector<16x512xf32>
    %add3A_2847 = arith.addf %add3A_2832, %exp3A_2846 : vector<16x512xf32>
    %eq3A_2848 = arith.constant 5 : i32
    %eq3A_2849 = vector.broadcast %eq3A_2848 : i32 to vector<16x512xi32>
    %eq3A_2850 = arith.cmpi eq, %min3A_2760, %eq3A_2849 : vector<16x512xi32>
    %jit3A_2851 = arith.constant 0.000000e+00 : f32
    %broadcast_in_dim3A_2852 = vector.broadcast %jit3A_2851 : f32 to vector<16x512xf32>
    %select_n3A_2853 = arith.select %eq3A_2850, %get3A_2845, %broadcast_in_dim3A_2852 : vector<16x512xi1>, vector<16x512xf32>
    %add3A_2854 = arith.addf %add3A_2839, %select_n3A_2853 : vector<16x512xf32>
    %get3A_2855 = arith.constant 0 : index
    %get3A_2856 = arith.constant 6 : index
    %get3A_2857 = arith.constant 128 : index
    %get3A_2858 = arith.constant 0 : index
    %get3A_2859 = vector.load %arg2[%get3A_2855, %get3A_2856, %get3A_2857, %get3A_2858] : memref<1x19x256x512xf32, #tpu.memory_space<vmem>>, vector<1x1x16x512xf32>
    %get3A_2860 = vector.shape_cast %get3A_2859 : vector<1x1x16x512xf32> to vector<16x512xf32>
    %exp3A_2861 = math.exp %get3A_2860 : vector<16x512xf32>
    %add3A_2862 = arith.addf %add3A_2847, %exp3A_2861 : vector<16x512xf32>
    %eq3A_2863 = arith.constant 6 : i32
    %eq3A_2864 = vector.broadcast %eq3A_2863 : i32 to vector<16x512xi32>
    %eq3A_2865 = arith.cmpi eq, %min3A_2760, %eq3A_2864 : vector<16x512xi32>
    %jit3A_2866 = arith.constant 0.000000e+00 : f32
    %broadcast_in_dim3A_2867 = vector.broadcast %jit3A_2866 : f32 to vector<16x512xf32>
    %select_n3A_2868 = arith.select %eq3A_2865, %get3A_2860, %broadcast_in_dim3A_2867 : vector<16x512xi1>, vector<16x512xf32>
    %add3A_2869 = arith.addf %add3A_2854, %select_n3A_2868 : vector<16x512xf32>
    %get3A_2870 = arith.constant 0 : index
    %get3A_2871 = arith.constant 7 : index
    %get3A_2872 = arith.constant 128 : index
    %get3A_2873 = arith.constant 0 : index
    %get3A_2874 = vector.load %arg2[%get3A_2870, %get3A_2871, %get3A_2872, %get3A_2873] : memref<1x19x256x512xf32, #tpu.memory_space<vmem>>, vector<1x1x16x512xf32>
    %get3A_2875 = vector.shape_cast %get3A_2874 : vector<1x1x16x512xf32> to vector<16x512xf32>
    %exp3A_2876 = math.exp %get3A_2875 : vector<16x512xf32>
    %add3A_2877 = arith.addf %add3A_2862, %exp3A_2876 : vector<16x512xf32>
    %eq3A_2878 = arith.constant 7 : i32
    %eq3A_2879 = vector.broadcast %eq3A_2878 : i32 to vector<16x512xi32>
    %eq3A_2880 = arith.cmpi eq, %min3A_2760, %eq3A_2879 : vector<16x512xi32>
    %jit3A_2881 = arith.constant 0.000000e+00 : f32
    %broadcast_in_dim3A_2882 = vector.broadcast %jit3A_2881 : f32 to vector<16x512xf32>
    %select_n3A_2883 = arith.select %eq3A_2880, %get3A_2875, %broadcast_in_dim3A_2882 : vector<16x512xi1>, vector<16x512xf32>
    %add3A_2884 = arith.addf %add3A_2869, %select_n3A_2883 : vector<16x512xf32>
    %get3A_2885 = arith.constant 0 : index
    %get3A_2886 = arith.constant 8 : index
    %get3A_2887 = arith.constant 128 : index
    %get3A_2888 = arith.constant 0 : index
    %get3A_2889 = vector.load %arg2[%get3A_2885, %get3A_2886, %get3A_2887, %get3A_2888] : memref<1x19x256x512xf32, #tpu.memory_space<vmem>>, vector<1x1x16x512xf32>
    %get3A_2890 = vector.shape_cast %get3A_2889 : vector<1x1x16x512xf32> to vector<16x512xf32>
    %exp3A_2891 = math.exp %get3A_2890 : vector<16x512xf32>
    %add3A_2892 = arith.addf %add3A_2877, %exp3A_2891 : vector<16x512xf32>
    %eq3A_2893 = arith.constant 8 : i32
    %eq3A_2894 = vector.broadcast %eq3A_2893 : i32 to vector<16x512xi32>
    %eq3A_2895 = arith.cmpi eq, %min3A_2760, %eq3A_2894 : vector<16x512xi32>
    %jit3A_2896 = arith.constant 0.000000e+00 : f32
    %broadcast_in_dim3A_2897 = vector.broadcast %jit3A_2896 : f32 to vector<16x512xf32>
    %select_n3A_2898 = arith.select %eq3A_2895, %get3A_2890, %broadcast_in_dim3A_2897 : vector<16x512xi1>, vector<16x512xf32>
    %add3A_2899 = arith.addf %add3A_2884, %select_n3A_2898 : vector<16x512xf32>
    %get3A_2900 = arith.constant 0 : index
    %get3A_2901 = arith.constant 9 : index
    %get3A_2902 = arith.constant 128 : index
    %get3A_2903 = arith.constant 0 : index
    %get3A_2904 = vector.load %arg2[%get3A_2900, %get3A_2901, %get3A_2902, %get3A_2903] : memref<1x19x256x512xf32, #tpu.memory_space<vmem>>, vector<1x1x16x512xf32>
    %get3A_2905 = vector.shape_cast %get3A_2904 : vector<1x1x16x512xf32> to vector<16x512xf32>
    %exp3A_2906 = math.exp %get3A_2905 : vector<16x512xf32>
    %add3A_2907 = arith.addf %add3A_2892, %exp3A_2906 : vector<16x512xf32>
    %eq3A_2908 = arith.constant 9 : i32
    %eq3A_2909 = vector.broadcast %eq3A_2908 : i32 to vector<16x512xi32>
    %eq3A_2910 = arith.cmpi eq, %min3A_2760, %eq3A_2909 : vector<16x512xi32>
    %jit3A_2911 = arith.constant 0.000000e+00 : f32
    %broadcast_in_dim3A_2912 = vector.broadcast %jit3A_2911 : f32 to vector<16x512xf32>
    %select_n3A_2913 = arith.select %eq3A_2910, %get3A_2905, %broadcast_in_dim3A_2912 : vector<16x512xi1>, vector<16x512xf32>
    %add3A_2914 = arith.addf %add3A_2899, %select_n3A_2913 : vector<16x512xf32>
    %get3A_2915 = arith.constant 0 : index
    %get3A_2916 = arith.constant 10 : index
    %get3A_2917 = arith.constant 128 : index
    %get3A_2918 = arith.constant 0 : index
    %get3A_2919 = vector.load %arg2[%get3A_2915, %get3A_2916, %get3A_2917, %get3A_2918] : memref<1x19x256x512xf32, #tpu.memory_space<vmem>>, vector<1x1x16x512xf32>
    %get3A_2920 = vector.shape_cast %get3A_2919 : vector<1x1x16x512xf32> to vector<16x512xf32>
    %exp3A_2921 = math.exp %get3A_2920 : vector<16x512xf32>
    %add3A_2922 = arith.addf %add3A_2907, %exp3A_2921 : vector<16x512xf32>
    %eq3A_2923 = arith.constant 10 : i32
    %eq3A_2924 = vector.broadcast %eq3A_2923 : i32 to vector<16x512xi32>
    %eq3A_2925 = arith.cmpi eq, %min3A_2760, %eq3A_2924 : vector<16x512xi32>
    %jit3A_2926 = arith.constant 0.000000e+00 : f32
    %broadcast_in_dim3A_2927 = vector.broadcast %jit3A_2926 : f32 to vector<16x512xf32>
    %select_n3A_2928 = arith.select %eq3A_2925, %get3A_2920, %broadcast_in_dim3A_2927 : vector<16x512xi1>, vector<16x512xf32>
    %add3A_2929 = arith.addf %add3A_2914, %select_n3A_2928 : vector<16x512xf32>
    %get3A_2930 = arith.constant 0 : index
    %get3A_2931 = arith.constant 11 : index
    %get3A_2932 = arith.constant 128 : index
    %get3A_2933 = arith.constant 0 : index
    %get3A_2934 = vector.load %arg2[%get3A_2930, %get3A_2931, %get3A_2932, %get3A_2933] : memref<1x19x256x512xf32, #tpu.memory_space<vmem>>, vector<1x1x16x512xf32>
    %get3A_2935 = vector.shape_cast %get3A_2934 : vector<1x1x16x512xf32> to vector<16x512xf32>
    %exp3A_2936 = math.exp %get3A_2935 : vector<16x512xf32>
    %add3A_2937 = arith.addf %add3A_2922, %exp3A_2936 : vector<16x512xf32>
    %eq3A_2938 = arith.constant 11 : i32
    %eq3A_2939 = vector.broadcast %eq3A_2938 : i32 to vector<16x512xi32>
    %eq3A_2940 = arith.cmpi eq, %min3A_2760, %eq3A_2939 : vector<16x512xi32>
    %jit3A_2941 = arith.constant 0.000000e+00 : f32
    %broadcast_in_dim3A_2942 = vector.broadcast %jit3A_2941 : f32 to vector<16x512xf32>
    %select_n3A_2943 = arith.select %eq3A_2940, %get3A_2935, %broadcast_in_dim3A_2942 : vector<16x512xi1>, vector<16x512xf32>
    %add3A_2944 = arith.addf %add3A_2929, %select_n3A_2943 : vector<16x512xf32>
    %get3A_2945 = arith.constant 0 : index
    %get3A_2946 = arith.constant 12 : index
    %get3A_2947 = arith.constant 128 : index
    %get3A_2948 = arith.constant 0 : index
    %get3A_2949 = vector.load %arg2[%get3A_2945, %get3A_2946, %get3A_2947, %get3A_2948] : memref<1x19x256x512xf32, #tpu.memory_space<vmem>>, vector<1x1x16x512xf32>
    %get3A_2950 = vector.shape_cast %get3A_2949 : vector<1x1x16x512xf32> to vector<16x512xf32>
    %exp3A_2951 = math.exp %get3A_2950 : vector<16x512xf32>
    %add3A_2952 = arith.addf %add3A_2937, %exp3A_2951 : vector<16x512xf32>
    %eq3A_2953 = arith.constant 12 : i32
    %eq3A_2954 = vector.broadcast %eq3A_2953 : i32 to vector<16x512xi32>
    %eq3A_2955 = arith.cmpi eq, %min3A_2760, %eq3A_2954 : vector<16x512xi32>
    %jit3A_2956 = arith.constant 0.000000e+00 : f32
    %broadcast_in_dim3A_2957 = vector.broadcast %jit3A_2956 : f32 to vector<16x512xf32>
    %select_n3A_2958 = arith.select %eq3A_2955, %get3A_2950, %broadcast_in_dim3A_2957 : vector<16x512xi1>, vector<16x512xf32>
    %add3A_2959 = arith.addf %add3A_2944, %select_n3A_2958 : vector<16x512xf32>
    %get3A_2960 = arith.constant 0 : index
    %get3A_2961 = arith.constant 13 : index
    %get3A_2962 = arith.constant 128 : index
    %get3A_2963 = arith.constant 0 : index
    %get3A_2964 = vector.load %arg2[%get3A_2960, %get3A_2961, %get3A_2962, %get3A_2963] : memref<1x19x256x512xf32, #tpu.memory_space<vmem>>, vector<1x1x16x512xf32>
    %get3A_2965 = vector.shape_cast %get3A_2964 : vector<1x1x16x512xf32> to vector<16x512xf32>
    %exp3A_2966 = math.exp %get3A_2965 : vector<16x512xf32>
    %add3A_2967 = arith.addf %add3A_2952, %exp3A_2966 : vector<16x512xf32>
    %eq3A_2968 = arith.constant 13 : i32
    %eq3A_2969 = vector.broadcast %eq3A_2968 : i32 to vector<16x512xi32>
    %eq3A_2970 = arith.cmpi eq, %min3A_2760, %eq3A_2969 : vector<16x512xi32>
    %jit3A_2971 = arith.constant 0.000000e+00 : f32
    %broadcast_in_dim3A_2972 = vector.broadcast %jit3A_2971 : f32 to vector<16x512xf32>
    %select_n3A_2973 = arith.select %eq3A_2970, %get3A_2965, %broadcast_in_dim3A_2972 : vector<16x512xi1>, vector<16x512xf32>
    %add3A_2974 = arith.addf %add3A_2959, %select_n3A_2973 : vector<16x512xf32>
    %get3A_2975 = arith.constant 0 : index
    %get3A_2976 = arith.constant 14 : index
    %get3A_2977 = arith.constant 128 : index
    %get3A_2978 = arith.constant 0 : index
    %get3A_2979 = vector.load %arg2[%get3A_2975, %get3A_2976, %get3A_2977, %get3A_2978] : memref<1x19x256x512xf32, #tpu.memory_space<vmem>>, vector<1x1x16x512xf32>
    %get3A_2980 = vector.shape_cast %get3A_2979 : vector<1x1x16x512xf32> to vector<16x512xf32>
    %exp3A_2981 = math.exp %get3A_2980 : vector<16x512xf32>
    %add3A_2982 = arith.addf %add3A_2967, %exp3A_2981 : vector<16x512xf32>
    %eq3A_2983 = arith.constant 14 : i32
    %eq3A_2984 = vector.broadcast %eq3A_2983 : i32 to vector<16x512xi32>
    %eq3A_2985 = arith.cmpi eq, %min3A_2760, %eq3A_2984 : vector<16x512xi32>
    %jit3A_2986 = arith.constant 0.000000e+00 : f32
    %broadcast_in_dim3A_2987 = vector.broadcast %jit3A_2986 : f32 to vector<16x512xf32>
    %select_n3A_2988 = arith.select %eq3A_2985, %get3A_2980, %broadcast_in_dim3A_2987 : vector<16x512xi1>, vector<16x512xf32>
    %add3A_2989 = arith.addf %add3A_2974, %select_n3A_2988 : vector<16x512xf32>
    %get3A_2990 = arith.constant 0 : index
    %get3A_2991 = arith.constant 15 : index
    %get3A_2992 = arith.constant 128 : index
    %get3A_2993 = arith.constant 0 : index
    %get3A_2994 = vector.load %arg2[%get3A_2990, %get3A_2991, %get3A_2992, %get3A_2993] : memref<1x19x256x512xf32, #tpu.memory_space<vmem>>, vector<1x1x16x512xf32>
    %get3A_2995 = vector.shape_cast %get3A_2994 : vector<1x1x16x512xf32> to vector<16x512xf32>
    %exp3A_2996 = math.exp %get3A_2995 : vector<16x512xf32>
    %add3A_2997 = arith.addf %add3A_2982, %exp3A_2996 : vector<16x512xf32>
    %eq3A_2998 = arith.constant 15 : i32
    %eq3A_2999 = vector.broadcast %eq3A_2998 : i32 to vector<16x512xi32>
    %eq3A_3000 = arith.cmpi eq, %min3A_2760, %eq3A_2999 : vector<16x512xi32>
    %jit3A_3001 = arith.constant 0.000000e+00 : f32
    %broadcast_in_dim3A_3002 = vector.broadcast %jit3A_3001 : f32 to vector<16x512xf32>
    %select_n3A_3003 = arith.select %eq3A_3000, %get3A_2995, %broadcast_in_dim3A_3002 : vector<16x512xi1>, vector<16x512xf32>
    %add3A_3004 = arith.addf %add3A_2989, %select_n3A_3003 : vector<16x512xf32>
    %get3A_3005 = arith.constant 0 : index
    %get3A_3006 = arith.constant 16 : index
    %get3A_3007 = arith.constant 128 : index
    %get3A_3008 = arith.constant 0 : index
    %get3A_3009 = vector.load %arg2[%get3A_3005, %get3A_3006, %get3A_3007, %get3A_3008] : memref<1x19x256x512xf32, #tpu.memory_space<vmem>>, vector<1x1x16x512xf32>
    %get3A_3010 = vector.shape_cast %get3A_3009 : vector<1x1x16x512xf32> to vector<16x512xf32>
    %exp3A_3011 = math.exp %get3A_3010 : vector<16x512xf32>
    %add3A_3012 = arith.addf %add3A_2997, %exp3A_3011 : vector<16x512xf32>
    %eq3A_3013 = arith.constant 16 : i32
    %eq3A_3014 = vector.broadcast %eq3A_3013 : i32 to vector<16x512xi32>
    %eq3A_3015 = arith.cmpi eq, %min3A_2760, %eq3A_3014 : vector<16x512xi32>
    %jit3A_3016 = arith.constant 0.000000e+00 : f32
    %broadcast_in_dim3A_3017 = vector.broadcast %jit3A_3016 : f32 to vector<16x512xf32>
    %select_n3A_3018 = arith.select %eq3A_3015, %get3A_3010, %broadcast_in_dim3A_3017 : vector<16x512xi1>, vector<16x512xf32>
    %add3A_3019 = arith.addf %add3A_3004, %select_n3A_3018 : vector<16x512xf32>
    %get3A_3020 = arith.constant 0 : index
    %get3A_3021 = arith.constant 17 : index
    %get3A_3022 = arith.constant 128 : index
    %get3A_3023 = arith.constant 0 : index
    %get3A_3024 = vector.load %arg2[%get3A_3020, %get3A_3021, %get3A_3022, %get3A_3023] : memref<1x19x256x512xf32, #tpu.memory_space<vmem>>, vector<1x1x16x512xf32>
    %get3A_3025 = vector.shape_cast %get3A_3024 : vector<1x1x16x512xf32> to vector<16x512xf32>
    %exp3A_3026 = math.exp %get3A_3025 : vector<16x512xf32>
    %add3A_3027 = arith.addf %add3A_3012, %exp3A_3026 : vector<16x512xf32>
    %eq3A_3028 = arith.constant 17 : i32
    %eq3A_3029 = vector.broadcast %eq3A_3028 : i32 to vector<16x512xi32>
    %eq3A_3030 = arith.cmpi eq, %min3A_2760, %eq3A_3029 : vector<16x512xi32>
    %jit3A_3031 = arith.constant 0.000000e+00 : f32
    %broadcast_in_dim3A_3032 = vector.broadcast %jit3A_3031 : f32 to vector<16x512xf32>
    %select_n3A_3033 = arith.select %eq3A_3030, %get3A_3025, %broadcast_in_dim3A_3032 : vector<16x512xi1>, vector<16x512xf32>
    %add3A_3034 = arith.addf %add3A_3019, %select_n3A_3033 : vector<16x512xf32>
    %get3A_3035 = arith.constant 0 : index
    %get3A_3036 = arith.constant 18 : index
    %get3A_3037 = arith.constant 128 : index
    %get3A_3038 = arith.constant 0 : index
    %get3A_3039 = vector.load %arg2[%get3A_3035, %get3A_3036, %get3A_3037, %get3A_3038] : memref<1x19x256x512xf32, #tpu.memory_space<vmem>>, vector<1x1x16x512xf32>
    %get3A_3040 = vector.shape_cast %get3A_3039 : vector<1x1x16x512xf32> to vector<16x512xf32>
    %exp3A_3041 = math.exp %get3A_3040 : vector<16x512xf32>
    %add3A_3042 = arith.addf %add3A_3027, %exp3A_3041 : vector<16x512xf32>
    %eq3A_3043 = arith.constant 18 : i32
    %eq3A_3044 = vector.broadcast %eq3A_3043 : i32 to vector<16x512xi32>
    %eq3A_3045 = arith.cmpi eq, %min3A_2760, %eq3A_3044 : vector<16x512xi32>
    %jit3A_3046 = arith.constant 0.000000e+00 : f32
    %broadcast_in_dim3A_3047 = vector.broadcast %jit3A_3046 : f32 to vector<16x512xf32>
    %select_n3A_3048 = arith.select %eq3A_3045, %get3A_3040, %broadcast_in_dim3A_3047 : vector<16x512xi1>, vector<16x512xf32>
    %add3A_3049 = arith.addf %add3A_3034, %select_n3A_3048 : vector<16x512xf32>
    %log3A_3050 = math.log %add3A_3042 : vector<16x512xf32>
    %sub3A_3051 = arith.subf %log3A_3050, %add3A_3049 : vector<16x512xf32>
    %ne3A_3052 = arith.constant 255 : i32
    %ne3A_3053 = vector.broadcast %ne3A_3052 : i32 to vector<16x512xi32>
    %ne3A_3054 = arith.cmpi ne, %get3A_2754, %ne3A_3053 : vector<16x512xi32>
    %jit3A_3055 = arith.constant 0.000000e+00 : f32
    %broadcast_in_dim3A_3056 = vector.broadcast %jit3A_3055 : f32 to vector<16x512xf32>
    %select_n3A_3057 = arith.select %ne3A_3054, %sub3A_3051, %broadcast_in_dim3A_3056 : vector<16x512xi1>, vector<16x512xf32>
    %swap3A_3058 = arith.constant 0 : index
    %swap3A_3059 = arith.constant 128 : index
    %swap3A_3060 = arith.constant 0 : index
    %swap3A_3061 = vector.load %arg4[%swap3A_3058, %swap3A_3059, %swap3A_3060] : memref<1x256x512xf32, #tpu.memory_space<vmem>>, vector<1x16x512xf32>
    %swap3A_3062 = vector.shape_cast %swap3A_3061 : vector<1x16x512xf32> to vector<16x512xf32>
    %swap3A_3063 = vector.shape_cast %select_n3A_3057 : vector<16x512xf32> to vector<1x16x512xf32>
    tpu.vector_store %arg4[%swap3A_3058, %swap3A_3059, %swap3A_3060], %swap3A_3063 {strides = array<i32>} : memref<1x256x512xf32, #tpu.memory_space<vmem>>, vector<1x16x512xf32>,
    %gt3A_3064 = arith.constant 0.356674939 : f32
    %gt3A_3065 = vector.broadcast %gt3A_3064 : f32 to vector<16x512xf32>
    %gt3A_3066 = arith.cmpf ogt, %select_n3A_3057, %gt3A_3065 : vector<16x512xf32>
    %get3A_3067 = arith.constant 0 : index
    %get3A_3068 = arith.constant 0 : index
    %get3A_3069 = memref.load %arg5[%get3A_3067, %get3A_3068] : memref<1x1xi32, #tpu.memory_space<smem>>
    %convert_element_type3A_3070 = arith.extui %gt3A_3066 : vector<16x512xi1> to vector<16x512xi32>
    %reduce_sum3A_3071 = vector.shape_cast %convert_element_type3A_3070 : vector<16x512xi32> to vector<1x16x512xi32>
    %reduce_sum3A_3072 = arith.constant dense<0> : vector<1xi32>
    %reduce_sum3A_3073 = vector.multi_reduction <add>, %reduce_sum3A_3071, %reduce_sum3A_3072 [1, 2] : vector<1x16x512xi32> to vector<1xi32>
    %reduce_sum3A_3074 = vector.shape_cast %reduce_sum3A_3073 : vector<1xi32> to vector<1x1x1xi32>
    %reduce_sum3A_3075 = vector.extract %reduce_sum3A_3074[0, 0, 0] : i32 from vector<1x1x1xi32>
    %add3A_3076 = arith.addi %get3A_3069, %reduce_sum3A_3075 : i32
    %swap3A_3077 = arith.constant 0 : index
    %swap3A_3078 = arith.constant 0 : index
    %swap3A_3079 = memref.load %arg5[%swap3A_3077, %swap3A_3078] : memref<1x1xi32, #tpu.memory_space<smem>>
    memref.store %add3A_3076, %arg5[%swap3A_3077, %swap3A_3078] : memref<1x1xi32, #tpu.memory_space<smem>>
    %get3A_3080 = arith.constant 0 : index
    %get3A_3081 = arith.constant 0 : index
    %get3A_3082 = memref.load %arg6[%get3A_3080, %get3A_3081] : memref<1x1xf32, #tpu.memory_space<smem>>
    %jit3A_3083 = arith.constant 0.000000e+00 : f32
    %broadcast_in_dim3A_3084 = vector.broadcast %jit3A_3083 : f32 to vector<16x512xf32>
    %select_n3A_3085 = arith.select %gt3A_3066, %select_n3A_3057, %broadcast_in_dim3A_3084 : vector<16x512xi1>, vector<16x512xf32>
    %reduce_sum3A_3086 = vector.shape_cast %select_n3A_3085 : vector<16x512xf32> to vector<1x16x512xf32>
    %reduce_sum3A_3087 = arith.constant dense<0.000000e+00> : vector<1xf32>
    %reduce_sum3A_3088 = vector.multi_reduction <add>, %reduce_sum3A_3086, %reduce_sum3A_3087 [1, 2] : vector<1x16x512xf32> to vector<1xf32>
    %reduce_sum3A_3089 = vector.shape_cast %reduce_sum3A_3088 : vector<1xf32> to vector<1x1x1xf32>
    %reduce_sum3A_3090 = vector.extract %reduce_sum3A_3089[0, 0, 0] : f32 from vector<1x1x1xf32>
    %add3A_3091 = arith.addf %get3A_3082, %reduce_sum3A_3090 : f32
    %swap3A_3092 = arith.constant 0 : index
    %swap3A_3093 = arith.constant 0 : index
    %swap3A_3094 = memref.load %arg6[%swap3A_3092, %swap3A_3093] : memref<1x1xf32, #tpu.memory_space<smem>>
    memref.store %add3A_3091, %arg6[%swap3A_3092, %swap3A_3093] : memref<1x1xf32, #tpu.memory_space<smem>>
    %get3A_3095 = arith.constant 0 : index
    %get3A_3096 = arith.constant 144 : index
    %get3A_3097 = arith.constant 0 : index
    %get3A_3098 = vector.load %arg3[%get3A_3095, %get3A_3096, %get3A_3097] : memref<1x256x512xi32, #tpu.memory_space<vmem>>, vector<1x16x512xi32>
    %get3A_3099 = vector.shape_cast %get3A_3098 : vector<1x16x512xi32> to vector<16x512xi32>
    %jit3A_3100 = arith.constant 0 : i32
    %jit3A_3101 = arith.constant 18 : i32
    %max3A_3102 = vector.broadcast %jit3A_3100 : i32 to vector<16x512xi32>
    %max3A_3103 = arith.maxsi %max3A_3102, %get3A_3099 : vector<16x512xi32>
    %min3A_3104 = vector.broadcast %jit3A_3101 : i32 to vector<16x512xi32>
    %min3A_3105 = arith.minsi %min3A_3104, %max3A_3103 : vector<16x512xi32>
    %broadcast_in_dim3A_3106 = arith.constant 0.000000e+00 : f32
    %broadcast_in_dim3A_3107 = vector.broadcast %broadcast_in_dim3A_3106 : f32 to vector<16x512xf32>
    %broadcast_in_dim3A_3108 = arith.constant 0.000000e+00 : f32
    %broadcast_in_dim3A_3109 = vector.broadcast %broadcast_in_dim3A_3108 : f32 to vector<16x512xf32>
    %get3A_3110 = arith.constant 0 : index
    %get3A_3111 = arith.constant 0 : index
    %get3A_3112 = arith.constant 144 : index
    %get3A_3113 = arith.constant 0 : index
    %get3A_3114 = vector.load %arg2[%get3A_3110, %get3A_3111, %get3A_3112, %get3A_3113] : memref<1x19x256x512xf32, #tpu.memory_space<vmem>>, vector<1x1x16x512xf32>
    %get3A_3115 = vector.shape_cast %get3A_3114 : vector<1x1x16x512xf32> to vector<16x512xf32>
    %exp3A_3116 = math.exp %get3A_3115 : vector<16x512xf32>
    %add3A_3117 = arith.addf %broadcast_in_dim3A_3107, %exp3A_3116 : vector<16x512xf32>
    %eq3A_3118 = arith.constant 0 : i32
    %eq3A_3119 = vector.broadcast %eq3A_3118 : i32 to vector<16x512xi32>
    %eq3A_3120 = arith.cmpi eq, %min3A_3105, %eq3A_3119 : vector<16x512xi32>
    %jit3A_3121 = arith.constant 0.000000e+00 : f32
    %broadcast_in_dim3A_3122 = vector.broadcast %jit3A_3121 : f32 to vector<16x512xf32>
    %select_n3A_3123 = arith.select %eq3A_3120, %get3A_3115, %broadcast_in_dim3A_3122 : vector<16x512xi1>, vector<16x512xf32>
    %add3A_3124 = arith.addf %broadcast_in_dim3A_3109, %select_n3A_3123 : vector<16x512xf32>
    %get3A_3125 = arith.constant 0 : index
    %get3A_3126 = arith.constant 1 : index
    %get3A_3127 = arith.constant 144 : index
    %get3A_3128 = arith.constant 0 : index
    %get3A_3129 = vector.load %arg2[%get3A_3125, %get3A_3126, %get3A_3127, %get3A_3128] : memref<1x19x256x512xf32, #tpu.memory_space<vmem>>, vector<1x1x16x512xf32>
    %get3A_3130 = vector.shape_cast %get3A_3129 : vector<1x1x16x512xf32> to vector<16x512xf32>
    %exp3A_3131 = math.exp %get3A_3130 : vector<16x512xf32>
    %add3A_3132 = arith.addf %add3A_3117, %exp3A_3131 : vector<16x512xf32>
    %eq3A_3133 = arith.constant 1 : i32
    %eq3A_3134 = vector.broadcast %eq3A_3133 : i32 to vector<16x512xi32>
    %eq3A_3135 = arith.cmpi eq, %min3A_3105, %eq3A_3134 : vector<16x512xi32>
    %jit3A_3136 = arith.constant 0.000000e+00 : f32
    %broadcast_in_dim3A_3137 = vector.broadcast %jit3A_3136 : f32 to vector<16x512xf32>
    %select_n3A_3138 = arith.select %eq3A_3135, %get3A_3130, %broadcast_in_dim3A_3137 : vector<16x512xi1>, vector<16x512xf32>
    %add3A_3139 = arith.addf %add3A_3124, %select_n3A_3138 : vector<16x512xf32>
    %get3A_3140 = arith.constant 0 : index
    %get3A_3141 = arith.constant 2 : index
    %get3A_3142 = arith.constant 144 : index
    %get3A_3143 = arith.constant 0 : index
    %get3A_3144 = vector.load %arg2[%get3A_3140, %get3A_3141, %get3A_3142, %get3A_3143] : memref<1x19x256x512xf32, #tpu.memory_space<vmem>>, vector<1x1x16x512xf32>
    %get3A_3145 = vector.shape_cast %get3A_3144 : vector<1x1x16x512xf32> to vector<16x512xf32>
    %exp3A_3146 = math.exp %get3A_3145 : vector<16x512xf32>
    %add3A_3147 = arith.addf %add3A_3132, %exp3A_3146 : vector<16x512xf32>
    %eq3A_3148 = arith.constant 2 : i32
    %eq3A_3149 = vector.broadcast %eq3A_3148 : i32 to vector<16x512xi32>
    %eq3A_3150 = arith.cmpi eq, %min3A_3105, %eq3A_3149 : vector<16x512xi32>
    %jit3A_3151 = arith.constant 0.000000e+00 : f32
    %broadcast_in_dim3A_3152 = vector.broadcast %jit3A_3151 : f32 to vector<16x512xf32>
    %select_n3A_3153 = arith.select %eq3A_3150, %get3A_3145, %broadcast_in_dim3A_3152 : vector<16x512xi1>, vector<16x512xf32>
    %add3A_3154 = arith.addf %add3A_3139, %select_n3A_3153 : vector<16x512xf32>
    %get3A_3155 = arith.constant 0 : index
    %get3A_3156 = arith.constant 3 : index
    %get3A_3157 = arith.constant 144 : index
    %get3A_3158 = arith.constant 0 : index
    %get3A_3159 = vector.load %arg2[%get3A_3155, %get3A_3156, %get3A_3157, %get3A_3158] : memref<1x19x256x512xf32, #tpu.memory_space<vmem>>, vector<1x1x16x512xf32>
    %get3A_3160 = vector.shape_cast %get3A_3159 : vector<1x1x16x512xf32> to vector<16x512xf32>
    %exp3A_3161 = math.exp %get3A_3160 : vector<16x512xf32>
    %add3A_3162 = arith.addf %add3A_3147, %exp3A_3161 : vector<16x512xf32>
    %eq3A_3163 = arith.constant 3 : i32
    %eq3A_3164 = vector.broadcast %eq3A_3163 : i32 to vector<16x512xi32>
    %eq3A_3165 = arith.cmpi eq, %min3A_3105, %eq3A_3164 : vector<16x512xi32>
    %jit3A_3166 = arith.constant 0.000000e+00 : f32
    %broadcast_in_dim3A_3167 = vector.broadcast %jit3A_3166 : f32 to vector<16x512xf32>
    %select_n3A_3168 = arith.select %eq3A_3165, %get3A_3160, %broadcast_in_dim3A_3167 : vector<16x512xi1>, vector<16x512xf32>
    %add3A_3169 = arith.addf %add3A_3154, %select_n3A_3168 : vector<16x512xf32>
    %get3A_3170 = arith.constant 0 : index
    %get3A_3171 = arith.constant 4 : index
    %get3A_3172 = arith.constant 144 : index
    %get3A_3173 = arith.constant 0 : index
    %get3A_3174 = vector.load %arg2[%get3A_3170, %get3A_3171, %get3A_3172, %get3A_3173] : memref<1x19x256x512xf32, #tpu.memory_space<vmem>>, vector<1x1x16x512xf32>
    %get3A_3175 = vector.shape_cast %get3A_3174 : vector<1x1x16x512xf32> to vector<16x512xf32>
    %exp3A_3176 = math.exp %get3A_3175 : vector<16x512xf32>
    %add3A_3177 = arith.addf %add3A_3162, %exp3A_3176 : vector<16x512xf32>
    %eq3A_3178 = arith.constant 4 : i32
    %eq3A_3179 = vector.broadcast %eq3A_3178 : i32 to vector<16x512xi32>
    %eq3A_3180 = arith.cmpi eq, %min3A_3105, %eq3A_3179 : vector<16x512xi32>
    %jit3A_3181 = arith.constant 0.000000e+00 : f32
    %broadcast_in_dim3A_3182 = vector.broadcast %jit3A_3181 : f32 to vector<16x512xf32>
    %select_n3A_3183 = arith.select %eq3A_3180, %get3A_3175, %broadcast_in_dim3A_3182 : vector<16x512xi1>, vector<16x512xf32>
    %add3A_3184 = arith.addf %add3A_3169, %select_n3A_3183 : vector<16x512xf32>
    %get3A_3185 = arith.constant 0 : index
    %get3A_3186 = arith.constant 5 : index
    %get3A_3187 = arith.constant 144 : index
    %get3A_3188 = arith.constant 0 : index
    %get3A_3189 = vector.load %arg2[%get3A_3185, %get3A_3186, %get3A_3187, %get3A_3188] : memref<1x19x256x512xf32, #tpu.memory_space<vmem>>, vector<1x1x16x512xf32>
    %get3A_3190 = vector.shape_cast %get3A_3189 : vector<1x1x16x512xf32> to vector<16x512xf32>
    %exp3A_3191 = math.exp %get3A_3190 : vector<16x512xf32>
    %add3A_3192 = arith.addf %add3A_3177, %exp3A_3191 : vector<16x512xf32>
    %eq3A_3193 = arith.constant 5 : i32
    %eq3A_3194 = vector.broadcast %eq3A_3193 : i32 to vector<16x512xi32>
    %eq3A_3195 = arith.cmpi eq, %min3A_3105, %eq3A_3194 : vector<16x512xi32>
    %jit3A_3196 = arith.constant 0.000000e+00 : f32
    %broadcast_in_dim3A_3197 = vector.broadcast %jit3A_3196 : f32 to vector<16x512xf32>
    %select_n3A_3198 = arith.select %eq3A_3195, %get3A_3190, %broadcast_in_dim3A_3197 : vector<16x512xi1>, vector<16x512xf32>
    %add3A_3199 = arith.addf %add3A_3184, %select_n3A_3198 : vector<16x512xf32>
    %get3A_3200 = arith.constant 0 : index
    %get3A_3201 = arith.constant 6 : index
    %get3A_3202 = arith.constant 144 : index
    %get3A_3203 = arith.constant 0 : index
    %get3A_3204 = vector.load %arg2[%get3A_3200, %get3A_3201, %get3A_3202, %get3A_3203] : memref<1x19x256x512xf32, #tpu.memory_space<vmem>>, vector<1x1x16x512xf32>
    %get3A_3205 = vector.shape_cast %get3A_3204 : vector<1x1x16x512xf32> to vector<16x512xf32>
    %exp3A_3206 = math.exp %get3A_3205 : vector<16x512xf32>
    %add3A_3207 = arith.addf %add3A_3192, %exp3A_3206 : vector<16x512xf32>
    %eq3A_3208 = arith.constant 6 : i32
    %eq3A_3209 = vector.broadcast %eq3A_3208 : i32 to vector<16x512xi32>
    %eq3A_3210 = arith.cmpi eq, %min3A_3105, %eq3A_3209 : vector<16x512xi32>
    %jit3A_3211 = arith.constant 0.000000e+00 : f32
    %broadcast_in_dim3A_3212 = vector.broadcast %jit3A_3211 : f32 to vector<16x512xf32>
    %select_n3A_3213 = arith.select %eq3A_3210, %get3A_3205, %broadcast_in_dim3A_3212 : vector<16x512xi1>, vector<16x512xf32>
    %add3A_3214 = arith.addf %add3A_3199, %select_n3A_3213 : vector<16x512xf32>
    %get3A_3215 = arith.constant 0 : index
    %get3A_3216 = arith.constant 7 : index
    %get3A_3217 = arith.constant 144 : index
    %get3A_3218 = arith.constant 0 : index
    %get3A_3219 = vector.load %arg2[%get3A_3215, %get3A_3216, %get3A_3217, %get3A_3218] : memref<1x19x256x512xf32, #tpu.memory_space<vmem>>, vector<1x1x16x512xf32>
    %get3A_3220 = vector.shape_cast %get3A_3219 : vector<1x1x16x512xf32> to vector<16x512xf32>
    %exp3A_3221 = math.exp %get3A_3220 : vector<16x512xf32>
    %add3A_3222 = arith.addf %add3A_3207, %exp3A_3221 : vector<16x512xf32>
    %eq3A_3223 = arith.constant 7 : i32
    %eq3A_3224 = vector.broadcast %eq3A_3223 : i32 to vector<16x512xi32>
    %eq3A_3225 = arith.cmpi eq, %min3A_3105, %eq3A_3224 : vector<16x512xi32>
    %jit3A_3226 = arith.constant 0.000000e+00 : f32
    %broadcast_in_dim3A_3227 = vector.broadcast %jit3A_3226 : f32 to vector<16x512xf32>
    %select_n3A_3228 = arith.select %eq3A_3225, %get3A_3220, %broadcast_in_dim3A_3227 : vector<16x512xi1>, vector<16x512xf32>
    %add3A_3229 = arith.addf %add3A_3214, %select_n3A_3228 : vector<16x512xf32>
    %get3A_3230 = arith.constant 0 : index
    %get3A_3231 = arith.constant 8 : index
    %get3A_3232 = arith.constant 144 : index
    %get3A_3233 = arith.constant 0 : index
    %get3A_3234 = vector.load %arg2[%get3A_3230, %get3A_3231, %get3A_3232, %get3A_3233] : memref<1x19x256x512xf32, #tpu.memory_space<vmem>>, vector<1x1x16x512xf32>
    %get3A_3235 = vector.shape_cast %get3A_3234 : vector<1x1x16x512xf32> to vector<16x512xf32>
    %exp3A_3236 = math.exp %get3A_3235 : vector<16x512xf32>
    %add3A_3237 = arith.addf %add3A_3222, %exp3A_3236 : vector<16x512xf32>
    %eq3A_3238 = arith.constant 8 : i32
    %eq3A_3239 = vector.broadcast %eq3A_3238 : i32 to vector<16x512xi32>
    %eq3A_3240 = arith.cmpi eq, %min3A_3105, %eq3A_3239 : vector<16x512xi32>
    %jit3A_3241 = arith.constant 0.000000e+00 : f32
    %broadcast_in_dim3A_3242 = vector.broadcast %jit3A_3241 : f32 to vector<16x512xf32>
    %select_n3A_3243 = arith.select %eq3A_3240, %get3A_3235, %broadcast_in_dim3A_3242 : vector<16x512xi1>, vector<16x512xf32>
    %add3A_3244 = arith.addf %add3A_3229, %select_n3A_3243 : vector<16x512xf32>
    %get3A_3245 = arith.constant 0 : index
    %get3A_3246 = arith.constant 9 : index
    %get3A_3247 = arith.constant 144 : index
    %get3A_3248 = arith.constant 0 : index
    %get3A_3249 = vector.load %arg2[%get3A_3245, %get3A_3246, %get3A_3247, %get3A_3248] : memref<1x19x256x512xf32, #tpu.memory_space<vmem>>, vector<1x1x16x512xf32>
    %get3A_3250 = vector.shape_cast %get3A_3249 : vector<1x1x16x512xf32> to vector<16x512xf32>
    %exp3A_3251 = math.exp %get3A_3250 : vector<16x512xf32>
    %add3A_3252 = arith.addf %add3A_3237, %exp3A_3251 : vector<16x512xf32>
    %eq3A_3253 = arith.constant 9 : i32
    %eq3A_3254 = vector.broadcast %eq3A_3253 : i32 to vector<16x512xi32>
    %eq3A_3255 = arith.cmpi eq, %min3A_3105, %eq3A_3254 : vector<16x512xi32>
    %jit3A_3256 = arith.constant 0.000000e+00 : f32
    %broadcast_in_dim3A_3257 = vector.broadcast %jit3A_3256 : f32 to vector<16x512xf32>
    %select_n3A_3258 = arith.select %eq3A_3255, %get3A_3250, %broadcast_in_dim3A_3257 : vector<16x512xi1>, vector<16x512xf32>
    %add3A_3259 = arith.addf %add3A_3244, %select_n3A_3258 : vector<16x512xf32>
    %get3A_3260 = arith.constant 0 : index
    %get3A_3261 = arith.constant 10 : index
    %get3A_3262 = arith.constant 144 : index
    %get3A_3263 = arith.constant 0 : index
    %get3A_3264 = vector.load %arg2[%get3A_3260, %get3A_3261, %get3A_3262, %get3A_3263] : memref<1x19x256x512xf32, #tpu.memory_space<vmem>>, vector<1x1x16x512xf32>
    %get3A_3265 = vector.shape_cast %get3A_3264 : vector<1x1x16x512xf32> to vector<16x512xf32>
    %exp3A_3266 = math.exp %get3A_3265 : vector<16x512xf32>
    %add3A_3267 = arith.addf %add3A_3252, %exp3A_3266 : vector<16x512xf32>
    %eq3A_3268 = arith.constant 10 : i32
    %eq3A_3269 = vector.broadcast %eq3A_3268 : i32 to vector<16x512xi32>
    %eq3A_3270 = arith.cmpi eq, %min3A_3105, %eq3A_3269 : vector<16x512xi32>
    %jit3A_3271 = arith.constant 0.000000e+00 : f32
    %broadcast_in_dim3A_3272 = vector.broadcast %jit3A_3271 : f32 to vector<16x512xf32>
    %select_n3A_3273 = arith.select %eq3A_3270, %get3A_3265, %broadcast_in_dim3A_3272 : vector<16x512xi1>, vector<16x512xf32>
    %add3A_3274 = arith.addf %add3A_3259, %select_n3A_3273 : vector<16x512xf32>
    %get3A_3275 = arith.constant 0 : index
    %get3A_3276 = arith.constant 11 : index
    %get3A_3277 = arith.constant 144 : index
    %get3A_3278 = arith.constant 0 : index
    %get3A_3279 = vector.load %arg2[%get3A_3275, %get3A_3276, %get3A_3277, %get3A_3278] : memref<1x19x256x512xf32, #tpu.memory_space<vmem>>, vector<1x1x16x512xf32>
    %get3A_3280 = vector.shape_cast %get3A_3279 : vector<1x1x16x512xf32> to vector<16x512xf32>
    %exp3A_3281 = math.exp %get3A_3280 : vector<16x512xf32>
    %add3A_3282 = arith.addf %add3A_3267, %exp3A_3281 : vector<16x512xf32>
    %eq3A_3283 = arith.constant 11 : i32
    %eq3A_3284 = vector.broadcast %eq3A_3283 : i32 to vector<16x512xi32>
    %eq3A_3285 = arith.cmpi eq, %min3A_3105, %eq3A_3284 : vector<16x512xi32>
    %jit3A_3286 = arith.constant 0.000000e+00 : f32
    %broadcast_in_dim3A_3287 = vector.broadcast %jit3A_3286 : f32 to vector<16x512xf32>
    %select_n3A_3288 = arith.select %eq3A_3285, %get3A_3280, %broadcast_in_dim3A_3287 : vector<16x512xi1>, vector<16x512xf32>
    %add3A_3289 = arith.addf %add3A_3274, %select_n3A_3288 : vector<16x512xf32>
    %get3A_3290 = arith.constant 0 : index
    %get3A_3291 = arith.constant 12 : index
    %get3A_3292 = arith.constant 144 : index
    %get3A_3293 = arith.constant 0 : index
    %get3A_3294 = vector.load %arg2[%get3A_3290, %get3A_3291, %get3A_3292, %get3A_3293] : memref<1x19x256x512xf32, #tpu.memory_space<vmem>>, vector<1x1x16x512xf32>
    %get3A_3295 = vector.shape_cast %get3A_3294 : vector<1x1x16x512xf32> to vector<16x512xf32>
    %exp3A_3296 = math.exp %get3A_3295 : vector<16x512xf32>
    %add3A_3297 = arith.addf %add3A_3282, %exp3A_3296 : vector<16x512xf32>
    %eq3A_3298 = arith.constant 12 : i32
    %eq3A_3299 = vector.broadcast %eq3A_3298 : i32 to vector<16x512xi32>
    %eq3A_3300 = arith.cmpi eq, %min3A_3105, %eq3A_3299 : vector<16x512xi32>
    %jit3A_3301 = arith.constant 0.000000e+00 : f32
    %broadcast_in_dim3A_3302 = vector.broadcast %jit3A_3301 : f32 to vector<16x512xf32>
    %select_n3A_3303 = arith.select %eq3A_3300, %get3A_3295, %broadcast_in_dim3A_3302 : vector<16x512xi1>, vector<16x512xf32>
    %add3A_3304 = arith.addf %add3A_3289, %select_n3A_3303 : vector<16x512xf32>
    %get3A_3305 = arith.constant 0 : index
    %get3A_3306 = arith.constant 13 : index
    %get3A_3307 = arith.constant 144 : index
    %get3A_3308 = arith.constant 0 : index
    %get3A_3309 = vector.load %arg2[%get3A_3305, %get3A_3306, %get3A_3307, %get3A_3308] : memref<1x19x256x512xf32, #tpu.memory_space<vmem>>, vector<1x1x16x512xf32>
    %get3A_3310 = vector.shape_cast %get3A_3309 : vector<1x1x16x512xf32> to vector<16x512xf32>
    %exp3A_3311 = math.exp %get3A_3310 : vector<16x512xf32>
    %add3A_3312 = arith.addf %add3A_3297, %exp3A_3311 : vector<16x512xf32>
    %eq3A_3313 = arith.constant 13 : i32
    %eq3A_3314 = vector.broadcast %eq3A_3313 : i32 to vector<16x512xi32>
    %eq3A_3315 = arith.cmpi eq, %min3A_3105, %eq3A_3314 : vector<16x512xi32>
    %jit3A_3316 = arith.constant 0.000000e+00 : f32
    %broadcast_in_dim3A_3317 = vector.broadcast %jit3A_3316 : f32 to vector<16x512xf32>
    %select_n3A_3318 = arith.select %eq3A_3315, %get3A_3310, %broadcast_in_dim3A_3317 : vector<16x512xi1>, vector<16x512xf32>
    %add3A_3319 = arith.addf %add3A_3304, %select_n3A_3318 : vector<16x512xf32>
    %get3A_3320 = arith.constant 0 : index
    %get3A_3321 = arith.constant 14 : index
    %get3A_3322 = arith.constant 144 : index
    %get3A_3323 = arith.constant 0 : index
    %get3A_3324 = vector.load %arg2[%get3A_3320, %get3A_3321, %get3A_3322, %get3A_3323] : memref<1x19x256x512xf32, #tpu.memory_space<vmem>>, vector<1x1x16x512xf32>
    %get3A_3325 = vector.shape_cast %get3A_3324 : vector<1x1x16x512xf32> to vector<16x512xf32>
    %exp3A_3326 = math.exp %get3A_3325 : vector<16x512xf32>
    %add3A_3327 = arith.addf %add3A_3312, %exp3A_3326 : vector<16x512xf32>
    %eq3A_3328 = arith.constant 14 : i32
    %eq3A_3329 = vector.broadcast %eq3A_3328 : i32 to vector<16x512xi32>
    %eq3A_3330 = arith.cmpi eq, %min3A_3105, %eq3A_3329 : vector<16x512xi32>
    %jit3A_3331 = arith.constant 0.000000e+00 : f32
    %broadcast_in_dim3A_3332 = vector.broadcast %jit3A_3331 : f32 to vector<16x512xf32>
    %select_n3A_3333 = arith.select %eq3A_3330, %get3A_3325, %broadcast_in_dim3A_3332 : vector<16x512xi1>, vector<16x512xf32>
    %add3A_3334 = arith.addf %add3A_3319, %select_n3A_3333 : vector<16x512xf32>
    %get3A_3335 = arith.constant 0 : index
    %get3A_3336 = arith.constant 15 : index
    %get3A_3337 = arith.constant 144 : index
    %get3A_3338 = arith.constant 0 : index
    %get3A_3339 = vector.load %arg2[%get3A_3335, %get3A_3336, %get3A_3337, %get3A_3338] : memref<1x19x256x512xf32, #tpu.memory_space<vmem>>, vector<1x1x16x512xf32>
    %get3A_3340 = vector.shape_cast %get3A_3339 : vector<1x1x16x512xf32> to vector<16x512xf32>
    %exp3A_3341 = math.exp %get3A_3340 : vector<16x512xf32>
    %add3A_3342 = arith.addf %add3A_3327, %exp3A_3341 : vector<16x512xf32>
    %eq3A_3343 = arith.constant 15 : i32
    %eq3A_3344 = vector.broadcast %eq3A_3343 : i32 to vector<16x512xi32>
    %eq3A_3345 = arith.cmpi eq, %min3A_3105, %eq3A_3344 : vector<16x512xi32>
    %jit3A_3346 = arith.constant 0.000000e+00 : f32
    %broadcast_in_dim3A_3347 = vector.broadcast %jit3A_3346 : f32 to vector<16x512xf32>
    %select_n3A_3348 = arith.select %eq3A_3345, %get3A_3340, %broadcast_in_dim3A_3347 : vector<16x512xi1>, vector<16x512xf32>
    %add3A_3349 = arith.addf %add3A_3334, %select_n3A_3348 : vector<16x512xf32>
    %get3A_3350 = arith.constant 0 : index
    %get3A_3351 = arith.constant 16 : index
    %get3A_3352 = arith.constant 144 : index
    %get3A_3353 = arith.constant 0 : index
    %get3A_3354 = vector.load %arg2[%get3A_3350, %get3A_3351, %get3A_3352, %get3A_3353] : memref<1x19x256x512xf32, #tpu.memory_space<vmem>>, vector<1x1x16x512xf32>
    %get3A_3355 = vector.shape_cast %get3A_3354 : vector<1x1x16x512xf32> to vector<16x512xf32>
    %exp3A_3356 = math.exp %get3A_3355 : vector<16x512xf32>
    %add3A_3357 = arith.addf %add3A_3342, %exp3A_3356 : vector<16x512xf32>
    %eq3A_3358 = arith.constant 16 : i32
    %eq3A_3359 = vector.broadcast %eq3A_3358 : i32 to vector<16x512xi32>
    %eq3A_3360 = arith.cmpi eq, %min3A_3105, %eq3A_3359 : vector<16x512xi32>
    %jit3A_3361 = arith.constant 0.000000e+00 : f32
    %broadcast_in_dim3A_3362 = vector.broadcast %jit3A_3361 : f32 to vector<16x512xf32>
    %select_n3A_3363 = arith.select %eq3A_3360, %get3A_3355, %broadcast_in_dim3A_3362 : vector<16x512xi1>, vector<16x512xf32>
    %add3A_3364 = arith.addf %add3A_3349, %select_n3A_3363 : vector<16x512xf32>
    %get3A_3365 = arith.constant 0 : index
    %get3A_3366 = arith.constant 17 : index
    %get3A_3367 = arith.constant 144 : index
    %get3A_3368 = arith.constant 0 : index
    %get3A_3369 = vector.load %arg2[%get3A_3365, %get3A_3366, %get3A_3367, %get3A_3368] : memref<1x19x256x512xf32, #tpu.memory_space<vmem>>, vector<1x1x16x512xf32>
    %get3A_3370 = vector.shape_cast %get3A_3369 : vector<1x1x16x512xf32> to vector<16x512xf32>
    %exp3A_3371 = math.exp %get3A_3370 : vector<16x512xf32>
    %add3A_3372 = arith.addf %add3A_3357, %exp3A_3371 : vector<16x512xf32>
    %eq3A_3373 = arith.constant 17 : i32
    %eq3A_3374 = vector.broadcast %eq3A_3373 : i32 to vector<16x512xi32>
    %eq3A_3375 = arith.cmpi eq, %min3A_3105, %eq3A_3374 : vector<16x512xi32>
    %jit3A_3376 = arith.constant 0.000000e+00 : f32
    %broadcast_in_dim3A_3377 = vector.broadcast %jit3A_3376 : f32 to vector<16x512xf32>
    %select_n3A_3378 = arith.select %eq3A_3375, %get3A_3370, %broadcast_in_dim3A_3377 : vector<16x512xi1>, vector<16x512xf32>
    %add3A_3379 = arith.addf %add3A_3364, %select_n3A_3378 : vector<16x512xf32>
    %get3A_3380 = arith.constant 0 : index
    %get3A_3381 = arith.constant 18 : index
    %get3A_3382 = arith.constant 144 : index
    %get3A_3383 = arith.constant 0 : index
    %get3A_3384 = vector.load %arg2[%get3A_3380, %get3A_3381, %get3A_3382, %get3A_3383] : memref<1x19x256x512xf32, #tpu.memory_space<vmem>>, vector<1x1x16x512xf32>
    %get3A_3385 = vector.shape_cast %get3A_3384 : vector<1x1x16x512xf32> to vector<16x512xf32>
    %exp3A_3386 = math.exp %get3A_3385 : vector<16x512xf32>
    %add3A_3387 = arith.addf %add3A_3372, %exp3A_3386 : vector<16x512xf32>
    %eq3A_3388 = arith.constant 18 : i32
    %eq3A_3389 = vector.broadcast %eq3A_3388 : i32 to vector<16x512xi32>
    %eq3A_3390 = arith.cmpi eq, %min3A_3105, %eq3A_3389 : vector<16x512xi32>
    %jit3A_3391 = arith.constant 0.000000e+00 : f32
    %broadcast_in_dim3A_3392 = vector.broadcast %jit3A_3391 : f32 to vector<16x512xf32>
    %select_n3A_3393 = arith.select %eq3A_3390, %get3A_3385, %broadcast_in_dim3A_3392 : vector<16x512xi1>, vector<16x512xf32>
    %add3A_3394 = arith.addf %add3A_3379, %select_n3A_3393 : vector<16x512xf32>
    %log3A_3395 = math.log %add3A_3387 : vector<16x512xf32>
    %sub3A_3396 = arith.subf %log3A_3395, %add3A_3394 : vector<16x512xf32>
    %ne3A_3397 = arith.constant 255 : i32
    %ne3A_3398 = vector.broadcast %ne3A_3397 : i32 to vector<16x512xi32>
    %ne3A_3399 = arith.cmpi ne, %get3A_3099, %ne3A_3398 : vector<16x512xi32>
    %jit3A_3400 = arith.constant 0.000000e+00 : f32
    %broadcast_in_dim3A_3401 = vector.broadcast %jit3A_3400 : f32 to vector<16x512xf32>
    %select_n3A_3402 = arith.select %ne3A_3399, %sub3A_3396, %broadcast_in_dim3A_3401 : vector<16x512xi1>, vector<16x512xf32>
    %swap3A_3403 = arith.constant 0 : index
    %swap3A_3404 = arith.constant 144 : index
    %swap3A_3405 = arith.constant 0 : index
    %swap3A_3406 = vector.load %arg4[%swap3A_3403, %swap3A_3404, %swap3A_3405] : memref<1x256x512xf32, #tpu.memory_space<vmem>>, vector<1x16x512xf32>
    %swap3A_3407 = vector.shape_cast %swap3A_3406 : vector<1x16x512xf32> to vector<16x512xf32>
    %swap3A_3408 = vector.shape_cast %select_n3A_3402 : vector<16x512xf32> to vector<1x16x512xf32>
    tpu.vector_store %arg4[%swap3A_3403, %swap3A_3404, %swap3A_3405], %swap3A_3408 {strides = array<i32>} : memref<1x256x512xf32, #tpu.memory_space<vmem>>, vector<1x16x512xf32>,
    %gt3A_3409 = arith.constant 0.356674939 : f32
    %gt3A_3410 = vector.broadcast %gt3A_3409 : f32 to vector<16x512xf32>
    %gt3A_3411 = arith.cmpf ogt, %select_n3A_3402, %gt3A_3410 : vector<16x512xf32>
    %get3A_3412 = arith.constant 0 : index
    %get3A_3413 = arith.constant 0 : index
    %get3A_3414 = memref.load %arg5[%get3A_3412, %get3A_3413] : memref<1x1xi32, #tpu.memory_space<smem>>
    %convert_element_type3A_3415 = arith.extui %gt3A_3411 : vector<16x512xi1> to vector<16x512xi32>
    %reduce_sum3A_3416 = vector.shape_cast %convert_element_type3A_3415 : vector<16x512xi32> to vector<1x16x512xi32>
    %reduce_sum3A_3417 = arith.constant dense<0> : vector<1xi32>
    %reduce_sum3A_3418 = vector.multi_reduction <add>, %reduce_sum3A_3416, %reduce_sum3A_3417 [1, 2] : vector<1x16x512xi32> to vector<1xi32>
    %reduce_sum3A_3419 = vector.shape_cast %reduce_sum3A_3418 : vector<1xi32> to vector<1x1x1xi32>
    %reduce_sum3A_3420 = vector.extract %reduce_sum3A_3419[0, 0, 0] : i32 from vector<1x1x1xi32>
    %add3A_3421 = arith.addi %get3A_3414, %reduce_sum3A_3420 : i32
    %swap3A_3422 = arith.constant 0 : index
    %swap3A_3423 = arith.constant 0 : index
    %swap3A_3424 = memref.load %arg5[%swap3A_3422, %swap3A_3423] : memref<1x1xi32, #tpu.memory_space<smem>>
    memref.store %add3A_3421, %arg5[%swap3A_3422, %swap3A_3423] : memref<1x1xi32, #tpu.memory_space<smem>>
    %get3A_3425 = arith.constant 0 : index
    %get3A_3426 = arith.constant 0 : index
    %get3A_3427 = memref.load %arg6[%get3A_3425, %get3A_3426] : memref<1x1xf32, #tpu.memory_space<smem>>
    %jit3A_3428 = arith.constant 0.000000e+00 : f32
    %broadcast_in_dim3A_3429 = vector.broadcast %jit3A_3428 : f32 to vector<16x512xf32>
    %select_n3A_3430 = arith.select %gt3A_3411, %select_n3A_3402, %broadcast_in_dim3A_3429 : vector<16x512xi1>, vector<16x512xf32>
    %reduce_sum3A_3431 = vector.shape_cast %select_n3A_3430 : vector<16x512xf32> to vector<1x16x512xf32>
    %reduce_sum3A_3432 = arith.constant dense<0.000000e+00> : vector<1xf32>
    %reduce_sum3A_3433 = vector.multi_reduction <add>, %reduce_sum3A_3431, %reduce_sum3A_3432 [1, 2] : vector<1x16x512xf32> to vector<1xf32>
    %reduce_sum3A_3434 = vector.shape_cast %reduce_sum3A_3433 : vector<1xf32> to vector<1x1x1xf32>
    %reduce_sum3A_3435 = vector.extract %reduce_sum3A_3434[0, 0, 0] : f32 from vector<1x1x1xf32>
    %add3A_3436 = arith.addf %get3A_3427, %reduce_sum3A_3435 : f32
    %swap3A_3437 = arith.constant 0 : index
    %swap3A_3438 = arith.constant 0 : index
    %swap3A_3439 = memref.load %arg6[%swap3A_3437, %swap3A_3438] : memref<1x1xf32, #tpu.memory_space<smem>>
    memref.store %add3A_3436, %arg6[%swap3A_3437, %swap3A_3438] : memref<1x1xf32, #tpu.memory_space<smem>>
    %get3A_3440 = arith.constant 0 : index
    %get3A_3441 = arith.constant 160 : index
    %get3A_3442 = arith.constant 0 : index
    %get3A_3443 = vector.load %arg3[%get3A_3440, %get3A_3441, %get3A_3442] : memref<1x256x512xi32, #tpu.memory_space<vmem>>, vector<1x16x512xi32>
    %get3A_3444 = vector.shape_cast %get3A_3443 : vector<1x16x512xi32> to vector<16x512xi32>
    %jit3A_3445 = arith.constant 0 : i32
    %jit3A_3446 = arith.constant 18 : i32
    %max3A_3447 = vector.broadcast %jit3A_3445 : i32 to vector<16x512xi32>
    %max3A_3448 = arith.maxsi %max3A_3447, %get3A_3444 : vector<16x512xi32>
    %min3A_3449 = vector.broadcast %jit3A_3446 : i32 to vector<16x512xi32>
    %min3A_3450 = arith.minsi %min3A_3449, %max3A_3448 : vector<16x512xi32>
    %broadcast_in_dim3A_3451 = arith.constant 0.000000e+00 : f32
    %broadcast_in_dim3A_3452 = vector.broadcast %broadcast_in_dim3A_3451 : f32 to vector<16x512xf32>
    %broadcast_in_dim3A_3453 = arith.constant 0.000000e+00 : f32
    %broadcast_in_dim3A_3454 = vector.broadcast %broadcast_in_dim3A_3453 : f32 to vector<16x512xf32>
    %get3A_3455 = arith.constant 0 : index
    %get3A_3456 = arith.constant 0 : index
    %get3A_3457 = arith.constant 160 : index
    %get3A_3458 = arith.constant 0 : index
    %get3A_3459 = vector.load %arg2[%get3A_3455, %get3A_3456, %get3A_3457, %get3A_3458] : memref<1x19x256x512xf32, #tpu.memory_space<vmem>>, vector<1x1x16x512xf32>
    %get3A_3460 = vector.shape_cast %get3A_3459 : vector<1x1x16x512xf32> to vector<16x512xf32>
    %exp3A_3461 = math.exp %get3A_3460 : vector<16x512xf32>
    %add3A_3462 = arith.addf %broadcast_in_dim3A_3452, %exp3A_3461 : vector<16x512xf32>
    %eq3A_3463 = arith.constant 0 : i32
    %eq3A_3464 = vector.broadcast %eq3A_3463 : i32 to vector<16x512xi32>
    %eq3A_3465 = arith.cmpi eq, %min3A_3450, %eq3A_3464 : vector<16x512xi32>
    %jit3A_3466 = arith.constant 0.000000e+00 : f32
    %broadcast_in_dim3A_3467 = vector.broadcast %jit3A_3466 : f32 to vector<16x512xf32>
    %select_n3A_3468 = arith.select %eq3A_3465, %get3A_3460, %broadcast_in_dim3A_3467 : vector<16x512xi1>, vector<16x512xf32>
    %add3A_3469 = arith.addf %broadcast_in_dim3A_3454, %select_n3A_3468 : vector<16x512xf32>
    %get3A_3470 = arith.constant 0 : index
    %get3A_3471 = arith.constant 1 : index
    %get3A_3472 = arith.constant 160 : index
    %get3A_3473 = arith.constant 0 : index
    %get3A_3474 = vector.load %arg2[%get3A_3470, %get3A_3471, %get3A_3472, %get3A_3473] : memref<1x19x256x512xf32, #tpu.memory_space<vmem>>, vector<1x1x16x512xf32>
    %get3A_3475 = vector.shape_cast %get3A_3474 : vector<1x1x16x512xf32> to vector<16x512xf32>
    %exp3A_3476 = math.exp %get3A_3475 : vector<16x512xf32>
    %add3A_3477 = arith.addf %add3A_3462, %exp3A_3476 : vector<16x512xf32>
    %eq3A_3478 = arith.constant 1 : i32
    %eq3A_3479 = vector.broadcast %eq3A_3478 : i32 to vector<16x512xi32>
    %eq3A_3480 = arith.cmpi eq, %min3A_3450, %eq3A_3479 : vector<16x512xi32>
    %jit3A_3481 = arith.constant 0.000000e+00 : f32
    %broadcast_in_dim3A_3482 = vector.broadcast %jit3A_3481 : f32 to vector<16x512xf32>
    %select_n3A_3483 = arith.select %eq3A_3480, %get3A_3475, %broadcast_in_dim3A_3482 : vector<16x512xi1>, vector<16x512xf32>
    %add3A_3484 = arith.addf %add3A_3469, %select_n3A_3483 : vector<16x512xf32>
    %get3A_3485 = arith.constant 0 : index
    %get3A_3486 = arith.constant 2 : index
    %get3A_3487 = arith.constant 160 : index
    %get3A_3488 = arith.constant 0 : index
    %get3A_3489 = vector.load %arg2[%get3A_3485, %get3A_3486, %get3A_3487, %get3A_3488] : memref<1x19x256x512xf32, #tpu.memory_space<vmem>>, vector<1x1x16x512xf32>
    %get3A_3490 = vector.shape_cast %get3A_3489 : vector<1x1x16x512xf32> to vector<16x512xf32>
    %exp3A_3491 = math.exp %get3A_3490 : vector<16x512xf32>
    %add3A_3492 = arith.addf %add3A_3477, %exp3A_3491 : vector<16x512xf32>
    %eq3A_3493 = arith.constant 2 : i32
    %eq3A_3494 = vector.broadcast %eq3A_3493 : i32 to vector<16x512xi32>
    %eq3A_3495 = arith.cmpi eq, %min3A_3450, %eq3A_3494 : vector<16x512xi32>
    %jit3A_3496 = arith.constant 0.000000e+00 : f32
    %broadcast_in_dim3A_3497 = vector.broadcast %jit3A_3496 : f32 to vector<16x512xf32>
    %select_n3A_3498 = arith.select %eq3A_3495, %get3A_3490, %broadcast_in_dim3A_3497 : vector<16x512xi1>, vector<16x512xf32>
    %add3A_3499 = arith.addf %add3A_3484, %select_n3A_3498 : vector<16x512xf32>
    %get3A_3500 = arith.constant 0 : index
    %get3A_3501 = arith.constant 3 : index
    %get3A_3502 = arith.constant 160 : index
    %get3A_3503 = arith.constant 0 : index
    %get3A_3504 = vector.load %arg2[%get3A_3500, %get3A_3501, %get3A_3502, %get3A_3503] : memref<1x19x256x512xf32, #tpu.memory_space<vmem>>, vector<1x1x16x512xf32>
    %get3A_3505 = vector.shape_cast %get3A_3504 : vector<1x1x16x512xf32> to vector<16x512xf32>
    %exp3A_3506 = math.exp %get3A_3505 : vector<16x512xf32>
    %add3A_3507 = arith.addf %add3A_3492, %exp3A_3506 : vector<16x512xf32>
    %eq3A_3508 = arith.constant 3 : i32
    %eq3A_3509 = vector.broadcast %eq3A_3508 : i32 to vector<16x512xi32>
    %eq3A_3510 = arith.cmpi eq, %min3A_3450, %eq3A_3509 : vector<16x512xi32>
    %jit3A_3511 = arith.constant 0.000000e+00 : f32
    %broadcast_in_dim3A_3512 = vector.broadcast %jit3A_3511 : f32 to vector<16x512xf32>
    %select_n3A_3513 = arith.select %eq3A_3510, %get3A_3505, %broadcast_in_dim3A_3512 : vector<16x512xi1>, vector<16x512xf32>
    %add3A_3514 = arith.addf %add3A_3499, %select_n3A_3513 : vector<16x512xf32>
    %get3A_3515 = arith.constant 0 : index
    %get3A_3516 = arith.constant 4 : index
    %get3A_3517 = arith.constant 160 : index
    %get3A_3518 = arith.constant 0 : index
    %get3A_3519 = vector.load %arg2[%get3A_3515, %get3A_3516, %get3A_3517, %get3A_3518] : memref<1x19x256x512xf32, #tpu.memory_space<vmem>>, vector<1x1x16x512xf32>
    %get3A_3520 = vector.shape_cast %get3A_3519 : vector<1x1x16x512xf32> to vector<16x512xf32>
    %exp3A_3521 = math.exp %get3A_3520 : vector<16x512xf32>
    %add3A_3522 = arith.addf %add3A_3507, %exp3A_3521 : vector<16x512xf32>
    %eq3A_3523 = arith.constant 4 : i32
    %eq3A_3524 = vector.broadcast %eq3A_3523 : i32 to vector<16x512xi32>
    %eq3A_3525 = arith.cmpi eq, %min3A_3450, %eq3A_3524 : vector<16x512xi32>
    %jit3A_3526 = arith.constant 0.000000e+00 : f32
    %broadcast_in_dim3A_3527 = vector.broadcast %jit3A_3526 : f32 to vector<16x512xf32>
    %select_n3A_3528 = arith.select %eq3A_3525, %get3A_3520, %broadcast_in_dim3A_3527 : vector<16x512xi1>, vector<16x512xf32>
    %add3A_3529 = arith.addf %add3A_3514, %select_n3A_3528 : vector<16x512xf32>
    %get3A_3530 = arith.constant 0 : index
    %get3A_3531 = arith.constant 5 : index
    %get3A_3532 = arith.constant 160 : index
    %get3A_3533 = arith.constant 0 : index
    %get3A_3534 = vector.load %arg2[%get3A_3530, %get3A_3531, %get3A_3532, %get3A_3533] : memref<1x19x256x512xf32, #tpu.memory_space<vmem>>, vector<1x1x16x512xf32>
    %get3A_3535 = vector.shape_cast %get3A_3534 : vector<1x1x16x512xf32> to vector<16x512xf32>
    %exp3A_3536 = math.exp %get3A_3535 : vector<16x512xf32>
    %add3A_3537 = arith.addf %add3A_3522, %exp3A_3536 : vector<16x512xf32>
    %eq3A_3538 = arith.constant 5 : i32
    %eq3A_3539 = vector.broadcast %eq3A_3538 : i32 to vector<16x512xi32>
    %eq3A_3540 = arith.cmpi eq, %min3A_3450, %eq3A_3539 : vector<16x512xi32>
    %jit3A_3541 = arith.constant 0.000000e+00 : f32
    %broadcast_in_dim3A_3542 = vector.broadcast %jit3A_3541 : f32 to vector<16x512xf32>
    %select_n3A_3543 = arith.select %eq3A_3540, %get3A_3535, %broadcast_in_dim3A_3542 : vector<16x512xi1>, vector<16x512xf32>
    %add3A_3544 = arith.addf %add3A_3529, %select_n3A_3543 : vector<16x512xf32>
    %get3A_3545 = arith.constant 0 : index
    %get3A_3546 = arith.constant 6 : index
    %get3A_3547 = arith.constant 160 : index
    %get3A_3548 = arith.constant 0 : index
    %get3A_3549 = vector.load %arg2[%get3A_3545, %get3A_3546, %get3A_3547, %get3A_3548] : memref<1x19x256x512xf32, #tpu.memory_space<vmem>>, vector<1x1x16x512xf32>
    %get3A_3550 = vector.shape_cast %get3A_3549 : vector<1x1x16x512xf32> to vector<16x512xf32>
    %exp3A_3551 = math.exp %get3A_3550 : vector<16x512xf32>
    %add3A_3552 = arith.addf %add3A_3537, %exp3A_3551 : vector<16x512xf32>
    %eq3A_3553 = arith.constant 6 : i32
    %eq3A_3554 = vector.broadcast %eq3A_3553 : i32 to vector<16x512xi32>
    %eq3A_3555 = arith.cmpi eq, %min3A_3450, %eq3A_3554 : vector<16x512xi32>
    %jit3A_3556 = arith.constant 0.000000e+00 : f32
    %broadcast_in_dim3A_3557 = vector.broadcast %jit3A_3556 : f32 to vector<16x512xf32>
    %select_n3A_3558 = arith.select %eq3A_3555, %get3A_3550, %broadcast_in_dim3A_3557 : vector<16x512xi1>, vector<16x512xf32>
    %add3A_3559 = arith.addf %add3A_3544, %select_n3A_3558 : vector<16x512xf32>
    %get3A_3560 = arith.constant 0 : index
    %get3A_3561 = arith.constant 7 : index
    %get3A_3562 = arith.constant 160 : index
    %get3A_3563 = arith.constant 0 : index
    %get3A_3564 = vector.load %arg2[%get3A_3560, %get3A_3561, %get3A_3562, %get3A_3563] : memref<1x19x256x512xf32, #tpu.memory_space<vmem>>, vector<1x1x16x512xf32>
    %get3A_3565 = vector.shape_cast %get3A_3564 : vector<1x1x16x512xf32> to vector<16x512xf32>
    %exp3A_3566 = math.exp %get3A_3565 : vector<16x512xf32>
    %add3A_3567 = arith.addf %add3A_3552, %exp3A_3566 : vector<16x512xf32>
    %eq3A_3568 = arith.constant 7 : i32
    %eq3A_3569 = vector.broadcast %eq3A_3568 : i32 to vector<16x512xi32>
    %eq3A_3570 = arith.cmpi eq, %min3A_3450, %eq3A_3569 : vector<16x512xi32>
    %jit3A_3571 = arith.constant 0.000000e+00 : f32
    %broadcast_in_dim3A_3572 = vector.broadcast %jit3A_3571 : f32 to vector<16x512xf32>
    %select_n3A_3573 = arith.select %eq3A_3570, %get3A_3565, %broadcast_in_dim3A_3572 : vector<16x512xi1>, vector<16x512xf32>
    %add3A_3574 = arith.addf %add3A_3559, %select_n3A_3573 : vector<16x512xf32>
    %get3A_3575 = arith.constant 0 : index
    %get3A_3576 = arith.constant 8 : index
    %get3A_3577 = arith.constant 160 : index
    %get3A_3578 = arith.constant 0 : index
    %get3A_3579 = vector.load %arg2[%get3A_3575, %get3A_3576, %get3A_3577, %get3A_3578] : memref<1x19x256x512xf32, #tpu.memory_space<vmem>>, vector<1x1x16x512xf32>
    %get3A_3580 = vector.shape_cast %get3A_3579 : vector<1x1x16x512xf32> to vector<16x512xf32>
    %exp3A_3581 = math.exp %get3A_3580 : vector<16x512xf32>
    %add3A_3582 = arith.addf %add3A_3567, %exp3A_3581 : vector<16x512xf32>
    %eq3A_3583 = arith.constant 8 : i32
    %eq3A_3584 = vector.broadcast %eq3A_3583 : i32 to vector<16x512xi32>
    %eq3A_3585 = arith.cmpi eq, %min3A_3450, %eq3A_3584 : vector<16x512xi32>
    %jit3A_3586 = arith.constant 0.000000e+00 : f32
    %broadcast_in_dim3A_3587 = vector.broadcast %jit3A_3586 : f32 to vector<16x512xf32>
    %select_n3A_3588 = arith.select %eq3A_3585, %get3A_3580, %broadcast_in_dim3A_3587 : vector<16x512xi1>, vector<16x512xf32>
    %add3A_3589 = arith.addf %add3A_3574, %select_n3A_3588 : vector<16x512xf32>
    %get3A_3590 = arith.constant 0 : index
    %get3A_3591 = arith.constant 9 : index
    %get3A_3592 = arith.constant 160 : index
    %get3A_3593 = arith.constant 0 : index
    %get3A_3594 = vector.load %arg2[%get3A_3590, %get3A_3591, %get3A_3592, %get3A_3593] : memref<1x19x256x512xf32, #tpu.memory_space<vmem>>, vector<1x1x16x512xf32>
    %get3A_3595 = vector.shape_cast %get3A_3594 : vector<1x1x16x512xf32> to vector<16x512xf32>
    %exp3A_3596 = math.exp %get3A_3595 : vector<16x512xf32>
    %add3A_3597 = arith.addf %add3A_3582, %exp3A_3596 : vector<16x512xf32>
    %eq3A_3598 = arith.constant 9 : i32
    %eq3A_3599 = vector.broadcast %eq3A_3598 : i32 to vector<16x512xi32>
    %eq3A_3600 = arith.cmpi eq, %min3A_3450, %eq3A_3599 : vector<16x512xi32>
    %jit3A_3601 = arith.constant 0.000000e+00 : f32
    %broadcast_in_dim3A_3602 = vector.broadcast %jit3A_3601 : f32 to vector<16x512xf32>
    %select_n3A_3603 = arith.select %eq3A_3600, %get3A_3595, %broadcast_in_dim3A_3602 : vector<16x512xi1>, vector<16x512xf32>
    %add3A_3604 = arith.addf %add3A_3589, %select_n3A_3603 : vector<16x512xf32>
    %get3A_3605 = arith.constant 0 : index
    %get3A_3606 = arith.constant 10 : index
    %get3A_3607 = arith.constant 160 : index
    %get3A_3608 = arith.constant 0 : index
    %get3A_3609 = vector.load %arg2[%get3A_3605, %get3A_3606, %get3A_3607, %get3A_3608] : memref<1x19x256x512xf32, #tpu.memory_space<vmem>>, vector<1x1x16x512xf32>
    %get3A_3610 = vector.shape_cast %get3A_3609 : vector<1x1x16x512xf32> to vector<16x512xf32>
    %exp3A_3611 = math.exp %get3A_3610 : vector<16x512xf32>
    %add3A_3612 = arith.addf %add3A_3597, %exp3A_3611 : vector<16x512xf32>
    %eq3A_3613 = arith.constant 10 : i32
    %eq3A_3614 = vector.broadcast %eq3A_3613 : i32 to vector<16x512xi32>
    %eq3A_3615 = arith.cmpi eq, %min3A_3450, %eq3A_3614 : vector<16x512xi32>
    %jit3A_3616 = arith.constant 0.000000e+00 : f32
    %broadcast_in_dim3A_3617 = vector.broadcast %jit3A_3616 : f32 to vector<16x512xf32>
    %select_n3A_3618 = arith.select %eq3A_3615, %get3A_3610, %broadcast_in_dim3A_3617 : vector<16x512xi1>, vector<16x512xf32>
    %add3A_3619 = arith.addf %add3A_3604, %select_n3A_3618 : vector<16x512xf32>
    %get3A_3620 = arith.constant 0 : index
    %get3A_3621 = arith.constant 11 : index
    %get3A_3622 = arith.constant 160 : index
    %get3A_3623 = arith.constant 0 : index
    %get3A_3624 = vector.load %arg2[%get3A_3620, %get3A_3621, %get3A_3622, %get3A_3623] : memref<1x19x256x512xf32, #tpu.memory_space<vmem>>, vector<1x1x16x512xf32>
    %get3A_3625 = vector.shape_cast %get3A_3624 : vector<1x1x16x512xf32> to vector<16x512xf32>
    %exp3A_3626 = math.exp %get3A_3625 : vector<16x512xf32>
    %add3A_3627 = arith.addf %add3A_3612, %exp3A_3626 : vector<16x512xf32>
    %eq3A_3628 = arith.constant 11 : i32
    %eq3A_3629 = vector.broadcast %eq3A_3628 : i32 to vector<16x512xi32>
    %eq3A_3630 = arith.cmpi eq, %min3A_3450, %eq3A_3629 : vector<16x512xi32>
    %jit3A_3631 = arith.constant 0.000000e+00 : f32
    %broadcast_in_dim3A_3632 = vector.broadcast %jit3A_3631 : f32 to vector<16x512xf32>
    %select_n3A_3633 = arith.select %eq3A_3630, %get3A_3625, %broadcast_in_dim3A_3632 : vector<16x512xi1>, vector<16x512xf32>
    %add3A_3634 = arith.addf %add3A_3619, %select_n3A_3633 : vector<16x512xf32>
    %get3A_3635 = arith.constant 0 : index
    %get3A_3636 = arith.constant 12 : index
    %get3A_3637 = arith.constant 160 : index
    %get3A_3638 = arith.constant 0 : index
    %get3A_3639 = vector.load %arg2[%get3A_3635, %get3A_3636, %get3A_3637, %get3A_3638] : memref<1x19x256x512xf32, #tpu.memory_space<vmem>>, vector<1x1x16x512xf32>
    %get3A_3640 = vector.shape_cast %get3A_3639 : vector<1x1x16x512xf32> to vector<16x512xf32>
    %exp3A_3641 = math.exp %get3A_3640 : vector<16x512xf32>
    %add3A_3642 = arith.addf %add3A_3627, %exp3A_3641 : vector<16x512xf32>
    %eq3A_3643 = arith.constant 12 : i32
    %eq3A_3644 = vector.broadcast %eq3A_3643 : i32 to vector<16x512xi32>
    %eq3A_3645 = arith.cmpi eq, %min3A_3450, %eq3A_3644 : vector<16x512xi32>
    %jit3A_3646 = arith.constant 0.000000e+00 : f32
    %broadcast_in_dim3A_3647 = vector.broadcast %jit3A_3646 : f32 to vector<16x512xf32>
    %select_n3A_3648 = arith.select %eq3A_3645, %get3A_3640, %broadcast_in_dim3A_3647 : vector<16x512xi1>, vector<16x512xf32>
    %add3A_3649 = arith.addf %add3A_3634, %select_n3A_3648 : vector<16x512xf32>
    %get3A_3650 = arith.constant 0 : index
    %get3A_3651 = arith.constant 13 : index
    %get3A_3652 = arith.constant 160 : index
    %get3A_3653 = arith.constant 0 : index
    %get3A_3654 = vector.load %arg2[%get3A_3650, %get3A_3651, %get3A_3652, %get3A_3653] : memref<1x19x256x512xf32, #tpu.memory_space<vmem>>, vector<1x1x16x512xf32>
    %get3A_3655 = vector.shape_cast %get3A_3654 : vector<1x1x16x512xf32> to vector<16x512xf32>
    %exp3A_3656 = math.exp %get3A_3655 : vector<16x512xf32>
    %add3A_3657 = arith.addf %add3A_3642, %exp3A_3656 : vector<16x512xf32>
    %eq3A_3658 = arith.constant 13 : i32
    %eq3A_3659 = vector.broadcast %eq3A_3658 : i32 to vector<16x512xi32>
    %eq3A_3660 = arith.cmpi eq, %min3A_3450, %eq3A_3659 : vector<16x512xi32>
    %jit3A_3661 = arith.constant 0.000000e+00 : f32
    %broadcast_in_dim3A_3662 = vector.broadcast %jit3A_3661 : f32 to vector<16x512xf32>
    %select_n3A_3663 = arith.select %eq3A_3660, %get3A_3655, %broadcast_in_dim3A_3662 : vector<16x512xi1>, vector<16x512xf32>
    %add3A_3664 = arith.addf %add3A_3649, %select_n3A_3663 : vector<16x512xf32>
    %get3A_3665 = arith.constant 0 : index
    %get3A_3666 = arith.constant 14 : index
    %get3A_3667 = arith.constant 160 : index
    %get3A_3668 = arith.constant 0 : index
    %get3A_3669 = vector.load %arg2[%get3A_3665, %get3A_3666, %get3A_3667, %get3A_3668] : memref<1x19x256x512xf32, #tpu.memory_space<vmem>>, vector<1x1x16x512xf32>
    %get3A_3670 = vector.shape_cast %get3A_3669 : vector<1x1x16x512xf32> to vector<16x512xf32>
    %exp3A_3671 = math.exp %get3A_3670 : vector<16x512xf32>
    %add3A_3672 = arith.addf %add3A_3657, %exp3A_3671 : vector<16x512xf32>
    %eq3A_3673 = arith.constant 14 : i32
    %eq3A_3674 = vector.broadcast %eq3A_3673 : i32 to vector<16x512xi32>
    %eq3A_3675 = arith.cmpi eq, %min3A_3450, %eq3A_3674 : vector<16x512xi32>
    %jit3A_3676 = arith.constant 0.000000e+00 : f32
    %broadcast_in_dim3A_3677 = vector.broadcast %jit3A_3676 : f32 to vector<16x512xf32>
    %select_n3A_3678 = arith.select %eq3A_3675, %get3A_3670, %broadcast_in_dim3A_3677 : vector<16x512xi1>, vector<16x512xf32>
    %add3A_3679 = arith.addf %add3A_3664, %select_n3A_3678 : vector<16x512xf32>
    %get3A_3680 = arith.constant 0 : index
    %get3A_3681 = arith.constant 15 : index
    %get3A_3682 = arith.constant 160 : index
    %get3A_3683 = arith.constant 0 : index
    %get3A_3684 = vector.load %arg2[%get3A_3680, %get3A_3681, %get3A_3682, %get3A_3683] : memref<1x19x256x512xf32, #tpu.memory_space<vmem>>, vector<1x1x16x512xf32>
    %get3A_3685 = vector.shape_cast %get3A_3684 : vector<1x1x16x512xf32> to vector<16x512xf32>
    %exp3A_3686 = math.exp %get3A_3685 : vector<16x512xf32>
    %add3A_3687 = arith.addf %add3A_3672, %exp3A_3686 : vector<16x512xf32>
    %eq3A_3688 = arith.constant 15 : i32
    %eq3A_3689 = vector.broadcast %eq3A_3688 : i32 to vector<16x512xi32>
    %eq3A_3690 = arith.cmpi eq, %min3A_3450, %eq3A_3689 : vector<16x512xi32>
    %jit3A_3691 = arith.constant 0.000000e+00 : f32
    %broadcast_in_dim3A_3692 = vector.broadcast %jit3A_3691 : f32 to vector<16x512xf32>
    %select_n3A_3693 = arith.select %eq3A_3690, %get3A_3685, %broadcast_in_dim3A_3692 : vector<16x512xi1>, vector<16x512xf32>
    %add3A_3694 = arith.addf %add3A_3679, %select_n3A_3693 : vector<16x512xf32>
    %get3A_3695 = arith.constant 0 : index
    %get3A_3696 = arith.constant 16 : index
    %get3A_3697 = arith.constant 160 : index
    %get3A_3698 = arith.constant 0 : index
    %get3A_3699 = vector.load %arg2[%get3A_3695, %get3A_3696, %get3A_3697, %get3A_3698] : memref<1x19x256x512xf32, #tpu.memory_space<vmem>>, vector<1x1x16x512xf32>
    %get3A_3700 = vector.shape_cast %get3A_3699 : vector<1x1x16x512xf32> to vector<16x512xf32>
    %exp3A_3701 = math.exp %get3A_3700 : vector<16x512xf32>
    %add3A_3702 = arith.addf %add3A_3687, %exp3A_3701 : vector<16x512xf32>
    %eq3A_3703 = arith.constant 16 : i32
    %eq3A_3704 = vector.broadcast %eq3A_3703 : i32 to vector<16x512xi32>
    %eq3A_3705 = arith.cmpi eq, %min3A_3450, %eq3A_3704 : vector<16x512xi32>
    %jit3A_3706 = arith.constant 0.000000e+00 : f32
    %broadcast_in_dim3A_3707 = vector.broadcast %jit3A_3706 : f32 to vector<16x512xf32>
    %select_n3A_3708 = arith.select %eq3A_3705, %get3A_3700, %broadcast_in_dim3A_3707 : vector<16x512xi1>, vector<16x512xf32>
    %add3A_3709 = arith.addf %add3A_3694, %select_n3A_3708 : vector<16x512xf32>
    %get3A_3710 = arith.constant 0 : index
    %get3A_3711 = arith.constant 17 : index
    %get3A_3712 = arith.constant 160 : index
    %get3A_3713 = arith.constant 0 : index
    %get3A_3714 = vector.load %arg2[%get3A_3710, %get3A_3711, %get3A_3712, %get3A_3713] : memref<1x19x256x512xf32, #tpu.memory_space<vmem>>, vector<1x1x16x512xf32>
    %get3A_3715 = vector.shape_cast %get3A_3714 : vector<1x1x16x512xf32> to vector<16x512xf32>
    %exp3A_3716 = math.exp %get3A_3715 : vector<16x512xf32>
    %add3A_3717 = arith.addf %add3A_3702, %exp3A_3716 : vector<16x512xf32>
    %eq3A_3718 = arith.constant 17 : i32
    %eq3A_3719 = vector.broadcast %eq3A_3718 : i32 to vector<16x512xi32>
    %eq3A_3720 = arith.cmpi eq, %min3A_3450, %eq3A_3719 : vector<16x512xi32>
    %jit3A_3721 = arith.constant 0.000000e+00 : f32
    %broadcast_in_dim3A_3722 = vector.broadcast %jit3A_3721 : f32 to vector<16x512xf32>
    %select_n3A_3723 = arith.select %eq3A_3720, %get3A_3715, %broadcast_in_dim3A_3722 : vector<16x512xi1>, vector<16x512xf32>
    %add3A_3724 = arith.addf %add3A_3709, %select_n3A_3723 : vector<16x512xf32>
    %get3A_3725 = arith.constant 0 : index
    %get3A_3726 = arith.constant 18 : index
    %get3A_3727 = arith.constant 160 : index
    %get3A_3728 = arith.constant 0 : index
    %get3A_3729 = vector.load %arg2[%get3A_3725, %get3A_3726, %get3A_3727, %get3A_3728] : memref<1x19x256x512xf32, #tpu.memory_space<vmem>>, vector<1x1x16x512xf32>
    %get3A_3730 = vector.shape_cast %get3A_3729 : vector<1x1x16x512xf32> to vector<16x512xf32>
    %exp3A_3731 = math.exp %get3A_3730 : vector<16x512xf32>
    %add3A_3732 = arith.addf %add3A_3717, %exp3A_3731 : vector<16x512xf32>
    %eq3A_3733 = arith.constant 18 : i32
    %eq3A_3734 = vector.broadcast %eq3A_3733 : i32 to vector<16x512xi32>
    %eq3A_3735 = arith.cmpi eq, %min3A_3450, %eq3A_3734 : vector<16x512xi32>
    %jit3A_3736 = arith.constant 0.000000e+00 : f32
    %broadcast_in_dim3A_3737 = vector.broadcast %jit3A_3736 : f32 to vector<16x512xf32>
    %select_n3A_3738 = arith.select %eq3A_3735, %get3A_3730, %broadcast_in_dim3A_3737 : vector<16x512xi1>, vector<16x512xf32>
    %add3A_3739 = arith.addf %add3A_3724, %select_n3A_3738 : vector<16x512xf32>
    %log3A_3740 = math.log %add3A_3732 : vector<16x512xf32>
    %sub3A_3741 = arith.subf %log3A_3740, %add3A_3739 : vector<16x512xf32>
    %ne3A_3742 = arith.constant 255 : i32
    %ne3A_3743 = vector.broadcast %ne3A_3742 : i32 to vector<16x512xi32>
    %ne3A_3744 = arith.cmpi ne, %get3A_3444, %ne3A_3743 : vector<16x512xi32>
    %jit3A_3745 = arith.constant 0.000000e+00 : f32
    %broadcast_in_dim3A_3746 = vector.broadcast %jit3A_3745 : f32 to vector<16x512xf32>
    %select_n3A_3747 = arith.select %ne3A_3744, %sub3A_3741, %broadcast_in_dim3A_3746 : vector<16x512xi1>, vector<16x512xf32>
    %swap3A_3748 = arith.constant 0 : index
    %swap3A_3749 = arith.constant 160 : index
    %swap3A_3750 = arith.constant 0 : index
    %swap3A_3751 = vector.load %arg4[%swap3A_3748, %swap3A_3749, %swap3A_3750] : memref<1x256x512xf32, #tpu.memory_space<vmem>>, vector<1x16x512xf32>
    %swap3A_3752 = vector.shape_cast %swap3A_3751 : vector<1x16x512xf32> to vector<16x512xf32>
    %swap3A_3753 = vector.shape_cast %select_n3A_3747 : vector<16x512xf32> to vector<1x16x512xf32>
    tpu.vector_store %arg4[%swap3A_3748, %swap3A_3749, %swap3A_3750], %swap3A_3753 {strides = array<i32>} : memref<1x256x512xf32, #tpu.memory_space<vmem>>, vector<1x16x512xf32>,
    %gt3A_3754 = arith.constant 0.356674939 : f32
    %gt3A_3755 = vector.broadcast %gt3A_3754 : f32 to vector<16x512xf32>
    %gt3A_3756 = arith.cmpf ogt, %select_n3A_3747, %gt3A_3755 : vector<16x512xf32>
    %get3A_3757 = arith.constant 0 : index
    %get3A_3758 = arith.constant 0 : index
    %get3A_3759 = memref.load %arg5[%get3A_3757, %get3A_3758] : memref<1x1xi32, #tpu.memory_space<smem>>
    %convert_element_type3A_3760 = arith.extui %gt3A_3756 : vector<16x512xi1> to vector<16x512xi32>
    %reduce_sum3A_3761 = vector.shape_cast %convert_element_type3A_3760 : vector<16x512xi32> to vector<1x16x512xi32>
    %reduce_sum3A_3762 = arith.constant dense<0> : vector<1xi32>
    %reduce_sum3A_3763 = vector.multi_reduction <add>, %reduce_sum3A_3761, %reduce_sum3A_3762 [1, 2] : vector<1x16x512xi32> to vector<1xi32>
    %reduce_sum3A_3764 = vector.shape_cast %reduce_sum3A_3763 : vector<1xi32> to vector<1x1x1xi32>
    %reduce_sum3A_3765 = vector.extract %reduce_sum3A_3764[0, 0, 0] : i32 from vector<1x1x1xi32>
    %add3A_3766 = arith.addi %get3A_3759, %reduce_sum3A_3765 : i32
    %swap3A_3767 = arith.constant 0 : index
    %swap3A_3768 = arith.constant 0 : index
    %swap3A_3769 = memref.load %arg5[%swap3A_3767, %swap3A_3768] : memref<1x1xi32, #tpu.memory_space<smem>>
    memref.store %add3A_3766, %arg5[%swap3A_3767, %swap3A_3768] : memref<1x1xi32, #tpu.memory_space<smem>>
    %get3A_3770 = arith.constant 0 : index
    %get3A_3771 = arith.constant 0 : index
    %get3A_3772 = memref.load %arg6[%get3A_3770, %get3A_3771] : memref<1x1xf32, #tpu.memory_space<smem>>
    %jit3A_3773 = arith.constant 0.000000e+00 : f32
    %broadcast_in_dim3A_3774 = vector.broadcast %jit3A_3773 : f32 to vector<16x512xf32>
    %select_n3A_3775 = arith.select %gt3A_3756, %select_n3A_3747, %broadcast_in_dim3A_3774 : vector<16x512xi1>, vector<16x512xf32>
    %reduce_sum3A_3776 = vector.shape_cast %select_n3A_3775 : vector<16x512xf32> to vector<1x16x512xf32>
    %reduce_sum3A_3777 = arith.constant dense<0.000000e+00> : vector<1xf32>
    %reduce_sum3A_3778 = vector.multi_reduction <add>, %reduce_sum3A_3776, %reduce_sum3A_3777 [1, 2] : vector<1x16x512xf32> to vector<1xf32>
    %reduce_sum3A_3779 = vector.shape_cast %reduce_sum3A_3778 : vector<1xf32> to vector<1x1x1xf32>
    %reduce_sum3A_3780 = vector.extract %reduce_sum3A_3779[0, 0, 0] : f32 from vector<1x1x1xf32>
    %add3A_3781 = arith.addf %get3A_3772, %reduce_sum3A_3780 : f32
    %swap3A_3782 = arith.constant 0 : index
    %swap3A_3783 = arith.constant 0 : index
    %swap3A_3784 = memref.load %arg6[%swap3A_3782, %swap3A_3783] : memref<1x1xf32, #tpu.memory_space<smem>>
    memref.store %add3A_3781, %arg6[%swap3A_3782, %swap3A_3783] : memref<1x1xf32, #tpu.memory_space<smem>>
    %get3A_3785 = arith.constant 0 : index
    %get3A_3786 = arith.constant 176 : index
    %get3A_3787 = arith.constant 0 : index
    %get3A_3788 = vector.load %arg3[%get3A_3785, %get3A_3786, %get3A_3787] : memref<1x256x512xi32, #tpu.memory_space<vmem>>, vector<1x16x512xi32>
    %get3A_3789 = vector.shape_cast %get3A_3788 : vector<1x16x512xi32> to vector<16x512xi32>
    %jit3A_3790 = arith.constant 0 : i32
    %jit3A_3791 = arith.constant 18 : i32
    %max3A_3792 = vector.broadcast %jit3A_3790 : i32 to vector<16x512xi32>
    %max3A_3793 = arith.maxsi %max3A_3792, %get3A_3789 : vector<16x512xi32>
    %min3A_3794 = vector.broadcast %jit3A_3791 : i32 to vector<16x512xi32>
    %min3A_3795 = arith.minsi %min3A_3794, %max3A_3793 : vector<16x512xi32>
    %broadcast_in_dim3A_3796 = arith.constant 0.000000e+00 : f32
    %broadcast_in_dim3A_3797 = vector.broadcast %broadcast_in_dim3A_3796 : f32 to vector<16x512xf32>
    %broadcast_in_dim3A_3798 = arith.constant 0.000000e+00 : f32
    %broadcast_in_dim3A_3799 = vector.broadcast %broadcast_in_dim3A_3798 : f32 to vector<16x512xf32>
    %get3A_3800 = arith.constant 0 : index
    %get3A_3801 = arith.constant 0 : index
    %get3A_3802 = arith.constant 176 : index
    %get3A_3803 = arith.constant 0 : index
    %get3A_3804 = vector.load %arg2[%get3A_3800, %get3A_3801, %get3A_3802, %get3A_3803] : memref<1x19x256x512xf32, #tpu.memory_space<vmem>>, vector<1x1x16x512xf32>
    %get3A_3805 = vector.shape_cast %get3A_3804 : vector<1x1x16x512xf32> to vector<16x512xf32>
    %exp3A_3806 = math.exp %get3A_3805 : vector<16x512xf32>
    %add3A_3807 = arith.addf %broadcast_in_dim3A_3797, %exp3A_3806 : vector<16x512xf32>
    %eq3A_3808 = arith.constant 0 : i32
    %eq3A_3809 = vector.broadcast %eq3A_3808 : i32 to vector<16x512xi32>
    %eq3A_3810 = arith.cmpi eq, %min3A_3795, %eq3A_3809 : vector<16x512xi32>
    %jit3A_3811 = arith.constant 0.000000e+00 : f32
    %broadcast_in_dim3A_3812 = vector.broadcast %jit3A_3811 : f32 to vector<16x512xf32>
    %select_n3A_3813 = arith.select %eq3A_3810, %get3A_3805, %broadcast_in_dim3A_3812 : vector<16x512xi1>, vector<16x512xf32>
    %add3A_3814 = arith.addf %broadcast_in_dim3A_3799, %select_n3A_3813 : vector<16x512xf32>
    %get3A_3815 = arith.constant 0 : index
    %get3A_3816 = arith.constant 1 : index
    %get3A_3817 = arith.constant 176 : index
    %get3A_3818 = arith.constant 0 : index
    %get3A_3819 = vector.load %arg2[%get3A_3815, %get3A_3816, %get3A_3817, %get3A_3818] : memref<1x19x256x512xf32, #tpu.memory_space<vmem>>, vector<1x1x16x512xf32>
    %get3A_3820 = vector.shape_cast %get3A_3819 : vector<1x1x16x512xf32> to vector<16x512xf32>
    %exp3A_3821 = math.exp %get3A_3820 : vector<16x512xf32>
    %add3A_3822 = arith.addf %add3A_3807, %exp3A_3821 : vector<16x512xf32>
    %eq3A_3823 = arith.constant 1 : i32
    %eq3A_3824 = vector.broadcast %eq3A_3823 : i32 to vector<16x512xi32>
    %eq3A_3825 = arith.cmpi eq, %min3A_3795, %eq3A_3824 : vector<16x512xi32>
    %jit3A_3826 = arith.constant 0.000000e+00 : f32
    %broadcast_in_dim3A_3827 = vector.broadcast %jit3A_3826 : f32 to vector<16x512xf32>
    %select_n3A_3828 = arith.select %eq3A_3825, %get3A_3820, %broadcast_in_dim3A_3827 : vector<16x512xi1>, vector<16x512xf32>
    %add3A_3829 = arith.addf %add3A_3814, %select_n3A_3828 : vector<16x512xf32>
    %get3A_3830 = arith.constant 0 : index
    %get3A_3831 = arith.constant 2 : index
    %get3A_3832 = arith.constant 176 : index
    %get3A_3833 = arith.constant 0 : index
    %get3A_3834 = vector.load %arg2[%get3A_3830, %get3A_3831, %get3A_3832, %get3A_3833] : memref<1x19x256x512xf32, #tpu.memory_space<vmem>>, vector<1x1x16x512xf32>
    %get3A_3835 = vector.shape_cast %get3A_3834 : vector<1x1x16x512xf32> to vector<16x512xf32>
    %exp3A_3836 = math.exp %get3A_3835 : vector<16x512xf32>
    %add3A_3837 = arith.addf %add3A_3822, %exp3A_3836 : vector<16x512xf32>
    %eq3A_3838 = arith.constant 2 : i32
    %eq3A_3839 = vector.broadcast %eq3A_3838 : i32 to vector<16x512xi32>
    %eq3A_3840 = arith.cmpi eq, %min3A_3795, %eq3A_3839 : vector<16x512xi32>
    %jit3A_3841 = arith.constant 0.000000e+00 : f32
    %broadcast_in_dim3A_3842 = vector.broadcast %jit3A_3841 : f32 to vector<16x512xf32>
    %select_n3A_3843 = arith.select %eq3A_3840, %get3A_3835, %broadcast_in_dim3A_3842 : vector<16x512xi1>, vector<16x512xf32>
    %add3A_3844 = arith.addf %add3A_3829, %select_n3A_3843 : vector<16x512xf32>
    %get3A_3845 = arith.constant 0 : index
    %get3A_3846 = arith.constant 3 : index
    %get3A_3847 = arith.constant 176 : index
    %get3A_3848 = arith.constant 0 : index
    %get3A_3849 = vector.load %arg2[%get3A_3845, %get3A_3846, %get3A_3847, %get3A_3848] : memref<1x19x256x512xf32, #tpu.memory_space<vmem>>, vector<1x1x16x512xf32>
    %get3A_3850 = vector.shape_cast %get3A_3849 : vector<1x1x16x512xf32> to vector<16x512xf32>
    %exp3A_3851 = math.exp %get3A_3850 : vector<16x512xf32>
    %add3A_3852 = arith.addf %add3A_3837, %exp3A_3851 : vector<16x512xf32>
    %eq3A_3853 = arith.constant 3 : i32
    %eq3A_3854 = vector.broadcast %eq3A_3853 : i32 to vector<16x512xi32>
    %eq3A_3855 = arith.cmpi eq, %min3A_3795, %eq3A_3854 : vector<16x512xi32>
    %jit3A_3856 = arith.constant 0.000000e+00 : f32
    %broadcast_in_dim3A_3857 = vector.broadcast %jit3A_3856 : f32 to vector<16x512xf32>
    %select_n3A_3858 = arith.select %eq3A_3855, %get3A_3850, %broadcast_in_dim3A_3857 : vector<16x512xi1>, vector<16x512xf32>
    %add3A_3859 = arith.addf %add3A_3844, %select_n3A_3858 : vector<16x512xf32>
    %get3A_3860 = arith.constant 0 : index
    %get3A_3861 = arith.constant 4 : index
    %get3A_3862 = arith.constant 176 : index
    %get3A_3863 = arith.constant 0 : index
    %get3A_3864 = vector.load %arg2[%get3A_3860, %get3A_3861, %get3A_3862, %get3A_3863] : memref<1x19x256x512xf32, #tpu.memory_space<vmem>>, vector<1x1x16x512xf32>
    %get3A_3865 = vector.shape_cast %get3A_3864 : vector<1x1x16x512xf32> to vector<16x512xf32>
    %exp3A_3866 = math.exp %get3A_3865 : vector<16x512xf32>
    %add3A_3867 = arith.addf %add3A_3852, %exp3A_3866 : vector<16x512xf32>
    %eq3A_3868 = arith.constant 4 : i32
    %eq3A_3869 = vector.broadcast %eq3A_3868 : i32 to vector<16x512xi32>
    %eq3A_3870 = arith.cmpi eq, %min3A_3795, %eq3A_3869 : vector<16x512xi32>
    %jit3A_3871 = arith.constant 0.000000e+00 : f32
    %broadcast_in_dim3A_3872 = vector.broadcast %jit3A_3871 : f32 to vector<16x512xf32>
    %select_n3A_3873 = arith.select %eq3A_3870, %get3A_3865, %broadcast_in_dim3A_3872 : vector<16x512xi1>, vector<16x512xf32>
    %add3A_3874 = arith.addf %add3A_3859, %select_n3A_3873 : vector<16x512xf32>
    %get3A_3875 = arith.constant 0 : index
    %get3A_3876 = arith.constant 5 : index
    %get3A_3877 = arith.constant 176 : index
    %get3A_3878 = arith.constant 0 : index
    %get3A_3879 = vector.load %arg2[%get3A_3875, %get3A_3876, %get3A_3877, %get3A_3878] : memref<1x19x256x512xf32, #tpu.memory_space<vmem>>, vector<1x1x16x512xf32>
    %get3A_3880 = vector.shape_cast %get3A_3879 : vector<1x1x16x512xf32> to vector<16x512xf32>
    %exp3A_3881 = math.exp %get3A_3880 : vector<16x512xf32>
    %add3A_3882 = arith.addf %add3A_3867, %exp3A_3881 : vector<16x512xf32>
    %eq3A_3883 = arith.constant 5 : i32
    %eq3A_3884 = vector.broadcast %eq3A_3883 : i32 to vector<16x512xi32>
    %eq3A_3885 = arith.cmpi eq, %min3A_3795, %eq3A_3884 : vector<16x512xi32>
    %jit3A_3886 = arith.constant 0.000000e+00 : f32
    %broadcast_in_dim3A_3887 = vector.broadcast %jit3A_3886 : f32 to vector<16x512xf32>
    %select_n3A_3888 = arith.select %eq3A_3885, %get3A_3880, %broadcast_in_dim3A_3887 : vector<16x512xi1>, vector<16x512xf32>
    %add3A_3889 = arith.addf %add3A_3874, %select_n3A_3888 : vector<16x512xf32>
    %get3A_3890 = arith.constant 0 : index
    %get3A_3891 = arith.constant 6 : index
    %get3A_3892 = arith.constant 176 : index
    %get3A_3893 = arith.constant 0 : index
    %get3A_3894 = vector.load %arg2[%get3A_3890, %get3A_3891, %get3A_3892, %get3A_3893] : memref<1x19x256x512xf32, #tpu.memory_space<vmem>>, vector<1x1x16x512xf32>
    %get3A_3895 = vector.shape_cast %get3A_3894 : vector<1x1x16x512xf32> to vector<16x512xf32>
    %exp3A_3896 = math.exp %get3A_3895 : vector<16x512xf32>
    %add3A_3897 = arith.addf %add3A_3882, %exp3A_3896 : vector<16x512xf32>
    %eq3A_3898 = arith.constant 6 : i32
    %eq3A_3899 = vector.broadcast %eq3A_3898 : i32 to vector<16x512xi32>
    %eq3A_3900 = arith.cmpi eq, %min3A_3795, %eq3A_3899 : vector<16x512xi32>
    %jit3A_3901 = arith.constant 0.000000e+00 : f32
    %broadcast_in_dim3A_3902 = vector.broadcast %jit3A_3901 : f32 to vector<16x512xf32>
    %select_n3A_3903 = arith.select %eq3A_3900, %get3A_3895, %broadcast_in_dim3A_3902 : vector<16x512xi1>, vector<16x512xf32>
    %add3A_3904 = arith.addf %add3A_3889, %select_n3A_3903 : vector<16x512xf32>
    %get3A_3905 = arith.constant 0 : index
    %get3A_3906 = arith.constant 7 : index
    %get3A_3907 = arith.constant 176 : index
    %get3A_3908 = arith.constant 0 : index
    %get3A_3909 = vector.load %arg2[%get3A_3905, %get3A_3906, %get3A_3907, %get3A_3908] : memref<1x19x256x512xf32, #tpu.memory_space<vmem>>, vector<1x1x16x512xf32>
    %get3A_3910 = vector.shape_cast %get3A_3909 : vector<1x1x16x512xf32> to vector<16x512xf32>
    %exp3A_3911 = math.exp %get3A_3910 : vector<16x512xf32>
    %add3A_3912 = arith.addf %add3A_3897, %exp3A_3911 : vector<16x512xf32>
    %eq3A_3913 = arith.constant 7 : i32
    %eq3A_3914 = vector.broadcast %eq3A_3913 : i32 to vector<16x512xi32>
    %eq3A_3915 = arith.cmpi eq, %min3A_3795, %eq3A_3914 : vector<16x512xi32>
    %jit3A_3916 = arith.constant 0.000000e+00 : f32
    %broadcast_in_dim3A_3917 = vector.broadcast %jit3A_3916 : f32 to vector<16x512xf32>
    %select_n3A_3918 = arith.select %eq3A_3915, %get3A_3910, %broadcast_in_dim3A_3917 : vector<16x512xi1>, vector<16x512xf32>
    %add3A_3919 = arith.addf %add3A_3904, %select_n3A_3918 : vector<16x512xf32>
    %get3A_3920 = arith.constant 0 : index
    %get3A_3921 = arith.constant 8 : index
    %get3A_3922 = arith.constant 176 : index
    %get3A_3923 = arith.constant 0 : index
    %get3A_3924 = vector.load %arg2[%get3A_3920, %get3A_3921, %get3A_3922, %get3A_3923] : memref<1x19x256x512xf32, #tpu.memory_space<vmem>>, vector<1x1x16x512xf32>
    %get3A_3925 = vector.shape_cast %get3A_3924 : vector<1x1x16x512xf32> to vector<16x512xf32>
    %exp3A_3926 = math.exp %get3A_3925 : vector<16x512xf32>
    %add3A_3927 = arith.addf %add3A_3912, %exp3A_3926 : vector<16x512xf32>
    %eq3A_3928 = arith.constant 8 : i32
    %eq3A_3929 = vector.broadcast %eq3A_3928 : i32 to vector<16x512xi32>
    %eq3A_3930 = arith.cmpi eq, %min3A_3795, %eq3A_3929 : vector<16x512xi32>
    %jit3A_3931 = arith.constant 0.000000e+00 : f32
    %broadcast_in_dim3A_3932 = vector.broadcast %jit3A_3931 : f32 to vector<16x512xf32>
    %select_n3A_3933 = arith.select %eq3A_3930, %get3A_3925, %broadcast_in_dim3A_3932 : vector<16x512xi1>, vector<16x512xf32>
    %add3A_3934 = arith.addf %add3A_3919, %select_n3A_3933 : vector<16x512xf32>
    %get3A_3935 = arith.constant 0 : index
    %get3A_3936 = arith.constant 9 : index
    %get3A_3937 = arith.constant 176 : index
    %get3A_3938 = arith.constant 0 : index
    %get3A_3939 = vector.load %arg2[%get3A_3935, %get3A_3936, %get3A_3937, %get3A_3938] : memref<1x19x256x512xf32, #tpu.memory_space<vmem>>, vector<1x1x16x512xf32>
    %get3A_3940 = vector.shape_cast %get3A_3939 : vector<1x1x16x512xf32> to vector<16x512xf32>
    %exp3A_3941 = math.exp %get3A_3940 : vector<16x512xf32>
    %add3A_3942 = arith.addf %add3A_3927, %exp3A_3941 : vector<16x512xf32>
    %eq3A_3943 = arith.constant 9 : i32
    %eq3A_3944 = vector.broadcast %eq3A_3943 : i32 to vector<16x512xi32>
    %eq3A_3945 = arith.cmpi eq, %min3A_3795, %eq3A_3944 : vector<16x512xi32>
    %jit3A_3946 = arith.constant 0.000000e+00 : f32
    %broadcast_in_dim3A_3947 = vector.broadcast %jit3A_3946 : f32 to vector<16x512xf32>
    %select_n3A_3948 = arith.select %eq3A_3945, %get3A_3940, %broadcast_in_dim3A_3947 : vector<16x512xi1>, vector<16x512xf32>
    %add3A_3949 = arith.addf %add3A_3934, %select_n3A_3948 : vector<16x512xf32>
    %get3A_3950 = arith.constant 0 : index
    %get3A_3951 = arith.constant 10 : index
    %get3A_3952 = arith.constant 176 : index
    %get3A_3953 = arith.constant 0 : index
    %get3A_3954 = vector.load %arg2[%get3A_3950, %get3A_3951, %get3A_3952, %get3A_3953] : memref<1x19x256x512xf32, #tpu.memory_space<vmem>>, vector<1x1x16x512xf32>
    %get3A_3955 = vector.shape_cast %get3A_3954 : vector<1x1x16x512xf32> to vector<16x512xf32>
    %exp3A_3956 = math.exp %get3A_3955 : vector<16x512xf32>
    %add3A_3957 = arith.addf %add3A_3942, %exp3A_3956 : vector<16x512xf32>
    %eq3A_3958 = arith.constant 10 : i32
    %eq3A_3959 = vector.broadcast %eq3A_3958 : i32 to vector<16x512xi32>
    %eq3A_3960 = arith.cmpi eq, %min3A_3795, %eq3A_3959 : vector<16x512xi32>
    %jit3A_3961 = arith.constant 0.000000e+00 : f32
    %broadcast_in_dim3A_3962 = vector.broadcast %jit3A_3961 : f32 to vector<16x512xf32>
    %select_n3A_3963 = arith.select %eq3A_3960, %get3A_3955, %broadcast_in_dim3A_3962 : vector<16x512xi1>, vector<16x512xf32>
    %add3A_3964 = arith.addf %add3A_3949, %select_n3A_3963 : vector<16x512xf32>
    %get3A_3965 = arith.constant 0 : index
    %get3A_3966 = arith.constant 11 : index
    %get3A_3967 = arith.constant 176 : index
    %get3A_3968 = arith.constant 0 : index
    %get3A_3969 = vector.load %arg2[%get3A_3965, %get3A_3966, %get3A_3967, %get3A_3968] : memref<1x19x256x512xf32, #tpu.memory_space<vmem>>, vector<1x1x16x512xf32>
    %get3A_3970 = vector.shape_cast %get3A_3969 : vector<1x1x16x512xf32> to vector<16x512xf32>
    %exp3A_3971 = math.exp %get3A_3970 : vector<16x512xf32>
    %add3A_3972 = arith.addf %add3A_3957, %exp3A_3971 : vector<16x512xf32>
    %eq3A_3973 = arith.constant 11 : i32
    %eq3A_3974 = vector.broadcast %eq3A_3973 : i32 to vector<16x512xi32>
    %eq3A_3975 = arith.cmpi eq, %min3A_3795, %eq3A_3974 : vector<16x512xi32>
    %jit3A_3976 = arith.constant 0.000000e+00 : f32
    %broadcast_in_dim3A_3977 = vector.broadcast %jit3A_3976 : f32 to vector<16x512xf32>
    %select_n3A_3978 = arith.select %eq3A_3975, %get3A_3970, %broadcast_in_dim3A_3977 : vector<16x512xi1>, vector<16x512xf32>
    %add3A_3979 = arith.addf %add3A_3964, %select_n3A_3978 : vector<16x512xf32>
    %get3A_3980 = arith.constant 0 : index
    %get3A_3981 = arith.constant 12 : index
    %get3A_3982 = arith.constant 176 : index
    %get3A_3983 = arith.constant 0 : index
    %get3A_3984 = vector.load %arg2[%get3A_3980, %get3A_3981, %get3A_3982, %get3A_3983] : memref<1x19x256x512xf32, #tpu.memory_space<vmem>>, vector<1x1x16x512xf32>
    %get3A_3985 = vector.shape_cast %get3A_3984 : vector<1x1x16x512xf32> to vector<16x512xf32>
    %exp3A_3986 = math.exp %get3A_3985 : vector<16x512xf32>
    %add3A_3987 = arith.addf %add3A_3972, %exp3A_3986 : vector<16x512xf32>
    %eq3A_3988 = arith.constant 12 : i32
    %eq3A_3989 = vector.broadcast %eq3A_3988 : i32 to vector<16x512xi32>
    %eq3A_3990 = arith.cmpi eq, %min3A_3795, %eq3A_3989 : vector<16x512xi32>
    %jit3A_3991 = arith.constant 0.000000e+00 : f32
    %broadcast_in_dim3A_3992 = vector.broadcast %jit3A_3991 : f32 to vector<16x512xf32>
    %select_n3A_3993 = arith.select %eq3A_3990, %get3A_3985, %broadcast_in_dim3A_3992 : vector<16x512xi1>, vector<16x512xf32>
    %add3A_3994 = arith.addf %add3A_3979, %select_n3A_3993 : vector<16x512xf32>
    %get3A_3995 = arith.constant 0 : index
    %get3A_3996 = arith.constant 13 : index
    %get3A_3997 = arith.constant 176 : index
    %get3A_3998 = arith.constant 0 : index
    %get3A_3999 = vector.load %arg2[%get3A_3995, %get3A_3996, %get3A_3997, %get3A_3998] : memref<1x19x256x512xf32, #tpu.memory_space<vmem>>, vector<1x1x16x512xf32>
    %get3A_4000 = vector.shape_cast %get3A_3999 : vector<1x1x16x512xf32> to vector<16x512xf32>
    %exp3A_4001 = math.exp %get3A_4000 : vector<16x512xf32>
    %add3A_4002 = arith.addf %add3A_3987, %exp3A_4001 : vector<16x512xf32>
    %eq3A_4003 = arith.constant 13 : i32
    %eq3A_4004 = vector.broadcast %eq3A_4003 : i32 to vector<16x512xi32>
    %eq3A_4005 = arith.cmpi eq, %min3A_3795, %eq3A_4004 : vector<16x512xi32>
    %jit3A_4006 = arith.constant 0.000000e+00 : f32
    %broadcast_in_dim3A_4007 = vector.broadcast %jit3A_4006 : f32 to vector<16x512xf32>
    %select_n3A_4008 = arith.select %eq3A_4005, %get3A_4000, %broadcast_in_dim3A_4007 : vector<16x512xi1>, vector<16x512xf32>
    %add3A_4009 = arith.addf %add3A_3994, %select_n3A_4008 : vector<16x512xf32>
    %get3A_4010 = arith.constant 0 : index
    %get3A_4011 = arith.constant 14 : index
    %get3A_4012 = arith.constant 176 : index
    %get3A_4013 = arith.constant 0 : index
    %get3A_4014 = vector.load %arg2[%get3A_4010, %get3A_4011, %get3A_4012, %get3A_4013] : memref<1x19x256x512xf32, #tpu.memory_space<vmem>>, vector<1x1x16x512xf32>
    %get3A_4015 = vector.shape_cast %get3A_4014 : vector<1x1x16x512xf32> to vector<16x512xf32>
    %exp3A_4016 = math.exp %get3A_4015 : vector<16x512xf32>
    %add3A_4017 = arith.addf %add3A_4002, %exp3A_4016 : vector<16x512xf32>
    %eq3A_4018 = arith.constant 14 : i32
    %eq3A_4019 = vector.broadcast %eq3A_4018 : i32 to vector<16x512xi32>
    %eq3A_4020 = arith.cmpi eq, %min3A_3795, %eq3A_4019 : vector<16x512xi32>
    %jit3A_4021 = arith.constant 0.000000e+00 : f32
    %broadcast_in_dim3A_4022 = vector.broadcast %jit3A_4021 : f32 to vector<16x512xf32>
    %select_n3A_4023 = arith.select %eq3A_4020, %get3A_4015, %broadcast_in_dim3A_4022 : vector<16x512xi1>, vector<16x512xf32>
    %add3A_4024 = arith.addf %add3A_4009, %select_n3A_4023 : vector<16x512xf32>
    %get3A_4025 = arith.constant 0 : index
    %get3A_4026 = arith.constant 15 : index
    %get3A_4027 = arith.constant 176 : index
    %get3A_4028 = arith.constant 0 : index
    %get3A_4029 = vector.load %arg2[%get3A_4025, %get3A_4026, %get3A_4027, %get3A_4028] : memref<1x19x256x512xf32, #tpu.memory_space<vmem>>, vector<1x1x16x512xf32>
    %get3A_4030 = vector.shape_cast %get3A_4029 : vector<1x1x16x512xf32> to vector<16x512xf32>
    %exp3A_4031 = math.exp %get3A_4030 : vector<16x512xf32>
    %add3A_4032 = arith.addf %add3A_4017, %exp3A_4031 : vector<16x512xf32>
    %eq3A_4033 = arith.constant 15 : i32
    %eq3A_4034 = vector.broadcast %eq3A_4033 : i32 to vector<16x512xi32>
    %eq3A_4035 = arith.cmpi eq, %min3A_3795, %eq3A_4034 : vector<16x512xi32>
    %jit3A_4036 = arith.constant 0.000000e+00 : f32
    %broadcast_in_dim3A_4037 = vector.broadcast %jit3A_4036 : f32 to vector<16x512xf32>
    %select_n3A_4038 = arith.select %eq3A_4035, %get3A_4030, %broadcast_in_dim3A_4037 : vector<16x512xi1>, vector<16x512xf32>
    %add3A_4039 = arith.addf %add3A_4024, %select_n3A_4038 : vector<16x512xf32>
    %get3A_4040 = arith.constant 0 : index
    %get3A_4041 = arith.constant 16 : index
    %get3A_4042 = arith.constant 176 : index
    %get3A_4043 = arith.constant 0 : index
    %get3A_4044 = vector.load %arg2[%get3A_4040, %get3A_4041, %get3A_4042, %get3A_4043] : memref<1x19x256x512xf32, #tpu.memory_space<vmem>>, vector<1x1x16x512xf32>
    %get3A_4045 = vector.shape_cast %get3A_4044 : vector<1x1x16x512xf32> to vector<16x512xf32>
    %exp3A_4046 = math.exp %get3A_4045 : vector<16x512xf32>
    %add3A_4047 = arith.addf %add3A_4032, %exp3A_4046 : vector<16x512xf32>
    %eq3A_4048 = arith.constant 16 : i32
    %eq3A_4049 = vector.broadcast %eq3A_4048 : i32 to vector<16x512xi32>
    %eq3A_4050 = arith.cmpi eq, %min3A_3795, %eq3A_4049 : vector<16x512xi32>
    %jit3A_4051 = arith.constant 0.000000e+00 : f32
    %broadcast_in_dim3A_4052 = vector.broadcast %jit3A_4051 : f32 to vector<16x512xf32>
    %select_n3A_4053 = arith.select %eq3A_4050, %get3A_4045, %broadcast_in_dim3A_4052 : vector<16x512xi1>, vector<16x512xf32>
    %add3A_4054 = arith.addf %add3A_4039, %select_n3A_4053 : vector<16x512xf32>
    %get3A_4055 = arith.constant 0 : index
    %get3A_4056 = arith.constant 17 : index
    %get3A_4057 = arith.constant 176 : index
    %get3A_4058 = arith.constant 0 : index
    %get3A_4059 = vector.load %arg2[%get3A_4055, %get3A_4056, %get3A_4057, %get3A_4058] : memref<1x19x256x512xf32, #tpu.memory_space<vmem>>, vector<1x1x16x512xf32>
    %get3A_4060 = vector.shape_cast %get3A_4059 : vector<1x1x16x512xf32> to vector<16x512xf32>
    %exp3A_4061 = math.exp %get3A_4060 : vector<16x512xf32>
    %add3A_4062 = arith.addf %add3A_4047, %exp3A_4061 : vector<16x512xf32>
    %eq3A_4063 = arith.constant 17 : i32
    %eq3A_4064 = vector.broadcast %eq3A_4063 : i32 to vector<16x512xi32>
    %eq3A_4065 = arith.cmpi eq, %min3A_3795, %eq3A_4064 : vector<16x512xi32>
    %jit3A_4066 = arith.constant 0.000000e+00 : f32
    %broadcast_in_dim3A_4067 = vector.broadcast %jit3A_4066 : f32 to vector<16x512xf32>
    %select_n3A_4068 = arith.select %eq3A_4065, %get3A_4060, %broadcast_in_dim3A_4067 : vector<16x512xi1>, vector<16x512xf32>
    %add3A_4069 = arith.addf %add3A_4054, %select_n3A_4068 : vector<16x512xf32>
    %get3A_4070 = arith.constant 0 : index
    %get3A_4071 = arith.constant 18 : index
    %get3A_4072 = arith.constant 176 : index
    %get3A_4073 = arith.constant 0 : index
    %get3A_4074 = vector.load %arg2[%get3A_4070, %get3A_4071, %get3A_4072, %get3A_4073] : memref<1x19x256x512xf32, #tpu.memory_space<vmem>>, vector<1x1x16x512xf32>
    %get3A_4075 = vector.shape_cast %get3A_4074 : vector<1x1x16x512xf32> to vector<16x512xf32>
    %exp3A_4076 = math.exp %get3A_4075 : vector<16x512xf32>
    %add3A_4077 = arith.addf %add3A_4062, %exp3A_4076 : vector<16x512xf32>
    %eq3A_4078 = arith.constant 18 : i32
    %eq3A_4079 = vector.broadcast %eq3A_4078 : i32 to vector<16x512xi32>
    %eq3A_4080 = arith.cmpi eq, %min3A_3795, %eq3A_4079 : vector<16x512xi32>
    %jit3A_4081 = arith.constant 0.000000e+00 : f32
    %broadcast_in_dim3A_4082 = vector.broadcast %jit3A_4081 : f32 to vector<16x512xf32>
    %select_n3A_4083 = arith.select %eq3A_4080, %get3A_4075, %broadcast_in_dim3A_4082 : vector<16x512xi1>, vector<16x512xf32>
    %add3A_4084 = arith.addf %add3A_4069, %select_n3A_4083 : vector<16x512xf32>
    %log3A_4085 = math.log %add3A_4077 : vector<16x512xf32>
    %sub3A_4086 = arith.subf %log3A_4085, %add3A_4084 : vector<16x512xf32>
    %ne3A_4087 = arith.constant 255 : i32
    %ne3A_4088 = vector.broadcast %ne3A_4087 : i32 to vector<16x512xi32>
    %ne3A_4089 = arith.cmpi ne, %get3A_3789, %ne3A_4088 : vector<16x512xi32>
    %jit3A_4090 = arith.constant 0.000000e+00 : f32
    %broadcast_in_dim3A_4091 = vector.broadcast %jit3A_4090 : f32 to vector<16x512xf32>
    %select_n3A_4092 = arith.select %ne3A_4089, %sub3A_4086, %broadcast_in_dim3A_4091 : vector<16x512xi1>, vector<16x512xf32>
    %swap3A_4093 = arith.constant 0 : index
    %swap3A_4094 = arith.constant 176 : index
    %swap3A_4095 = arith.constant 0 : index
    %swap3A_4096 = vector.load %arg4[%swap3A_4093, %swap3A_4094, %swap3A_4095] : memref<1x256x512xf32, #tpu.memory_space<vmem>>, vector<1x16x512xf32>
    %swap3A_4097 = vector.shape_cast %swap3A_4096 : vector<1x16x512xf32> to vector<16x512xf32>
    %swap3A_4098 = vector.shape_cast %select_n3A_4092 : vector<16x512xf32> to vector<1x16x512xf32>
    tpu.vector_store %arg4[%swap3A_4093, %swap3A_4094, %swap3A_4095], %swap3A_4098 {strides = array<i32>} : memref<1x256x512xf32, #tpu.memory_space<vmem>>, vector<1x16x512xf32>,
    %gt3A_4099 = arith.constant 0.356674939 : f32
    %gt3A_4100 = vector.broadcast %gt3A_4099 : f32 to vector<16x512xf32>
    %gt3A_4101 = arith.cmpf ogt, %select_n3A_4092, %gt3A_4100 : vector<16x512xf32>
    %get3A_4102 = arith.constant 0 : index
    %get3A_4103 = arith.constant 0 : index
    %get3A_4104 = memref.load %arg5[%get3A_4102, %get3A_4103] : memref<1x1xi32, #tpu.memory_space<smem>>
    %convert_element_type3A_4105 = arith.extui %gt3A_4101 : vector<16x512xi1> to vector<16x512xi32>
    %reduce_sum3A_4106 = vector.shape_cast %convert_element_type3A_4105 : vector<16x512xi32> to vector<1x16x512xi32>
    %reduce_sum3A_4107 = arith.constant dense<0> : vector<1xi32>
    %reduce_sum3A_4108 = vector.multi_reduction <add>, %reduce_sum3A_4106, %reduce_sum3A_4107 [1, 2] : vector<1x16x512xi32> to vector<1xi32>
    %reduce_sum3A_4109 = vector.shape_cast %reduce_sum3A_4108 : vector<1xi32> to vector<1x1x1xi32>
    %reduce_sum3A_4110 = vector.extract %reduce_sum3A_4109[0, 0, 0] : i32 from vector<1x1x1xi32>
    %add3A_4111 = arith.addi %get3A_4104, %reduce_sum3A_4110 : i32
    %swap3A_4112 = arith.constant 0 : index
    %swap3A_4113 = arith.constant 0 : index
    %swap3A_4114 = memref.load %arg5[%swap3A_4112, %swap3A_4113] : memref<1x1xi32, #tpu.memory_space<smem>>
    memref.store %add3A_4111, %arg5[%swap3A_4112, %swap3A_4113] : memref<1x1xi32, #tpu.memory_space<smem>>
    %get3A_4115 = arith.constant 0 : index
    %get3A_4116 = arith.constant 0 : index
    %get3A_4117 = memref.load %arg6[%get3A_4115, %get3A_4116] : memref<1x1xf32, #tpu.memory_space<smem>>
    %jit3A_4118 = arith.constant 0.000000e+00 : f32
    %broadcast_in_dim3A_4119 = vector.broadcast %jit3A_4118 : f32 to vector<16x512xf32>
    %select_n3A_4120 = arith.select %gt3A_4101, %select_n3A_4092, %broadcast_in_dim3A_4119 : vector<16x512xi1>, vector<16x512xf32>
    %reduce_sum3A_4121 = vector.shape_cast %select_n3A_4120 : vector<16x512xf32> to vector<1x16x512xf32>
    %reduce_sum3A_4122 = arith.constant dense<0.000000e+00> : vector<1xf32>
    %reduce_sum3A_4123 = vector.multi_reduction <add>, %reduce_sum3A_4121, %reduce_sum3A_4122 [1, 2] : vector<1x16x512xf32> to vector<1xf32>
    %reduce_sum3A_4124 = vector.shape_cast %reduce_sum3A_4123 : vector<1xf32> to vector<1x1x1xf32>
    %reduce_sum3A_4125 = vector.extract %reduce_sum3A_4124[0, 0, 0] : f32 from vector<1x1x1xf32>
    %add3A_4126 = arith.addf %get3A_4117, %reduce_sum3A_4125 : f32
    %swap3A_4127 = arith.constant 0 : index
    %swap3A_4128 = arith.constant 0 : index
    %swap3A_4129 = memref.load %arg6[%swap3A_4127, %swap3A_4128] : memref<1x1xf32, #tpu.memory_space<smem>>
    memref.store %add3A_4126, %arg6[%swap3A_4127, %swap3A_4128] : memref<1x1xf32, #tpu.memory_space<smem>>
    %get3A_4130 = arith.constant 0 : index
    %get3A_4131 = arith.constant 192 : index
    %get3A_4132 = arith.constant 0 : index
    %get3A_4133 = vector.load %arg3[%get3A_4130, %get3A_4131, %get3A_4132] : memref<1x256x512xi32, #tpu.memory_space<vmem>>, vector<1x16x512xi32>
    %get3A_4134 = vector.shape_cast %get3A_4133 : vector<1x16x512xi32> to vector<16x512xi32>
    %jit3A_4135 = arith.constant 0 : i32
    %jit3A_4136 = arith.constant 18 : i32
    %max3A_4137 = vector.broadcast %jit3A_4135 : i32 to vector<16x512xi32>
    %max3A_4138 = arith.maxsi %max3A_4137, %get3A_4134 : vector<16x512xi32>
    %min3A_4139 = vector.broadcast %jit3A_4136 : i32 to vector<16x512xi32>
    %min3A_4140 = arith.minsi %min3A_4139, %max3A_4138 : vector<16x512xi32>
    %broadcast_in_dim3A_4141 = arith.constant 0.000000e+00 : f32
    %broadcast_in_dim3A_4142 = vector.broadcast %broadcast_in_dim3A_4141 : f32 to vector<16x512xf32>
    %broadcast_in_dim3A_4143 = arith.constant 0.000000e+00 : f32
    %broadcast_in_dim3A_4144 = vector.broadcast %broadcast_in_dim3A_4143 : f32 to vector<16x512xf32>
    %get3A_4145 = arith.constant 0 : index
    %get3A_4146 = arith.constant 0 : index
    %get3A_4147 = arith.constant 192 : index
    %get3A_4148 = arith.constant 0 : index
    %get3A_4149 = vector.load %arg2[%get3A_4145, %get3A_4146, %get3A_4147, %get3A_4148] : memref<1x19x256x512xf32, #tpu.memory_space<vmem>>, vector<1x1x16x512xf32>
    %get3A_4150 = vector.shape_cast %get3A_4149 : vector<1x1x16x512xf32> to vector<16x512xf32>
    %exp3A_4151 = math.exp %get3A_4150 : vector<16x512xf32>
    %add3A_4152 = arith.addf %broadcast_in_dim3A_4142, %exp3A_4151 : vector<16x512xf32>
    %eq3A_4153 = arith.constant 0 : i32
    %eq3A_4154 = vector.broadcast %eq3A_4153 : i32 to vector<16x512xi32>
    %eq3A_4155 = arith.cmpi eq, %min3A_4140, %eq3A_4154 : vector<16x512xi32>
    %jit3A_4156 = arith.constant 0.000000e+00 : f32
    %broadcast_in_dim3A_4157 = vector.broadcast %jit3A_4156 : f32 to vector<16x512xf32>
    %select_n3A_4158 = arith.select %eq3A_4155, %get3A_4150, %broadcast_in_dim3A_4157 : vector<16x512xi1>, vector<16x512xf32>
    %add3A_4159 = arith.addf %broadcast_in_dim3A_4144, %select_n3A_4158 : vector<16x512xf32>
    %get3A_4160 = arith.constant 0 : index
    %get3A_4161 = arith.constant 1 : index
    %get3A_4162 = arith.constant 192 : index
    %get3A_4163 = arith.constant 0 : index
    %get3A_4164 = vector.load %arg2[%get3A_4160, %get3A_4161, %get3A_4162, %get3A_4163] : memref<1x19x256x512xf32, #tpu.memory_space<vmem>>, vector<1x1x16x512xf32>
    %get3A_4165 = vector.shape_cast %get3A_4164 : vector<1x1x16x512xf32> to vector<16x512xf32>
    %exp3A_4166 = math.exp %get3A_4165 : vector<16x512xf32>
    %add3A_4167 = arith.addf %add3A_4152, %exp3A_4166 : vector<16x512xf32>
    %eq3A_4168 = arith.constant 1 : i32
    %eq3A_4169 = vector.broadcast %eq3A_4168 : i32 to vector<16x512xi32>
    %eq3A_4170 = arith.cmpi eq, %min3A_4140, %eq3A_4169 : vector<16x512xi32>
    %jit3A_4171 = arith.constant 0.000000e+00 : f32
    %broadcast_in_dim3A_4172 = vector.broadcast %jit3A_4171 : f32 to vector<16x512xf32>
    %select_n3A_4173 = arith.select %eq3A_4170, %get3A_4165, %broadcast_in_dim3A_4172 : vector<16x512xi1>, vector<16x512xf32>
    %add3A_4174 = arith.addf %add3A_4159, %select_n3A_4173 : vector<16x512xf32>
    %get3A_4175 = arith.constant 0 : index
    %get3A_4176 = arith.constant 2 : index
    %get3A_4177 = arith.constant 192 : index
    %get3A_4178 = arith.constant 0 : index
    %get3A_4179 = vector.load %arg2[%get3A_4175, %get3A_4176, %get3A_4177, %get3A_4178] : memref<1x19x256x512xf32, #tpu.memory_space<vmem>>, vector<1x1x16x512xf32>
    %get3A_4180 = vector.shape_cast %get3A_4179 : vector<1x1x16x512xf32> to vector<16x512xf32>
    %exp3A_4181 = math.exp %get3A_4180 : vector<16x512xf32>
    %add3A_4182 = arith.addf %add3A_4167, %exp3A_4181 : vector<16x512xf32>
    %eq3A_4183 = arith.constant 2 : i32
    %eq3A_4184 = vector.broadcast %eq3A_4183 : i32 to vector<16x512xi32>
    %eq3A_4185 = arith.cmpi eq, %min3A_4140, %eq3A_4184 : vector<16x512xi32>
    %jit3A_4186 = arith.constant 0.000000e+00 : f32
    %broadcast_in_dim3A_4187 = vector.broadcast %jit3A_4186 : f32 to vector<16x512xf32>
    %select_n3A_4188 = arith.select %eq3A_4185, %get3A_4180, %broadcast_in_dim3A_4187 : vector<16x512xi1>, vector<16x512xf32>
    %add3A_4189 = arith.addf %add3A_4174, %select_n3A_4188 : vector<16x512xf32>
    %get3A_4190 = arith.constant 0 : index
    %get3A_4191 = arith.constant 3 : index
    %get3A_4192 = arith.constant 192 : index
    %get3A_4193 = arith.constant 0 : index
    %get3A_4194 = vector.load %arg2[%get3A_4190, %get3A_4191, %get3A_4192, %get3A_4193] : memref<1x19x256x512xf32, #tpu.memory_space<vmem>>, vector<1x1x16x512xf32>
    %get3A_4195 = vector.shape_cast %get3A_4194 : vector<1x1x16x512xf32> to vector<16x512xf32>
    %exp3A_4196 = math.exp %get3A_4195 : vector<16x512xf32>
    %add3A_4197 = arith.addf %add3A_4182, %exp3A_4196 : vector<16x512xf32>
    %eq3A_4198 = arith.constant 3 : i32
    %eq3A_4199 = vector.broadcast %eq3A_4198 : i32 to vector<16x512xi32>
    %eq3A_4200 = arith.cmpi eq, %min3A_4140, %eq3A_4199 : vector<16x512xi32>
    %jit3A_4201 = arith.constant 0.000000e+00 : f32
    %broadcast_in_dim3A_4202 = vector.broadcast %jit3A_4201 : f32 to vector<16x512xf32>
    %select_n3A_4203 = arith.select %eq3A_4200, %get3A_4195, %broadcast_in_dim3A_4202 : vector<16x512xi1>, vector<16x512xf32>
    %add3A_4204 = arith.addf %add3A_4189, %select_n3A_4203 : vector<16x512xf32>
    %get3A_4205 = arith.constant 0 : index
    %get3A_4206 = arith.constant 4 : index
    %get3A_4207 = arith.constant 192 : index
    %get3A_4208 = arith.constant 0 : index
    %get3A_4209 = vector.load %arg2[%get3A_4205, %get3A_4206, %get3A_4207, %get3A_4208] : memref<1x19x256x512xf32, #tpu.memory_space<vmem>>, vector<1x1x16x512xf32>
    %get3A_4210 = vector.shape_cast %get3A_4209 : vector<1x1x16x512xf32> to vector<16x512xf32>
    %exp3A_4211 = math.exp %get3A_4210 : vector<16x512xf32>
    %add3A_4212 = arith.addf %add3A_4197, %exp3A_4211 : vector<16x512xf32>
    %eq3A_4213 = arith.constant 4 : i32
    %eq3A_4214 = vector.broadcast %eq3A_4213 : i32 to vector<16x512xi32>
    %eq3A_4215 = arith.cmpi eq, %min3A_4140, %eq3A_4214 : vector<16x512xi32>
    %jit3A_4216 = arith.constant 0.000000e+00 : f32
    %broadcast_in_dim3A_4217 = vector.broadcast %jit3A_4216 : f32 to vector<16x512xf32>
    %select_n3A_4218 = arith.select %eq3A_4215, %get3A_4210, %broadcast_in_dim3A_4217 : vector<16x512xi1>, vector<16x512xf32>
    %add3A_4219 = arith.addf %add3A_4204, %select_n3A_4218 : vector<16x512xf32>
    %get3A_4220 = arith.constant 0 : index
    %get3A_4221 = arith.constant 5 : index
    %get3A_4222 = arith.constant 192 : index
    %get3A_4223 = arith.constant 0 : index
    %get3A_4224 = vector.load %arg2[%get3A_4220, %get3A_4221, %get3A_4222, %get3A_4223] : memref<1x19x256x512xf32, #tpu.memory_space<vmem>>, vector<1x1x16x512xf32>
    %get3A_4225 = vector.shape_cast %get3A_4224 : vector<1x1x16x512xf32> to vector<16x512xf32>
    %exp3A_4226 = math.exp %get3A_4225 : vector<16x512xf32>
    %add3A_4227 = arith.addf %add3A_4212, %exp3A_4226 : vector<16x512xf32>
    %eq3A_4228 = arith.constant 5 : i32
    %eq3A_4229 = vector.broadcast %eq3A_4228 : i32 to vector<16x512xi32>
    %eq3A_4230 = arith.cmpi eq, %min3A_4140, %eq3A_4229 : vector<16x512xi32>
    %jit3A_4231 = arith.constant 0.000000e+00 : f32
    %broadcast_in_dim3A_4232 = vector.broadcast %jit3A_4231 : f32 to vector<16x512xf32>
    %select_n3A_4233 = arith.select %eq3A_4230, %get3A_4225, %broadcast_in_dim3A_4232 : vector<16x512xi1>, vector<16x512xf32>
    %add3A_4234 = arith.addf %add3A_4219, %select_n3A_4233 : vector<16x512xf32>
    %get3A_4235 = arith.constant 0 : index
    %get3A_4236 = arith.constant 6 : index
    %get3A_4237 = arith.constant 192 : index
    %get3A_4238 = arith.constant 0 : index
    %get3A_4239 = vector.load %arg2[%get3A_4235, %get3A_4236, %get3A_4237, %get3A_4238] : memref<1x19x256x512xf32, #tpu.memory_space<vmem>>, vector<1x1x16x512xf32>
    %get3A_4240 = vector.shape_cast %get3A_4239 : vector<1x1x16x512xf32> to vector<16x512xf32>
    %exp3A_4241 = math.exp %get3A_4240 : vector<16x512xf32>
    %add3A_4242 = arith.addf %add3A_4227, %exp3A_4241 : vector<16x512xf32>
    %eq3A_4243 = arith.constant 6 : i32
    %eq3A_4244 = vector.broadcast %eq3A_4243 : i32 to vector<16x512xi32>
    %eq3A_4245 = arith.cmpi eq, %min3A_4140, %eq3A_4244 : vector<16x512xi32>
    %jit3A_4246 = arith.constant 0.000000e+00 : f32
    %broadcast_in_dim3A_4247 = vector.broadcast %jit3A_4246 : f32 to vector<16x512xf32>
    %select_n3A_4248 = arith.select %eq3A_4245, %get3A_4240, %broadcast_in_dim3A_4247 : vector<16x512xi1>, vector<16x512xf32>
    %add3A_4249 = arith.addf %add3A_4234, %select_n3A_4248 : vector<16x512xf32>
    %get3A_4250 = arith.constant 0 : index
    %get3A_4251 = arith.constant 7 : index
    %get3A_4252 = arith.constant 192 : index
    %get3A_4253 = arith.constant 0 : index
    %get3A_4254 = vector.load %arg2[%get3A_4250, %get3A_4251, %get3A_4252, %get3A_4253] : memref<1x19x256x512xf32, #tpu.memory_space<vmem>>, vector<1x1x16x512xf32>
    %get3A_4255 = vector.shape_cast %get3A_4254 : vector<1x1x16x512xf32> to vector<16x512xf32>
    %exp3A_4256 = math.exp %get3A_4255 : vector<16x512xf32>
    %add3A_4257 = arith.addf %add3A_4242, %exp3A_4256 : vector<16x512xf32>
    %eq3A_4258 = arith.constant 7 : i32
    %eq3A_4259 = vector.broadcast %eq3A_4258 : i32 to vector<16x512xi32>
    %eq3A_4260 = arith.cmpi eq, %min3A_4140, %eq3A_4259 : vector<16x512xi32>
    %jit3A_4261 = arith.constant 0.000000e+00 : f32
    %broadcast_in_dim3A_4262 = vector.broadcast %jit3A_4261 : f32 to vector<16x512xf32>
    %select_n3A_4263 = arith.select %eq3A_4260, %get3A_4255, %broadcast_in_dim3A_4262 : vector<16x512xi1>, vector<16x512xf32>
    %add3A_4264 = arith.addf %add3A_4249, %select_n3A_4263 : vector<16x512xf32>
    %get3A_4265 = arith.constant 0 : index
    %get3A_4266 = arith.constant 8 : index
    %get3A_4267 = arith.constant 192 : index
    %get3A_4268 = arith.constant 0 : index
    %get3A_4269 = vector.load %arg2[%get3A_4265, %get3A_4266, %get3A_4267, %get3A_4268] : memref<1x19x256x512xf32, #tpu.memory_space<vmem>>, vector<1x1x16x512xf32>
    %get3A_4270 = vector.shape_cast %get3A_4269 : vector<1x1x16x512xf32> to vector<16x512xf32>
    %exp3A_4271 = math.exp %get3A_4270 : vector<16x512xf32>
    %add3A_4272 = arith.addf %add3A_4257, %exp3A_4271 : vector<16x512xf32>
    %eq3A_4273 = arith.constant 8 : i32
    %eq3A_4274 = vector.broadcast %eq3A_4273 : i32 to vector<16x512xi32>
    %eq3A_4275 = arith.cmpi eq, %min3A_4140, %eq3A_4274 : vector<16x512xi32>
    %jit3A_4276 = arith.constant 0.000000e+00 : f32
    %broadcast_in_dim3A_4277 = vector.broadcast %jit3A_4276 : f32 to vector<16x512xf32>
    %select_n3A_4278 = arith.select %eq3A_4275, %get3A_4270, %broadcast_in_dim3A_4277 : vector<16x512xi1>, vector<16x512xf32>
    %add3A_4279 = arith.addf %add3A_4264, %select_n3A_4278 : vector<16x512xf32>
    %get3A_4280 = arith.constant 0 : index
    %get3A_4281 = arith.constant 9 : index
    %get3A_4282 = arith.constant 192 : index
    %get3A_4283 = arith.constant 0 : index
    %get3A_4284 = vector.load %arg2[%get3A_4280, %get3A_4281, %get3A_4282, %get3A_4283] : memref<1x19x256x512xf32, #tpu.memory_space<vmem>>, vector<1x1x16x512xf32>
    %get3A_4285 = vector.shape_cast %get3A_4284 : vector<1x1x16x512xf32> to vector<16x512xf32>
    %exp3A_4286 = math.exp %get3A_4285 : vector<16x512xf32>
    %add3A_4287 = arith.addf %add3A_4272, %exp3A_4286 : vector<16x512xf32>
    %eq3A_4288 = arith.constant 9 : i32
    %eq3A_4289 = vector.broadcast %eq3A_4288 : i32 to vector<16x512xi32>
    %eq3A_4290 = arith.cmpi eq, %min3A_4140, %eq3A_4289 : vector<16x512xi32>
    %jit3A_4291 = arith.constant 0.000000e+00 : f32
    %broadcast_in_dim3A_4292 = vector.broadcast %jit3A_4291 : f32 to vector<16x512xf32>
    %select_n3A_4293 = arith.select %eq3A_4290, %get3A_4285, %broadcast_in_dim3A_4292 : vector<16x512xi1>, vector<16x512xf32>
    %add3A_4294 = arith.addf %add3A_4279, %select_n3A_4293 : vector<16x512xf32>
    %get3A_4295 = arith.constant 0 : index
    %get3A_4296 = arith.constant 10 : index
    %get3A_4297 = arith.constant 192 : index
    %get3A_4298 = arith.constant 0 : index
    %get3A_4299 = vector.load %arg2[%get3A_4295, %get3A_4296, %get3A_4297, %get3A_4298] : memref<1x19x256x512xf32, #tpu.memory_space<vmem>>, vector<1x1x16x512xf32>
    %get3A_4300 = vector.shape_cast %get3A_4299 : vector<1x1x16x512xf32> to vector<16x512xf32>
    %exp3A_4301 = math.exp %get3A_4300 : vector<16x512xf32>
    %add3A_4302 = arith.addf %add3A_4287, %exp3A_4301 : vector<16x512xf32>
    %eq3A_4303 = arith.constant 10 : i32
    %eq3A_4304 = vector.broadcast %eq3A_4303 : i32 to vector<16x512xi32>
    %eq3A_4305 = arith.cmpi eq, %min3A_4140, %eq3A_4304 : vector<16x512xi32>
    %jit3A_4306 = arith.constant 0.000000e+00 : f32
    %broadcast_in_dim3A_4307 = vector.broadcast %jit3A_4306 : f32 to vector<16x512xf32>
    %select_n3A_4308 = arith.select %eq3A_4305, %get3A_4300, %broadcast_in_dim3A_4307 : vector<16x512xi1>, vector<16x512xf32>
    %add3A_4309 = arith.addf %add3A_4294, %select_n3A_4308 : vector<16x512xf32>
    %get3A_4310 = arith.constant 0 : index
    %get3A_4311 = arith.constant 11 : index
    %get3A_4312 = arith.constant 192 : index
    %get3A_4313 = arith.constant 0 : index
    %get3A_4314 = vector.load %arg2[%get3A_4310, %get3A_4311, %get3A_4312, %get3A_4313] : memref<1x19x256x512xf32, #tpu.memory_space<vmem>>, vector<1x1x16x512xf32>
    %get3A_4315 = vector.shape_cast %get3A_4314 : vector<1x1x16x512xf32> to vector<16x512xf32>
    %exp3A_4316 = math.exp %get3A_4315 : vector<16x512xf32>
    %add3A_4317 = arith.addf %add3A_4302, %exp3A_4316 : vector<16x512xf32>
    %eq3A_4318 = arith.constant 11 : i32
    %eq3A_4319 = vector.broadcast %eq3A_4318 : i32 to vector<16x512xi32>
    %eq3A_4320 = arith.cmpi eq, %min3A_4140, %eq3A_4319 : vector<16x512xi32>
    %jit3A_4321 = arith.constant 0.000000e+00 : f32
    %broadcast_in_dim3A_4322 = vector.broadcast %jit3A_4321 : f32 to vector<16x512xf32>
    %select_n3A_4323 = arith.select %eq3A_4320, %get3A_4315, %broadcast_in_dim3A_4322 : vector<16x512xi1>, vector<16x512xf32>
    %add3A_4324 = arith.addf %add3A_4309, %select_n3A_4323 : vector<16x512xf32>
    %get3A_4325 = arith.constant 0 : index
    %get3A_4326 = arith.constant 12 : index
    %get3A_4327 = arith.constant 192 : index
    %get3A_4328 = arith.constant 0 : index
    %get3A_4329 = vector.load %arg2[%get3A_4325, %get3A_4326, %get3A_4327, %get3A_4328] : memref<1x19x256x512xf32, #tpu.memory_space<vmem>>, vector<1x1x16x512xf32>
    %get3A_4330 = vector.shape_cast %get3A_4329 : vector<1x1x16x512xf32> to vector<16x512xf32>
    %exp3A_4331 = math.exp %get3A_4330 : vector<16x512xf32>
    %add3A_4332 = arith.addf %add3A_4317, %exp3A_4331 : vector<16x512xf32>
    %eq3A_4333 = arith.constant 12 : i32
    %eq3A_4334 = vector.broadcast %eq3A_4333 : i32 to vector<16x512xi32>
    %eq3A_4335 = arith.cmpi eq, %min3A_4140, %eq3A_4334 : vector<16x512xi32>
    %jit3A_4336 = arith.constant 0.000000e+00 : f32
    %broadcast_in_dim3A_4337 = vector.broadcast %jit3A_4336 : f32 to vector<16x512xf32>
    %select_n3A_4338 = arith.select %eq3A_4335, %get3A_4330, %broadcast_in_dim3A_4337 : vector<16x512xi1>, vector<16x512xf32>
    %add3A_4339 = arith.addf %add3A_4324, %select_n3A_4338 : vector<16x512xf32>
    %get3A_4340 = arith.constant 0 : index
    %get3A_4341 = arith.constant 13 : index
    %get3A_4342 = arith.constant 192 : index
    %get3A_4343 = arith.constant 0 : index
    %get3A_4344 = vector.load %arg2[%get3A_4340, %get3A_4341, %get3A_4342, %get3A_4343] : memref<1x19x256x512xf32, #tpu.memory_space<vmem>>, vector<1x1x16x512xf32>
    %get3A_4345 = vector.shape_cast %get3A_4344 : vector<1x1x16x512xf32> to vector<16x512xf32>
    %exp3A_4346 = math.exp %get3A_4345 : vector<16x512xf32>
    %add3A_4347 = arith.addf %add3A_4332, %exp3A_4346 : vector<16x512xf32>
    %eq3A_4348 = arith.constant 13 : i32
    %eq3A_4349 = vector.broadcast %eq3A_4348 : i32 to vector<16x512xi32>
    %eq3A_4350 = arith.cmpi eq, %min3A_4140, %eq3A_4349 : vector<16x512xi32>
    %jit3A_4351 = arith.constant 0.000000e+00 : f32
    %broadcast_in_dim3A_4352 = vector.broadcast %jit3A_4351 : f32 to vector<16x512xf32>
    %select_n3A_4353 = arith.select %eq3A_4350, %get3A_4345, %broadcast_in_dim3A_4352 : vector<16x512xi1>, vector<16x512xf32>
    %add3A_4354 = arith.addf %add3A_4339, %select_n3A_4353 : vector<16x512xf32>
    %get3A_4355 = arith.constant 0 : index
    %get3A_4356 = arith.constant 14 : index
    %get3A_4357 = arith.constant 192 : index
    %get3A_4358 = arith.constant 0 : index
    %get3A_4359 = vector.load %arg2[%get3A_4355, %get3A_4356, %get3A_4357, %get3A_4358] : memref<1x19x256x512xf32, #tpu.memory_space<vmem>>, vector<1x1x16x512xf32>
    %get3A_4360 = vector.shape_cast %get3A_4359 : vector<1x1x16x512xf32> to vector<16x512xf32>
    %exp3A_4361 = math.exp %get3A_4360 : vector<16x512xf32>
    %add3A_4362 = arith.addf %add3A_4347, %exp3A_4361 : vector<16x512xf32>
    %eq3A_4363 = arith.constant 14 : i32
    %eq3A_4364 = vector.broadcast %eq3A_4363 : i32 to vector<16x512xi32>
    %eq3A_4365 = arith.cmpi eq, %min3A_4140, %eq3A_4364 : vector<16x512xi32>
    %jit3A_4366 = arith.constant 0.000000e+00 : f32
    %broadcast_in_dim3A_4367 = vector.broadcast %jit3A_4366 : f32 to vector<16x512xf32>
    %select_n3A_4368 = arith.select %eq3A_4365, %get3A_4360, %broadcast_in_dim3A_4367 : vector<16x512xi1>, vector<16x512xf32>
    %add3A_4369 = arith.addf %add3A_4354, %select_n3A_4368 : vector<16x512xf32>
    %get3A_4370 = arith.constant 0 : index
    %get3A_4371 = arith.constant 15 : index
    %get3A_4372 = arith.constant 192 : index
    %get3A_4373 = arith.constant 0 : index
    %get3A_4374 = vector.load %arg2[%get3A_4370, %get3A_4371, %get3A_4372, %get3A_4373] : memref<1x19x256x512xf32, #tpu.memory_space<vmem>>, vector<1x1x16x512xf32>
    %get3A_4375 = vector.shape_cast %get3A_4374 : vector<1x1x16x512xf32> to vector<16x512xf32>
    %exp3A_4376 = math.exp %get3A_4375 : vector<16x512xf32>
    %add3A_4377 = arith.addf %add3A_4362, %exp3A_4376 : vector<16x512xf32>
    %eq3A_4378 = arith.constant 15 : i32
    %eq3A_4379 = vector.broadcast %eq3A_4378 : i32 to vector<16x512xi32>
    %eq3A_4380 = arith.cmpi eq, %min3A_4140, %eq3A_4379 : vector<16x512xi32>
    %jit3A_4381 = arith.constant 0.000000e+00 : f32
    %broadcast_in_dim3A_4382 = vector.broadcast %jit3A_4381 : f32 to vector<16x512xf32>
    %select_n3A_4383 = arith.select %eq3A_4380, %get3A_4375, %broadcast_in_dim3A_4382 : vector<16x512xi1>, vector<16x512xf32>
    %add3A_4384 = arith.addf %add3A_4369, %select_n3A_4383 : vector<16x512xf32>
    %get3A_4385 = arith.constant 0 : index
    %get3A_4386 = arith.constant 16 : index
    %get3A_4387 = arith.constant 192 : index
    %get3A_4388 = arith.constant 0 : index
    %get3A_4389 = vector.load %arg2[%get3A_4385, %get3A_4386, %get3A_4387, %get3A_4388] : memref<1x19x256x512xf32, #tpu.memory_space<vmem>>, vector<1x1x16x512xf32>
    %get3A_4390 = vector.shape_cast %get3A_4389 : vector<1x1x16x512xf32> to vector<16x512xf32>
    %exp3A_4391 = math.exp %get3A_4390 : vector<16x512xf32>
    %add3A_4392 = arith.addf %add3A_4377, %exp3A_4391 : vector<16x512xf32>
    %eq3A_4393 = arith.constant 16 : i32
    %eq3A_4394 = vector.broadcast %eq3A_4393 : i32 to vector<16x512xi32>
    %eq3A_4395 = arith.cmpi eq, %min3A_4140, %eq3A_4394 : vector<16x512xi32>
    %jit3A_4396 = arith.constant 0.000000e+00 : f32
    %broadcast_in_dim3A_4397 = vector.broadcast %jit3A_4396 : f32 to vector<16x512xf32>
    %select_n3A_4398 = arith.select %eq3A_4395, %get3A_4390, %broadcast_in_dim3A_4397 : vector<16x512xi1>, vector<16x512xf32>
    %add3A_4399 = arith.addf %add3A_4384, %select_n3A_4398 : vector<16x512xf32>
    %get3A_4400 = arith.constant 0 : index
    %get3A_4401 = arith.constant 17 : index
    %get3A_4402 = arith.constant 192 : index
    %get3A_4403 = arith.constant 0 : index
    %get3A_4404 = vector.load %arg2[%get3A_4400, %get3A_4401, %get3A_4402, %get3A_4403] : memref<1x19x256x512xf32, #tpu.memory_space<vmem>>, vector<1x1x16x512xf32>
    %get3A_4405 = vector.shape_cast %get3A_4404 : vector<1x1x16x512xf32> to vector<16x512xf32>
    %exp3A_4406 = math.exp %get3A_4405 : vector<16x512xf32>
    %add3A_4407 = arith.addf %add3A_4392, %exp3A_4406 : vector<16x512xf32>
    %eq3A_4408 = arith.constant 17 : i32
    %eq3A_4409 = vector.broadcast %eq3A_4408 : i32 to vector<16x512xi32>
    %eq3A_4410 = arith.cmpi eq, %min3A_4140, %eq3A_4409 : vector<16x512xi32>
    %jit3A_4411 = arith.constant 0.000000e+00 : f32
    %broadcast_in_dim3A_4412 = vector.broadcast %jit3A_4411 : f32 to vector<16x512xf32>
    %select_n3A_4413 = arith.select %eq3A_4410, %get3A_4405, %broadcast_in_dim3A_4412 : vector<16x512xi1>, vector<16x512xf32>
    %add3A_4414 = arith.addf %add3A_4399, %select_n3A_4413 : vector<16x512xf32>
    %get3A_4415 = arith.constant 0 : index
    %get3A_4416 = arith.constant 18 : index
    %get3A_4417 = arith.constant 192 : index
    %get3A_4418 = arith.constant 0 : index
    %get3A_4419 = vector.load %arg2[%get3A_4415, %get3A_4416, %get3A_4417, %get3A_4418] : memref<1x19x256x512xf32, #tpu.memory_space<vmem>>, vector<1x1x16x512xf32>
    %get3A_4420 = vector.shape_cast %get3A_4419 : vector<1x1x16x512xf32> to vector<16x512xf32>
    %exp3A_4421 = math.exp %get3A_4420 : vector<16x512xf32>
    %add3A_4422 = arith.addf %add3A_4407, %exp3A_4421 : vector<16x512xf32>
    %eq3A_4423 = arith.constant 18 : i32
    %eq3A_4424 = vector.broadcast %eq3A_4423 : i32 to vector<16x512xi32>
    %eq3A_4425 = arith.cmpi eq, %min3A_4140, %eq3A_4424 : vector<16x512xi32>
    %jit3A_4426 = arith.constant 0.000000e+00 : f32
    %broadcast_in_dim3A_4427 = vector.broadcast %jit3A_4426 : f32 to vector<16x512xf32>
    %select_n3A_4428 = arith.select %eq3A_4425, %get3A_4420, %broadcast_in_dim3A_4427 : vector<16x512xi1>, vector<16x512xf32>
    %add3A_4429 = arith.addf %add3A_4414, %select_n3A_4428 : vector<16x512xf32>
    %log3A_4430 = math.log %add3A_4422 : vector<16x512xf32>
    %sub3A_4431 = arith.subf %log3A_4430, %add3A_4429 : vector<16x512xf32>
    %ne3A_4432 = arith.constant 255 : i32
    %ne3A_4433 = vector.broadcast %ne3A_4432 : i32 to vector<16x512xi32>
    %ne3A_4434 = arith.cmpi ne, %get3A_4134, %ne3A_4433 : vector<16x512xi32>
    %jit3A_4435 = arith.constant 0.000000e+00 : f32
    %broadcast_in_dim3A_4436 = vector.broadcast %jit3A_4435 : f32 to vector<16x512xf32>
    %select_n3A_4437 = arith.select %ne3A_4434, %sub3A_4431, %broadcast_in_dim3A_4436 : vector<16x512xi1>, vector<16x512xf32>
    %swap3A_4438 = arith.constant 0 : index
    %swap3A_4439 = arith.constant 192 : index
    %swap3A_4440 = arith.constant 0 : index
    %swap3A_4441 = vector.load %arg4[%swap3A_4438, %swap3A_4439, %swap3A_4440] : memref<1x256x512xf32, #tpu.memory_space<vmem>>, vector<1x16x512xf32>
    %swap3A_4442 = vector.shape_cast %swap3A_4441 : vector<1x16x512xf32> to vector<16x512xf32>
    %swap3A_4443 = vector.shape_cast %select_n3A_4437 : vector<16x512xf32> to vector<1x16x512xf32>
    tpu.vector_store %arg4[%swap3A_4438, %swap3A_4439, %swap3A_4440], %swap3A_4443 {strides = array<i32>} : memref<1x256x512xf32, #tpu.memory_space<vmem>>, vector<1x16x512xf32>,
    %gt3A_4444 = arith.constant 0.356674939 : f32
    %gt3A_4445 = vector.broadcast %gt3A_4444 : f32 to vector<16x512xf32>
    %gt3A_4446 = arith.cmpf ogt, %select_n3A_4437, %gt3A_4445 : vector<16x512xf32>
    %get3A_4447 = arith.constant 0 : index
    %get3A_4448 = arith.constant 0 : index
    %get3A_4449 = memref.load %arg5[%get3A_4447, %get3A_4448] : memref<1x1xi32, #tpu.memory_space<smem>>
    %convert_element_type3A_4450 = arith.extui %gt3A_4446 : vector<16x512xi1> to vector<16x512xi32>
    %reduce_sum3A_4451 = vector.shape_cast %convert_element_type3A_4450 : vector<16x512xi32> to vector<1x16x512xi32>
    %reduce_sum3A_4452 = arith.constant dense<0> : vector<1xi32>
    %reduce_sum3A_4453 = vector.multi_reduction <add>, %reduce_sum3A_4451, %reduce_sum3A_4452 [1, 2] : vector<1x16x512xi32> to vector<1xi32>
    %reduce_sum3A_4454 = vector.shape_cast %reduce_sum3A_4453 : vector<1xi32> to vector<1x1x1xi32>
    %reduce_sum3A_4455 = vector.extract %reduce_sum3A_4454[0, 0, 0] : i32 from vector<1x1x1xi32>
    %add3A_4456 = arith.addi %get3A_4449, %reduce_sum3A_4455 : i32
    %swap3A_4457 = arith.constant 0 : index
    %swap3A_4458 = arith.constant 0 : index
    %swap3A_4459 = memref.load %arg5[%swap3A_4457, %swap3A_4458] : memref<1x1xi32, #tpu.memory_space<smem>>
    memref.store %add3A_4456, %arg5[%swap3A_4457, %swap3A_4458] : memref<1x1xi32, #tpu.memory_space<smem>>
    %get3A_4460 = arith.constant 0 : index
    %get3A_4461 = arith.constant 0 : index
    %get3A_4462 = memref.load %arg6[%get3A_4460, %get3A_4461] : memref<1x1xf32, #tpu.memory_space<smem>>
    %jit3A_4463 = arith.constant 0.000000e+00 : f32
    %broadcast_in_dim3A_4464 = vector.broadcast %jit3A_4463 : f32 to vector<16x512xf32>
    %select_n3A_4465 = arith.select %gt3A_4446, %select_n3A_4437, %broadcast_in_dim3A_4464 : vector<16x512xi1>, vector<16x512xf32>
    %reduce_sum3A_4466 = vector.shape_cast %select_n3A_4465 : vector<16x512xf32> to vector<1x16x512xf32>
    %reduce_sum3A_4467 = arith.constant dense<0.000000e+00> : vector<1xf32>
    %reduce_sum3A_4468 = vector.multi_reduction <add>, %reduce_sum3A_4466, %reduce_sum3A_4467 [1, 2] : vector<1x16x512xf32> to vector<1xf32>
    %reduce_sum3A_4469 = vector.shape_cast %reduce_sum3A_4468 : vector<1xf32> to vector<1x1x1xf32>
    %reduce_sum3A_4470 = vector.extract %reduce_sum3A_4469[0, 0, 0] : f32 from vector<1x1x1xf32>
    %add3A_4471 = arith.addf %get3A_4462, %reduce_sum3A_4470 : f32
    %swap3A_4472 = arith.constant 0 : index
    %swap3A_4473 = arith.constant 0 : index
    %swap3A_4474 = memref.load %arg6[%swap3A_4472, %swap3A_4473] : memref<1x1xf32, #tpu.memory_space<smem>>
    memref.store %add3A_4471, %arg6[%swap3A_4472, %swap3A_4473] : memref<1x1xf32, #tpu.memory_space<smem>>
    %get3A_4475 = arith.constant 0 : index
    %get3A_4476 = arith.constant 208 : index
    %get3A_4477 = arith.constant 0 : index
    %get3A_4478 = vector.load %arg3[%get3A_4475, %get3A_4476, %get3A_4477] : memref<1x256x512xi32, #tpu.memory_space<vmem>>, vector<1x16x512xi32>
    %get3A_4479 = vector.shape_cast %get3A_4478 : vector<1x16x512xi32> to vector<16x512xi32>
    %jit3A_4480 = arith.constant 0 : i32
    %jit3A_4481 = arith.constant 18 : i32
    %max3A_4482 = vector.broadcast %jit3A_4480 : i32 to vector<16x512xi32>
    %max3A_4483 = arith.maxsi %max3A_4482, %get3A_4479 : vector<16x512xi32>
    %min3A_4484 = vector.broadcast %jit3A_4481 : i32 to vector<16x512xi32>
    %min3A_4485 = arith.minsi %min3A_4484, %max3A_4483 : vector<16x512xi32>
    %broadcast_in_dim3A_4486 = arith.constant 0.000000e+00 : f32
    %broadcast_in_dim3A_4487 = vector.broadcast %broadcast_in_dim3A_4486 : f32 to vector<16x512xf32>
    %broadcast_in_dim3A_4488 = arith.constant 0.000000e+00 : f32
    %broadcast_in_dim3A_4489 = vector.broadcast %broadcast_in_dim3A_4488 : f32 to vector<16x512xf32>
    %get3A_4490 = arith.constant 0 : index
    %get3A_4491 = arith.constant 0 : index
    %get3A_4492 = arith.constant 208 : index
    %get3A_4493 = arith.constant 0 : index
    %get3A_4494 = vector.load %arg2[%get3A_4490, %get3A_4491, %get3A_4492, %get3A_4493] : memref<1x19x256x512xf32, #tpu.memory_space<vmem>>, vector<1x1x16x512xf32>
    %get3A_4495 = vector.shape_cast %get3A_4494 : vector<1x1x16x512xf32> to vector<16x512xf32>
    %exp3A_4496 = math.exp %get3A_4495 : vector<16x512xf32>
    %add3A_4497 = arith.addf %broadcast_in_dim3A_4487, %exp3A_4496 : vector<16x512xf32>
    %eq3A_4498 = arith.constant 0 : i32
    %eq3A_4499 = vector.broadcast %eq3A_4498 : i32 to vector<16x512xi32>
    %eq3A_4500 = arith.cmpi eq, %min3A_4485, %eq3A_4499 : vector<16x512xi32>
    %jit3A_4501 = arith.constant 0.000000e+00 : f32
    %broadcast_in_dim3A_4502 = vector.broadcast %jit3A_4501 : f32 to vector<16x512xf32>
    %select_n3A_4503 = arith.select %eq3A_4500, %get3A_4495, %broadcast_in_dim3A_4502 : vector<16x512xi1>, vector<16x512xf32>
    %add3A_4504 = arith.addf %broadcast_in_dim3A_4489, %select_n3A_4503 : vector<16x512xf32>
    %get3A_4505 = arith.constant 0 : index
    %get3A_4506 = arith.constant 1 : index
    %get3A_4507 = arith.constant 208 : index
    %get3A_4508 = arith.constant 0 : index
    %get3A_4509 = vector.load %arg2[%get3A_4505, %get3A_4506, %get3A_4507, %get3A_4508] : memref<1x19x256x512xf32, #tpu.memory_space<vmem>>, vector<1x1x16x512xf32>
    %get3A_4510 = vector.shape_cast %get3A_4509 : vector<1x1x16x512xf32> to vector<16x512xf32>
    %exp3A_4511 = math.exp %get3A_4510 : vector<16x512xf32>
    %add3A_4512 = arith.addf %add3A_4497, %exp3A_4511 : vector<16x512xf32>
    %eq3A_4513 = arith.constant 1 : i32
    %eq3A_4514 = vector.broadcast %eq3A_4513 : i32 to vector<16x512xi32>
    %eq3A_4515 = arith.cmpi eq, %min3A_4485, %eq3A_4514 : vector<16x512xi32>
    %jit3A_4516 = arith.constant 0.000000e+00 : f32
    %broadcast_in_dim3A_4517 = vector.broadcast %jit3A_4516 : f32 to vector<16x512xf32>
    %select_n3A_4518 = arith.select %eq3A_4515, %get3A_4510, %broadcast_in_dim3A_4517 : vector<16x512xi1>, vector<16x512xf32>
    %add3A_4519 = arith.addf %add3A_4504, %select_n3A_4518 : vector<16x512xf32>
    %get3A_4520 = arith.constant 0 : index
    %get3A_4521 = arith.constant 2 : index
    %get3A_4522 = arith.constant 208 : index
    %get3A_4523 = arith.constant 0 : index
    %get3A_4524 = vector.load %arg2[%get3A_4520, %get3A_4521, %get3A_4522, %get3A_4523] : memref<1x19x256x512xf32, #tpu.memory_space<vmem>>, vector<1x1x16x512xf32>
    %get3A_4525 = vector.shape_cast %get3A_4524 : vector<1x1x16x512xf32> to vector<16x512xf32>
    %exp3A_4526 = math.exp %get3A_4525 : vector<16x512xf32>
    %add3A_4527 = arith.addf %add3A_4512, %exp3A_4526 : vector<16x512xf32>
    %eq3A_4528 = arith.constant 2 : i32
    %eq3A_4529 = vector.broadcast %eq3A_4528 : i32 to vector<16x512xi32>
    %eq3A_4530 = arith.cmpi eq, %min3A_4485, %eq3A_4529 : vector<16x512xi32>
    %jit3A_4531 = arith.constant 0.000000e+00 : f32
    %broadcast_in_dim3A_4532 = vector.broadcast %jit3A_4531 : f32 to vector<16x512xf32>
    %select_n3A_4533 = arith.select %eq3A_4530, %get3A_4525, %broadcast_in_dim3A_4532 : vector<16x512xi1>, vector<16x512xf32>
    %add3A_4534 = arith.addf %add3A_4519, %select_n3A_4533 : vector<16x512xf32>
    %get3A_4535 = arith.constant 0 : index
    %get3A_4536 = arith.constant 3 : index
    %get3A_4537 = arith.constant 208 : index
    %get3A_4538 = arith.constant 0 : index
    %get3A_4539 = vector.load %arg2[%get3A_4535, %get3A_4536, %get3A_4537, %get3A_4538] : memref<1x19x256x512xf32, #tpu.memory_space<vmem>>, vector<1x1x16x512xf32>
    %get3A_4540 = vector.shape_cast %get3A_4539 : vector<1x1x16x512xf32> to vector<16x512xf32>
    %exp3A_4541 = math.exp %get3A_4540 : vector<16x512xf32>
    %add3A_4542 = arith.addf %add3A_4527, %exp3A_4541 : vector<16x512xf32>
    %eq3A_4543 = arith.constant 3 : i32
    %eq3A_4544 = vector.broadcast %eq3A_4543 : i32 to vector<16x512xi32>
    %eq3A_4545 = arith.cmpi eq, %min3A_4485, %eq3A_4544 : vector<16x512xi32>
    %jit3A_4546 = arith.constant 0.000000e+00 : f32
    %broadcast_in_dim3A_4547 = vector.broadcast %jit3A_4546 : f32 to vector<16x512xf32>
    %select_n3A_4548 = arith.select %eq3A_4545, %get3A_4540, %broadcast_in_dim3A_4547 : vector<16x512xi1>, vector<16x512xf32>
    %add3A_4549 = arith.addf %add3A_4534, %select_n3A_4548 : vector<16x512xf32>
    %get3A_4550 = arith.constant 0 : index
    %get3A_4551 = arith.constant 4 : index
    %get3A_4552 = arith.constant 208 : index
    %get3A_4553 = arith.constant 0 : index
    %get3A_4554 = vector.load %arg2[%get3A_4550, %get3A_4551, %get3A_4552, %get3A_4553] : memref<1x19x256x512xf32, #tpu.memory_space<vmem>>, vector<1x1x16x512xf32>
    %get3A_4555 = vector.shape_cast %get3A_4554 : vector<1x1x16x512xf32> to vector<16x512xf32>
    %exp3A_4556 = math.exp %get3A_4555 : vector<16x512xf32>
    %add3A_4557 = arith.addf %add3A_4542, %exp3A_4556 : vector<16x512xf32>
    %eq3A_4558 = arith.constant 4 : i32
    %eq3A_4559 = vector.broadcast %eq3A_4558 : i32 to vector<16x512xi32>
    %eq3A_4560 = arith.cmpi eq, %min3A_4485, %eq3A_4559 : vector<16x512xi32>
    %jit3A_4561 = arith.constant 0.000000e+00 : f32
    %broadcast_in_dim3A_4562 = vector.broadcast %jit3A_4561 : f32 to vector<16x512xf32>
    %select_n3A_4563 = arith.select %eq3A_4560, %get3A_4555, %broadcast_in_dim3A_4562 : vector<16x512xi1>, vector<16x512xf32>
    %add3A_4564 = arith.addf %add3A_4549, %select_n3A_4563 : vector<16x512xf32>
    %get3A_4565 = arith.constant 0 : index
    %get3A_4566 = arith.constant 5 : index
    %get3A_4567 = arith.constant 208 : index
    %get3A_4568 = arith.constant 0 : index
    %get3A_4569 = vector.load %arg2[%get3A_4565, %get3A_4566, %get3A_4567, %get3A_4568] : memref<1x19x256x512xf32, #tpu.memory_space<vmem>>, vector<1x1x16x512xf32>
    %get3A_4570 = vector.shape_cast %get3A_4569 : vector<1x1x16x512xf32> to vector<16x512xf32>
    %exp3A_4571 = math.exp %get3A_4570 : vector<16x512xf32>
    %add3A_4572 = arith.addf %add3A_4557, %exp3A_4571 : vector<16x512xf32>
    %eq3A_4573 = arith.constant 5 : i32
    %eq3A_4574 = vector.broadcast %eq3A_4573 : i32 to vector<16x512xi32>
    %eq3A_4575 = arith.cmpi eq, %min3A_4485, %eq3A_4574 : vector<16x512xi32>
    %jit3A_4576 = arith.constant 0.000000e+00 : f32
    %broadcast_in_dim3A_4577 = vector.broadcast %jit3A_4576 : f32 to vector<16x512xf32>
    %select_n3A_4578 = arith.select %eq3A_4575, %get3A_4570, %broadcast_in_dim3A_4577 : vector<16x512xi1>, vector<16x512xf32>
    %add3A_4579 = arith.addf %add3A_4564, %select_n3A_4578 : vector<16x512xf32>
    %get3A_4580 = arith.constant 0 : index
    %get3A_4581 = arith.constant 6 : index
    %get3A_4582 = arith.constant 208 : index
    %get3A_4583 = arith.constant 0 : index
    %get3A_4584 = vector.load %arg2[%get3A_4580, %get3A_4581, %get3A_4582, %get3A_4583] : memref<1x19x256x512xf32, #tpu.memory_space<vmem>>, vector<1x1x16x512xf32>
    %get3A_4585 = vector.shape_cast %get3A_4584 : vector<1x1x16x512xf32> to vector<16x512xf32>
    %exp3A_4586 = math.exp %get3A_4585 : vector<16x512xf32>
    %add3A_4587 = arith.addf %add3A_4572, %exp3A_4586 : vector<16x512xf32>
    %eq3A_4588 = arith.constant 6 : i32
    %eq3A_4589 = vector.broadcast %eq3A_4588 : i32 to vector<16x512xi32>
    %eq3A_4590 = arith.cmpi eq, %min3A_4485, %eq3A_4589 : vector<16x512xi32>
    %jit3A_4591 = arith.constant 0.000000e+00 : f32
    %broadcast_in_dim3A_4592 = vector.broadcast %jit3A_4591 : f32 to vector<16x512xf32>
    %select_n3A_4593 = arith.select %eq3A_4590, %get3A_4585, %broadcast_in_dim3A_4592 : vector<16x512xi1>, vector<16x512xf32>
    %add3A_4594 = arith.addf %add3A_4579, %select_n3A_4593 : vector<16x512xf32>
    %get3A_4595 = arith.constant 0 : index
    %get3A_4596 = arith.constant 7 : index
    %get3A_4597 = arith.constant 208 : index
    %get3A_4598 = arith.constant 0 : index
    %get3A_4599 = vector.load %arg2[%get3A_4595, %get3A_4596, %get3A_4597, %get3A_4598] : memref<1x19x256x512xf32, #tpu.memory_space<vmem>>, vector<1x1x16x512xf32>
    %get3A_4600 = vector.shape_cast %get3A_4599 : vector<1x1x16x512xf32> to vector<16x512xf32>
    %exp3A_4601 = math.exp %get3A_4600 : vector<16x512xf32>
    %add3A_4602 = arith.addf %add3A_4587, %exp3A_4601 : vector<16x512xf32>
    %eq3A_4603 = arith.constant 7 : i32
    %eq3A_4604 = vector.broadcast %eq3A_4603 : i32 to vector<16x512xi32>
    %eq3A_4605 = arith.cmpi eq, %min3A_4485, %eq3A_4604 : vector<16x512xi32>
    %jit3A_4606 = arith.constant 0.000000e+00 : f32
    %broadcast_in_dim3A_4607 = vector.broadcast %jit3A_4606 : f32 to vector<16x512xf32>
    %select_n3A_4608 = arith.select %eq3A_4605, %get3A_4600, %broadcast_in_dim3A_4607 : vector<16x512xi1>, vector<16x512xf32>
    %add3A_4609 = arith.addf %add3A_4594, %select_n3A_4608 : vector<16x512xf32>
    %get3A_4610 = arith.constant 0 : index
    %get3A_4611 = arith.constant 8 : index
    %get3A_4612 = arith.constant 208 : index
    %get3A_4613 = arith.constant 0 : index
    %get3A_4614 = vector.load %arg2[%get3A_4610, %get3A_4611, %get3A_4612, %get3A_4613] : memref<1x19x256x512xf32, #tpu.memory_space<vmem>>, vector<1x1x16x512xf32>
    %get3A_4615 = vector.shape_cast %get3A_4614 : vector<1x1x16x512xf32> to vector<16x512xf32>
    %exp3A_4616 = math.exp %get3A_4615 : vector<16x512xf32>
    %add3A_4617 = arith.addf %add3A_4602, %exp3A_4616 : vector<16x512xf32>
    %eq3A_4618 = arith.constant 8 : i32
    %eq3A_4619 = vector.broadcast %eq3A_4618 : i32 to vector<16x512xi32>
    %eq3A_4620 = arith.cmpi eq, %min3A_4485, %eq3A_4619 : vector<16x512xi32>
    %jit3A_4621 = arith.constant 0.000000e+00 : f32
    %broadcast_in_dim3A_4622 = vector.broadcast %jit3A_4621 : f32 to vector<16x512xf32>
    %select_n3A_4623 = arith.select %eq3A_4620, %get3A_4615, %broadcast_in_dim3A_4622 : vector<16x512xi1>, vector<16x512xf32>
    %add3A_4624 = arith.addf %add3A_4609, %select_n3A_4623 : vector<16x512xf32>
    %get3A_4625 = arith.constant 0 : index
    %get3A_4626 = arith.constant 9 : index
    %get3A_4627 = arith.constant 208 : index
    %get3A_4628 = arith.constant 0 : index
    %get3A_4629 = vector.load %arg2[%get3A_4625, %get3A_4626, %get3A_4627, %get3A_4628] : memref<1x19x256x512xf32, #tpu.memory_space<vmem>>, vector<1x1x16x512xf32>
    %get3A_4630 = vector.shape_cast %get3A_4629 : vector<1x1x16x512xf32> to vector<16x512xf32>
    %exp3A_4631 = math.exp %get3A_4630 : vector<16x512xf32>
    %add3A_4632 = arith.addf %add3A_4617, %exp3A_4631 : vector<16x512xf32>
    %eq3A_4633 = arith.constant 9 : i32
    %eq3A_4634 = vector.broadcast %eq3A_4633 : i32 to vector<16x512xi32>
    %eq3A_4635 = arith.cmpi eq, %min3A_4485, %eq3A_4634 : vector<16x512xi32>
    %jit3A_4636 = arith.constant 0.000000e+00 : f32
    %broadcast_in_dim3A_4637 = vector.broadcast %jit3A_4636 : f32 to vector<16x512xf32>
    %select_n3A_4638 = arith.select %eq3A_4635, %get3A_4630, %broadcast_in_dim3A_4637 : vector<16x512xi1>, vector<16x512xf32>
    %add3A_4639 = arith.addf %add3A_4624, %select_n3A_4638 : vector<16x512xf32>
    %get3A_4640 = arith.constant 0 : index
    %get3A_4641 = arith.constant 10 : index
    %get3A_4642 = arith.constant 208 : index
    %get3A_4643 = arith.constant 0 : index
    %get3A_4644 = vector.load %arg2[%get3A_4640, %get3A_4641, %get3A_4642, %get3A_4643] : memref<1x19x256x512xf32, #tpu.memory_space<vmem>>, vector<1x1x16x512xf32>
    %get3A_4645 = vector.shape_cast %get3A_4644 : vector<1x1x16x512xf32> to vector<16x512xf32>
    %exp3A_4646 = math.exp %get3A_4645 : vector<16x512xf32>
    %add3A_4647 = arith.addf %add3A_4632, %exp3A_4646 : vector<16x512xf32>
    %eq3A_4648 = arith.constant 10 : i32
    %eq3A_4649 = vector.broadcast %eq3A_4648 : i32 to vector<16x512xi32>
    %eq3A_4650 = arith.cmpi eq, %min3A_4485, %eq3A_4649 : vector<16x512xi32>
    %jit3A_4651 = arith.constant 0.000000e+00 : f32
    %broadcast_in_dim3A_4652 = vector.broadcast %jit3A_4651 : f32 to vector<16x512xf32>
    %select_n3A_4653 = arith.select %eq3A_4650, %get3A_4645, %broadcast_in_dim3A_4652 : vector<16x512xi1>, vector<16x512xf32>
    %add3A_4654 = arith.addf %add3A_4639, %select_n3A_4653 : vector<16x512xf32>
    %get3A_4655 = arith.constant 0 : index
    %get3A_4656 = arith.constant 11 : index
    %get3A_4657 = arith.constant 208 : index
    %get3A_4658 = arith.constant 0 : index
    %get3A_4659 = vector.load %arg2[%get3A_4655, %get3A_4656, %get3A_4657, %get3A_4658] : memref<1x19x256x512xf32, #tpu.memory_space<vmem>>, vector<1x1x16x512xf32>
    %get3A_4660 = vector.shape_cast %get3A_4659 : vector<1x1x16x512xf32> to vector<16x512xf32>
    %exp3A_4661 = math.exp %get3A_4660 : vector<16x512xf32>
    %add3A_4662 = arith.addf %add3A_4647, %exp3A_4661 : vector<16x512xf32>
    %eq3A_4663 = arith.constant 11 : i32
    %eq3A_4664 = vector.broadcast %eq3A_4663 : i32 to vector<16x512xi32>
    %eq3A_4665 = arith.cmpi eq, %min3A_4485, %eq3A_4664 : vector<16x512xi32>
    %jit3A_4666 = arith.constant 0.000000e+00 : f32
    %broadcast_in_dim3A_4667 = vector.broadcast %jit3A_4666 : f32 to vector<16x512xf32>
    %select_n3A_4668 = arith.select %eq3A_4665, %get3A_4660, %broadcast_in_dim3A_4667 : vector<16x512xi1>, vector<16x512xf32>
    %add3A_4669 = arith.addf %add3A_4654, %select_n3A_4668 : vector<16x512xf32>
    %get3A_4670 = arith.constant 0 : index
    %get3A_4671 = arith.constant 12 : index
    %get3A_4672 = arith.constant 208 : index
    %get3A_4673 = arith.constant 0 : index
    %get3A_4674 = vector.load %arg2[%get3A_4670, %get3A_4671, %get3A_4672, %get3A_4673] : memref<1x19x256x512xf32, #tpu.memory_space<vmem>>, vector<1x1x16x512xf32>
    %get3A_4675 = vector.shape_cast %get3A_4674 : vector<1x1x16x512xf32> to vector<16x512xf32>
    %exp3A_4676 = math.exp %get3A_4675 : vector<16x512xf32>
    %add3A_4677 = arith.addf %add3A_4662, %exp3A_4676 : vector<16x512xf32>
    %eq3A_4678 = arith.constant 12 : i32
    %eq3A_4679 = vector.broadcast %eq3A_4678 : i32 to vector<16x512xi32>
    %eq3A_4680 = arith.cmpi eq, %min3A_4485, %eq3A_4679 : vector<16x512xi32>
    %jit3A_4681 = arith.constant 0.000000e+00 : f32
    %broadcast_in_dim3A_4682 = vector.broadcast %jit3A_4681 : f32 to vector<16x512xf32>
    %select_n3A_4683 = arith.select %eq3A_4680, %get3A_4675, %broadcast_in_dim3A_4682 : vector<16x512xi1>, vector<16x512xf32>
    %add3A_4684 = arith.addf %add3A_4669, %select_n3A_4683 : vector<16x512xf32>
    %get3A_4685 = arith.constant 0 : index
    %get3A_4686 = arith.constant 13 : index
    %get3A_4687 = arith.constant 208 : index
    %get3A_4688 = arith.constant 0 : index
    %get3A_4689 = vector.load %arg2[%get3A_4685, %get3A_4686, %get3A_4687, %get3A_4688] : memref<1x19x256x512xf32, #tpu.memory_space<vmem>>, vector<1x1x16x512xf32>
    %get3A_4690 = vector.shape_cast %get3A_4689 : vector<1x1x16x512xf32> to vector<16x512xf32>
    %exp3A_4691 = math.exp %get3A_4690 : vector<16x512xf32>
    %add3A_4692 = arith.addf %add3A_4677, %exp3A_4691 : vector<16x512xf32>
    %eq3A_4693 = arith.constant 13 : i32
    %eq3A_4694 = vector.broadcast %eq3A_4693 : i32 to vector<16x512xi32>
    %eq3A_4695 = arith.cmpi eq, %min3A_4485, %eq3A_4694 : vector<16x512xi32>
    %jit3A_4696 = arith.constant 0.000000e+00 : f32
    %broadcast_in_dim3A_4697 = vector.broadcast %jit3A_4696 : f32 to vector<16x512xf32>
    %select_n3A_4698 = arith.select %eq3A_4695, %get3A_4690, %broadcast_in_dim3A_4697 : vector<16x512xi1>, vector<16x512xf32>
    %add3A_4699 = arith.addf %add3A_4684, %select_n3A_4698 : vector<16x512xf32>
    %get3A_4700 = arith.constant 0 : index
    %get3A_4701 = arith.constant 14 : index
    %get3A_4702 = arith.constant 208 : index
    %get3A_4703 = arith.constant 0 : index
    %get3A_4704 = vector.load %arg2[%get3A_4700, %get3A_4701, %get3A_4702, %get3A_4703] : memref<1x19x256x512xf32, #tpu.memory_space<vmem>>, vector<1x1x16x512xf32>
    %get3A_4705 = vector.shape_cast %get3A_4704 : vector<1x1x16x512xf32> to vector<16x512xf32>
    %exp3A_4706 = math.exp %get3A_4705 : vector<16x512xf32>
    %add3A_4707 = arith.addf %add3A_4692, %exp3A_4706 : vector<16x512xf32>
    %eq3A_4708 = arith.constant 14 : i32
    %eq3A_4709 = vector.broadcast %eq3A_4708 : i32 to vector<16x512xi32>
    %eq3A_4710 = arith.cmpi eq, %min3A_4485, %eq3A_4709 : vector<16x512xi32>
    %jit3A_4711 = arith.constant 0.000000e+00 : f32
    %broadcast_in_dim3A_4712 = vector.broadcast %jit3A_4711 : f32 to vector<16x512xf32>
    %select_n3A_4713 = arith.select %eq3A_4710, %get3A_4705, %broadcast_in_dim3A_4712 : vector<16x512xi1>, vector<16x512xf32>
    %add3A_4714 = arith.addf %add3A_4699, %select_n3A_4713 : vector<16x512xf32>
    %get3A_4715 = arith.constant 0 : index
    %get3A_4716 = arith.constant 15 : index
    %get3A_4717 = arith.constant 208 : index
    %get3A_4718 = arith.constant 0 : index
    %get3A_4719 = vector.load %arg2[%get3A_4715, %get3A_4716, %get3A_4717, %get3A_4718] : memref<1x19x256x512xf32, #tpu.memory_space<vmem>>, vector<1x1x16x512xf32>
    %get3A_4720 = vector.shape_cast %get3A_4719 : vector<1x1x16x512xf32> to vector<16x512xf32>
    %exp3A_4721 = math.exp %get3A_4720 : vector<16x512xf32>
    %add3A_4722 = arith.addf %add3A_4707, %exp3A_4721 : vector<16x512xf32>
    %eq3A_4723 = arith.constant 15 : i32
    %eq3A_4724 = vector.broadcast %eq3A_4723 : i32 to vector<16x512xi32>
    %eq3A_4725 = arith.cmpi eq, %min3A_4485, %eq3A_4724 : vector<16x512xi32>
    %jit3A_4726 = arith.constant 0.000000e+00 : f32
    %broadcast_in_dim3A_4727 = vector.broadcast %jit3A_4726 : f32 to vector<16x512xf32>
    %select_n3A_4728 = arith.select %eq3A_4725, %get3A_4720, %broadcast_in_dim3A_4727 : vector<16x512xi1>, vector<16x512xf32>
    %add3A_4729 = arith.addf %add3A_4714, %select_n3A_4728 : vector<16x512xf32>
    %get3A_4730 = arith.constant 0 : index
    %get3A_4731 = arith.constant 16 : index
    %get3A_4732 = arith.constant 208 : index
    %get3A_4733 = arith.constant 0 : index
    %get3A_4734 = vector.load %arg2[%get3A_4730, %get3A_4731, %get3A_4732, %get3A_4733] : memref<1x19x256x512xf32, #tpu.memory_space<vmem>>, vector<1x1x16x512xf32>
    %get3A_4735 = vector.shape_cast %get3A_4734 : vector<1x1x16x512xf32> to vector<16x512xf32>
    %exp3A_4736 = math.exp %get3A_4735 : vector<16x512xf32>
    %add3A_4737 = arith.addf %add3A_4722, %exp3A_4736 : vector<16x512xf32>
    %eq3A_4738 = arith.constant 16 : i32
    %eq3A_4739 = vector.broadcast %eq3A_4738 : i32 to vector<16x512xi32>
    %eq3A_4740 = arith.cmpi eq, %min3A_4485, %eq3A_4739 : vector<16x512xi32>
    %jit3A_4741 = arith.constant 0.000000e+00 : f32
    %broadcast_in_dim3A_4742 = vector.broadcast %jit3A_4741 : f32 to vector<16x512xf32>
    %select_n3A_4743 = arith.select %eq3A_4740, %get3A_4735, %broadcast_in_dim3A_4742 : vector<16x512xi1>, vector<16x512xf32>
    %add3A_4744 = arith.addf %add3A_4729, %select_n3A_4743 : vector<16x512xf32>
    %get3A_4745 = arith.constant 0 : index
    %get3A_4746 = arith.constant 17 : index
    %get3A_4747 = arith.constant 208 : index
    %get3A_4748 = arith.constant 0 : index
    %get3A_4749 = vector.load %arg2[%get3A_4745, %get3A_4746, %get3A_4747, %get3A_4748] : memref<1x19x256x512xf32, #tpu.memory_space<vmem>>, vector<1x1x16x512xf32>
    %get3A_4750 = vector.shape_cast %get3A_4749 : vector<1x1x16x512xf32> to vector<16x512xf32>
    %exp3A_4751 = math.exp %get3A_4750 : vector<16x512xf32>
    %add3A_4752 = arith.addf %add3A_4737, %exp3A_4751 : vector<16x512xf32>
    %eq3A_4753 = arith.constant 17 : i32
    %eq3A_4754 = vector.broadcast %eq3A_4753 : i32 to vector<16x512xi32>
    %eq3A_4755 = arith.cmpi eq, %min3A_4485, %eq3A_4754 : vector<16x512xi32>
    %jit3A_4756 = arith.constant 0.000000e+00 : f32
    %broadcast_in_dim3A_4757 = vector.broadcast %jit3A_4756 : f32 to vector<16x512xf32>
    %select_n3A_4758 = arith.select %eq3A_4755, %get3A_4750, %broadcast_in_dim3A_4757 : vector<16x512xi1>, vector<16x512xf32>
    %add3A_4759 = arith.addf %add3A_4744, %select_n3A_4758 : vector<16x512xf32>
    %get3A_4760 = arith.constant 0 : index
    %get3A_4761 = arith.constant 18 : index
    %get3A_4762 = arith.constant 208 : index
    %get3A_4763 = arith.constant 0 : index
    %get3A_4764 = vector.load %arg2[%get3A_4760, %get3A_4761, %get3A_4762, %get3A_4763] : memref<1x19x256x512xf32, #tpu.memory_space<vmem>>, vector<1x1x16x512xf32>
    %get3A_4765 = vector.shape_cast %get3A_4764 : vector<1x1x16x512xf32> to vector<16x512xf32>
    %exp3A_4766 = math.exp %get3A_4765 : vector<16x512xf32>
    %add3A_4767 = arith.addf %add3A_4752, %exp3A_4766 : vector<16x512xf32>
    %eq3A_4768 = arith.constant 18 : i32
    %eq3A_4769 = vector.broadcast %eq3A_4768 : i32 to vector<16x512xi32>
    %eq3A_4770 = arith.cmpi eq, %min3A_4485, %eq3A_4769 : vector<16x512xi32>
    %jit3A_4771 = arith.constant 0.000000e+00 : f32
    %broadcast_in_dim3A_4772 = vector.broadcast %jit3A_4771 : f32 to vector<16x512xf32>
    %select_n3A_4773 = arith.select %eq3A_4770, %get3A_4765, %broadcast_in_dim3A_4772 : vector<16x512xi1>, vector<16x512xf32>
    %add3A_4774 = arith.addf %add3A_4759, %select_n3A_4773 : vector<16x512xf32>
    %log3A_4775 = math.log %add3A_4767 : vector<16x512xf32>
    %sub3A_4776 = arith.subf %log3A_4775, %add3A_4774 : vector<16x512xf32>
    %ne3A_4777 = arith.constant 255 : i32
    %ne3A_4778 = vector.broadcast %ne3A_4777 : i32 to vector<16x512xi32>
    %ne3A_4779 = arith.cmpi ne, %get3A_4479, %ne3A_4778 : vector<16x512xi32>
    %jit3A_4780 = arith.constant 0.000000e+00 : f32
    %broadcast_in_dim3A_4781 = vector.broadcast %jit3A_4780 : f32 to vector<16x512xf32>
    %select_n3A_4782 = arith.select %ne3A_4779, %sub3A_4776, %broadcast_in_dim3A_4781 : vector<16x512xi1>, vector<16x512xf32>
    %swap3A_4783 = arith.constant 0 : index
    %swap3A_4784 = arith.constant 208 : index
    %swap3A_4785 = arith.constant 0 : index
    %swap3A_4786 = vector.load %arg4[%swap3A_4783, %swap3A_4784, %swap3A_4785] : memref<1x256x512xf32, #tpu.memory_space<vmem>>, vector<1x16x512xf32>
    %swap3A_4787 = vector.shape_cast %swap3A_4786 : vector<1x16x512xf32> to vector<16x512xf32>
    %swap3A_4788 = vector.shape_cast %select_n3A_4782 : vector<16x512xf32> to vector<1x16x512xf32>
    tpu.vector_store %arg4[%swap3A_4783, %swap3A_4784, %swap3A_4785], %swap3A_4788 {strides = array<i32>} : memref<1x256x512xf32, #tpu.memory_space<vmem>>, vector<1x16x512xf32>,
    %gt3A_4789 = arith.constant 0.356674939 : f32
    %gt3A_4790 = vector.broadcast %gt3A_4789 : f32 to vector<16x512xf32>
    %gt3A_4791 = arith.cmpf ogt, %select_n3A_4782, %gt3A_4790 : vector<16x512xf32>
    %get3A_4792 = arith.constant 0 : index
    %get3A_4793 = arith.constant 0 : index
    %get3A_4794 = memref.load %arg5[%get3A_4792, %get3A_4793] : memref<1x1xi32, #tpu.memory_space<smem>>
    %convert_element_type3A_4795 = arith.extui %gt3A_4791 : vector<16x512xi1> to vector<16x512xi32>
    %reduce_sum3A_4796 = vector.shape_cast %convert_element_type3A_4795 : vector<16x512xi32> to vector<1x16x512xi32>
    %reduce_sum3A_4797 = arith.constant dense<0> : vector<1xi32>
    %reduce_sum3A_4798 = vector.multi_reduction <add>, %reduce_sum3A_4796, %reduce_sum3A_4797 [1, 2] : vector<1x16x512xi32> to vector<1xi32>
    %reduce_sum3A_4799 = vector.shape_cast %reduce_sum3A_4798 : vector<1xi32> to vector<1x1x1xi32>
    %reduce_sum3A_4800 = vector.extract %reduce_sum3A_4799[0, 0, 0] : i32 from vector<1x1x1xi32>
    %add3A_4801 = arith.addi %get3A_4794, %reduce_sum3A_4800 : i32
    %swap3A_4802 = arith.constant 0 : index
    %swap3A_4803 = arith.constant 0 : index
    %swap3A_4804 = memref.load %arg5[%swap3A_4802, %swap3A_4803] : memref<1x1xi32, #tpu.memory_space<smem>>
    memref.store %add3A_4801, %arg5[%swap3A_4802, %swap3A_4803] : memref<1x1xi32, #tpu.memory_space<smem>>
    %get3A_4805 = arith.constant 0 : index
    %get3A_4806 = arith.constant 0 : index
    %get3A_4807 = memref.load %arg6[%get3A_4805, %get3A_4806] : memref<1x1xf32, #tpu.memory_space<smem>>
    %jit3A_4808 = arith.constant 0.000000e+00 : f32
    %broadcast_in_dim3A_4809 = vector.broadcast %jit3A_4808 : f32 to vector<16x512xf32>
    %select_n3A_4810 = arith.select %gt3A_4791, %select_n3A_4782, %broadcast_in_dim3A_4809 : vector<16x512xi1>, vector<16x512xf32>
    %reduce_sum3A_4811 = vector.shape_cast %select_n3A_4810 : vector<16x512xf32> to vector<1x16x512xf32>
    %reduce_sum3A_4812 = arith.constant dense<0.000000e+00> : vector<1xf32>
    %reduce_sum3A_4813 = vector.multi_reduction <add>, %reduce_sum3A_4811, %reduce_sum3A_4812 [1, 2] : vector<1x16x512xf32> to vector<1xf32>
    %reduce_sum3A_4814 = vector.shape_cast %reduce_sum3A_4813 : vector<1xf32> to vector<1x1x1xf32>
    %reduce_sum3A_4815 = vector.extract %reduce_sum3A_4814[0, 0, 0] : f32 from vector<1x1x1xf32>
    %add3A_4816 = arith.addf %get3A_4807, %reduce_sum3A_4815 : f32
    %swap3A_4817 = arith.constant 0 : index
    %swap3A_4818 = arith.constant 0 : index
    %swap3A_4819 = memref.load %arg6[%swap3A_4817, %swap3A_4818] : memref<1x1xf32, #tpu.memory_space<smem>>
    memref.store %add3A_4816, %arg6[%swap3A_4817, %swap3A_4818] : memref<1x1xf32, #tpu.memory_space<smem>>
    %get3A_4820 = arith.constant 0 : index
    %get3A_4821 = arith.constant 224 : index
    %get3A_4822 = arith.constant 0 : index
    %get3A_4823 = vector.load %arg3[%get3A_4820, %get3A_4821, %get3A_4822] : memref<1x256x512xi32, #tpu.memory_space<vmem>>, vector<1x16x512xi32>
    %get3A_4824 = vector.shape_cast %get3A_4823 : vector<1x16x512xi32> to vector<16x512xi32>
    %jit3A_4825 = arith.constant 0 : i32
    %jit3A_4826 = arith.constant 18 : i32
    %max3A_4827 = vector.broadcast %jit3A_4825 : i32 to vector<16x512xi32>
    %max3A_4828 = arith.maxsi %max3A_4827, %get3A_4824 : vector<16x512xi32>
    %min3A_4829 = vector.broadcast %jit3A_4826 : i32 to vector<16x512xi32>
    %min3A_4830 = arith.minsi %min3A_4829, %max3A_4828 : vector<16x512xi32>
    %broadcast_in_dim3A_4831 = arith.constant 0.000000e+00 : f32
    %broadcast_in_dim3A_4832 = vector.broadcast %broadcast_in_dim3A_4831 : f32 to vector<16x512xf32>
    %broadcast_in_dim3A_4833 = arith.constant 0.000000e+00 : f32
    %broadcast_in_dim3A_4834 = vector.broadcast %broadcast_in_dim3A_4833 : f32 to vector<16x512xf32>
    %get3A_4835 = arith.constant 0 : index
    %get3A_4836 = arith.constant 0 : index
    %get3A_4837 = arith.constant 224 : index
    %get3A_4838 = arith.constant 0 : index
    %get3A_4839 = vector.load %arg2[%get3A_4835, %get3A_4836, %get3A_4837, %get3A_4838] : memref<1x19x256x512xf32, #tpu.memory_space<vmem>>, vector<1x1x16x512xf32>
    %get3A_4840 = vector.shape_cast %get3A_4839 : vector<1x1x16x512xf32> to vector<16x512xf32>
    %exp3A_4841 = math.exp %get3A_4840 : vector<16x512xf32>
    %add3A_4842 = arith.addf %broadcast_in_dim3A_4832, %exp3A_4841 : vector<16x512xf32>
    %eq3A_4843 = arith.constant 0 : i32
    %eq3A_4844 = vector.broadcast %eq3A_4843 : i32 to vector<16x512xi32>
    %eq3A_4845 = arith.cmpi eq, %min3A_4830, %eq3A_4844 : vector<16x512xi32>
    %jit3A_4846 = arith.constant 0.000000e+00 : f32
    %broadcast_in_dim3A_4847 = vector.broadcast %jit3A_4846 : f32 to vector<16x512xf32>
    %select_n3A_4848 = arith.select %eq3A_4845, %get3A_4840, %broadcast_in_dim3A_4847 : vector<16x512xi1>, vector<16x512xf32>
    %add3A_4849 = arith.addf %broadcast_in_dim3A_4834, %select_n3A_4848 : vector<16x512xf32>
    %get3A_4850 = arith.constant 0 : index
    %get3A_4851 = arith.constant 1 : index
    %get3A_4852 = arith.constant 224 : index
    %get3A_4853 = arith.constant 0 : index
    %get3A_4854 = vector.load %arg2[%get3A_4850, %get3A_4851, %get3A_4852, %get3A_4853] : memref<1x19x256x512xf32, #tpu.memory_space<vmem>>, vector<1x1x16x512xf32>
    %get3A_4855 = vector.shape_cast %get3A_4854 : vector<1x1x16x512xf32> to vector<16x512xf32>
    %exp3A_4856 = math.exp %get3A_4855 : vector<16x512xf32>
    %add3A_4857 = arith.addf %add3A_4842, %exp3A_4856 : vector<16x512xf32>
    %eq3A_4858 = arith.constant 1 : i32
    %eq3A_4859 = vector.broadcast %eq3A_4858 : i32 to vector<16x512xi32>
    %eq3A_4860 = arith.cmpi eq, %min3A_4830, %eq3A_4859 : vector<16x512xi32>
    %jit3A_4861 = arith.constant 0.000000e+00 : f32
    %broadcast_in_dim3A_4862 = vector.broadcast %jit3A_4861 : f32 to vector<16x512xf32>
    %select_n3A_4863 = arith.select %eq3A_4860, %get3A_4855, %broadcast_in_dim3A_4862 : vector<16x512xi1>, vector<16x512xf32>
    %add3A_4864 = arith.addf %add3A_4849, %select_n3A_4863 : vector<16x512xf32>
    %get3A_4865 = arith.constant 0 : index
    %get3A_4866 = arith.constant 2 : index
    %get3A_4867 = arith.constant 224 : index
    %get3A_4868 = arith.constant 0 : index
    %get3A_4869 = vector.load %arg2[%get3A_4865, %get3A_4866, %get3A_4867, %get3A_4868] : memref<1x19x256x512xf32, #tpu.memory_space<vmem>>, vector<1x1x16x512xf32>
    %get3A_4870 = vector.shape_cast %get3A_4869 : vector<1x1x16x512xf32> to vector<16x512xf32>
    %exp3A_4871 = math.exp %get3A_4870 : vector<16x512xf32>
    %add3A_4872 = arith.addf %add3A_4857, %exp3A_4871 : vector<16x512xf32>
    %eq3A_4873 = arith.constant 2 : i32
    %eq3A_4874 = vector.broadcast %eq3A_4873 : i32 to vector<16x512xi32>
    %eq3A_4875 = arith.cmpi eq, %min3A_4830, %eq3A_4874 : vector<16x512xi32>
    %jit3A_4876 = arith.constant 0.000000e+00 : f32
    %broadcast_in_dim3A_4877 = vector.broadcast %jit3A_4876 : f32 to vector<16x512xf32>
    %select_n3A_4878 = arith.select %eq3A_4875, %get3A_4870, %broadcast_in_dim3A_4877 : vector<16x512xi1>, vector<16x512xf32>
    %add3A_4879 = arith.addf %add3A_4864, %select_n3A_4878 : vector<16x512xf32>
    %get3A_4880 = arith.constant 0 : index
    %get3A_4881 = arith.constant 3 : index
    %get3A_4882 = arith.constant 224 : index
    %get3A_4883 = arith.constant 0 : index
    %get3A_4884 = vector.load %arg2[%get3A_4880, %get3A_4881, %get3A_4882, %get3A_4883] : memref<1x19x256x512xf32, #tpu.memory_space<vmem>>, vector<1x1x16x512xf32>
    %get3A_4885 = vector.shape_cast %get3A_4884 : vector<1x1x16x512xf32> to vector<16x512xf32>
    %exp3A_4886 = math.exp %get3A_4885 : vector<16x512xf32>
    %add3A_4887 = arith.addf %add3A_4872, %exp3A_4886 : vector<16x512xf32>
    %eq3A_4888 = arith.constant 3 : i32
    %eq3A_4889 = vector.broadcast %eq3A_4888 : i32 to vector<16x512xi32>
    %eq3A_4890 = arith.cmpi eq, %min3A_4830, %eq3A_4889 : vector<16x512xi32>
    %jit3A_4891 = arith.constant 0.000000e+00 : f32
    %broadcast_in_dim3A_4892 = vector.broadcast %jit3A_4891 : f32 to vector<16x512xf32>
    %select_n3A_4893 = arith.select %eq3A_4890, %get3A_4885, %broadcast_in_dim3A_4892 : vector<16x512xi1>, vector<16x512xf32>
    %add3A_4894 = arith.addf %add3A_4879, %select_n3A_4893 : vector<16x512xf32>
    %get3A_4895 = arith.constant 0 : index
    %get3A_4896 = arith.constant 4 : index
    %get3A_4897 = arith.constant 224 : index
    %get3A_4898 = arith.constant 0 : index
    %get3A_4899 = vector.load %arg2[%get3A_4895, %get3A_4896, %get3A_4897, %get3A_4898] : memref<1x19x256x512xf32, #tpu.memory_space<vmem>>, vector<1x1x16x512xf32>
    %get3A_4900 = vector.shape_cast %get3A_4899 : vector<1x1x16x512xf32> to vector<16x512xf32>
    %exp3A_4901 = math.exp %get3A_4900 : vector<16x512xf32>
    %add3A_4902 = arith.addf %add3A_4887, %exp3A_4901 : vector<16x512xf32>
    %eq3A_4903 = arith.constant 4 : i32
    %eq3A_4904 = vector.broadcast %eq3A_4903 : i32 to vector<16x512xi32>
    %eq3A_4905 = arith.cmpi eq, %min3A_4830, %eq3A_4904 : vector<16x512xi32>
    %jit3A_4906 = arith.constant 0.000000e+00 : f32
    %broadcast_in_dim3A_4907 = vector.broadcast %jit3A_4906 : f32 to vector<16x512xf32>
    %select_n3A_4908 = arith.select %eq3A_4905, %get3A_4900, %broadcast_in_dim3A_4907 : vector<16x512xi1>, vector<16x512xf32>
    %add3A_4909 = arith.addf %add3A_4894, %select_n3A_4908 : vector<16x512xf32>
    %get3A_4910 = arith.constant 0 : index
    %get3A_4911 = arith.constant 5 : index
    %get3A_4912 = arith.constant 224 : index
    %get3A_4913 = arith.constant 0 : index
    %get3A_4914 = vector.load %arg2[%get3A_4910, %get3A_4911, %get3A_4912, %get3A_4913] : memref<1x19x256x512xf32, #tpu.memory_space<vmem>>, vector<1x1x16x512xf32>
    %get3A_4915 = vector.shape_cast %get3A_4914 : vector<1x1x16x512xf32> to vector<16x512xf32>
    %exp3A_4916 = math.exp %get3A_4915 : vector<16x512xf32>
    %add3A_4917 = arith.addf %add3A_4902, %exp3A_4916 : vector<16x512xf32>
    %eq3A_4918 = arith.constant 5 : i32
    %eq3A_4919 = vector.broadcast %eq3A_4918 : i32 to vector<16x512xi32>
    %eq3A_4920 = arith.cmpi eq, %min3A_4830, %eq3A_4919 : vector<16x512xi32>
    %jit3A_4921 = arith.constant 0.000000e+00 : f32
    %broadcast_in_dim3A_4922 = vector.broadcast %jit3A_4921 : f32 to vector<16x512xf32>
    %select_n3A_4923 = arith.select %eq3A_4920, %get3A_4915, %broadcast_in_dim3A_4922 : vector<16x512xi1>, vector<16x512xf32>
    %add3A_4924 = arith.addf %add3A_4909, %select_n3A_4923 : vector<16x512xf32>
    %get3A_4925 = arith.constant 0 : index
    %get3A_4926 = arith.constant 6 : index
    %get3A_4927 = arith.constant 224 : index
    %get3A_4928 = arith.constant 0 : index
    %get3A_4929 = vector.load %arg2[%get3A_4925, %get3A_4926, %get3A_4927, %get3A_4928] : memref<1x19x256x512xf32, #tpu.memory_space<vmem>>, vector<1x1x16x512xf32>
    %get3A_4930 = vector.shape_cast %get3A_4929 : vector<1x1x16x512xf32> to vector<16x512xf32>
    %exp3A_4931 = math.exp %get3A_4930 : vector<16x512xf32>
    %add3A_4932 = arith.addf %add3A_4917, %exp3A_4931 : vector<16x512xf32>
    %eq3A_4933 = arith.constant 6 : i32
    %eq3A_4934 = vector.broadcast %eq3A_4933 : i32 to vector<16x512xi32>
    %eq3A_4935 = arith.cmpi eq, %min3A_4830, %eq3A_4934 : vector<16x512xi32>
    %jit3A_4936 = arith.constant 0.000000e+00 : f32
    %broadcast_in_dim3A_4937 = vector.broadcast %jit3A_4936 : f32 to vector<16x512xf32>
    %select_n3A_4938 = arith.select %eq3A_4935, %get3A_4930, %broadcast_in_dim3A_4937 : vector<16x512xi1>, vector<16x512xf32>
    %add3A_4939 = arith.addf %add3A_4924, %select_n3A_4938 : vector<16x512xf32>
    %get3A_4940 = arith.constant 0 : index
    %get3A_4941 = arith.constant 7 : index
    %get3A_4942 = arith.constant 224 : index
    %get3A_4943 = arith.constant 0 : index
    %get3A_4944 = vector.load %arg2[%get3A_4940, %get3A_4941, %get3A_4942, %get3A_4943] : memref<1x19x256x512xf32, #tpu.memory_space<vmem>>, vector<1x1x16x512xf32>
    %get3A_4945 = vector.shape_cast %get3A_4944 : vector<1x1x16x512xf32> to vector<16x512xf32>
    %exp3A_4946 = math.exp %get3A_4945 : vector<16x512xf32>
    %add3A_4947 = arith.addf %add3A_4932, %exp3A_4946 : vector<16x512xf32>
    %eq3A_4948 = arith.constant 7 : i32
    %eq3A_4949 = vector.broadcast %eq3A_4948 : i32 to vector<16x512xi32>
    %eq3A_4950 = arith.cmpi eq, %min3A_4830, %eq3A_4949 : vector<16x512xi32>
    %jit3A_4951 = arith.constant 0.000000e+00 : f32
    %broadcast_in_dim3A_4952 = vector.broadcast %jit3A_4951 : f32 to vector<16x512xf32>
    %select_n3A_4953 = arith.select %eq3A_4950, %get3A_4945, %broadcast_in_dim3A_4952 : vector<16x512xi1>, vector<16x512xf32>
    %add3A_4954 = arith.addf %add3A_4939, %select_n3A_4953 : vector<16x512xf32>
    %get3A_4955 = arith.constant 0 : index
    %get3A_4956 = arith.constant 8 : index
    %get3A_4957 = arith.constant 224 : index
    %get3A_4958 = arith.constant 0 : index
    %get3A_4959 = vector.load %arg2[%get3A_4955, %get3A_4956, %get3A_4957, %get3A_4958] : memref<1x19x256x512xf32, #tpu.memory_space<vmem>>, vector<1x1x16x512xf32>
    %get3A_4960 = vector.shape_cast %get3A_4959 : vector<1x1x16x512xf32> to vector<16x512xf32>
    %exp3A_4961 = math.exp %get3A_4960 : vector<16x512xf32>
    %add3A_4962 = arith.addf %add3A_4947, %exp3A_4961 : vector<16x512xf32>
    %eq3A_4963 = arith.constant 8 : i32
    %eq3A_4964 = vector.broadcast %eq3A_4963 : i32 to vector<16x512xi32>
    %eq3A_4965 = arith.cmpi eq, %min3A_4830, %eq3A_4964 : vector<16x512xi32>
    %jit3A_4966 = arith.constant 0.000000e+00 : f32
    %broadcast_in_dim3A_4967 = vector.broadcast %jit3A_4966 : f32 to vector<16x512xf32>
    %select_n3A_4968 = arith.select %eq3A_4965, %get3A_4960, %broadcast_in_dim3A_4967 : vector<16x512xi1>, vector<16x512xf32>
    %add3A_4969 = arith.addf %add3A_4954, %select_n3A_4968 : vector<16x512xf32>
    %get3A_4970 = arith.constant 0 : index
    %get3A_4971 = arith.constant 9 : index
    %get3A_4972 = arith.constant 224 : index
    %get3A_4973 = arith.constant 0 : index
    %get3A_4974 = vector.load %arg2[%get3A_4970, %get3A_4971, %get3A_4972, %get3A_4973] : memref<1x19x256x512xf32, #tpu.memory_space<vmem>>, vector<1x1x16x512xf32>
    %get3A_4975 = vector.shape_cast %get3A_4974 : vector<1x1x16x512xf32> to vector<16x512xf32>
    %exp3A_4976 = math.exp %get3A_4975 : vector<16x512xf32>
    %add3A_4977 = arith.addf %add3A_4962, %exp3A_4976 : vector<16x512xf32>
    %eq3A_4978 = arith.constant 9 : i32
    %eq3A_4979 = vector.broadcast %eq3A_4978 : i32 to vector<16x512xi32>
    %eq3A_4980 = arith.cmpi eq, %min3A_4830, %eq3A_4979 : vector<16x512xi32>
    %jit3A_4981 = arith.constant 0.000000e+00 : f32
    %broadcast_in_dim3A_4982 = vector.broadcast %jit3A_4981 : f32 to vector<16x512xf32>
    %select_n3A_4983 = arith.select %eq3A_4980, %get3A_4975, %broadcast_in_dim3A_4982 : vector<16x512xi1>, vector<16x512xf32>
    %add3A_4984 = arith.addf %add3A_4969, %select_n3A_4983 : vector<16x512xf32>
    %get3A_4985 = arith.constant 0 : index
    %get3A_4986 = arith.constant 10 : index
    %get3A_4987 = arith.constant 224 : index
    %get3A_4988 = arith.constant 0 : index
    %get3A_4989 = vector.load %arg2[%get3A_4985, %get3A_4986, %get3A_4987, %get3A_4988] : memref<1x19x256x512xf32, #tpu.memory_space<vmem>>, vector<1x1x16x512xf32>
    %get3A_4990 = vector.shape_cast %get3A_4989 : vector<1x1x16x512xf32> to vector<16x512xf32>
    %exp3A_4991 = math.exp %get3A_4990 : vector<16x512xf32>
    %add3A_4992 = arith.addf %add3A_4977, %exp3A_4991 : vector<16x512xf32>
    %eq3A_4993 = arith.constant 10 : i32
    %eq3A_4994 = vector.broadcast %eq3A_4993 : i32 to vector<16x512xi32>
    %eq3A_4995 = arith.cmpi eq, %min3A_4830, %eq3A_4994 : vector<16x512xi32>
    %jit3A_4996 = arith.constant 0.000000e+00 : f32
    %broadcast_in_dim3A_4997 = vector.broadcast %jit3A_4996 : f32 to vector<16x512xf32>
    %select_n3A_4998 = arith.select %eq3A_4995, %get3A_4990, %broadcast_in_dim3A_4997 : vector<16x512xi1>, vector<16x512xf32>
    %add3A_4999 = arith.addf %add3A_4984, %select_n3A_4998 : vector<16x512xf32>
    %get3A_5000 = arith.constant 0 : index
    %get3A_5001 = arith.constant 11 : index
    %get3A_5002 = arith.constant 224 : index
    %get3A_5003 = arith.constant 0 : index
    %get3A_5004 = vector.load %arg2[%get3A_5000, %get3A_5001, %get3A_5002, %get3A_5003] : memref<1x19x256x512xf32, #tpu.memory_space<vmem>>, vector<1x1x16x512xf32>
    %get3A_5005 = vector.shape_cast %get3A_5004 : vector<1x1x16x512xf32> to vector<16x512xf32>
    %exp3A_5006 = math.exp %get3A_5005 : vector<16x512xf32>
    %add3A_5007 = arith.addf %add3A_4992, %exp3A_5006 : vector<16x512xf32>
    %eq3A_5008 = arith.constant 11 : i32
    %eq3A_5009 = vector.broadcast %eq3A_5008 : i32 to vector<16x512xi32>
    %eq3A_5010 = arith.cmpi eq, %min3A_4830, %eq3A_5009 : vector<16x512xi32>
    %jit3A_5011 = arith.constant 0.000000e+00 : f32
    %broadcast_in_dim3A_5012 = vector.broadcast %jit3A_5011 : f32 to vector<16x512xf32>
    %select_n3A_5013 = arith.select %eq3A_5010, %get3A_5005, %broadcast_in_dim3A_5012 : vector<16x512xi1>, vector<16x512xf32>
    %add3A_5014 = arith.addf %add3A_4999, %select_n3A_5013 : vector<16x512xf32>
    %get3A_5015 = arith.constant 0 : index
    %get3A_5016 = arith.constant 12 : index
    %get3A_5017 = arith.constant 224 : index
    %get3A_5018 = arith.constant 0 : index
    %get3A_5019 = vector.load %arg2[%get3A_5015, %get3A_5016, %get3A_5017, %get3A_5018] : memref<1x19x256x512xf32, #tpu.memory_space<vmem>>, vector<1x1x16x512xf32>
    %get3A_5020 = vector.shape_cast %get3A_5019 : vector<1x1x16x512xf32> to vector<16x512xf32>
    %exp3A_5021 = math.exp %get3A_5020 : vector<16x512xf32>
    %add3A_5022 = arith.addf %add3A_5007, %exp3A_5021 : vector<16x512xf32>
    %eq3A_5023 = arith.constant 12 : i32
    %eq3A_5024 = vector.broadcast %eq3A_5023 : i32 to vector<16x512xi32>
    %eq3A_5025 = arith.cmpi eq, %min3A_4830, %eq3A_5024 : vector<16x512xi32>
    %jit3A_5026 = arith.constant 0.000000e+00 : f32
    %broadcast_in_dim3A_5027 = vector.broadcast %jit3A_5026 : f32 to vector<16x512xf32>
    %select_n3A_5028 = arith.select %eq3A_5025, %get3A_5020, %broadcast_in_dim3A_5027 : vector<16x512xi1>, vector<16x512xf32>
    %add3A_5029 = arith.addf %add3A_5014, %select_n3A_5028 : vector<16x512xf32>
    %get3A_5030 = arith.constant 0 : index
    %get3A_5031 = arith.constant 13 : index
    %get3A_5032 = arith.constant 224 : index
    %get3A_5033 = arith.constant 0 : index
    %get3A_5034 = vector.load %arg2[%get3A_5030, %get3A_5031, %get3A_5032, %get3A_5033] : memref<1x19x256x512xf32, #tpu.memory_space<vmem>>, vector<1x1x16x512xf32>
    %get3A_5035 = vector.shape_cast %get3A_5034 : vector<1x1x16x512xf32> to vector<16x512xf32>
    %exp3A_5036 = math.exp %get3A_5035 : vector<16x512xf32>
    %add3A_5037 = arith.addf %add3A_5022, %exp3A_5036 : vector<16x512xf32>
    %eq3A_5038 = arith.constant 13 : i32
    %eq3A_5039 = vector.broadcast %eq3A_5038 : i32 to vector<16x512xi32>
    %eq3A_5040 = arith.cmpi eq, %min3A_4830, %eq3A_5039 : vector<16x512xi32>
    %jit3A_5041 = arith.constant 0.000000e+00 : f32
    %broadcast_in_dim3A_5042 = vector.broadcast %jit3A_5041 : f32 to vector<16x512xf32>
    %select_n3A_5043 = arith.select %eq3A_5040, %get3A_5035, %broadcast_in_dim3A_5042 : vector<16x512xi1>, vector<16x512xf32>
    %add3A_5044 = arith.addf %add3A_5029, %select_n3A_5043 : vector<16x512xf32>
    %get3A_5045 = arith.constant 0 : index
    %get3A_5046 = arith.constant 14 : index
    %get3A_5047 = arith.constant 224 : index
    %get3A_5048 = arith.constant 0 : index
    %get3A_5049 = vector.load %arg2[%get3A_5045, %get3A_5046, %get3A_5047, %get3A_5048] : memref<1x19x256x512xf32, #tpu.memory_space<vmem>>, vector<1x1x16x512xf32>
    %get3A_5050 = vector.shape_cast %get3A_5049 : vector<1x1x16x512xf32> to vector<16x512xf32>
    %exp3A_5051 = math.exp %get3A_5050 : vector<16x512xf32>
    %add3A_5052 = arith.addf %add3A_5037, %exp3A_5051 : vector<16x512xf32>
    %eq3A_5053 = arith.constant 14 : i32
    %eq3A_5054 = vector.broadcast %eq3A_5053 : i32 to vector<16x512xi32>
    %eq3A_5055 = arith.cmpi eq, %min3A_4830, %eq3A_5054 : vector<16x512xi32>
    %jit3A_5056 = arith.constant 0.000000e+00 : f32
    %broadcast_in_dim3A_5057 = vector.broadcast %jit3A_5056 : f32 to vector<16x512xf32>
    %select_n3A_5058 = arith.select %eq3A_5055, %get3A_5050, %broadcast_in_dim3A_5057 : vector<16x512xi1>, vector<16x512xf32>
    %add3A_5059 = arith.addf %add3A_5044, %select_n3A_5058 : vector<16x512xf32>
    %get3A_5060 = arith.constant 0 : index
    %get3A_5061 = arith.constant 15 : index
    %get3A_5062 = arith.constant 224 : index
    %get3A_5063 = arith.constant 0 : index
    %get3A_5064 = vector.load %arg2[%get3A_5060, %get3A_5061, %get3A_5062, %get3A_5063] : memref<1x19x256x512xf32, #tpu.memory_space<vmem>>, vector<1x1x16x512xf32>
    %get3A_5065 = vector.shape_cast %get3A_5064 : vector<1x1x16x512xf32> to vector<16x512xf32>
    %exp3A_5066 = math.exp %get3A_5065 : vector<16x512xf32>
    %add3A_5067 = arith.addf %add3A_5052, %exp3A_5066 : vector<16x512xf32>
    %eq3A_5068 = arith.constant 15 : i32
    %eq3A_5069 = vector.broadcast %eq3A_5068 : i32 to vector<16x512xi32>
    %eq3A_5070 = arith.cmpi eq, %min3A_4830, %eq3A_5069 : vector<16x512xi32>
    %jit3A_5071 = arith.constant 0.000000e+00 : f32
    %broadcast_in_dim3A_5072 = vector.broadcast %jit3A_5071 : f32 to vector<16x512xf32>
    %select_n3A_5073 = arith.select %eq3A_5070, %get3A_5065, %broadcast_in_dim3A_5072 : vector<16x512xi1>, vector<16x512xf32>
    %add3A_5074 = arith.addf %add3A_5059, %select_n3A_5073 : vector<16x512xf32>
    %get3A_5075 = arith.constant 0 : index
    %get3A_5076 = arith.constant 16 : index
    %get3A_5077 = arith.constant 224 : index
    %get3A_5078 = arith.constant 0 : index
    %get3A_5079 = vector.load %arg2[%get3A_5075, %get3A_5076, %get3A_5077, %get3A_5078] : memref<1x19x256x512xf32, #tpu.memory_space<vmem>>, vector<1x1x16x512xf32>
    %get3A_5080 = vector.shape_cast %get3A_5079 : vector<1x1x16x512xf32> to vector<16x512xf32>
    %exp3A_5081 = math.exp %get3A_5080 : vector<16x512xf32>
    %add3A_5082 = arith.addf %add3A_5067, %exp3A_5081 : vector<16x512xf32>
    %eq3A_5083 = arith.constant 16 : i32
    %eq3A_5084 = vector.broadcast %eq3A_5083 : i32 to vector<16x512xi32>
    %eq3A_5085 = arith.cmpi eq, %min3A_4830, %eq3A_5084 : vector<16x512xi32>
    %jit3A_5086 = arith.constant 0.000000e+00 : f32
    %broadcast_in_dim3A_5087 = vector.broadcast %jit3A_5086 : f32 to vector<16x512xf32>
    %select_n3A_5088 = arith.select %eq3A_5085, %get3A_5080, %broadcast_in_dim3A_5087 : vector<16x512xi1>, vector<16x512xf32>
    %add3A_5089 = arith.addf %add3A_5074, %select_n3A_5088 : vector<16x512xf32>
    %get3A_5090 = arith.constant 0 : index
    %get3A_5091 = arith.constant 17 : index
    %get3A_5092 = arith.constant 224 : index
    %get3A_5093 = arith.constant 0 : index
    %get3A_5094 = vector.load %arg2[%get3A_5090, %get3A_5091, %get3A_5092, %get3A_5093] : memref<1x19x256x512xf32, #tpu.memory_space<vmem>>, vector<1x1x16x512xf32>
    %get3A_5095 = vector.shape_cast %get3A_5094 : vector<1x1x16x512xf32> to vector<16x512xf32>
    %exp3A_5096 = math.exp %get3A_5095 : vector<16x512xf32>
    %add3A_5097 = arith.addf %add3A_5082, %exp3A_5096 : vector<16x512xf32>
    %eq3A_5098 = arith.constant 17 : i32
    %eq3A_5099 = vector.broadcast %eq3A_5098 : i32 to vector<16x512xi32>
    %eq3A_5100 = arith.cmpi eq, %min3A_4830, %eq3A_5099 : vector<16x512xi32>
    %jit3A_5101 = arith.constant 0.000000e+00 : f32
    %broadcast_in_dim3A_5102 = vector.broadcast %jit3A_5101 : f32 to vector<16x512xf32>
    %select_n3A_5103 = arith.select %eq3A_5100, %get3A_5095, %broadcast_in_dim3A_5102 : vector<16x512xi1>, vector<16x512xf32>
    %add3A_5104 = arith.addf %add3A_5089, %select_n3A_5103 : vector<16x512xf32>
    %get3A_5105 = arith.constant 0 : index
    %get3A_5106 = arith.constant 18 : index
    %get3A_5107 = arith.constant 224 : index
    %get3A_5108 = arith.constant 0 : index
    %get3A_5109 = vector.load %arg2[%get3A_5105, %get3A_5106, %get3A_5107, %get3A_5108] : memref<1x19x256x512xf32, #tpu.memory_space<vmem>>, vector<1x1x16x512xf32>
    %get3A_5110 = vector.shape_cast %get3A_5109 : vector<1x1x16x512xf32> to vector<16x512xf32>
    %exp3A_5111 = math.exp %get3A_5110 : vector<16x512xf32>
    %add3A_5112 = arith.addf %add3A_5097, %exp3A_5111 : vector<16x512xf32>
    %eq3A_5113 = arith.constant 18 : i32
    %eq3A_5114 = vector.broadcast %eq3A_5113 : i32 to vector<16x512xi32>
    %eq3A_5115 = arith.cmpi eq, %min3A_4830, %eq3A_5114 : vector<16x512xi32>
    %jit3A_5116 = arith.constant 0.000000e+00 : f32
    %broadcast_in_dim3A_5117 = vector.broadcast %jit3A_5116 : f32 to vector<16x512xf32>
    %select_n3A_5118 = arith.select %eq3A_5115, %get3A_5110, %broadcast_in_dim3A_5117 : vector<16x512xi1>, vector<16x512xf32>
    %add3A_5119 = arith.addf %add3A_5104, %select_n3A_5118 : vector<16x512xf32>
    %log3A_5120 = math.log %add3A_5112 : vector<16x512xf32>
    %sub3A_5121 = arith.subf %log3A_5120, %add3A_5119 : vector<16x512xf32>
    %ne3A_5122 = arith.constant 255 : i32
    %ne3A_5123 = vector.broadcast %ne3A_5122 : i32 to vector<16x512xi32>
    %ne3A_5124 = arith.cmpi ne, %get3A_4824, %ne3A_5123 : vector<16x512xi32>
    %jit3A_5125 = arith.constant 0.000000e+00 : f32
    %broadcast_in_dim3A_5126 = vector.broadcast %jit3A_5125 : f32 to vector<16x512xf32>
    %select_n3A_5127 = arith.select %ne3A_5124, %sub3A_5121, %broadcast_in_dim3A_5126 : vector<16x512xi1>, vector<16x512xf32>
    %swap3A_5128 = arith.constant 0 : index
    %swap3A_5129 = arith.constant 224 : index
    %swap3A_5130 = arith.constant 0 : index
    %swap3A_5131 = vector.load %arg4[%swap3A_5128, %swap3A_5129, %swap3A_5130] : memref<1x256x512xf32, #tpu.memory_space<vmem>>, vector<1x16x512xf32>
    %swap3A_5132 = vector.shape_cast %swap3A_5131 : vector<1x16x512xf32> to vector<16x512xf32>
    %swap3A_5133 = vector.shape_cast %select_n3A_5127 : vector<16x512xf32> to vector<1x16x512xf32>
    tpu.vector_store %arg4[%swap3A_5128, %swap3A_5129, %swap3A_5130], %swap3A_5133 {strides = array<i32>} : memref<1x256x512xf32, #tpu.memory_space<vmem>>, vector<1x16x512xf32>,
    %gt3A_5134 = arith.constant 0.356674939 : f32
    %gt3A_5135 = vector.broadcast %gt3A_5134 : f32 to vector<16x512xf32>
    %gt3A_5136 = arith.cmpf ogt, %select_n3A_5127, %gt3A_5135 : vector<16x512xf32>
    %get3A_5137 = arith.constant 0 : index
    %get3A_5138 = arith.constant 0 : index
    %get3A_5139 = memref.load %arg5[%get3A_5137, %get3A_5138] : memref<1x1xi32, #tpu.memory_space<smem>>
    %convert_element_type3A_5140 = arith.extui %gt3A_5136 : vector<16x512xi1> to vector<16x512xi32>
    %reduce_sum3A_5141 = vector.shape_cast %convert_element_type3A_5140 : vector<16x512xi32> to vector<1x16x512xi32>
    %reduce_sum3A_5142 = arith.constant dense<0> : vector<1xi32>
    %reduce_sum3A_5143 = vector.multi_reduction <add>, %reduce_sum3A_5141, %reduce_sum3A_5142 [1, 2] : vector<1x16x512xi32> to vector<1xi32>
    %reduce_sum3A_5144 = vector.shape_cast %reduce_sum3A_5143 : vector<1xi32> to vector<1x1x1xi32>
    %reduce_sum3A_5145 = vector.extract %reduce_sum3A_5144[0, 0, 0] : i32 from vector<1x1x1xi32>
    %add3A_5146 = arith.addi %get3A_5139, %reduce_sum3A_5145 : i32
    %swap3A_5147 = arith.constant 0 : index
    %swap3A_5148 = arith.constant 0 : index
    %swap3A_5149 = memref.load %arg5[%swap3A_5147, %swap3A_5148] : memref<1x1xi32, #tpu.memory_space<smem>>
    memref.store %add3A_5146, %arg5[%swap3A_5147, %swap3A_5148] : memref<1x1xi32, #tpu.memory_space<smem>>
    %get3A_5150 = arith.constant 0 : index
    %get3A_5151 = arith.constant 0 : index
    %get3A_5152 = memref.load %arg6[%get3A_5150, %get3A_5151] : memref<1x1xf32, #tpu.memory_space<smem>>
    %jit3A_5153 = arith.constant 0.000000e+00 : f32
    %broadcast_in_dim3A_5154 = vector.broadcast %jit3A_5153 : f32 to vector<16x512xf32>
    %select_n3A_5155 = arith.select %gt3A_5136, %select_n3A_5127, %broadcast_in_dim3A_5154 : vector<16x512xi1>, vector<16x512xf32>
    %reduce_sum3A_5156 = vector.shape_cast %select_n3A_5155 : vector<16x512xf32> to vector<1x16x512xf32>
    %reduce_sum3A_5157 = arith.constant dense<0.000000e+00> : vector<1xf32>
    %reduce_sum3A_5158 = vector.multi_reduction <add>, %reduce_sum3A_5156, %reduce_sum3A_5157 [1, 2] : vector<1x16x512xf32> to vector<1xf32>
    %reduce_sum3A_5159 = vector.shape_cast %reduce_sum3A_5158 : vector<1xf32> to vector<1x1x1xf32>
    %reduce_sum3A_5160 = vector.extract %reduce_sum3A_5159[0, 0, 0] : f32 from vector<1x1x1xf32>
    %add3A_5161 = arith.addf %get3A_5152, %reduce_sum3A_5160 : f32
    %swap3A_5162 = arith.constant 0 : index
    %swap3A_5163 = arith.constant 0 : index
    %swap3A_5164 = memref.load %arg6[%swap3A_5162, %swap3A_5163] : memref<1x1xf32, #tpu.memory_space<smem>>
    memref.store %add3A_5161, %arg6[%swap3A_5162, %swap3A_5163] : memref<1x1xf32, #tpu.memory_space<smem>>
    %get3A_5165 = arith.constant 0 : index
    %get3A_5166 = arith.constant 240 : index
    %get3A_5167 = arith.constant 0 : index
    %get3A_5168 = vector.load %arg3[%get3A_5165, %get3A_5166, %get3A_5167] : memref<1x256x512xi32, #tpu.memory_space<vmem>>, vector<1x16x512xi32>
    %get3A_5169 = vector.shape_cast %get3A_5168 : vector<1x16x512xi32> to vector<16x512xi32>
    %jit3A_5170 = arith.constant 0 : i32
    %jit3A_5171 = arith.constant 18 : i32
    %max3A_5172 = vector.broadcast %jit3A_5170 : i32 to vector<16x512xi32>
    %max3A_5173 = arith.maxsi %max3A_5172, %get3A_5169 : vector<16x512xi32>
    %min3A_5174 = vector.broadcast %jit3A_5171 : i32 to vector<16x512xi32>
    %min3A_5175 = arith.minsi %min3A_5174, %max3A_5173 : vector<16x512xi32>
    %broadcast_in_dim3A_5176 = arith.constant 0.000000e+00 : f32
    %broadcast_in_dim3A_5177 = vector.broadcast %broadcast_in_dim3A_5176 : f32 to vector<16x512xf32>
    %broadcast_in_dim3A_5178 = arith.constant 0.000000e+00 : f32
    %broadcast_in_dim3A_5179 = vector.broadcast %broadcast_in_dim3A_5178 : f32 to vector<16x512xf32>
    %get3A_5180 = arith.constant 0 : index
    %get3A_5181 = arith.constant 0 : index
    %get3A_5182 = arith.constant 240 : index
    %get3A_5183 = arith.constant 0 : index
    %get3A_5184 = vector.load %arg2[%get3A_5180, %get3A_5181, %get3A_5182, %get3A_5183] : memref<1x19x256x512xf32, #tpu.memory_space<vmem>>, vector<1x1x16x512xf32>
    %get3A_5185 = vector.shape_cast %get3A_5184 : vector<1x1x16x512xf32> to vector<16x512xf32>
    %exp3A_5186 = math.exp %get3A_5185 : vector<16x512xf32>
    %add3A_5187 = arith.addf %broadcast_in_dim3A_5177, %exp3A_5186 : vector<16x512xf32>
    %eq3A_5188 = arith.constant 0 : i32
    %eq3A_5189 = vector.broadcast %eq3A_5188 : i32 to vector<16x512xi32>
    %eq3A_5190 = arith.cmpi eq, %min3A_5175, %eq3A_5189 : vector<16x512xi32>
    %jit3A_5191 = arith.constant 0.000000e+00 : f32
    %broadcast_in_dim3A_5192 = vector.broadcast %jit3A_5191 : f32 to vector<16x512xf32>
    %select_n3A_5193 = arith.select %eq3A_5190, %get3A_5185, %broadcast_in_dim3A_5192 : vector<16x512xi1>, vector<16x512xf32>
    %add3A_5194 = arith.addf %broadcast_in_dim3A_5179, %select_n3A_5193 : vector<16x512xf32>
    %get3A_5195 = arith.constant 0 : index
    %get3A_5196 = arith.constant 1 : index
    %get3A_5197 = arith.constant 240 : index
    %get3A_5198 = arith.constant 0 : index
    %get3A_5199 = vector.load %arg2[%get3A_5195, %get3A_5196, %get3A_5197, %get3A_5198] : memref<1x19x256x512xf32, #tpu.memory_space<vmem>>, vector<1x1x16x512xf32>
    %get3A_5200 = vector.shape_cast %get3A_5199 : vector<1x1x16x512xf32> to vector<16x512xf32>
    %exp3A_5201 = math.exp %get3A_5200 : vector<16x512xf32>
    %add3A_5202 = arith.addf %add3A_5187, %exp3A_5201 : vector<16x512xf32>
    %eq3A_5203 = arith.constant 1 : i32
    %eq3A_5204 = vector.broadcast %eq3A_5203 : i32 to vector<16x512xi32>
    %eq3A_5205 = arith.cmpi eq, %min3A_5175, %eq3A_5204 : vector<16x512xi32>
    %jit3A_5206 = arith.constant 0.000000e+00 : f32
    %broadcast_in_dim3A_5207 = vector.broadcast %jit3A_5206 : f32 to vector<16x512xf32>
    %select_n3A_5208 = arith.select %eq3A_5205, %get3A_5200, %broadcast_in_dim3A_5207 : vector<16x512xi1>, vector<16x512xf32>
    %add3A_5209 = arith.addf %add3A_5194, %select_n3A_5208 : vector<16x512xf32>
    %get3A_5210 = arith.constant 0 : index
    %get3A_5211 = arith.constant 2 : index
    %get3A_5212 = arith.constant 240 : index
    %get3A_5213 = arith.constant 0 : index
    %get3A_5214 = vector.load %arg2[%get3A_5210, %get3A_5211, %get3A_5212, %get3A_5213] : memref<1x19x256x512xf32, #tpu.memory_space<vmem>>, vector<1x1x16x512xf32>
    %get3A_5215 = vector.shape_cast %get3A_5214 : vector<1x1x16x512xf32> to vector<16x512xf32>
    %exp3A_5216 = math.exp %get3A_5215 : vector<16x512xf32>
    %add3A_5217 = arith.addf %add3A_5202, %exp3A_5216 : vector<16x512xf32>
    %eq3A_5218 = arith.constant 2 : i32
    %eq3A_5219 = vector.broadcast %eq3A_5218 : i32 to vector<16x512xi32>
    %eq3A_5220 = arith.cmpi eq, %min3A_5175, %eq3A_5219 : vector<16x512xi32>
    %jit3A_5221 = arith.constant 0.000000e+00 : f32
    %broadcast_in_dim3A_5222 = vector.broadcast %jit3A_5221 : f32 to vector<16x512xf32>
    %select_n3A_5223 = arith.select %eq3A_5220, %get3A_5215, %broadcast_in_dim3A_5222 : vector<16x512xi1>, vector<16x512xf32>
    %add3A_5224 = arith.addf %add3A_5209, %select_n3A_5223 : vector<16x512xf32>
    %get3A_5225 = arith.constant 0 : index
    %get3A_5226 = arith.constant 3 : index
    %get3A_5227 = arith.constant 240 : index
    %get3A_5228 = arith.constant 0 : index
    %get3A_5229 = vector.load %arg2[%get3A_5225, %get3A_5226, %get3A_5227, %get3A_5228] : memref<1x19x256x512xf32, #tpu.memory_space<vmem>>, vector<1x1x16x512xf32>
    %get3A_5230 = vector.shape_cast %get3A_5229 : vector<1x1x16x512xf32> to vector<16x512xf32>
    %exp3A_5231 = math.exp %get3A_5230 : vector<16x512xf32>
    %add3A_5232 = arith.addf %add3A_5217, %exp3A_5231 : vector<16x512xf32>
    %eq3A_5233 = arith.constant 3 : i32
    %eq3A_5234 = vector.broadcast %eq3A_5233 : i32 to vector<16x512xi32>
    %eq3A_5235 = arith.cmpi eq, %min3A_5175, %eq3A_5234 : vector<16x512xi32>
    %jit3A_5236 = arith.constant 0.000000e+00 : f32
    %broadcast_in_dim3A_5237 = vector.broadcast %jit3A_5236 : f32 to vector<16x512xf32>
    %select_n3A_5238 = arith.select %eq3A_5235, %get3A_5230, %broadcast_in_dim3A_5237 : vector<16x512xi1>, vector<16x512xf32>
    %add3A_5239 = arith.addf %add3A_5224, %select_n3A_5238 : vector<16x512xf32>
    %get3A_5240 = arith.constant 0 : index
    %get3A_5241 = arith.constant 4 : index
    %get3A_5242 = arith.constant 240 : index
    %get3A_5243 = arith.constant 0 : index
    %get3A_5244 = vector.load %arg2[%get3A_5240, %get3A_5241, %get3A_5242, %get3A_5243] : memref<1x19x256x512xf32, #tpu.memory_space<vmem>>, vector<1x1x16x512xf32>
    %get3A_5245 = vector.shape_cast %get3A_5244 : vector<1x1x16x512xf32> to vector<16x512xf32>
    %exp3A_5246 = math.exp %get3A_5245 : vector<16x512xf32>
    %add3A_5247 = arith.addf %add3A_5232, %exp3A_5246 : vector<16x512xf32>
    %eq3A_5248 = arith.constant 4 : i32
    %eq3A_5249 = vector.broadcast %eq3A_5248 : i32 to vector<16x512xi32>
    %eq3A_5250 = arith.cmpi eq, %min3A_5175, %eq3A_5249 : vector<16x512xi32>
    %jit3A_5251 = arith.constant 0.000000e+00 : f32
    %broadcast_in_dim3A_5252 = vector.broadcast %jit3A_5251 : f32 to vector<16x512xf32>
    %select_n3A_5253 = arith.select %eq3A_5250, %get3A_5245, %broadcast_in_dim3A_5252 : vector<16x512xi1>, vector<16x512xf32>
    %add3A_5254 = arith.addf %add3A_5239, %select_n3A_5253 : vector<16x512xf32>
    %get3A_5255 = arith.constant 0 : index
    %get3A_5256 = arith.constant 5 : index
    %get3A_5257 = arith.constant 240 : index
    %get3A_5258 = arith.constant 0 : index
    %get3A_5259 = vector.load %arg2[%get3A_5255, %get3A_5256, %get3A_5257, %get3A_5258] : memref<1x19x256x512xf32, #tpu.memory_space<vmem>>, vector<1x1x16x512xf32>
    %get3A_5260 = vector.shape_cast %get3A_5259 : vector<1x1x16x512xf32> to vector<16x512xf32>
    %exp3A_5261 = math.exp %get3A_5260 : vector<16x512xf32>
    %add3A_5262 = arith.addf %add3A_5247, %exp3A_5261 : vector<16x512xf32>
    %eq3A_5263 = arith.constant 5 : i32
    %eq3A_5264 = vector.broadcast %eq3A_5263 : i32 to vector<16x512xi32>
    %eq3A_5265 = arith.cmpi eq, %min3A_5175, %eq3A_5264 : vector<16x512xi32>
    %jit3A_5266 = arith.constant 0.000000e+00 : f32
    %broadcast_in_dim3A_5267 = vector.broadcast %jit3A_5266 : f32 to vector<16x512xf32>
    %select_n3A_5268 = arith.select %eq3A_5265, %get3A_5260, %broadcast_in_dim3A_5267 : vector<16x512xi1>, vector<16x512xf32>
    %add3A_5269 = arith.addf %add3A_5254, %select_n3A_5268 : vector<16x512xf32>
    %get3A_5270 = arith.constant 0 : index
    %get3A_5271 = arith.constant 6 : index
    %get3A_5272 = arith.constant 240 : index
    %get3A_5273 = arith.constant 0 : index
    %get3A_5274 = vector.load %arg2[%get3A_5270, %get3A_5271, %get3A_5272, %get3A_5273] : memref<1x19x256x512xf32, #tpu.memory_space<vmem>>, vector<1x1x16x512xf32>
    %get3A_5275 = vector.shape_cast %get3A_5274 : vector<1x1x16x512xf32> to vector<16x512xf32>
    %exp3A_5276 = math.exp %get3A_5275 : vector<16x512xf32>
    %add3A_5277 = arith.addf %add3A_5262, %exp3A_5276 : vector<16x512xf32>
    %eq3A_5278 = arith.constant 6 : i32
    %eq3A_5279 = vector.broadcast %eq3A_5278 : i32 to vector<16x512xi32>
    %eq3A_5280 = arith.cmpi eq, %min3A_5175, %eq3A_5279 : vector<16x512xi32>
    %jit3A_5281 = arith.constant 0.000000e+00 : f32
    %broadcast_in_dim3A_5282 = vector.broadcast %jit3A_5281 : f32 to vector<16x512xf32>
    %select_n3A_5283 = arith.select %eq3A_5280, %get3A_5275, %broadcast_in_dim3A_5282 : vector<16x512xi1>, vector<16x512xf32>
    %add3A_5284 = arith.addf %add3A_5269, %select_n3A_5283 : vector<16x512xf32>
    %get3A_5285 = arith.constant 0 : index
    %get3A_5286 = arith.constant 7 : index
    %get3A_5287 = arith.constant 240 : index
    %get3A_5288 = arith.constant 0 : index
    %get3A_5289 = vector.load %arg2[%get3A_5285, %get3A_5286, %get3A_5287, %get3A_5288] : memref<1x19x256x512xf32, #tpu.memory_space<vmem>>, vector<1x1x16x512xf32>
    %get3A_5290 = vector.shape_cast %get3A_5289 : vector<1x1x16x512xf32> to vector<16x512xf32>
    %exp3A_5291 = math.exp %get3A_5290 : vector<16x512xf32>
    %add3A_5292 = arith.addf %add3A_5277, %exp3A_5291 : vector<16x512xf32>
    %eq3A_5293 = arith.constant 7 : i32
    %eq3A_5294 = vector.broadcast %eq3A_5293 : i32 to vector<16x512xi32>
    %eq3A_5295 = arith.cmpi eq, %min3A_5175, %eq3A_5294 : vector<16x512xi32>
    %jit3A_5296 = arith.constant 0.000000e+00 : f32
    %broadcast_in_dim3A_5297 = vector.broadcast %jit3A_5296 : f32 to vector<16x512xf32>
    %select_n3A_5298 = arith.select %eq3A_5295, %get3A_5290, %broadcast_in_dim3A_5297 : vector<16x512xi1>, vector<16x512xf32>
    %add3A_5299 = arith.addf %add3A_5284, %select_n3A_5298 : vector<16x512xf32>
    %get3A_5300 = arith.constant 0 : index
    %get3A_5301 = arith.constant 8 : index
    %get3A_5302 = arith.constant 240 : index
    %get3A_5303 = arith.constant 0 : index
    %get3A_5304 = vector.load %arg2[%get3A_5300, %get3A_5301, %get3A_5302, %get3A_5303] : memref<1x19x256x512xf32, #tpu.memory_space<vmem>>, vector<1x1x16x512xf32>
    %get3A_5305 = vector.shape_cast %get3A_5304 : vector<1x1x16x512xf32> to vector<16x512xf32>
    %exp3A_5306 = math.exp %get3A_5305 : vector<16x512xf32>
    %add3A_5307 = arith.addf %add3A_5292, %exp3A_5306 : vector<16x512xf32>
    %eq3A_5308 = arith.constant 8 : i32
    %eq3A_5309 = vector.broadcast %eq3A_5308 : i32 to vector<16x512xi32>
    %eq3A_5310 = arith.cmpi eq, %min3A_5175, %eq3A_5309 : vector<16x512xi32>
    %jit3A_5311 = arith.constant 0.000000e+00 : f32
    %broadcast_in_dim3A_5312 = vector.broadcast %jit3A_5311 : f32 to vector<16x512xf32>
    %select_n3A_5313 = arith.select %eq3A_5310, %get3A_5305, %broadcast_in_dim3A_5312 : vector<16x512xi1>, vector<16x512xf32>
    %add3A_5314 = arith.addf %add3A_5299, %select_n3A_5313 : vector<16x512xf32>
    %get3A_5315 = arith.constant 0 : index
    %get3A_5316 = arith.constant 9 : index
    %get3A_5317 = arith.constant 240 : index
    %get3A_5318 = arith.constant 0 : index
    %get3A_5319 = vector.load %arg2[%get3A_5315, %get3A_5316, %get3A_5317, %get3A_5318] : memref<1x19x256x512xf32, #tpu.memory_space<vmem>>, vector<1x1x16x512xf32>
    %get3A_5320 = vector.shape_cast %get3A_5319 : vector<1x1x16x512xf32> to vector<16x512xf32>
    %exp3A_5321 = math.exp %get3A_5320 : vector<16x512xf32>
    %add3A_5322 = arith.addf %add3A_5307, %exp3A_5321 : vector<16x512xf32>
    %eq3A_5323 = arith.constant 9 : i32
    %eq3A_5324 = vector.broadcast %eq3A_5323 : i32 to vector<16x512xi32>
    %eq3A_5325 = arith.cmpi eq, %min3A_5175, %eq3A_5324 : vector<16x512xi32>
    %jit3A_5326 = arith.constant 0.000000e+00 : f32
    %broadcast_in_dim3A_5327 = vector.broadcast %jit3A_5326 : f32 to vector<16x512xf32>
    %select_n3A_5328 = arith.select %eq3A_5325, %get3A_5320, %broadcast_in_dim3A_5327 : vector<16x512xi1>, vector<16x512xf32>
    %add3A_5329 = arith.addf %add3A_5314, %select_n3A_5328 : vector<16x512xf32>
    %get3A_5330 = arith.constant 0 : index
    %get3A_5331 = arith.constant 10 : index
    %get3A_5332 = arith.constant 240 : index
    %get3A_5333 = arith.constant 0 : index
    %get3A_5334 = vector.load %arg2[%get3A_5330, %get3A_5331, %get3A_5332, %get3A_5333] : memref<1x19x256x512xf32, #tpu.memory_space<vmem>>, vector<1x1x16x512xf32>
    %get3A_5335 = vector.shape_cast %get3A_5334 : vector<1x1x16x512xf32> to vector<16x512xf32>
    %exp3A_5336 = math.exp %get3A_5335 : vector<16x512xf32>
    %add3A_5337 = arith.addf %add3A_5322, %exp3A_5336 : vector<16x512xf32>
    %eq3A_5338 = arith.constant 10 : i32
    %eq3A_5339 = vector.broadcast %eq3A_5338 : i32 to vector<16x512xi32>
    %eq3A_5340 = arith.cmpi eq, %min3A_5175, %eq3A_5339 : vector<16x512xi32>
    %jit3A_5341 = arith.constant 0.000000e+00 : f32
    %broadcast_in_dim3A_5342 = vector.broadcast %jit3A_5341 : f32 to vector<16x512xf32>
    %select_n3A_5343 = arith.select %eq3A_5340, %get3A_5335, %broadcast_in_dim3A_5342 : vector<16x512xi1>, vector<16x512xf32>
    %add3A_5344 = arith.addf %add3A_5329, %select_n3A_5343 : vector<16x512xf32>
    %get3A_5345 = arith.constant 0 : index
    %get3A_5346 = arith.constant 11 : index
    %get3A_5347 = arith.constant 240 : index
    %get3A_5348 = arith.constant 0 : index
    %get3A_5349 = vector.load %arg2[%get3A_5345, %get3A_5346, %get3A_5347, %get3A_5348] : memref<1x19x256x512xf32, #tpu.memory_space<vmem>>, vector<1x1x16x512xf32>
    %get3A_5350 = vector.shape_cast %get3A_5349 : vector<1x1x16x512xf32> to vector<16x512xf32>
    %exp3A_5351 = math.exp %get3A_5350 : vector<16x512xf32>
    %add3A_5352 = arith.addf %add3A_5337, %exp3A_5351 : vector<16x512xf32>
    %eq3A_5353 = arith.constant 11 : i32
    %eq3A_5354 = vector.broadcast %eq3A_5353 : i32 to vector<16x512xi32>
    %eq3A_5355 = arith.cmpi eq, %min3A_5175, %eq3A_5354 : vector<16x512xi32>
    %jit3A_5356 = arith.constant 0.000000e+00 : f32
    %broadcast_in_dim3A_5357 = vector.broadcast %jit3A_5356 : f32 to vector<16x512xf32>
    %select_n3A_5358 = arith.select %eq3A_5355, %get3A_5350, %broadcast_in_dim3A_5357 : vector<16x512xi1>, vector<16x512xf32>
    %add3A_5359 = arith.addf %add3A_5344, %select_n3A_5358 : vector<16x512xf32>
    %get3A_5360 = arith.constant 0 : index
    %get3A_5361 = arith.constant 12 : index
    %get3A_5362 = arith.constant 240 : index
    %get3A_5363 = arith.constant 0 : index
    %get3A_5364 = vector.load %arg2[%get3A_5360, %get3A_5361, %get3A_5362, %get3A_5363] : memref<1x19x256x512xf32, #tpu.memory_space<vmem>>, vector<1x1x16x512xf32>
    %get3A_5365 = vector.shape_cast %get3A_5364 : vector<1x1x16x512xf32> to vector<16x512xf32>
    %exp3A_5366 = math.exp %get3A_5365 : vector<16x512xf32>
    %add3A_5367 = arith.addf %add3A_5352, %exp3A_5366 : vector<16x512xf32>
    %eq3A_5368 = arith.constant 12 : i32
    %eq3A_5369 = vector.broadcast %eq3A_5368 : i32 to vector<16x512xi32>
    %eq3A_5370 = arith.cmpi eq, %min3A_5175, %eq3A_5369 : vector<16x512xi32>
    %jit3A_5371 = arith.constant 0.000000e+00 : f32
    %broadcast_in_dim3A_5372 = vector.broadcast %jit3A_5371 : f32 to vector<16x512xf32>
    %select_n3A_5373 = arith.select %eq3A_5370, %get3A_5365, %broadcast_in_dim3A_5372 : vector<16x512xi1>, vector<16x512xf32>
    %add3A_5374 = arith.addf %add3A_5359, %select_n3A_5373 : vector<16x512xf32>
    %get3A_5375 = arith.constant 0 : index
    %get3A_5376 = arith.constant 13 : index
    %get3A_5377 = arith.constant 240 : index
    %get3A_5378 = arith.constant 0 : index
    %get3A_5379 = vector.load %arg2[%get3A_5375, %get3A_5376, %get3A_5377, %get3A_5378] : memref<1x19x256x512xf32, #tpu.memory_space<vmem>>, vector<1x1x16x512xf32>
    %get3A_5380 = vector.shape_cast %get3A_5379 : vector<1x1x16x512xf32> to vector<16x512xf32>
    %exp3A_5381 = math.exp %get3A_5380 : vector<16x512xf32>
    %add3A_5382 = arith.addf %add3A_5367, %exp3A_5381 : vector<16x512xf32>
    %eq3A_5383 = arith.constant 13 : i32
    %eq3A_5384 = vector.broadcast %eq3A_5383 : i32 to vector<16x512xi32>
    %eq3A_5385 = arith.cmpi eq, %min3A_5175, %eq3A_5384 : vector<16x512xi32>
    %jit3A_5386 = arith.constant 0.000000e+00 : f32
    %broadcast_in_dim3A_5387 = vector.broadcast %jit3A_5386 : f32 to vector<16x512xf32>
    %select_n3A_5388 = arith.select %eq3A_5385, %get3A_5380, %broadcast_in_dim3A_5387 : vector<16x512xi1>, vector<16x512xf32>
    %add3A_5389 = arith.addf %add3A_5374, %select_n3A_5388 : vector<16x512xf32>
    %get3A_5390 = arith.constant 0 : index
    %get3A_5391 = arith.constant 14 : index
    %get3A_5392 = arith.constant 240 : index
    %get3A_5393 = arith.constant 0 : index
    %get3A_5394 = vector.load %arg2[%get3A_5390, %get3A_5391, %get3A_5392, %get3A_5393] : memref<1x19x256x512xf32, #tpu.memory_space<vmem>>, vector<1x1x16x512xf32>
    %get3A_5395 = vector.shape_cast %get3A_5394 : vector<1x1x16x512xf32> to vector<16x512xf32>
    %exp3A_5396 = math.exp %get3A_5395 : vector<16x512xf32>
    %add3A_5397 = arith.addf %add3A_5382, %exp3A_5396 : vector<16x512xf32>
    %eq3A_5398 = arith.constant 14 : i32
    %eq3A_5399 = vector.broadcast %eq3A_5398 : i32 to vector<16x512xi32>
    %eq3A_5400 = arith.cmpi eq, %min3A_5175, %eq3A_5399 : vector<16x512xi32>
    %jit3A_5401 = arith.constant 0.000000e+00 : f32
    %broadcast_in_dim3A_5402 = vector.broadcast %jit3A_5401 : f32 to vector<16x512xf32>
    %select_n3A_5403 = arith.select %eq3A_5400, %get3A_5395, %broadcast_in_dim3A_5402 : vector<16x512xi1>, vector<16x512xf32>
    %add3A_5404 = arith.addf %add3A_5389, %select_n3A_5403 : vector<16x512xf32>
    %get3A_5405 = arith.constant 0 : index
    %get3A_5406 = arith.constant 15 : index
    %get3A_5407 = arith.constant 240 : index
    %get3A_5408 = arith.constant 0 : index
    %get3A_5409 = vector.load %arg2[%get3A_5405, %get3A_5406, %get3A_5407, %get3A_5408] : memref<1x19x256x512xf32, #tpu.memory_space<vmem>>, vector<1x1x16x512xf32>
    %get3A_5410 = vector.shape_cast %get3A_5409 : vector<1x1x16x512xf32> to vector<16x512xf32>
    %exp3A_5411 = math.exp %get3A_5410 : vector<16x512xf32>
    %add3A_5412 = arith.addf %add3A_5397, %exp3A_5411 : vector<16x512xf32>
    %eq3A_5413 = arith.constant 15 : i32
    %eq3A_5414 = vector.broadcast %eq3A_5413 : i32 to vector<16x512xi32>
    %eq3A_5415 = arith.cmpi eq, %min3A_5175, %eq3A_5414 : vector<16x512xi32>
    %jit3A_5416 = arith.constant 0.000000e+00 : f32
    %broadcast_in_dim3A_5417 = vector.broadcast %jit3A_5416 : f32 to vector<16x512xf32>
    %select_n3A_5418 = arith.select %eq3A_5415, %get3A_5410, %broadcast_in_dim3A_5417 : vector<16x512xi1>, vector<16x512xf32>
    %add3A_5419 = arith.addf %add3A_5404, %select_n3A_5418 : vector<16x512xf32>
    %get3A_5420 = arith.constant 0 : index
    %get3A_5421 = arith.constant 16 : index
    %get3A_5422 = arith.constant 240 : index
    %get3A_5423 = arith.constant 0 : index
    %get3A_5424 = vector.load %arg2[%get3A_5420, %get3A_5421, %get3A_5422, %get3A_5423] : memref<1x19x256x512xf32, #tpu.memory_space<vmem>>, vector<1x1x16x512xf32>
    %get3A_5425 = vector.shape_cast %get3A_5424 : vector<1x1x16x512xf32> to vector<16x512xf32>
    %exp3A_5426 = math.exp %get3A_5425 : vector<16x512xf32>
    %add3A_5427 = arith.addf %add3A_5412, %exp3A_5426 : vector<16x512xf32>
    %eq3A_5428 = arith.constant 16 : i32
    %eq3A_5429 = vector.broadcast %eq3A_5428 : i32 to vector<16x512xi32>
    %eq3A_5430 = arith.cmpi eq, %min3A_5175, %eq3A_5429 : vector<16x512xi32>
    %jit3A_5431 = arith.constant 0.000000e+00 : f32
    %broadcast_in_dim3A_5432 = vector.broadcast %jit3A_5431 : f32 to vector<16x512xf32>
    %select_n3A_5433 = arith.select %eq3A_5430, %get3A_5425, %broadcast_in_dim3A_5432 : vector<16x512xi1>, vector<16x512xf32>
    %add3A_5434 = arith.addf %add3A_5419, %select_n3A_5433 : vector<16x512xf32>
    %get3A_5435 = arith.constant 0 : index
    %get3A_5436 = arith.constant 17 : index
    %get3A_5437 = arith.constant 240 : index
    %get3A_5438 = arith.constant 0 : index
    %get3A_5439 = vector.load %arg2[%get3A_5435, %get3A_5436, %get3A_5437, %get3A_5438] : memref<1x19x256x512xf32, #tpu.memory_space<vmem>>, vector<1x1x16x512xf32>
    %get3A_5440 = vector.shape_cast %get3A_5439 : vector<1x1x16x512xf32> to vector<16x512xf32>
    %exp3A_5441 = math.exp %get3A_5440 : vector<16x512xf32>
    %add3A_5442 = arith.addf %add3A_5427, %exp3A_5441 : vector<16x512xf32>
    %eq3A_5443 = arith.constant 17 : i32
    %eq3A_5444 = vector.broadcast %eq3A_5443 : i32 to vector<16x512xi32>
    %eq3A_5445 = arith.cmpi eq, %min3A_5175, %eq3A_5444 : vector<16x512xi32>
    %jit3A_5446 = arith.constant 0.000000e+00 : f32
    %broadcast_in_dim3A_5447 = vector.broadcast %jit3A_5446 : f32 to vector<16x512xf32>
    %select_n3A_5448 = arith.select %eq3A_5445, %get3A_5440, %broadcast_in_dim3A_5447 : vector<16x512xi1>, vector<16x512xf32>
    %add3A_5449 = arith.addf %add3A_5434, %select_n3A_5448 : vector<16x512xf32>
    %get3A_5450 = arith.constant 0 : index
    %get3A_5451 = arith.constant 18 : index
    %get3A_5452 = arith.constant 240 : index
    %get3A_5453 = arith.constant 0 : index
    %get3A_5454 = vector.load %arg2[%get3A_5450, %get3A_5451, %get3A_5452, %get3A_5453] : memref<1x19x256x512xf32, #tpu.memory_space<vmem>>, vector<1x1x16x512xf32>
    %get3A_5455 = vector.shape_cast %get3A_5454 : vector<1x1x16x512xf32> to vector<16x512xf32>
    %exp3A_5456 = math.exp %get3A_5455 : vector<16x512xf32>
    %add3A_5457 = arith.addf %add3A_5442, %exp3A_5456 : vector<16x512xf32>
    %eq3A_5458 = arith.constant 18 : i32
    %eq3A_5459 = vector.broadcast %eq3A_5458 : i32 to vector<16x512xi32>
    %eq3A_5460 = arith.cmpi eq, %min3A_5175, %eq3A_5459 : vector<16x512xi32>
    %jit3A_5461 = arith.constant 0.000000e+00 : f32
    %broadcast_in_dim3A_5462 = vector.broadcast %jit3A_5461 : f32 to vector<16x512xf32>
    %select_n3A_5463 = arith.select %eq3A_5460, %get3A_5455, %broadcast_in_dim3A_5462 : vector<16x512xi1>, vector<16x512xf32>
    %add3A_5464 = arith.addf %add3A_5449, %select_n3A_5463 : vector<16x512xf32>
    %log3A_5465 = math.log %add3A_5457 : vector<16x512xf32>
    %sub3A_5466 = arith.subf %log3A_5465, %add3A_5464 : vector<16x512xf32>
    %ne3A_5467 = arith.constant 255 : i32
    %ne3A_5468 = vector.broadcast %ne3A_5467 : i32 to vector<16x512xi32>
    %ne3A_5469 = arith.cmpi ne, %get3A_5169, %ne3A_5468 : vector<16x512xi32>
    %jit3A_5470 = arith.constant 0.000000e+00 : f32
    %broadcast_in_dim3A_5471 = vector.broadcast %jit3A_5470 : f32 to vector<16x512xf32>
    %select_n3A_5472 = arith.select %ne3A_5469, %sub3A_5466, %broadcast_in_dim3A_5471 : vector<16x512xi1>, vector<16x512xf32>
    %swap3A_5473 = arith.constant 0 : index
    %swap3A_5474 = arith.constant 240 : index
    %swap3A_5475 = arith.constant 0 : index
    %swap3A_5476 = vector.load %arg4[%swap3A_5473, %swap3A_5474, %swap3A_5475] : memref<1x256x512xf32, #tpu.memory_space<vmem>>, vector<1x16x512xf32>
    %swap3A_5477 = vector.shape_cast %swap3A_5476 : vector<1x16x512xf32> to vector<16x512xf32>
    %swap3A_5478 = vector.shape_cast %select_n3A_5472 : vector<16x512xf32> to vector<1x16x512xf32>
    tpu.vector_store %arg4[%swap3A_5473, %swap3A_5474, %swap3A_5475], %swap3A_5478 {strides = array<i32>} : memref<1x256x512xf32, #tpu.memory_space<vmem>>, vector<1x16x512xf32>,
    %gt3A_5479 = arith.constant 0.356674939 : f32
    %gt3A_5480 = vector.broadcast %gt3A_5479 : f32 to vector<16x512xf32>
    %gt3A_5481 = arith.cmpf ogt, %select_n3A_5472, %gt3A_5480 : vector<16x512xf32>
    %get3A_5482 = arith.constant 0 : index
    %get3A_5483 = arith.constant 0 : index
    %get3A_5484 = memref.load %arg5[%get3A_5482, %get3A_5483] : memref<1x1xi32, #tpu.memory_space<smem>>
    %convert_element_type3A_5485 = arith.extui %gt3A_5481 : vector<16x512xi1> to vector<16x512xi32>
    %reduce_sum3A_5486 = vector.shape_cast %convert_element_type3A_5485 : vector<16x512xi32> to vector<1x16x512xi32>
    %reduce_sum3A_5487 = arith.constant dense<0> : vector<1xi32>
    %reduce_sum3A_5488 = vector.multi_reduction <add>, %reduce_sum3A_5486, %reduce_sum3A_5487 [1, 2] : vector<1x16x512xi32> to vector<1xi32>
    %reduce_sum3A_5489 = vector.shape_cast %reduce_sum3A_5488 : vector<1xi32> to vector<1x1x1xi32>
    %reduce_sum3A_5490 = vector.extract %reduce_sum3A_5489[0, 0, 0] : i32 from vector<1x1x1xi32>
    %add3A_5491 = arith.addi %get3A_5484, %reduce_sum3A_5490 : i32
    %swap3A_5492 = arith.constant 0 : index
    %swap3A_5493 = arith.constant 0 : index
    %swap3A_5494 = memref.load %arg5[%swap3A_5492, %swap3A_5493] : memref<1x1xi32, #tpu.memory_space<smem>>
    memref.store %add3A_5491, %arg5[%swap3A_5492, %swap3A_5493] : memref<1x1xi32, #tpu.memory_space<smem>>
    %get3A_5495 = arith.constant 0 : index
    %get3A_5496 = arith.constant 0 : index
    %get3A_5497 = memref.load %arg6[%get3A_5495, %get3A_5496] : memref<1x1xf32, #tpu.memory_space<smem>>
    %jit3A_5498 = arith.constant 0.000000e+00 : f32
    %broadcast_in_dim3A_5499 = vector.broadcast %jit3A_5498 : f32 to vector<16x512xf32>
    %select_n3A_5500 = arith.select %gt3A_5481, %select_n3A_5472, %broadcast_in_dim3A_5499 : vector<16x512xi1>, vector<16x512xf32>
    %reduce_sum3A_5501 = vector.shape_cast %select_n3A_5500 : vector<16x512xf32> to vector<1x16x512xf32>
    %reduce_sum3A_5502 = arith.constant dense<0.000000e+00> : vector<1xf32>
    %reduce_sum3A_5503 = vector.multi_reduction <add>, %reduce_sum3A_5501, %reduce_sum3A_5502 [1, 2] : vector<1x16x512xf32> to vector<1xf32>
    %reduce_sum3A_5504 = vector.shape_cast %reduce_sum3A_5503 : vector<1xf32> to vector<1x1x1xf32>
    %reduce_sum3A_5505 = vector.extract %reduce_sum3A_5504[0, 0, 0] : f32 from vector<1x1x1xf32>
    %add3A_5506 = arith.addf %get3A_5497, %reduce_sum3A_5505 : f32
    %swap3A_5507 = arith.constant 0 : index
    %swap3A_5508 = arith.constant 0 : index
    %swap3A_5509 = memref.load %arg6[%swap3A_5507, %swap3A_5508] : memref<1x1xf32, #tpu.memory_space<smem>>
    memref.store %add3A_5506, %arg6[%swap3A_5507, %swap3A_5508] : memref<1x1xf32, #tpu.memory_space<smem>>
    return
  }
  func.func @transform_0(%arg0: i32, %arg1: i32) -> (i32, i32, i32, i32) {
    %c0_i32 = arith.constant 0 : i32
    %c0_i32_0 = arith.constant 0 : i32
    %c0_i32_1 = arith.constant 0 : i32
    return %arg0, %c0_i32, %arg1, %c0_i32_0 : i32, i32, i32, i32
  }
  func.func @transform_1(%arg0: i32, %arg1: i32) -> (i32, i32, i32) {
    %c0_i32 = arith.constant 0 : i32
    %c0_i32_0 = arith.constant 0 : i32
    return %arg0, %arg1, %c0_i32 : i32, i32, i32
  }
  func.func @transform_2(%arg0: i32, %arg1: i32) -> (i32, i32, i32) {
    %c0_i32 = arith.constant 0 : i32
    %c0_i32_0 = arith.constant 0 : i32
    return %arg0, %arg1, %c0_i32 : i32, i32, i32
  }
  func.func @transform_3(%arg0: i32, %arg1: i32) -> (i32, i32) {
    %c0_i32 = arith.constant 0 : i32
    %c0_i32_0 = arith.constant 0 : i32
    %c0_i32_1 = arith.constant 0 : i32
    return %c0_i32, %c0_i32_0 : i32, i32
  }
  func.func @transform_4(%arg0: i32, %arg1: i32) -> (i32, i32) {
    %c0_i32 = arith.constant 0 : i32
    %c0_i32_0 = arith.constant 0 : i32
    %c0_i32_1 = arith.constant 0 : i32
    return %c0_i32, %c0_i32_0 : i32, i32
  }
}

</mosaic_0001>

<sc_bundles>
// kernel: branch_1_fun.3.cloned.1.call-start
scs
__scs_entry_jumppad:
0x0: {  	(pc) =	sbr.rel $0x88, $3  }
0x1: {  	(tag) =	ssettag $0x0;
	lr =	simm.s32 $0x1  }
0x2: {  	[smem:$0x3F9F] =	sst lr;
	_ =	strace $0xD0000000  }
0x3: {  	_ = 	snop  }
0x4: {  	_ = 	snop  }
0x5: {  	_ = 	snop  }
0x6: {  	_ = 	snop  }
0x7: {  	_ = 	snop  }
__scs_overlays_trampoline_lowered:
0x8: {  	[smem:$0x3FAE] =	sst s0  }
0x9: {  	[smem:$0x3FAF] =	sst s1  }
0xa: {  	[smem:$0x3FB0] =	sst s2  }
0xb: {  	[smem:$0x3FB1] =	sst s3  }
0xc: {  	[smem:$0x3FB2] =	sst s4  }
0xd: {  	[smem:$0x3FB3] =	sst s5  }
0xe: {  	[smem:$0x3FB4] =	sst s6  }
0xf: {  	[smem:$0x3FB5] =	sst s7  }
0x10: {  	[smem:$0x3FB6] =	sst s8  }
0x11: {  	[smem:$0x3FB7] =	sst s9;
	s0 =	simm.s32 @!p0 $0x0  }
0x12: {  	s1 =	sld [smem:$0x3F9D];
	s0 =	simm.s32 @p0 $0x1  }
0x13: {  	[smem:$0x3FB8] =	sst s0;
	s0 =	simm.s32 @!p1 $0x0  }
0x14: {  	s2 =	sld [smem:$0x3F9C];
	s0 =	simm.s32 @p1 $0x1  }
0x15: {  	[smem:$0x3FB9] =	sst s0;
	s0 =	simm.s32 @!p2 $0x0  }
0x16: {  	s3 =	sld [smem:$0x3FDB];
	s0 =	simm.s32 @p2 $0x1  }
0x17: {  	s4 =	simm.s32 $0x1BF5;
	[smem:$0x3FBB] =	sst s0  }
0x18: {  	s0 =	sld [smem:$0x3F9E];
	_ =	swait.ge [sflag:s4], $0x0  }
0x19: {  	s7 =	sld [smem:$0x3F9F]  }
0x1a: {  	s8 =	sadd.s32 $0xFFFFE003, lr  }
0x1b: {  	s9 =	sadd.s32 $0xFFFFFEF7, lr;
	s5 =	simm.s32 $0xFFFFFFFF;
	p2 =	slt.u32 s8, $0xFFFFF086  }
0x1c: {  	p1 =	slt.u32 s9, $0xF7A;
	s5 =	simm.s32 @!p2 $0x0  }
0x1d: {  	s5 =	simm.s32 @p1 $0x1;
	p0 =	seq.s32 s7, s2  }
0x1e: {  	s7 =	smul.u32 @!p0 $0xF7A, s2;
	p2 =	seq.s32 @!p0 s5, $0x0  }
0x1f: {  	s9 =	smul.u32 $0xF7A, s1;
	s8 =	simm.s32 @!p0 $0x1BF5;
	p2 =	por !p2, p0  }
0x20: {  	[sflag:s8] =	ssyncset.s32 @!p0 $0xFFFFF086;
	s6 =	sadd.s32 @!p0 s3, s7;
	s7 =	simm.s32 @!p0 $0x108  }
0x21: {  	s3 =	sadd.s32 s3, s9;
	s6 =	sadd.s32 @!p0 $0x88, s6;
	s7 =	simm.s32 @p2 $0x1082  }
0x22: {  	[simem:s7], [sflag:s8] =	dma.local @!p0 [hbm:s6], $0xF7A  }
0x23: {  	s9 =	sor.u32 $0xD0000000, s2;
	s6 =	simm.s32 $0x108;
	_ =	swait.ge @!p0 [sflag:s8], $0x0  }
0x24: {  	s3 =	sadd.s32 $0x88, s3;
	s6 =	simm.s32 @!p1 $0x1082;
	[sflag:s4] =	ssyncset.s32 $0xFFFFF086  }
0x25: {  	[simem:s6], [sflag:s4] =	dma.local [hbm:s3], $0xF7A  }
0x26: {  	[smem:$0x3F9F] =	sst s1;
	(tag) =	ssettag s2;
	_ =	strace s9  }
0x27: {  	s1 =	sld [smem:$0x3FAF]  }
0x28: {  	s2 =	sld [smem:$0x3FB0]  }
0x29: {  	s4 =	sld [smem:$0x3FB2]  }
0x2a: {  	p0 =	seq.s32 s5, $0x0;
	s5 =	sld [smem:$0x3FB3]  }
0x2b: {  	s6 =	sld [smem:$0x3FB4]  }
0x2c: {  	s7 =	sld [smem:$0x3FB5]  }
0x2d: {  	s3 =	simm.s32 $0x108;
	s8 =	sld [smem:$0x3FB6]  }
0x2e: {  	s3 =	simm.s32 @!p0 $0x1082;
	s9 =	sld [smem:$0x3FB7]  }
0x2f: {  	lr =	sadd.s32 s0, s3;
	s0 =	sld [smem:$0x3FAE]  }
0x30: {  	s3 =	sld [smem:$0x3FB1]  }
0x31: {  	[smem:$0x3FBA] =	sst s10  }
0x32: {  	s10 =	sld [smem:$0x3FB8];
	_ =	sdelay $0x3  }
0x33: {  	p0 =	seq.s32 s10, $0x1;
	s10 =	sld [smem:$0x3FBA];
	_ =	sdelay $0x3  }
0x34: {  	[smem:$0x3FBA] =	sst s10  }
0x35: {  	s10 =	sld [smem:$0x3FB9];
	_ =	sdelay $0x3  }
0x36: {  	p1 =	seq.s32 s10, $0x1;
	s10 =	sld [smem:$0x3FBA];
	_ =	sdelay $0x3  }
0x37: {  	[smem:$0x3FBA] =	sst s10  }
0x38: {  	s10 =	sld [smem:$0x3FBB]  }
0x39: {  	_ = 	snop;
	(pc) =	sbr.ind lr, $3  }
0x3a: {  	_ = 	snop  }
0x3b: {  	_ = 	snop  }
0x3c: {  	p2 =	seq.s32 s10, $0x1;
	s10 =	sld [smem:$0x3FBA]  }
0x3d: {  	_ =	shalt  }
0x3e: {  	_ =	shalt  }
0x3f: {  	_ =	shalt  }
0x40: {  	_ =	shalt  }
0x41: {  	_ =	shalt  }
0x42: {  	_ =	shalt  }
0x43: {  	_ =	shalt  }
0x44: {  	_ =	shalt  }
0x45: {  	_ =	shalt  }
0x46: {  	_ =	shalt  }
0x47: {  	_ =	shalt  }
0x48: {  	_ =	shalt  }
0x49: {  	_ =	shalt  }
0x4a: {  	_ =	shalt  }
0x4b: {  	_ =	shalt  }
0x4c: {  	_ =	shalt  }
0x4d: {  	_ =	shalt  }
0x4e: {  	_ =	shalt  }
0x4f: {  	_ =	shalt  }
0x50: {  	_ =	shalt  }
0x51: {  	_ =	shalt  }
0x52: {  	_ =	shalt  }
0x53: {  	_ =	shalt  }
0x54: {  	_ =	shalt  }
0x55: {  	_ =	shalt  }
0x56: {  	_ =	shalt  }
0x57: {  	_ =	shalt  }
0x58: {  	_ =	shalt  }
0x59: {  	_ =	shalt  }
0x5a: {  	_ =	shalt  }
0x5b: {  	_ =	shalt  }
0x5c: {  	_ =	shalt  }
0x5d: {  	_ =	shalt  }
0x5e: {  	_ =	shalt  }
0x5f: {  	_ =	shalt  }
0x60: {  	_ =	shalt  }
0x61: {  	_ =	shalt  }
0x62: {  	_ =	shalt  }
0x63: {  	_ =	shalt  }
0x64: {  	_ =	shalt  }
0x65: {  	_ =	shalt  }
0x66: {  	_ =	shalt  }
0x67: {  	_ =	shalt  }
0x68: {  	_ =	shalt  }
0x69: {  	_ =	shalt  }
0x6a: {  	_ =	shalt  }
0x6b: {  	_ =	shalt  }
0x6c: {  	_ =	shalt  }
0x6d: {  	_ =	shalt  }
0x6e: {  	_ =	shalt  }
0x6f: {  	_ =	shalt  }
0x70: {  	_ =	shalt  }
0x71: {  	_ =	shalt  }
0x72: {  	_ =	shalt  }
0x73: {  	_ =	shalt  }
0x74: {  	_ =	shalt  }
0x75: {  	_ =	shalt  }
0x76: {  	_ =	shalt  }
0x77: {  	_ =	shalt  }
0x78: {  	_ =	shalt  }
0x79: {  	_ =	shalt  }
0x7a: {  	_ =	shalt  }
0x7b: {  	_ =	shalt  }
0x7c: {  	_ =	shalt  }
0x7d: {  	_ =	shalt  }
0x7e: {  	_ =	shalt  }
0x7f: {  	_ =	shalt  }
0x80: {  	_ =	shalt  }
0x81: {  	_ =	shalt  }
0x82: {  	_ =	shalt  }
0x83: {  	_ =	shalt  }
0x84: {  	_ =	shalt  }
0x85: {  	_ =	shalt  }
0x86: {  	_ =	shalt  }
0x87: {  	_ =	shalt  }
.Lfunc_end0:
.L_simem_size_0:
called_computation_lowered:
.L_overlay_start_0:
0x88: {  	s2 =	sld [smem:$0x3FD9]  }
0x89: {  	s3 =	sld [smem:$0x3FFE];
	_ =	sdelay $0x1  }
0x8a: {  	s1 =	srdreg.scid  }
0x8b: {  	s0 =	sand.u32 $0x1, s1  }
0x8c: {  	s17 =	sshll.u32 s0, $0xA;
	s2 =	sadd.s32 s3, s2  }
0x8d: {  	s2 =	sadd.s32 s2, s17  }
0x8e: {  	[smem:$0x3FC6] =	sst s2  }
0x8f: {  	_ = 	snop  }
0x90: {  	s2 =	sld [smem:$0x3FD0];
	(tm) =	ssettm $0x1  }
0x91: {  	s18 =	sld [smem:$0x3FFB];
	_ =	sdelay $0x3  }
0x92: {  	_ =	strace s18  }
0x93: {  	s3 =	sld [smem:$0x3FFC];
	_ =	sdelay $0x3  }
0x94: {  	_ =	strace s3  }
0x95: {  	s3 =	sld [smem:$0x3FFD];
	_ =	sdelay $0x3  }
0x96: {  	_ =	strace s3  }
0x97: {  	_ =	strace $0x8FFFFFFF  }
0x98: {  	s19 =	sld [smem:$0x3FDB];
	_ =	sdelay $0x1  }
0x99: {  	s4 =	simm.s32 $_scs_section_size  }
0x9a: {  	s5 =	simm.s32 $_size__tile_overlayer_lowered;
	s6 =	simm.s32 $_tile_overlayer_lowered  }
0x9b: {  	s22 =	simm.s32 $0x1BFF;
	s21 =	sshll.u32 s6, $0x1;
	s3 =	sadd.s32 s4, s19  }
0x9c: {  	s7 =	simm.s32 $0x0;
	s20 =	sshll.u32 s5, $0x1;
	s5 =	sadd.s32 s21, s3  }
0x9d: {  	[timem:s7], [sflag:s22] =	dma.local [hbm:s5], s20  }
0x9e: {  	_ =	swait.ge [sflag:s22], s20  }
0x9f: {  	s4 =	ssub.s32 $0x0, s20;
	[sflag:s22] =	ssyncset.done $0x0  }
0xa0: {  	[sflag:s22] =	ssyncadd.s32 s4;
	_ =	sdelay $0x1  }
0xa1: {  	s23 =	simm.s32 $0x1B8B  }
0xa2: {  	_ =	swait.ge [sflag:s23], $0x1  }
0xa3: {  	[sflag:s23] =	ssyncset.done $0x0  }
0xa4: {  	s25 =	simm.s32 $0x1B8E;
	s24 =	sld [smem:$0x3FFE];
	[sflag:s23] =	ssyncadd.s32 $0xFFFFFFFF  }
0xa5: {  	s26 =	simm.s32 $execute0_lowered;
	[smem:$0x3FD2] =	sst s25  }
0xa6: {  	s5 =	sshll.u32 s26, $0x1;
	_ =	strace $0x80000046;
	[dreg:$0x1] =	wrdreg $0xFFFFFFFF  }
0xa7: {  	s28 =	simm.s32 $_size_execute0_lowered;
	s3 =	sadd.s32 s3, s5;
	[dreg:$0x0] =	wrdreg $0x0  }
0xa8: {  	s5 =	sshll.u32 s28, $0x1;
	[dreg:$0x2] =	wrdreg s3  }
0xa9: {  	[dreg:$0x3] =	wrdreg s5  }
0xaa: {  	[dreg:$0x4] =	wrdreg $0xC0  }
0xab: {  	_ =	task [dreg:s7], $0x5FFFF  }
0xac: {  	[dreg:$0x1] =	wrdreg $0xFFFFFFFF  }
0xad: {  	[dreg:$0x0] =	wrdreg $0x60  }
0xae: {  	[dreg:$0x2] =	wrdreg s24  }
0xaf: {  	[dreg:$0x3] =	wrdreg s2  }
0xb0: {  	[dreg:$0x4] =	wrdreg $0x108800  }
0xb1: {  	[dreg:$0x5] =	wrdreg $0x9  }
0xb2: {  	_ =	task.clear_ibuf [dreg:s7], $0x6FFFF;
	_ =	strace $0x90000046  }
0xb3: {  	s29 =	simm.s32 $0x9;
	_ =	strace $0x80000048  }
0xb4: {  	_ =	swait.ge [sflag:s29], $0x1  }
0xb5: {  	[sflag:s29] =	ssyncadd.s32 $0xFFFFFFFF  }
0xb6: {  	_ =	strace $0x90000048  }
0xb7: {  	_ =	sfence  }
0xb8: {  	s30 =	sld [smem:$0x0];
	_ =	sdelay $0x2  }
0xb9: {  	s31 =	sshll.u32 s1, $0xD;
	s1 =	sshrl.u32 s1, $0x2  }
0xba: {  	s3 =	sand.u32 $0x4000, s31;
	s1 =	sadd.s32 s1, s30  }
0xbb: {  	s0 =	sor.u32 s3, s0;
	s1 =	sshll.u32 s1, $0x11  }
0xbc: {  	s0 =	sor.u32 s1, s0  }
0xbd: {  	s0 =	sadd.s32 $0x8F2B, s0  }
0xbe: {  	[sflag:s0] =	ssyncadd.remote.s32 $0x1  }
0xbf: {  	_ =	sfence.sel $0xFFFF  }
0xc0: {  	[dreg:$0x0] =	wrdreg $0xFFFFFFFF;
	(pc) =	sbr.abs _section_cstart, $3  }
0xc1: {  	[dreg:$0x1] =	wrdreg $0xFFFFFFFF  }
0xc2: {  	_ =	task.clear_ibuf [dreg:s7], $0x2FFFF;
	_ =	strace $0x9FFFFFFF  }
0xc3: {  	(tm) =	ssettm $0x7FFFFFFF  }
tec
execute0_lowered:
.L_overlay_start_1:
0x0: {  	(tag) =	ssettag $0x1  }
0x1: {  	s5 =	rddreg [dreg:$0x0]  }
0x2: {  	s1 =	rddreg [dreg:$0x1]  }
0x3: {  	s2 =	rddreg [dreg:$0x2];
	s3 =	srdreg.scid  }
0x4: {  	s0 =	rddreg [dreg:$0x3];
	s4 =	simm.s32 $0x0;
	s10 =	simm.s32 $0x10080  }
0x5: {  	s7 =	sand.u32 $0x1, s3;
	[smem:$0x7FF] =	sst s4;
	s3 =	stileid.u32  }
0x6: {  	s6 =	ssub.s32 $0x2, s7;
	_ =	strace $0x80000047;
	s8 =	sshll.u32 s3, $0xD  }
0x7: {  	s31 =	sshll.u32 s3, $0x7;
	s11 =	sor.u32 s3, s7;
	s9 =	sshrl.u32 s6, $0x1  }
0x8: {  	s5 =	sadd.s32 s8, s5;
	s8 =	simm.s32 $0x1;
	p0 =	sne.s32 s11, $0x0  }
0x9: {  	s11 =	simm.s32 $0x0;
	s30 =	ssub.s32 s6, s9;
	s5 =	sadd.s32 $0x1400, s5  }
0xa: {  	v0 =	vimm.f32 $0.0e+00;
	vm0 =	vmmov $0x1;
	vm1 =	vcmask $0x3F08;
	s6 =	sadd.s32 s31, s2;
	s9 =	simm.s32 $0x10000;
	s7 =	smax.u32 s30, $0x1  }
.LBB2_1:
0xb: {  	[tilespmem:s4], [sflag:$0x1] =	stream.linear.gather [hbm4b:s5+s4], $0x10000, $0x38;
	[tilespmem:$0x10890] =	vst v63  }
0xc: {  	_ =	swait.ge [sflag:s8], $0x10000  }
0xd: {  	s13 =	simm.s32 $0x7F800001;
	[sflag:s8] =	ssyncset.done $0x0  }
0xe: {  	s12 =	simm.s32 $0x0;
	s14 =	simm.s32 $0x0;
	[sflag:s8] =	ssyncadd.s32 $0xFFFF0000  }
.LBB2_2:
0xf: {  	s15 =	ssub.s32 s13, s12;
	p1 =	sne.s32 s13, s12;
	s16 =	simm.s32 $0x1  }
0x10: {  	s17 =	sshra.s32 s15, $0x1F;
	s16 =	simm.s32 @!p1 $0x0  }
0x11: {  	s30 =	sand.u32 $0x1, s15;
	s16 =	sor.u32 s16, s17  }
0x12: {  	s18 =	sshrl.u32 s15, $0x1F;
	p2 =	seq.s32 s30, $0x1;
	p6 =	sne.s32 s16, $0x1  }
0x13: {  	s31 =	simm.s32 $0x0;
	s15 =	sadd.s32 s18, s15;
	p1 =	por !p6, !p2  }
0x14: {  	s15 =	sshra.s32 s15, $0x1;
	s16 =	simm.s32 $0x1;
	p1 =	por !p1, !p1  }
0x15: {  	v2 =	vld [tilespmem:s31+$0x0];
	s15 =	sadd.s32 s12, s15;
	s16 =	simm.s32 @!p1 $0x0  }
0x16: {  	s15 =	ssub.s32 s15, s16  }
0x17: {  	v3 =	vld [tilespmem:s31+$0x10];
	v1 =	vmov s15  }
0x18: {  	v1 =	vbroadcast v1, $0x0  }
0x19: {  	v4 =	vld [tilespmem:s31+$0x20]  }
0x1a: {  	vm2 =	vge.f32 v2, v1  }
0x1b: {  	v6 =	vld [tilespmem:s31+$0x30];
	v2 =	vimm.f32 $0.0e+00;
	v5 =	vsel vm2, $0x3F800000, v0  }
0x1c: {  	vm2 =	vge.f32 v3, v1;
	v2 =	vadd.f32 v5, v2  }
0x1d: {  	v3 =	vsel vm2, $0x3F800000, v0  }
0x1e: {  	v5 =	vld [tilespmem:s31+$0x40];
	vm2 =	vge.f32 v4, v1;
	v2 =	vadd.f32 v3, v2  }
0x1f: {  	v3 =	vsel vm2, $0x3F800000, v0  }
0x20: {  	v7 =	vld [tilespmem:s31+$0x50];
	vm2 =	vge.f32 v6, v1;
	v2 =	vadd.f32 v3, v2  }
0x21: {  	v3 =	vsel vm2, $0x3F800000, v0  }
0x22: {  	v4 =	vadd.f32 v3, v2;
	v3 =	vld [tilespmem:s31+$0x60]  }
0x23: {  	vm2 =	vge.f32 v5, v1  }
0x24: {  	v5 =	vsel vm2, $0x3F800000, v0;
	v2 =	vld [tilespmem:s31+$0x70]  }
0x25: {  	s17 =	simm.s32 $0x400;
	s16 =	simm.s32 $0x80;
	vm2 =	vge.f32 v7, v1;
	v4 =	vadd.f32 v5, v4  }
.LBB2_3:
0x26: {  	p1 =	sne.s32 s17, $0x3FE00;
	v5 =	vld [tilespmem:s16+$0x0];
	v6 =	vsel vm2, $0x3F800000, v0  }
0x27: {  	v4 =	vadd.f32 v6, v4;
	vm2 =	vge.f32 v3, v1  }
0x28: {  	v3 =	vld [tilespmem:s16+$0x10];
	v6 =	vsel vm2, $0x3F800000, v0  }
0x29: {  	v4 =	vadd.f32 v6, v4;
	vm2 =	vge.f32 v2, v1  }
0x2a: {  	v2 =	vld [tilespmem:s16+$0x20];
	v6 =	vsel vm2, $0x3F800000, v0  }
0x2b: {  	vm2 =	vge.f32 v5, v1;
	v4 =	vadd.f32 v6, v4  }
0x2c: {  	v5 =	vsel vm2, $0x3F800000, v0;
	v6 =	vld [tilespmem:s16+$0x30]  }
0x2d: {  	v4 =	vadd.f32 v5, v4;
	vm2 =	vge.f32 v3, v1  }
0x2e: {  	v3 =	vsel vm2, $0x3F800000, v0;
	v5 =	vld [tilespmem:s16+$0x40]  }
0x2f: {  	v3 =	vadd.f32 v3, v4;
	vm2 =	vge.f32 v2, v1  }
0x30: {  	v2 =	vsel vm2, $0x3F800000, v0;
	v7 =	vld [tilespmem:s16+$0x50]  }
.Ltmp0:
0x31: {  	v2 =	vadd.f32 v2, v3;
	vm2 =	vge.f32 v6, v1;
	(pc) =	sbr.rel @p1 .LBB2_3-.Ltmp0, $4  }
0x32: {  	v4 =	vsel vm2, $0x3F800000, v0;
	v3 =	vld [tilespmem:s16+$0x60]  }
0x33: {  	v4 =	vadd.f32 v4, v2;
	vm2 =	vge.f32 v5, v1  }
0x34: {  	v5 =	vsel vm2, $0x3F800000, v0;
	v2 =	vld [tilespmem:s16+$0x70]  }
0x35: {  	s16 =	sshra.s32 s17, $0x2;
	s17 =	sadd.s32 $0x200, s17;
	v4 =	vadd.f32 v5, v4;
	vm2 =	vge.f32 v7, v1  }
0x36: {  	v5 =	vld [tilespmem:s16+$0x0];
	v6 =	vsel vm2, $0x3F800000, v0  }
0x37: {  	v4 =	vadd.f32 v6, v4;
	vm2 =	vge.f32 v3, v1  }
0x38: {  	v3 =	vld [tilespmem:s16+$0x10];
	v54 =	vsel vm2, $0x3F800000, v0  }
0x39: {  	v4 =	vadd.f32 v54, v4;
	vm2 =	vge.f32 v2, v1  }
0x3a: {  	v2 =	vld [tilespmem:s16+$0x20];
	v55 =	vsel vm2, $0x3F800000, v0  }
0x3b: {  	vm2 =	vge.f32 v5, v1;
	v4 =	vadd.f32 v55, v4  }
0x3c: {  	v56 =	vld [tilespmem:s16+$0x30];
	v5 =	vsel vm2, $0x3F800000, v0  }
0x3d: {  	vm2 =	vge.f32 v3, v1;
	v4 =	vadd.f32 v5, v4  }
0x3e: {  	v57 =	vld [tilespmem:s16+$0x40];
	v3 =	vsel vm2, $0x3F800000, v0  }
0x3f: {  	vm2 =	vge.f32 v2, v1;
	v3 =	vadd.f32 v3, v4  }
0x40: {  	v58 =	vld [tilespmem:s16+$0x50];
	v2 =	vsel vm2, $0x3F800000, v0  }
0x41: {  	vm2 =	vge.f32 v56, v1;
	v2 =	vadd.f32 v2, v3  }
0x42: {  	v59 =	vld [tilespmem:s16+$0x60];
	v3 =	vsel vm2, $0x3F800000, v0  }
0x43: {  	vm2 =	vge.f32 v57, v1;
	v2 =	vadd.f32 v3, v2  }
0x44: {  	v60 =	vld [tilespmem:s16+$0x70];
	v3 =	vsel vm2, $0x3F800000, v0  }
0x45: {  	vm2 =	vge.f32 v58, v1;
	v2 =	vadd.f32 v3, v2  }
0x46: {  	v3 =	vsel vm2, $0x3F800000, v0  }
0x47: {  	vm2 =	vge.f32 v59, v1;
	v2 =	vadd.f32 v3, v2  }
0x48: {  	v3 =	vsel vm2, $0x3F800000, v0  }
0x49: {  	vm2 =	vge.f32 v60, v1;
	v2 =	vadd.f32 v3, v2  }
0x4a: {  	v1 =	vsel vm2, $0x3F800000, v0  }
0x4b: {  	v1 =	vadd.f32 v1, v2;
	_ =	sdelay $0x1  }
0x4c: {  	v2 =	vbroadcast v1, $0x1;
	_ =	sdelay $0x1  }
0x4d: {  	v3 =	vbroadcast v1, $0x2;
	v2 =	vadd.f32 v2, v1;
	_ =	sdelay $0x1  }
0x4e: {  	v2 =	vadd.f32 v2, v3;
	v3 =	vbroadcast v1, $0x3;
	_ =	sdelay $0x1  }
0x4f: {  	v2 =	vadd.f32 v2, v3;
	v3 =	vbroadcast v1, $0x4;
	_ =	sdelay $0x1  }
0x50: {  	v2 =	vadd.f32 v2, v3;
	v3 =	vbroadcast v1, $0x5;
	_ =	sdelay $0x1  }
0x51: {  	v2 =	vadd.f32 v2, v3;
	v3 =	vbroadcast v1, $0x6;
	_ =	sdelay $0x1  }
0x52: {  	v2 =	vadd.f32 v2, v3;
	v3 =	vbroadcast v1, $0x7;
	_ =	sdelay $0x1  }
0x53: {  	v2 =	vadd.f32 v2, v3;
	v3 =	vbroadcast v1, $0x8;
	_ =	sdelay $0x1  }
0x54: {  	v2 =	vadd.f32 v2, v3;
	v3 =	vbroadcast v1, $0x9;
	_ =	sdelay $0x1  }
0x55: {  	v2 =	vadd.f32 v2, v3;
	v3 =	vbroadcast v1, $0xA;
	_ =	sdelay $0x1  }
0x56: {  	v2 =	vadd.f32 v2, v3;
	v3 =	vbroadcast v1, $0xB;
	_ =	sdelay $0x1  }
0x57: {  	v2 =	vadd.f32 v2, v3;
	v3 =	vbroadcast v1, $0xC;
	_ =	sdelay $0x1  }
0x58: {  	v2 =	vadd.f32 v2, v3;
	v3 =	vbroadcast v1, $0xD;
	_ =	sdelay $0x1  }
0x59: {  	v2 =	vadd.f32 v2, v3;
	v3 =	vbroadcast v1, $0xE;
	_ =	sdelay $0x1  }
0x5a: {  	v1 =	vbroadcast v1, $0xF;
	v2 =	vadd.f32 v2, v3;
	_ =	sdelay $0x1  }
0x5b: {  	v1 =	vadd.f32 v2, v1;
	_ =	sdelay $0x1  }
0x5c: {  	v1 =	vnsel vm0, $0x0, v1  }
0x5d: {  	[tilespmem:$0x10000] =	vst v1  }
0x5e: {  	[spmem:s6] =	stream.linear.scatter [tilespmem:s9], [sflag:$0x1], $0x80, $0x38;
	[tilespmem:$0x10890] =	vst v63  }
0x5f: {  	_ =	swait.ge [sflag:s8], $0x80  }
0x60: {  	[sflag:s8] =	ssyncset.done $0x0  }
0x61: {  	[sflag:s8] =	ssyncadd.s32 $0xFFFFFF80  }
0x62: {  	[bflag:$0x0] =	sbarrier.arrive $0xFFFF  }
0x63: {  	[tilespmem:s10], [sflag:$0x1] =	stream.linear.gather [spmem:s2], $0x800, $0x38;
	[tilespmem:$0x10890] =	vst v63  }
0x64: {  	_ =	swait.ge [sflag:s8], $0x800  }
0x65: {  	[sflag:s8] =	ssyncset.done $0x0  }
0x66: {  	[sflag:s8] =	ssyncadd.s32 $0xFFFFF800  }
0x67: {  	v1 =	vld [tilespmem:$0x10080]  }
0x68: {  	v2 =	vld [tilespmem:$0x10100]  }
0x69: {  	v3 =	vld [tilespmem:$0x10180]  }
0x6a: {  	v61 =	vld [tilespmem:$0x10200]  }
0x6b: {  	v62 =	vld [tilespmem:$0x10280]  }
0x6c: {  	v63 =	vld [tilespmem:$0x10300]  }
0x6d: {  	v7 =	vld [tilespmem:$0x10380]  }
0x6e: {  	v8 =	vld [tilespmem:$0x10400]  }
0x6f: {  	v9 =	vld [tilespmem:$0x10480]  }
0x70: {  	v10 =	vld [tilespmem:$0x10500]  }
0x71: {  	v11 =	vld [tilespmem:$0x10580]  }
0x72: {  	v12 =	vld [tilespmem:$0x10600]  }
0x73: {  	v13 =	vld [tilespmem:$0x10680]  }
0x74: {  	v14 =	vld [tilespmem:$0x10700]  }
0x75: {  	v15 =	vld [tilespmem:$0x10780]  }
0x76: {  	v16 =	vld [tilespmem:$0x10800];
	[bflag:$0x0] =	sbarrier.arrive $0xFFFF  }
0x77: {  	(v2sf) =	vpush v1, $0x0;
	_ =	sdelay $0x1  }
0x78: {  	(v2sf) =	vpush v2, $0x0;
	_ =	sdelay $0x1  }
0x79: {  	(v2sf) =	vpush v3, $0x0;
	_ =	sdelay $0x1  }
0x7a: {  	(v2sf) =	vpush v61, $0x0;
	_ =	sdelay $0x1  }
0x7b: {  	(v2sf) =	vpush v62, $0x0;
	_ =	sdelay $0x1  }
0x7c: {  	(v2sf) =	vpush v63, $0x0;
	_ =	sdelay $0x1  }
0x7d: {  	(v2sf) =	vpush v7, $0x0;
	_ =	sdelay $0x1  }
0x7e: {  	(v2sf) =	vpush v8, $0x0  }
0x7f: {  	s30 =	spop (v2sf)  }
0x80: {  	(v2sf) =	vpush v9, $0x0;
	s16 =	sadd.f32 $0.0e+00, s30  }
0x81: {  	s17 =	spop (v2sf)  }
0x82: {  	(v2sf) =	vpush v10, $0x0;
	s16 =	sadd.f32 s17, s16  }
0x83: {  	s31 =	spop (v2sf)  }
0x84: {  	(v2sf) =	vpush v11, $0x0;
	s16 =	sadd.f32 s31, s16  }
0x85: {  	s18 =	spop (v2sf)  }
0x86: {  	(v2sf) =	vpush v12, $0x0;
	s16 =	sadd.f32 s18, s16  }
0x87: {  	s19 =	spop (v2sf)  }
0x88: {  	(v2sf) =	vpush v13, $0x0;
	s16 =	sadd.f32 s19, s16  }
0x89: {  	s20 =	spop (v2sf)  }
0x8a: {  	(v2sf) =	vpush v14, $0x0;
	s16 =	sadd.f32 s20, s16  }
0x8b: {  	s21 =	spop (v2sf)  }
0x8c: {  	(v2sf) =	vpush v15, $0x0;
	s16 =	sadd.f32 s21, s16  }
0x8d: {  	s22 =	spop (v2sf)  }
0x8e: {  	(v2sf) =	vpush v16, $0x0;
	s16 =	sadd.f32 s22, s16  }
0x8f: {  	s23 =	spop (v2sf)  }
0x90: {  	s16 =	sadd.f32 s23, s16  }
0x91: {  	s24 =	spop (v2sf)  }
0x92: {  	s16 =	sadd.f32 s24, s16  }
0x93: {  	s25 =	spop (v2sf)  }
0x94: {  	s16 =	sadd.f32 s25, s16  }
0x95: {  	s26 =	spop (v2sf)  }
0x96: {  	s16 =	sadd.f32 s26, s16  }
0x97: {  	s28 =	spop (v2sf)  }
0x98: {  	s16 =	sadd.f32 s28, s16  }
0x99: {  	s29 =	spop (v2sf)  }
0x9a: {  	s16 =	sadd.f32 s29, s16  }
0x9b: {  	s30 =	spop (v2sf)  }
0x9c: {  	s16 =	sadd.f32 s30, s16  }
0x9d: {  	s31 =	spop (v2sf)  }
0x9e: {  	s16 =	sadd.f32 s31, s16;
	_ =	sdelay $0x1  }
0x9f: {  	p1 =	sge.f32 s16, $1.000000000e+05  }
0xa0: {  	s14 =	sadd.s32 $0x1, s14  }
0xa1: {  	s12 =	smov.u32 @p1 s15;
	s15 =	smov.u32 @p1 s13;
	p1 =	sne.s32 s14, $0x1F  }
.Ltmp1:
0xa2: {  	_ = 	snop;
	(pc) =	sbr.rel @p1 .LBB2_2-.Ltmp1, $2  }
0xa3: {  	_ =	sdelay $0x2  }
0xa4: {  	s13 =	smov.u32 s15  }
0xa5: {  	s13 =	simm.s32 $0x0  }
0xa6: {  	v3 =	vld [tilespmem:s13+$0x0];
	_ =	sdelay $0x1  }
0xa7: {  	v1 =	vmov s12;
	v4 =	vld [tilespmem:s13+$0x10]  }
0xa8: {  	v2 =	vbroadcast v1, $0x0  }
0xa9: {  	v5 =	vld [tilespmem:s13+$0x20]  }
0xaa: {  	vm2 =	vgt.f32 v3, v2  }
0xab: {  	v6 =	vimm.f32 $0.0e+00;
	v8 =	vld [tilespmem:s13+$0x30];
	v7 =	vsel vm2, $0x3F800000, v0  }
0xac: {  	v3 =	vnsel vm2, $0x0, v3;
	vm2 =	vgt.f32 v4, v2;
	v7 =	vadd.f32 v7, v6  }
0xad: {  	v3 =	vadd.f32 v3, v6;
	v6 =	vsel vm2, $0x3F800000, v0  }
0xae: {  	v9 =	vld [tilespmem:s13+$0x40];
	v4 =	vnsel vm2, $0x0, v4;
	vm2 =	vgt.f32 v5, v2;
	v6 =	vadd.f32 v6, v7  }
0xaf: {  	v4 =	vadd.f32 v4, v3;
	v7 =	vsel vm2, $0x3F800000, v0  }
0xb0: {  	v5 =	vnsel vm2, $0x0, v5;
	v3 =	vld [tilespmem:s13+$0x50];
	vm2 =	vgt.f32 v8, v2;
	v6 =	vadd.f32 v7, v6  }
0xb1: {  	v4 =	vadd.f32 v5, v4;
	v5 =	vsel vm2, $0x3F800000, v0  }
0xb2: {  	v7 =	vnsel vm2, $0x0, v8;
	v6 =	vadd.f32 v5, v6;
	v5 =	vld [tilespmem:s13+$0x60]  }
0xb3: {  	vm2 =	vgt.f32 v9, v2;
	v7 =	vadd.f32 v7, v4  }
0xb4: {  	v8 =	vsel vm2, $0x3F800000, v0;
	v9 =	vnsel vm2, $0x0, v9;
	v4 =	vld [tilespmem:s13+$0x70]  }
0xb5: {  	s12 =	simm.s32 $0x80;
	s13 =	simm.s32 $0x400;
	vm2 =	vgt.f32 v3, v2;
	v6 =	vadd.f32 v8, v6;
	v7 =	vadd.f32 v9, v7  }
.LBB2_6:
0xb6: {  	p1 =	sne.s32 s13, $0x3FE00;
	v8 =	vld [tilespmem:s12+$0x0];
	v9 =	vsel vm2, $0x3F800000, v0;
	v3 =	vnsel vm2, $0x0, v3  }
0xb7: {  	v6 =	vadd.f32 v9, v6;
	v3 =	vadd.f32 v3, v7;
	vm2 =	vgt.f32 v5, v2  }
0xb8: {  	v7 =	vld [tilespmem:s12+$0x10];
	v9 =	vsel vm2, $0x3F800000, v0;
	v5 =	vnsel vm2, $0x0, v5  }
0xb9: {  	v6 =	vadd.f32 v9, v6;
	v3 =	vadd.f32 v5, v3;
	vm2 =	vgt.f32 v4, v2  }
0xba: {  	v5 =	vld [tilespmem:s12+$0x20];
	v9 =	vsel vm2, $0x3F800000, v0;
	v4 =	vnsel vm2, $0x0, v4  }
0xbb: {  	vm2 =	vgt.f32 v8, v2;
	v6 =	vadd.f32 v9, v6;
	v3 =	vadd.f32 v4, v3  }
0xbc: {  	v4 =	vsel vm2, $0x3F800000, v0;
	v8 =	vnsel vm2, $0x0, v8;
	v9 =	vld [tilespmem:s12+$0x30]  }
0xbd: {  	v4 =	vadd.f32 v4, v6;
	v3 =	vadd.f32 v8, v3;
	vm2 =	vgt.f32 v7, v2  }
0xbe: {  	v6 =	vsel vm2, $0x3F800000, v0;
	v7 =	vnsel vm2, $0x0, v7;
	v8 =	vld [tilespmem:s12+$0x40]  }
0xbf: {  	v4 =	vadd.f32 v6, v4;
	v6 =	vadd.f32 v7, v3;
	vm2 =	vgt.f32 v5, v2  }
0xc0: {  	v7 =	vsel vm2, $0x3F800000, v0;
	v5 =	vnsel vm2, $0x0, v5;
	v3 =	vld [tilespmem:s12+$0x50]  }
.Ltmp2:
0xc1: {  	v4 =	vadd.f32 v7, v4;
	v6 =	vadd.f32 v5, v6;
	vm2 =	vgt.f32 v9, v2;
	(pc) =	sbr.rel @p1 .LBB2_6-.Ltmp2, $4  }
0xc2: {  	v7 =	vsel vm2, $0x3F800000, v0;
	v9 =	vnsel vm2, $0x0, v9;
	v5 =	vld [tilespmem:s12+$0x60]  }
0xc3: {  	v7 =	vadd.f32 v7, v4;
	v9 =	vadd.f32 v9, v6;
	vm2 =	vgt.f32 v8, v2  }
0xc4: {  	v6 =	vsel vm2, $0x3F800000, v0;
	v8 =	vnsel vm2, $0x0, v8;
	v4 =	vld [tilespmem:s12+$0x70]  }
0xc5: {  	s12 =	sshra.s32 s13, $0x2;
	s13 =	sadd.s32 $0x200, s13;
	v6 =	vadd.f32 v6, v7;
	v7 =	vadd.f32 v8, v9;
	vm2 =	vgt.f32 v3, v2  }
0xc6: {  	v8 =	vld [tilespmem:s12+$0x0];
	v3 =	vnsel vm2, $0x0, v3  }
0xc7: {  	v3 =	vadd.f32 v3, v7;
	vm3 =	vgt.f32 v5, v2  }
0xc8: {  	v50 =	vld [tilespmem:s12+$0x10];
	v5 =	vnsel vm3, $0x0, v5  }
0xc9: {  	v9 =	vsel vm2, $0x3F800000, v0;
	v3 =	vadd.f32 v5, v3;
	vm2 =	vgt.f32 v4, v2  }
0xca: {  	v52 =	vld [tilespmem:s12+$0x20];
	v51 =	vadd.f32 v9, v6;
	v4 =	vnsel vm2, $0x0, v4  }
0xcb: {  	v53 =	vsel vm3, $0x3F800000, v0;
	v3 =	vadd.f32 v4, v3;
	vm3 =	vgt.f32 v8, v2  }
0xcc: {  	v56 =	vld [tilespmem:s12+$0x30];
	v54 =	vadd.f32 v53, v51;
	v55 =	vnsel vm3, $0x0, v8  }
0xcd: {  	v57 =	vsel vm2, $0x3F800000, v0;
	vm2 =	vgt.f32 v50, v2;
	v3 =	vadd.f32 v55, v3  }
0xce: {  	v59 =	vld [tilespmem:s12+$0x40];
	v4 =	vadd.f32 v57, v54;
	v58 =	vnsel vm2, $0x0, v50  }
0xcf: {  	v60 =	vsel vm3, $0x3F800000, v0;
	vm3 =	vgt.f32 v52, v2;
	v3 =	vadd.f32 v58, v3  }
0xd0: {  	v62 =	vld [tilespmem:s12+$0x50];
	v4 =	vadd.f32 v60, v4;
	v61 =	vnsel vm3, $0x0, v52  }
0xd1: {  	v63 =	vsel vm2, $0x3F800000, v0;
	vm2 =	vgt.f32 v56, v2;
	v3 =	vadd.f32 v61, v3  }
0xd2: {  	v13 =	vld [tilespmem:s12+$0x60];
	v12 =	vnsel vm2, $0x0, v56;
	v4 =	vadd.f32 v63, v4  }
0xd3: {  	v14 =	vsel vm3, $0x3F800000, v0;
	vm3 =	vgt.f32 v59, v2;
	v3 =	vadd.f32 v12, v3  }
0xd4: {  	v16 =	vld [tilespmem:s12+$0x70];
	v15 =	vnsel vm3, $0x0, v59;
	v4 =	vadd.f32 v14, v4  }
0xd5: {  	v17 =	vsel vm2, $0x3F800000, v0;
	vm2 =	vgt.f32 v62, v2;
	v3 =	vadd.f32 v15, v3  }
0xd6: {  	v18 =	vnsel vm2, $0x0, v62;
	v4 =	vadd.f32 v17, v4  }
0xd7: {  	v19 =	vsel vm3, $0x3F800000, v0;
	vm3 =	vgt.f32 v13, v2;
	v3 =	vadd.f32 v18, v3  }
0xd8: {  	v20 =	vnsel vm3, $0x0, v13;
	v4 =	vadd.f32 v19, v4  }
0xd9: {  	v21 =	vsel vm2, $0x3F800000, v0;
	vm2 =	vgt.f32 v16, v2;
	v3 =	vadd.f32 v20, v3  }
0xda: {  	v22 =	vnsel vm2, $0x0, v16;
	v2 =	vadd.f32 v21, v4  }
0xdb: {  	v23 =	vsel vm3, $0x3F800000, v0;
	v3 =	vadd.f32 v22, v3  }
0xdc: {  	v2 =	vadd.f32 v23, v2  }
0xdd: {  	v24 =	vsel vm2, $0x3F800000, v0;
	v25 =	vadd.f32 $0.0e+00, v3  }
0xde: {  	v2 =	vadd.f32 v24, v2  }
0xdf: {  	v26 =	vbroadcast v25, $0x0  }
0xe0: {  	v27 =	vbroadcast v2, $0x1  }
0xe1: {  	v28 =	vbroadcast v3, $0x2;
	v4 =	vadd.f32 v26, v3  }
0xe2: {  	v29 =	vbroadcast v2, $0x2;
	v5 =	vadd.f32 v27, v2  }
0xe3: {  	v30 =	vbroadcast v3, $0x3;
	v4 =	vadd.f32 v4, v28  }
0xe4: {  	v31 =	vbroadcast v2, $0x3;
	v5 =	vadd.f32 v5, v29  }
0xe5: {  	v32 =	vbroadcast v3, $0x4;
	v4 =	vadd.f32 v4, v30  }
0xe6: {  	v33 =	vbroadcast v2, $0x4;
	v5 =	vadd.f32 v5, v31  }
0xe7: {  	v34 =	vbroadcast v3, $0x5;
	v4 =	vadd.f32 v4, v32  }
0xe8: {  	v35 =	vbroadcast v2, $0x5;
	v5 =	vadd.f32 v5, v33  }
0xe9: {  	v36 =	vbroadcast v3, $0x6;
	v4 =	vadd.f32 v4, v34  }
0xea: {  	v37 =	vbroadcast v2, $0x6;
	v5 =	vadd.f32 v5, v35  }
0xeb: {  	v38 =	vbroadcast v3, $0x7;
	v4 =	vadd.f32 v4, v36  }
0xec: {  	v39 =	vbroadcast v2, $0x7;
	v5 =	vadd.f32 v5, v37  }
0xed: {  	v40 =	vbroadcast v3, $0x8;
	v4 =	vadd.f32 v4, v38  }
0xee: {  	v41 =	vbroadcast v2, $0x8;
	v5 =	vadd.f32 v5, v39  }
0xef: {  	v42 =	vbroadcast v3, $0x9;
	v4 =	vadd.f32 v4, v40  }
0xf0: {  	v43 =	vbroadcast v2, $0x9;
	v5 =	vadd.f32 v5, v41  }
0xf1: {  	v44 =	vbroadcast v3, $0xA;
	v4 =	vadd.f32 v4, v42  }
0xf2: {  	v45 =	vbroadcast v2, $0xA;
	v5 =	vadd.f32 v5, v43  }
0xf3: {  	v46 =	vbroadcast v3, $0xB;
	v4 =	vadd.f32 v4, v44  }
0xf4: {  	v47 =	vbroadcast v2, $0xB;
	v5 =	vadd.f32 v5, v45  }
0xf5: {  	v48 =	vbroadcast v3, $0xC;
	v4 =	vadd.f32 v4, v46  }
0xf6: {  	v49 =	vbroadcast v2, $0xC;
	v5 =	vadd.f32 v5, v47  }
0xf7: {  	v50 =	vbroadcast v3, $0xD;
	v4 =	vadd.f32 v4, v48  }
0xf8: {  	v51 =	vbroadcast v2, $0xD;
	v5 =	vadd.f32 v5, v49  }
0xf9: {  	v52 =	vbroadcast v3, $0xE;
	v4 =	vadd.f32 v4, v50  }
0xfa: {  	v53 =	vbroadcast v2, $0xE;
	v5 =	vadd.f32 v5, v51  }
0xfb: {  	v3 =	vbroadcast v3, $0xF;
	v4 =	vadd.f32 v4, v52  }
0xfc: {  	v2 =	vbroadcast v2, $0xF;
	v5 =	vadd.f32 v5, v53  }
0xfd: {  	v3 =	vadd.f32 v4, v3  }
0xfe: {  	v2 =	vadd.f32 v5, v2  }
0xff: {  	v3 =	vsel vm1, $0x0, v3  }
0x100: {  	v2 =	vsel vm0, v2, v3  }
0x101: {  	[tilespmem:$0x10000] =	vst v2  }
0x102: {  	[spmem:s6] =	stream.linear.scatter [tilespmem:s9], [sflag:$0x1], $0x80, $0x38;
	[tilespmem:$0x10890] =	vst v63  }
0x103: {  	_ =	swait.ge [sflag:s8], $0x80  }
0x104: {  	[sflag:s8] =	ssyncset.done $0x0  }
0x105: {  	[sflag:s8] =	ssyncadd.s32 $0xFFFFFF80  }
0x106: {  	[bflag:$0x0] =	sbarrier.arrive $0xFFFF  }
0x107: {  	[tilespmem:s10], [sflag:$0x1] =	stream.linear.gather [spmem:s2], $0x800, $0x38;
	[tilespmem:$0x10890] =	vst v63  }
0x108: {  	_ =	swait.ge [sflag:s8], $0x800  }
0x109: {  	[sflag:s8] =	ssyncset.done $0x0  }
0x10a: {  	[sflag:s8] =	ssyncadd.s32 $0xFFFFF800  }
0x10b: {  	v2 =	vld [tilespmem:$0x10080];
	_ =	sdelay $0x1  }
0x10c: {  	v3 =	vld [tilespmem:$0x10100];
	_ =	sdelay $0x1  }
0x10d: {  	v54 =	vld [tilespmem:$0x10180]  }
0x10e: {  	v2 =	vadd.f32 $0.0e+00, v2  }
0x10f: {  	v55 =	vld [tilespmem:$0x10200]  }
0x110: {  	v2 =	vadd.f32 v3, v2  }
0x111: {  	v3 =	vld [tilespmem:$0x10280]  }
0x112: {  	v2 =	vadd.f32 v54, v2  }
0x113: {  	v56 =	vld [tilespmem:$0x10300]  }
0x114: {  	v2 =	vadd.f32 v55, v2  }
0x115: {  	v57 =	vld [tilespmem:$0x10380]  }
0x116: {  	v2 =	vadd.f32 v3, v2  }
0x117: {  	v3 =	vld [tilespmem:$0x10400]  }
0x118: {  	v2 =	vadd.f32 v56, v2  }
0x119: {  	v58 =	vld [tilespmem:$0x10480]  }
0x11a: {  	v2 =	vadd.f32 v57, v2  }
0x11b: {  	v59 =	vld [tilespmem:$0x10500]  }
0x11c: {  	v2 =	vadd.f32 v3, v2  }
0x11d: {  	v3 =	vld [tilespmem:$0x10580]  }
0x11e: {  	v2 =	vadd.f32 v58, v2  }
0x11f: {  	v60 =	vld [tilespmem:$0x10600]  }
0x120: {  	v2 =	vadd.f32 v59, v2  }
0x121: {  	v61 =	vld [tilespmem:$0x10680]  }
0x122: {  	v2 =	vadd.f32 v3, v2  }
0x123: {  	v3 =	vld [tilespmem:$0x10700]  }
0x124: {  	v2 =	vadd.f32 v60, v2  }
0x125: {  	v62 =	vld [tilespmem:$0x10780]  }
0x126: {  	v2 =	vadd.f32 v61, v2  }
0x127: {  	v63 =	vld [tilespmem:$0x10800]  }
0x128: {  	v2 =	vadd.f32 v3, v2;
	_ =	sdelay $0x1  }
0x129: {  	v2 =	vadd.f32 v62, v2;
	_ =	sdelay $0x1  }
0x12a: {  	v2 =	vadd.f32 v63, v2;
	_ =	sdelay $0x1  }
0x12b: {  	v3 =	vsub.f32 $1.000000000e+05, v2;
	_ =	sdelay $0x1  }
0x12c: {  	v1 =	vmul.f32 v1, v3;
	_ =	sdelay $0x1  }
0x12d: {  	v2 =	vbroadcast v2, $0x1;
	v1 =	vbroadcast v1, $0x0;
	_ =	sdelay $0x1  }
0x12e: {  	v1 =	vadd.f32 v1, v2;
	_ =	sdelay $0x1  }
0x12f: {  	v1 =	vmul.f32 $9.999999740e-06, v1  }
0x130: {  	s11 =	sadd.s32 $0x1, s11;
	[bflag:$0x0] =	sbarrier.arrive $0xFFFF  }
0x131: {  	s12 =	simm.s32 @!p0 $0x0;
	s13 =	simm.s32 @!p0 $0x10000;
	p1 =	sne.s32 s11, s7;
	[tilespmem:$0x10000] =	vst v1  }
0x132: {  	[hbm4b:s1+s12] =	stream.linear.scatter @!p0 [tilespmem:s13], [sflag:$0x1], $0x80, $0x38;
	[tilespmem:$0x10890] =	vst v63  }
.Ltmp3:
0x133: {  	_ = 	snop;
	(pc) =	sbr.rel @p1 .LBB2_1-.Ltmp3, $4  }
0x134: {  	s12 =	simm.s32 @!p0 $0x1  }
0x135: {  	_ =	swait.ge @!p0 [sflag:s12], $0x80  }
0x136: {  	[sflag:s12] =	ssyncset.done @!p0 $0x0  }
0x137: {  	[sflag:s12] =	ssyncadd.s32 @!p0 $0xFFFFFF80  }
0x138: {  	_ =	sfence.sel $0x180000  }
0x139: {  	[bflag:$0x0] =	sbarrier.arrive $0xFFFF  }
0x13a: {  	p0 =	sne.s32 s3, $0x0;
	_ =	strace $0x90000047  }
0x13b: {  	s0 =	sadd.s32 @!p0 $0x100000, s0;
	[bflag:$0x2] =	sbarrier.arrive $0xFFFF  }
0x13c: {  	[sflag:s0] =	ssyncadd.tile.s32 @!p0 $0x1;
	_ =	shalt  }
.Lfunc_end2:
_tile_overlayer_lowered:
.L_overlay_start_2:
0x13d: {  	(tag) =	ssettag $0x2  }
0x13e: {  	s0 =	rddreg [dreg:$0x0];
	s2 =	stileid.u32  }
0x13f: {  	s1 =	rddreg [dreg:$0x1];
	p0 =	sne.s32 s2, $0x0  }
0x140: {  	s3 =	rddreg [dreg:$0x2];
	[bflag:$0x3] =	sbarrier.arrive $0xFFFF;
	s2 =	simm.s32 @!p0 $0x1C01  }
0x141: {  	[timem:s3], [sflag:s2] =	dma.local @!p0 [hbm:s0], s1  }
0x142: {  	s0 =	simm.s32 @!p0 $0x1  }
0x143: {  	_ =	swait.ge @!p0 [sflag:s0], s1  }
0x144: {  	s1 =	ssub.s32 @!p0 $0x0, s1;
	[sflag:s0] =	ssyncset.done @!p0 $0x0  }
0x145: {  	[sflag:s0] =	ssyncadd.s32 @!p0 s1  }
0x146: {  	[bflag:$0x3] =	sbarrier.arrive $0xFFFF  }
0x147: {  	_ =	shalt  }

</sc_bundles>
